<compile_context>
chip_gen: v7x
topology: tpu7x:2x2x1
jax: 0.10.2.dev20260603
libtpu: 0.0.44.dev20260713+nightly
codegen_flags: <defaults>
</compile_context>

<pallas_src>
import functools

import jax
import jax.numpy as jnp
from jax import lax
from jax.experimental import pallas as pl
from jax.experimental.pallas import tpu as pltpu
from jax.experimental.pallas import tpu_sc as plsc

EMB = 128
BATCH = 16384
NC = 2
NS = 16
NW = NC * NS
BPW = BATCH // NW
CHUNK = 64
NCHUNK = BPW // CHUNK

_mesh = plsc.VectorSubcoreMesh(core_axis_name="c", subcore_axis_name="s")


@functools.partial(
    pl.kernel,
    mesh=_mesh,
    out_type=jax.ShapeDtypeStruct((BATCH, 16), jnp.float32),
    scratch_types=[
        pltpu.VMEM((CHUNK,), jnp.int32),
        pltpu.VMEM((CHUNK,), jnp.int32),
        pltpu.VMEM((CHUNK,), jnp.int32),
        pltpu.VMEM((CHUNK,), jnp.int32),
        pltpu.VMEM((CHUNK, EMB), jnp.float32),
        pltpu.VMEM((CHUNK, EMB), jnp.float32),
        pltpu.VMEM((CHUNK, EMB), jnp.float32),
        pltpu.VMEM((CHUNK, EMB), jnp.float32),
        pltpu.VMEM((BPW, 16), jnp.float32),
        pltpu.SemaphoreType.DMA,
        pltpu.SemaphoreType.DMA,
    ],
)
def _sc_dots(x1_hbm, x2_hbm, emb_hbm, ctx_hbm, out_hbm,
             idx1_a, idx2_a, idx1_b, idx2_b,
             rows1_a, rows2_a, rows1_b, rows2_b,
             pacc_v, sem_a, sem_b):
    wid = lax.axis_index("s") * NC + lax.axis_index("c")
    base = wid * BPW
    bufs = [(idx1_a, idx2_a, rows1_a, rows2_a, sem_a),
            (idx1_b, idx2_b, rows1_b, rows2_b, sem_b)]

    def _start(ci, buf):
        idx1, idx2, r1, r2, sem = buf
        off = base + ci * CHUNK
        pltpu.sync_copy(x1_hbm.at[pl.ds(off, CHUNK)], idx1)
        pltpu.sync_copy(x2_hbm.at[pl.ds(off, CHUNK)], idx2)
        c1 = pltpu.async_copy(emb_hbm.at[idx1], r1, sem)
        c2 = pltpu.async_copy(ctx_hbm.at[idx2], r2, sem)
        return c1, c2

    pend = [None, None]
    pend[0] = _start(0, bufs[0])
    for ci in range(NCHUNK):
        p = ci % 2
        if ci + 1 < NCHUNK:
            pend[1 - p] = _start(ci + 1, bufs[1 - p])
        c1, c2 = pend[p]
        c1.wait()
        c2.wait()
        r1, r2 = bufs[p][2], bufs[p][3]

        def row4_body(i, _, ci=ci, r1=r1, r2=r2):
            for k in range(4):
                r = i * 4 + k
                acc = r1[r, pl.ds(0, 16)] * r2[r, pl.ds(0, 16)]
                for j in range(1, EMB // 16):
                    acc = acc + r1[r, pl.ds(j * 16, 16)] * r2[r, pl.ds(j * 16, 16)]
                pacc_v[ci * CHUNK + r, :] = acc
            return 0

        lax.fori_loop(0, CHUNK // 4, row4_body, 0)
    pltpu.sync_copy(pacc_v, out_hbm.at[pl.ds(base, BPW)])


def _loss_body(p_ref, w_ref, o_ref):
    sel = (lax.broadcasted_iota(jnp.int32, (2048, 128), 0) // 16
           == lax.broadcasted_iota(jnp.int32, (2048, 128), 1)).astype(jnp.float32)
    d = lax.dot_general(p_ref[...], sel, (((1,), (0,)), ((), ())),
                        precision=lax.Precision.HIGHEST,
                        preferred_element_type=jnp.float32)
    x = w_ref[...] * d
    ls = jnp.minimum(x, 0.0) - jnp.log1p(jnp.exp(-jnp.abs(x)))
    o_ref[0, 0] = -jnp.mean(ls)


def _tc_loss(pacc, w2d):
    return pl.pallas_call(
        _loss_body,
        out_shape=jax.ShapeDtypeStruct((1, 1), jnp.float32),
        out_specs=pl.BlockSpec(memory_space=pltpu.SMEM),
    )(pacc, w2d)


def kernel(x1, x2, w, emb_w, ctx_w):
    x1 = x1.astype(jnp.int32)
    x2 = x2.astype(jnp.int32)
    pacc = _sc_dots(x1, x2, emb_w, ctx_w)
    loss = _tc_loss(pacc.reshape(128, 2048),
                    w.astype(jnp.float32).reshape(128, 128))
    return loss.reshape(())

# --- scband reference (transcript-rebuilt; emitter-appended) ---
"""Pipeline reference for scband-line-2nd-26740466385177 (READ-ONLY COPY).

The authoritative reference and input builder live on the scoring server;
editing this copy changes nothing except your own understanding.
"""

import jax, jax.numpy as jnp
import numpy as np

NUM_NODES = 100000
EMB_SIZE = 128
BATCH = 16384


def setup_inputs(seed: int = 0) -> dict:
    key = jax.random.key(seed)
    k1, k2, k3, k4, k5 = jax.random.split(key, 5)
    x1 = jax.random.randint(k1, (BATCH,), 0, NUM_NODES, dtype=jnp.int64) if jax.config.jax_enable_x64 else jax.random.randint(k1, (BATCH,), 0, NUM_NODES).astype(jnp.int32)
    x2 = jax.random.randint(k2, (BATCH,), 0, NUM_NODES).astype(x1.dtype)
    w = jax.random.uniform(k3, (BATCH,), dtype=jnp.float32)
    # learned parameters: two embedding tables (emb and ctx), init ~ N(0,1) like nn.Embedding
    emb_w = jax.random.normal(k4, (NUM_NODES, EMB_SIZE), dtype=jnp.float32)
    ctx_w = jax.random.normal(k5, (NUM_NODES, EMB_SIZE), dtype=jnp.float32)
    return {"x1": x1, "x2": x2, "w": w, "emb_w": emb_w, "ctx_w": ctx_w}


def reference(x1, x2, w, emb_w, ctx_w):
    # x1 = self.emb(x1)
    e1 = jnp.take(emb_w, x1, axis=0)
    # x2 = self.ctx(x2)
    e2 = jnp.take(ctx_w, x2, axis=0)
    # x = w * sum(x1 * x2, dim=1)
    x = w * jnp.sum(e1 * e2, axis=1)
    # return -F.logsigmoid(x).mean()
    return -jnp.mean(jax.nn.log_sigmoid(x))

if __name__ == "__main__":
    import jax
    _d = setup_inputs()
    print(jax.jit(kernel)(*tuple(_d.values())))

</pallas_src>

<mosaic_0001>
#map = affine_map<(d0, d1) -> (0)>
#map1 = affine_map<(d0, d1) -> (0, 0)>
module attributes {stable_mosaic.version = 14 : i64} {
  func.func @_sc_dots(%arg0: i32, %arg1: i32, %arg2: memref<16384xi32, #tpu.memory_space<hbm>>, %arg3: memref<16384xi32, #tpu.memory_space<hbm>>, %arg4: memref<100000x128xf32, #tpu.memory_space<hbm>>, %arg5: memref<100000x128xf32, #tpu.memory_space<hbm>>, %arg6: memref<16384x16xf32, #tpu.memory_space<hbm>>, %arg7: memref<64xi32, #tpu.memory_space<vmem>>, %arg8: memref<64xi32, #tpu.memory_space<vmem>>, %arg9: memref<64xi32, #tpu.memory_space<vmem>>, %arg10: memref<64xi32, #tpu.memory_space<vmem>>, %arg11: memref<64x128xf32, #tpu.memory_space<vmem>>, %arg12: memref<64x128xf32, #tpu.memory_space<vmem>>, %arg13: memref<64x128xf32, #tpu.memory_space<vmem>>, %arg14: memref<64x128xf32, #tpu.memory_space<vmem>>, %arg15: memref<512x16xf32, #tpu.memory_space<vmem>>, %arg16: memref<!tpu.dma_semaphore, #tpu.memory_space<semaphore_mem>>, %arg17: memref<!tpu.dma_semaphore, #tpu.memory_space<semaphore_mem>>) attributes {dimension_semantics = [#tpu.dimension_semantics<core_parallel>, #tpu.dimension_semantics<subcore_parallel>], iteration_bounds = array<i64: 2, 16>, scalar_prefetch = 0 : i64, scratch_operands = 11 : i64, tpu.core_type = #tpu.core_type<sc_vector_subcore>, window_params = [{transform_indices = #map}, {transform_indices = #map}, {transform_indices = #map1}, {transform_indices = #map1}, {transform_indices = #map1}]} {
    %mul3A = arith.constant 2 : i32
    %mul3A_0 = arith.muli %arg1, %mul3A : i32
    %add3A = arith.addi %mul3A_0, %arg0 : i32
    %mul3A_1 = arith.constant 512 : i32
    %mul3A_2 = arith.muli %add3A, %mul3A_1 : i32
    %add3A_3 = arith.constant 0 : i32
    %add3A_4 = arith.addi %mul3A_2, %add3A_3 : i32
    "tpu.region"() ({
      %run_scoped3A = tpu.sem_alloc : memref<!tpu.dma_semaphore, #tpu.memory_space<semaphore_mem>>
      %dma_start3A_168 = tpu.memref_slice %arg2[%add3A_4] : memref<16384xi32, #tpu.memory_space<hbm>> -> memref<64xi32, #tpu.memory_space<hbm>>
      %dma_start3A_169 = tpu.memref_slice %arg2[%add3A_4] : memref<16384xi32, #tpu.memory_space<hbm>> -> memref<64xi32, #tpu.memory_space<hbm>>
      tpu.enqueue_dma source(%dma_start3A_169 : memref<64xi32, #tpu.memory_space<hbm>>) target(%arg7 : memref<64xi32, #tpu.memory_space<vmem>>) target_semaphore(%run_scoped3A : memref<!tpu.dma_semaphore, #tpu.memory_space<semaphore_mem>>)
      %dma_wait3A_170 = tpu.memref_slice %arg2[%add3A_4] : memref<16384xi32, #tpu.memory_space<hbm>> -> memref<64xi32, #tpu.memory_space<hbm>>
      %dma_wait3A_171 = tpu.memref_slice %arg2[%add3A_4] : memref<16384xi32, #tpu.memory_space<hbm>> -> memref<64xi32, #tpu.memory_space<hbm>>
      tpu.wait_dma2 semaphore(%run_scoped3A : memref<!tpu.dma_semaphore, #tpu.memory_space<semaphore_mem>>) src(%dma_wait3A_171 : memref<64xi32, #tpu.memory_space<hbm>>) dst(%arg7 : memref<64xi32, #tpu.memory_space<vmem>>)
      tpu.yield
    }) : () -> ()
    "tpu.region"() ({
      %run_scoped3A = tpu.sem_alloc : memref<!tpu.dma_semaphore, #tpu.memory_space<semaphore_mem>>
      %dma_start3A_168 = tpu.memref_slice %arg3[%add3A_4] : memref<16384xi32, #tpu.memory_space<hbm>> -> memref<64xi32, #tpu.memory_space<hbm>>
      %dma_start3A_169 = tpu.memref_slice %arg3[%add3A_4] : memref<16384xi32, #tpu.memory_space<hbm>> -> memref<64xi32, #tpu.memory_space<hbm>>
      tpu.enqueue_dma source(%dma_start3A_169 : memref<64xi32, #tpu.memory_space<hbm>>) target(%arg8 : memref<64xi32, #tpu.memory_space<vmem>>) target_semaphore(%run_scoped3A : memref<!tpu.dma_semaphore, #tpu.memory_space<semaphore_mem>>)
      %dma_wait3A_170 = tpu.memref_slice %arg3[%add3A_4] : memref<16384xi32, #tpu.memory_space<hbm>> -> memref<64xi32, #tpu.memory_space<hbm>>
      %dma_wait3A_171 = tpu.memref_slice %arg3[%add3A_4] : memref<16384xi32, #tpu.memory_space<hbm>> -> memref<64xi32, #tpu.memory_space<hbm>>
      tpu.wait_dma2 semaphore(%run_scoped3A : memref<!tpu.dma_semaphore, #tpu.memory_space<semaphore_mem>>) src(%dma_wait3A_171 : memref<64xi32, #tpu.memory_space<hbm>>) dst(%arg8 : memref<64xi32, #tpu.memory_space<vmem>>)
      tpu.yield
    }) : () -> ()
    %dma_start3A = arith.constant 0 : i32
    %dma_start3A_5 = arith.constant 0 : i32
    %dma_start3A_6 = tpu.memref_slice %arg4[%dma_start3A, %dma_start3A_5] : memref<100000x128xf32, #tpu.memory_space<hbm>> -> memref<100000x128xf32, #tpu.memory_space<hbm>>
    tpu.enqueue_indirect_dma source(%dma_start3A_6 : memref<100000x128xf32, #tpu.memory_space<hbm>>) target(%arg11 : memref<64x128xf32, #tpu.memory_space<vmem>>) offsets(%arg7 : memref<64xi32, #tpu.memory_space<vmem>>) semaphore(%arg16 : memref<!tpu.dma_semaphore, #tpu.memory_space<semaphore_mem>>)
    %dma_start3A_7 = arith.constant 0 : i32
    %dma_start3A_8 = arith.constant 0 : i32
    %dma_start3A_9 = tpu.memref_slice %arg5[%dma_start3A_7, %dma_start3A_8] : memref<100000x128xf32, #tpu.memory_space<hbm>> -> memref<100000x128xf32, #tpu.memory_space<hbm>>
    tpu.enqueue_indirect_dma source(%dma_start3A_9 : memref<100000x128xf32, #tpu.memory_space<hbm>>) target(%arg12 : memref<64x128xf32, #tpu.memory_space<vmem>>) offsets(%arg8 : memref<64xi32, #tpu.memory_space<vmem>>) semaphore(%arg16 : memref<!tpu.dma_semaphore, #tpu.memory_space<semaphore_mem>>)
    %add3A_10 = arith.constant 64 : i32
    %add3A_11 = arith.addi %mul3A_2, %add3A_10 : i32
    "tpu.region"() ({
      %run_scoped3A = tpu.sem_alloc : memref<!tpu.dma_semaphore, #tpu.memory_space<semaphore_mem>>
      %dma_start3A_168 = tpu.memref_slice %arg2[%add3A_11] : memref<16384xi32, #tpu.memory_space<hbm>> -> memref<64xi32, #tpu.memory_space<hbm>>
      %dma_start3A_169 = tpu.memref_slice %arg2[%add3A_11] : memref<16384xi32, #tpu.memory_space<hbm>> -> memref<64xi32, #tpu.memory_space<hbm>>
      tpu.enqueue_dma source(%dma_start3A_169 : memref<64xi32, #tpu.memory_space<hbm>>) target(%arg9 : memref<64xi32, #tpu.memory_space<vmem>>) target_semaphore(%run_scoped3A : memref<!tpu.dma_semaphore, #tpu.memory_space<semaphore_mem>>)
      %dma_wait3A_170 = tpu.memref_slice %arg2[%add3A_11] : memref<16384xi32, #tpu.memory_space<hbm>> -> memref<64xi32, #tpu.memory_space<hbm>>
      %dma_wait3A_171 = tpu.memref_slice %arg2[%add3A_11] : memref<16384xi32, #tpu.memory_space<hbm>> -> memref<64xi32, #tpu.memory_space<hbm>>
      tpu.wait_dma2 semaphore(%run_scoped3A : memref<!tpu.dma_semaphore, #tpu.memory_space<semaphore_mem>>) src(%dma_wait3A_171 : memref<64xi32, #tpu.memory_space<hbm>>) dst(%arg9 : memref<64xi32, #tpu.memory_space<vmem>>)
      tpu.yield
    }) : () -> ()
    "tpu.region"() ({
      %run_scoped3A = tpu.sem_alloc : memref<!tpu.dma_semaphore, #tpu.memory_space<semaphore_mem>>
      %dma_start3A_168 = tpu.memref_slice %arg3[%add3A_11] : memref<16384xi32, #tpu.memory_space<hbm>> -> memref<64xi32, #tpu.memory_space<hbm>>
      %dma_start3A_169 = tpu.memref_slice %arg3[%add3A_11] : memref<16384xi32, #tpu.memory_space<hbm>> -> memref<64xi32, #tpu.memory_space<hbm>>
      tpu.enqueue_dma source(%dma_start3A_169 : memref<64xi32, #tpu.memory_space<hbm>>) target(%arg10 : memref<64xi32, #tpu.memory_space<vmem>>) target_semaphore(%run_scoped3A : memref<!tpu.dma_semaphore, #tpu.memory_space<semaphore_mem>>)
      %dma_wait3A_170 = tpu.memref_slice %arg3[%add3A_11] : memref<16384xi32, #tpu.memory_space<hbm>> -> memref<64xi32, #tpu.memory_space<hbm>>
      %dma_wait3A_171 = tpu.memref_slice %arg3[%add3A_11] : memref<16384xi32, #tpu.memory_space<hbm>> -> memref<64xi32, #tpu.memory_space<hbm>>
      tpu.wait_dma2 semaphore(%run_scoped3A : memref<!tpu.dma_semaphore, #tpu.memory_space<semaphore_mem>>) src(%dma_wait3A_171 : memref<64xi32, #tpu.memory_space<hbm>>) dst(%arg10 : memref<64xi32, #tpu.memory_space<vmem>>)
      tpu.yield
    }) : () -> ()
    %dma_start3A_12 = arith.constant 0 : i32
    %dma_start3A_13 = arith.constant 0 : i32
    %dma_start3A_14 = tpu.memref_slice %arg4[%dma_start3A_12, %dma_start3A_13] : memref<100000x128xf32, #tpu.memory_space<hbm>> -> memref<100000x128xf32, #tpu.memory_space<hbm>>
    tpu.enqueue_indirect_dma source(%dma_start3A_14 : memref<100000x128xf32, #tpu.memory_space<hbm>>) target(%arg13 : memref<64x128xf32, #tpu.memory_space<vmem>>) offsets(%arg9 : memref<64xi32, #tpu.memory_space<vmem>>) semaphore(%arg17 : memref<!tpu.dma_semaphore, #tpu.memory_space<semaphore_mem>>)
    %dma_start3A_15 = arith.constant 0 : i32
    %dma_start3A_16 = arith.constant 0 : i32
    %dma_start3A_17 = tpu.memref_slice %arg5[%dma_start3A_15, %dma_start3A_16] : memref<100000x128xf32, #tpu.memory_space<hbm>> -> memref<100000x128xf32, #tpu.memory_space<hbm>>
    tpu.enqueue_indirect_dma source(%dma_start3A_17 : memref<100000x128xf32, #tpu.memory_space<hbm>>) target(%arg14 : memref<64x128xf32, #tpu.memory_space<vmem>>) offsets(%arg10 : memref<64xi32, #tpu.memory_space<vmem>>) semaphore(%arg17 : memref<!tpu.dma_semaphore, #tpu.memory_space<semaphore_mem>>)
    %dma_wait3A = arith.constant 0 : i32
    %dma_wait3A_18 = arith.constant 0 : i32
    %dma_wait3A_19 = tpu.memref_slice %arg4[%dma_wait3A, %dma_wait3A_18] : memref<100000x128xf32, #tpu.memory_space<hbm>> -> memref<100000x128xf32, #tpu.memory_space<hbm>>
    tpu.wait_indirect_dma semaphore(%arg16 : memref<!tpu.dma_semaphore, #tpu.memory_space<semaphore_mem>>) src(%dma_wait3A_19 : memref<100000x128xf32, #tpu.memory_space<hbm>>) dst(%arg11 : memref<64x128xf32, #tpu.memory_space<vmem>>)
    %dma_wait3A_20 = arith.constant 0 : i32
    %dma_wait3A_21 = arith.constant 0 : i32
    %dma_wait3A_22 = tpu.memref_slice %arg5[%dma_wait3A_20, %dma_wait3A_21] : memref<100000x128xf32, #tpu.memory_space<hbm>> -> memref<100000x128xf32, #tpu.memory_space<hbm>>
    tpu.wait_indirect_dma semaphore(%arg16 : memref<!tpu.dma_semaphore, #tpu.memory_space<semaphore_mem>>) src(%dma_wait3A_22 : memref<100000x128xf32, #tpu.memory_space<hbm>>) dst(%arg12 : memref<64x128xf32, #tpu.memory_space<vmem>>)
    %scan3A = arith.constant 0 : i32
    %scan3A_23 = arith.constant 0 : i32
    %scan3A_24 = arith.constant 16 : i32
    %scan3A_25 = arith.addi %scan3A_23, %scan3A_24 : i32
    %scan3A_26 = arith.constant 1 : i32
    %scan3A_27 = scf.for %scan3A_168 = %scan3A_23 to %scan3A_25 step %scan3A_26 iter_args(%scan3A_169 = %scan3A) -> (i32)  : i32 {
      %mul3A_170 = arith.constant 4 : i32
      %mul3A_171 = arith.muli %scan3A_168, %mul3A_170 : i32
      %add3A_172 = arith.constant 0 : i32
      %add3A_173 = arith.addi %mul3A_171, %add3A_172 : i32
      %get3A = arith.index_cast %add3A_173 : i32 to index
      %get3A_174 = arith.constant 0 : index
      %get3A_175 = tpu.vector_load %arg11[%get3A, %get3A_174] {strides = array<i32>} : memref<64x128xf32, #tpu.memory_space<vmem>>, vector<1x16xf32>,
      %get3A_176 = vector.shape_cast %get3A_175 : vector<1x16xf32> to vector<16xf32>
      %get3A_177 = arith.index_cast %add3A_173 : i32 to index
      %get3A_178 = arith.constant 0 : index
      %get3A_179 = tpu.vector_load %arg12[%get3A_177, %get3A_178] {strides = array<i32>} : memref<64x128xf32, #tpu.memory_space<vmem>>, vector<1x16xf32>,
      %get3A_180 = vector.shape_cast %get3A_179 : vector<1x16xf32> to vector<16xf32>
      %mul3A_181 = arith.mulf %get3A_176, %get3A_180 : vector<16xf32>
      %get3A_182 = arith.index_cast %add3A_173 : i32 to index
      %get3A_183 = arith.constant 16 : index
      %get3A_184 = tpu.vector_load %arg11[%get3A_182, %get3A_183] {strides = array<i32>} : memref<64x128xf32, #tpu.memory_space<vmem>>, vector<1x16xf32>,
      %get3A_185 = vector.shape_cast %get3A_184 : vector<1x16xf32> to vector<16xf32>
      %get3A_186 = arith.index_cast %add3A_173 : i32 to index
      %get3A_187 = arith.constant 16 : index
      %get3A_188 = tpu.vector_load %arg12[%get3A_186, %get3A_187] {strides = array<i32>} : memref<64x128xf32, #tpu.memory_space<vmem>>, vector<1x16xf32>,
      %get3A_189 = vector.shape_cast %get3A_188 : vector<1x16xf32> to vector<16xf32>
      %mul3A_190 = arith.mulf %get3A_185, %get3A_189 : vector<16xf32>
      %add3A_191 = arith.addf %mul3A_181, %mul3A_190 : vector<16xf32>
      %get3A_192 = arith.index_cast %add3A_173 : i32 to index
      %get3A_193 = arith.constant 32 : index
      %get3A_194 = tpu.vector_load %arg11[%get3A_192, %get3A_193] {strides = array<i32>} : memref<64x128xf32, #tpu.memory_space<vmem>>, vector<1x16xf32>,
      %get3A_195 = vector.shape_cast %get3A_194 : vector<1x16xf32> to vector<16xf32>
      %get3A_196 = arith.index_cast %add3A_173 : i32 to index
      %get3A_197 = arith.constant 32 : index
      %get3A_198 = tpu.vector_load %arg12[%get3A_196, %get3A_197] {strides = array<i32>} : memref<64x128xf32, #tpu.memory_space<vmem>>, vector<1x16xf32>,
      %get3A_199 = vector.shape_cast %get3A_198 : vector<1x16xf32> to vector<16xf32>
      %mul3A_200 = arith.mulf %get3A_195, %get3A_199 : vector<16xf32>
      %add3A_201 = arith.addf %add3A_191, %mul3A_200 : vector<16xf32>
      %get3A_202 = arith.index_cast %add3A_173 : i32 to index
      %get3A_203 = arith.constant 48 : index
      %get3A_204 = tpu.vector_load %arg11[%get3A_202, %get3A_203] {strides = array<i32>} : memref<64x128xf32, #tpu.memory_space<vmem>>, vector<1x16xf32>,
      %get3A_205 = vector.shape_cast %get3A_204 : vector<1x16xf32> to vector<16xf32>
      %get3A_206 = arith.index_cast %add3A_173 : i32 to index
      %get3A_207 = arith.constant 48 : index
      %get3A_208 = tpu.vector_load %arg12[%get3A_206, %get3A_207] {strides = array<i32>} : memref<64x128xf32, #tpu.memory_space<vmem>>, vector<1x16xf32>,
      %get3A_209 = vector.shape_cast %get3A_208 : vector<1x16xf32> to vector<16xf32>
      %mul3A_210 = arith.mulf %get3A_205, %get3A_209 : vector<16xf32>
      %add3A_211 = arith.addf %add3A_201, %mul3A_210 : vector<16xf32>
      %get3A_212 = arith.index_cast %add3A_173 : i32 to index
      %get3A_213 = arith.constant 64 : index
      %get3A_214 = tpu.vector_load %arg11[%get3A_212, %get3A_213] {strides = array<i32>} : memref<64x128xf32, #tpu.memory_space<vmem>>, vector<1x16xf32>,
      %get3A_215 = vector.shape_cast %get3A_214 : vector<1x16xf32> to vector<16xf32>
      %get3A_216 = arith.index_cast %add3A_173 : i32 to index
      %get3A_217 = arith.constant 64 : index
      %get3A_218 = tpu.vector_load %arg12[%get3A_216, %get3A_217] {strides = array<i32>} : memref<64x128xf32, #tpu.memory_space<vmem>>, vector<1x16xf32>,
      %get3A_219 = vector.shape_cast %get3A_218 : vector<1x16xf32> to vector<16xf32>
      %mul3A_220 = arith.mulf %get3A_215, %get3A_219 : vector<16xf32>
      %add3A_221 = arith.addf %add3A_211, %mul3A_220 : vector<16xf32>
      %get3A_222 = arith.index_cast %add3A_173 : i32 to index
      %get3A_223 = arith.constant 80 : index
      %get3A_224 = tpu.vector_load %arg11[%get3A_222, %get3A_223] {strides = array<i32>} : memref<64x128xf32, #tpu.memory_space<vmem>>, vector<1x16xf32>,
      %get3A_225 = vector.shape_cast %get3A_224 : vector<1x16xf32> to vector<16xf32>
      %get3A_226 = arith.index_cast %add3A_173 : i32 to index
      %get3A_227 = arith.constant 80 : index
      %get3A_228 = tpu.vector_load %arg12[%get3A_226, %get3A_227] {strides = array<i32>} : memref<64x128xf32, #tpu.memory_space<vmem>>, vector<1x16xf32>,
      %get3A_229 = vector.shape_cast %get3A_228 : vector<1x16xf32> to vector<16xf32>
      %mul3A_230 = arith.mulf %get3A_225, %get3A_229 : vector<16xf32>
      %add3A_231 = arith.addf %add3A_221, %mul3A_230 : vector<16xf32>
      %get3A_232 = arith.index_cast %add3A_173 : i32 to index
      %get3A_233 = arith.constant 96 : index
      %get3A_234 = tpu.vector_load %arg11[%get3A_232, %get3A_233] {strides = array<i32>} : memref<64x128xf32, #tpu.memory_space<vmem>>, vector<1x16xf32>,
      %get3A_235 = vector.shape_cast %get3A_234 : vector<1x16xf32> to vector<16xf32>
      %get3A_236 = arith.index_cast %add3A_173 : i32 to index
      %get3A_237 = arith.constant 96 : index
      %get3A_238 = tpu.vector_load %arg12[%get3A_236, %get3A_237] {strides = array<i32>} : memref<64x128xf32, #tpu.memory_space<vmem>>, vector<1x16xf32>,
      %get3A_239 = vector.shape_cast %get3A_238 : vector<1x16xf32> to vector<16xf32>
      %mul3A_240 = arith.mulf %get3A_235, %get3A_239 : vector<16xf32>
      %add3A_241 = arith.addf %add3A_231, %mul3A_240 : vector<16xf32>
      %get3A_242 = arith.index_cast %add3A_173 : i32 to index
      %get3A_243 = arith.constant 112 : index
      %get3A_244 = tpu.vector_load %arg11[%get3A_242, %get3A_243] {strides = array<i32>} : memref<64x128xf32, #tpu.memory_space<vmem>>, vector<1x16xf32>,
      %get3A_245 = vector.shape_cast %get3A_244 : vector<1x16xf32> to vector<16xf32>
      %get3A_246 = arith.index_cast %add3A_173 : i32 to index
      %get3A_247 = arith.constant 112 : index
      %get3A_248 = tpu.vector_load %arg12[%get3A_246, %get3A_247] {strides = array<i32>} : memref<64x128xf32, #tpu.memory_space<vmem>>, vector<1x16xf32>,
      %get3A_249 = vector.shape_cast %get3A_248 : vector<1x16xf32> to vector<16xf32>
      %mul3A_250 = arith.mulf %get3A_245, %get3A_249 : vector<16xf32>
      %add3A_251 = arith.addf %add3A_241, %mul3A_250 : vector<16xf32>
      %add3A_252 = arith.constant 0 : i32
      %add3A_253 = arith.addi %add3A_252, %add3A_173 : i32
      %swap3A = arith.index_cast %add3A_253 : i32 to index
      %swap3A_254 = arith.constant 0 : index
      %swap3A_255 = tpu.vector_load %arg15[%swap3A, %swap3A_254] {strides = array<i32>} : memref<512x16xf32, #tpu.memory_space<vmem>>, vector<1x16xf32>,
      %swap3A_256 = vector.shape_cast %swap3A_255 : vector<1x16xf32> to vector<16xf32>
      %swap3A_257 = vector.shape_cast %add3A_251 : vector<16xf32> to vector<1x16xf32>
      tpu.vector_store %arg15[%swap3A, %swap3A_254], %swap3A_257 {strides = array<i32>} : memref<512x16xf32, #tpu.memory_space<vmem>>, vector<1x16xf32>,
      %mul3A_258 = arith.constant 4 : i32
      %mul3A_259 = arith.muli %scan3A_168, %mul3A_258 : i32
      %add3A_260 = arith.constant 1 : i32
      %add3A_261 = arith.addi %mul3A_259, %add3A_260 : i32
      %get3A_262 = arith.index_cast %add3A_261 : i32 to index
      %get3A_263 = arith.constant 0 : index
      %get3A_264 = tpu.vector_load %arg11[%get3A_262, %get3A_263] {strides = array<i32>} : memref<64x128xf32, #tpu.memory_space<vmem>>, vector<1x16xf32>,
      %get3A_265 = vector.shape_cast %get3A_264 : vector<1x16xf32> to vector<16xf32>
      %get3A_266 = arith.index_cast %add3A_261 : i32 to index
      %get3A_267 = arith.constant 0 : index
      %get3A_268 = tpu.vector_load %arg12[%get3A_266, %get3A_267] {strides = array<i32>} : memref<64x128xf32, #tpu.memory_space<vmem>>, vector<1x16xf32>,
      %get3A_269 = vector.shape_cast %get3A_268 : vector<1x16xf32> to vector<16xf32>
      %mul3A_270 = arith.mulf %get3A_265, %get3A_269 : vector<16xf32>
      %get3A_271 = arith.index_cast %add3A_261 : i32 to index
      %get3A_272 = arith.constant 16 : index
      %get3A_273 = tpu.vector_load %arg11[%get3A_271, %get3A_272] {strides = array<i32>} : memref<64x128xf32, #tpu.memory_space<vmem>>, vector<1x16xf32>,
      %get3A_274 = vector.shape_cast %get3A_273 : vector<1x16xf32> to vector<16xf32>
      %get3A_275 = arith.index_cast %add3A_261 : i32 to index
      %get3A_276 = arith.constant 16 : index
      %get3A_277 = tpu.vector_load %arg12[%get3A_275, %get3A_276] {strides = array<i32>} : memref<64x128xf32, #tpu.memory_space<vmem>>, vector<1x16xf32>,
      %get3A_278 = vector.shape_cast %get3A_277 : vector<1x16xf32> to vector<16xf32>
      %mul3A_279 = arith.mulf %get3A_274, %get3A_278 : vector<16xf32>
      %add3A_280 = arith.addf %mul3A_270, %mul3A_279 : vector<16xf32>
      %get3A_281 = arith.index_cast %add3A_261 : i32 to index
      %get3A_282 = arith.constant 32 : index
      %get3A_283 = tpu.vector_load %arg11[%get3A_281, %get3A_282] {strides = array<i32>} : memref<64x128xf32, #tpu.memory_space<vmem>>, vector<1x16xf32>,
      %get3A_284 = vector.shape_cast %get3A_283 : vector<1x16xf32> to vector<16xf32>
      %get3A_285 = arith.index_cast %add3A_261 : i32 to index
      %get3A_286 = arith.constant 32 : index
      %get3A_287 = tpu.vector_load %arg12[%get3A_285, %get3A_286] {strides = array<i32>} : memref<64x128xf32, #tpu.memory_space<vmem>>, vector<1x16xf32>,
      %get3A_288 = vector.shape_cast %get3A_287 : vector<1x16xf32> to vector<16xf32>
      %mul3A_289 = arith.mulf %get3A_284, %get3A_288 : vector<16xf32>
      %add3A_290 = arith.addf %add3A_280, %mul3A_289 : vector<16xf32>
      %get3A_291 = arith.index_cast %add3A_261 : i32 to index
      %get3A_292 = arith.constant 48 : index
      %get3A_293 = tpu.vector_load %arg11[%get3A_291, %get3A_292] {strides = array<i32>} : memref<64x128xf32, #tpu.memory_space<vmem>>, vector<1x16xf32>,
      %get3A_294 = vector.shape_cast %get3A_293 : vector<1x16xf32> to vector<16xf32>
      %get3A_295 = arith.index_cast %add3A_261 : i32 to index
      %get3A_296 = arith.constant 48 : index
      %get3A_297 = tpu.vector_load %arg12[%get3A_295, %get3A_296] {strides = array<i32>} : memref<64x128xf32, #tpu.memory_space<vmem>>, vector<1x16xf32>,
      %get3A_298 = vector.shape_cast %get3A_297 : vector<1x16xf32> to vector<16xf32>
      %mul3A_299 = arith.mulf %get3A_294, %get3A_298 : vector<16xf32>
      %add3A_300 = arith.addf %add3A_290, %mul3A_299 : vector<16xf32>
      %get3A_301 = arith.index_cast %add3A_261 : i32 to index
      %get3A_302 = arith.constant 64 : index
      %get3A_303 = tpu.vector_load %arg11[%get3A_301, %get3A_302] {strides = array<i32>} : memref<64x128xf32, #tpu.memory_space<vmem>>, vector<1x16xf32>,
      %get3A_304 = vector.shape_cast %get3A_303 : vector<1x16xf32> to vector<16xf32>
      %get3A_305 = arith.index_cast %add3A_261 : i32 to index
      %get3A_306 = arith.constant 64 : index
      %get3A_307 = tpu.vector_load %arg12[%get3A_305, %get3A_306] {strides = array<i32>} : memref<64x128xf32, #tpu.memory_space<vmem>>, vector<1x16xf32>,
      %get3A_308 = vector.shape_cast %get3A_307 : vector<1x16xf32> to vector<16xf32>
      %mul3A_309 = arith.mulf %get3A_304, %get3A_308 : vector<16xf32>
      %add3A_310 = arith.addf %add3A_300, %mul3A_309 : vector<16xf32>
      %get3A_311 = arith.index_cast %add3A_261 : i32 to index
      %get3A_312 = arith.constant 80 : index
      %get3A_313 = tpu.vector_load %arg11[%get3A_311, %get3A_312] {strides = array<i32>} : memref<64x128xf32, #tpu.memory_space<vmem>>, vector<1x16xf32>,
      %get3A_314 = vector.shape_cast %get3A_313 : vector<1x16xf32> to vector<16xf32>
      %get3A_315 = arith.index_cast %add3A_261 : i32 to index
      %get3A_316 = arith.constant 80 : index
      %get3A_317 = tpu.vector_load %arg12[%get3A_315, %get3A_316] {strides = array<i32>} : memref<64x128xf32, #tpu.memory_space<vmem>>, vector<1x16xf32>,
      %get3A_318 = vector.shape_cast %get3A_317 : vector<1x16xf32> to vector<16xf32>
      %mul3A_319 = arith.mulf %get3A_314, %get3A_318 : vector<16xf32>
      %add3A_320 = arith.addf %add3A_310, %mul3A_319 : vector<16xf32>
      %get3A_321 = arith.index_cast %add3A_261 : i32 to index
      %get3A_322 = arith.constant 96 : index
      %get3A_323 = tpu.vector_load %arg11[%get3A_321, %get3A_322] {strides = array<i32>} : memref<64x128xf32, #tpu.memory_space<vmem>>, vector<1x16xf32>,
      %get3A_324 = vector.shape_cast %get3A_323 : vector<1x16xf32> to vector<16xf32>
      %get3A_325 = arith.index_cast %add3A_261 : i32 to index
      %get3A_326 = arith.constant 96 : index
      %get3A_327 = tpu.vector_load %arg12[%get3A_325, %get3A_326] {strides = array<i32>} : memref<64x128xf32, #tpu.memory_space<vmem>>, vector<1x16xf32>,
      %get3A_328 = vector.shape_cast %get3A_327 : vector<1x16xf32> to vector<16xf32>
      %mul3A_329 = arith.mulf %get3A_324, %get3A_328 : vector<16xf32>
      %add3A_330 = arith.addf %add3A_320, %mul3A_329 : vector<16xf32>
      %get3A_331 = arith.index_cast %add3A_261 : i32 to index
      %get3A_332 = arith.constant 112 : index
      %get3A_333 = tpu.vector_load %arg11[%get3A_331, %get3A_332] {strides = array<i32>} : memref<64x128xf32, #tpu.memory_space<vmem>>, vector<1x16xf32>,
      %get3A_334 = vector.shape_cast %get3A_333 : vector<1x16xf32> to vector<16xf32>
      %get3A_335 = arith.index_cast %add3A_261 : i32 to index
      %get3A_336 = arith.constant 112 : index
      %get3A_337 = tpu.vector_load %arg12[%get3A_335, %get3A_336] {strides = array<i32>} : memref<64x128xf32, #tpu.memory_space<vmem>>, vector<1x16xf32>,
      %get3A_338 = vector.shape_cast %get3A_337 : vector<1x16xf32> to vector<16xf32>
      %mul3A_339 = arith.mulf %get3A_334, %get3A_338 : vector<16xf32>
      %add3A_340 = arith.addf %add3A_330, %mul3A_339 : vector<16xf32>
      %add3A_341 = arith.constant 0 : i32
      %add3A_342 = arith.addi %add3A_341, %add3A_261 : i32
      %swap3A_343 = arith.index_cast %add3A_342 : i32 to index
      %swap3A_344 = arith.constant 0 : index
      %swap3A_345 = tpu.vector_load %arg15[%swap3A_343, %swap3A_344] {strides = array<i32>} : memref<512x16xf32, #tpu.memory_space<vmem>>, vector<1x16xf32>,
      %swap3A_346 = vector.shape_cast %swap3A_345 : vector<1x16xf32> to vector<16xf32>
      %swap3A_347 = vector.shape_cast %add3A_340 : vector<16xf32> to vector<1x16xf32>
      tpu.vector_store %arg15[%swap3A_343, %swap3A_344], %swap3A_347 {strides = array<i32>} : memref<512x16xf32, #tpu.memory_space<vmem>>, vector<1x16xf32>,
      %mul3A_348 = arith.constant 4 : i32
      %mul3A_349 = arith.muli %scan3A_168, %mul3A_348 : i32
      %add3A_350 = arith.constant 2 : i32
      %add3A_351 = arith.addi %mul3A_349, %add3A_350 : i32
      %get3A_352 = arith.index_cast %add3A_351 : i32 to index
      %get3A_353 = arith.constant 0 : index
      %get3A_354 = tpu.vector_load %arg11[%get3A_352, %get3A_353] {strides = array<i32>} : memref<64x128xf32, #tpu.memory_space<vmem>>, vector<1x16xf32>,
      %get3A_355 = vector.shape_cast %get3A_354 : vector<1x16xf32> to vector<16xf32>
      %get3A_356 = arith.index_cast %add3A_351 : i32 to index
      %get3A_357 = arith.constant 0 : index
      %get3A_358 = tpu.vector_load %arg12[%get3A_356, %get3A_357] {strides = array<i32>} : memref<64x128xf32, #tpu.memory_space<vmem>>, vector<1x16xf32>,
      %get3A_359 = vector.shape_cast %get3A_358 : vector<1x16xf32> to vector<16xf32>
      %mul3A_360 = arith.mulf %get3A_355, %get3A_359 : vector<16xf32>
      %get3A_361 = arith.index_cast %add3A_351 : i32 to index
      %get3A_362 = arith.constant 16 : index
      %get3A_363 = tpu.vector_load %arg11[%get3A_361, %get3A_362] {strides = array<i32>} : memref<64x128xf32, #tpu.memory_space<vmem>>, vector<1x16xf32>,
      %get3A_364 = vector.shape_cast %get3A_363 : vector<1x16xf32> to vector<16xf32>
      %get3A_365 = arith.index_cast %add3A_351 : i32 to index
      %get3A_366 = arith.constant 16 : index
      %get3A_367 = tpu.vector_load %arg12[%get3A_365, %get3A_366] {strides = array<i32>} : memref<64x128xf32, #tpu.memory_space<vmem>>, vector<1x16xf32>,
      %get3A_368 = vector.shape_cast %get3A_367 : vector<1x16xf32> to vector<16xf32>
      %mul3A_369 = arith.mulf %get3A_364, %get3A_368 : vector<16xf32>
      %add3A_370 = arith.addf %mul3A_360, %mul3A_369 : vector<16xf32>
      %get3A_371 = arith.index_cast %add3A_351 : i32 to index
      %get3A_372 = arith.constant 32 : index
      %get3A_373 = tpu.vector_load %arg11[%get3A_371, %get3A_372] {strides = array<i32>} : memref<64x128xf32, #tpu.memory_space<vmem>>, vector<1x16xf32>,
      %get3A_374 = vector.shape_cast %get3A_373 : vector<1x16xf32> to vector<16xf32>
      %get3A_375 = arith.index_cast %add3A_351 : i32 to index
      %get3A_376 = arith.constant 32 : index
      %get3A_377 = tpu.vector_load %arg12[%get3A_375, %get3A_376] {strides = array<i32>} : memref<64x128xf32, #tpu.memory_space<vmem>>, vector<1x16xf32>,
      %get3A_378 = vector.shape_cast %get3A_377 : vector<1x16xf32> to vector<16xf32>
      %mul3A_379 = arith.mulf %get3A_374, %get3A_378 : vector<16xf32>
      %add3A_380 = arith.addf %add3A_370, %mul3A_379 : vector<16xf32>
      %get3A_381 = arith.index_cast %add3A_351 : i32 to index
      %get3A_382 = arith.constant 48 : index
      %get3A_383 = tpu.vector_load %arg11[%get3A_381, %get3A_382] {strides = array<i32>} : memref<64x128xf32, #tpu.memory_space<vmem>>, vector<1x16xf32>,
      %get3A_384 = vector.shape_cast %get3A_383 : vector<1x16xf32> to vector<16xf32>
      %get3A_385 = arith.index_cast %add3A_351 : i32 to index
      %get3A_386 = arith.constant 48 : index
      %get3A_387 = tpu.vector_load %arg12[%get3A_385, %get3A_386] {strides = array<i32>} : memref<64x128xf32, #tpu.memory_space<vmem>>, vector<1x16xf32>,
      %get3A_388 = vector.shape_cast %get3A_387 : vector<1x16xf32> to vector<16xf32>
      %mul3A_389 = arith.mulf %get3A_384, %get3A_388 : vector<16xf32>
      %add3A_390 = arith.addf %add3A_380, %mul3A_389 : vector<16xf32>
      %get3A_391 = arith.index_cast %add3A_351 : i32 to index
      %get3A_392 = arith.constant 64 : index
      %get3A_393 = tpu.vector_load %arg11[%get3A_391, %get3A_392] {strides = array<i32>} : memref<64x128xf32, #tpu.memory_space<vmem>>, vector<1x16xf32>,
      %get3A_394 = vector.shape_cast %get3A_393 : vector<1x16xf32> to vector<16xf32>
      %get3A_395 = arith.index_cast %add3A_351 : i32 to index
      %get3A_396 = arith.constant 64 : index
      %get3A_397 = tpu.vector_load %arg12[%get3A_395, %get3A_396] {strides = array<i32>} : memref<64x128xf32, #tpu.memory_space<vmem>>, vector<1x16xf32>,
      %get3A_398 = vector.shape_cast %get3A_397 : vector<1x16xf32> to vector<16xf32>
      %mul3A_399 = arith.mulf %get3A_394, %get3A_398 : vector<16xf32>
      %add3A_400 = arith.addf %add3A_390, %mul3A_399 : vector<16xf32>
      %get3A_401 = arith.index_cast %add3A_351 : i32 to index
      %get3A_402 = arith.constant 80 : index
      %get3A_403 = tpu.vector_load %arg11[%get3A_401, %get3A_402] {strides = array<i32>} : memref<64x128xf32, #tpu.memory_space<vmem>>, vector<1x16xf32>,
      %get3A_404 = vector.shape_cast %get3A_403 : vector<1x16xf32> to vector<16xf32>
      %get3A_405 = arith.index_cast %add3A_351 : i32 to index
      %get3A_406 = arith.constant 80 : index
      %get3A_407 = tpu.vector_load %arg12[%get3A_405, %get3A_406] {strides = array<i32>} : memref<64x128xf32, #tpu.memory_space<vmem>>, vector<1x16xf32>,
      %get3A_408 = vector.shape_cast %get3A_407 : vector<1x16xf32> to vector<16xf32>
      %mul3A_409 = arith.mulf %get3A_404, %get3A_408 : vector<16xf32>
      %add3A_410 = arith.addf %add3A_400, %mul3A_409 : vector<16xf32>
      %get3A_411 = arith.index_cast %add3A_351 : i32 to index
      %get3A_412 = arith.constant 96 : index
      %get3A_413 = tpu.vector_load %arg11[%get3A_411, %get3A_412] {strides = array<i32>} : memref<64x128xf32, #tpu.memory_space<vmem>>, vector<1x16xf32>,
      %get3A_414 = vector.shape_cast %get3A_413 : vector<1x16xf32> to vector<16xf32>
      %get3A_415 = arith.index_cast %add3A_351 : i32 to index
      %get3A_416 = arith.constant 96 : index
      %get3A_417 = tpu.vector_load %arg12[%get3A_415, %get3A_416] {strides = array<i32>} : memref<64x128xf32, #tpu.memory_space<vmem>>, vector<1x16xf32>,
      %get3A_418 = vector.shape_cast %get3A_417 : vector<1x16xf32> to vector<16xf32>
      %mul3A_419 = arith.mulf %get3A_414, %get3A_418 : vector<16xf32>
      %add3A_420 = arith.addf %add3A_410, %mul3A_419 : vector<16xf32>
      %get3A_421 = arith.index_cast %add3A_351 : i32 to index
      %get3A_422 = arith.constant 112 : index
      %get3A_423 = tpu.vector_load %arg11[%get3A_421, %get3A_422] {strides = array<i32>} : memref<64x128xf32, #tpu.memory_space<vmem>>, vector<1x16xf32>,
      %get3A_424 = vector.shape_cast %get3A_423 : vector<1x16xf32> to vector<16xf32>
      %get3A_425 = arith.index_cast %add3A_351 : i32 to index
      %get3A_426 = arith.constant 112 : index
      %get3A_427 = tpu.vector_load %arg12[%get3A_425, %get3A_426] {strides = array<i32>} : memref<64x128xf32, #tpu.memory_space<vmem>>, vector<1x16xf32>,
      %get3A_428 = vector.shape_cast %get3A_427 : vector<1x16xf32> to vector<16xf32>
      %mul3A_429 = arith.mulf %get3A_424, %get3A_428 : vector<16xf32>
      %add3A_430 = arith.addf %add3A_420, %mul3A_429 : vector<16xf32>
      %add3A_431 = arith.constant 0 : i32
      %add3A_432 = arith.addi %add3A_431, %add3A_351 : i32
      %swap3A_433 = arith.index_cast %add3A_432 : i32 to index
      %swap3A_434 = arith.constant 0 : index
      %swap3A_435 = tpu.vector_load %arg15[%swap3A_433, %swap3A_434] {strides = array<i32>} : memref<512x16xf32, #tpu.memory_space<vmem>>, vector<1x16xf32>,
      %swap3A_436 = vector.shape_cast %swap3A_435 : vector<1x16xf32> to vector<16xf32>
      %swap3A_437 = vector.shape_cast %add3A_430 : vector<16xf32> to vector<1x16xf32>
      tpu.vector_store %arg15[%swap3A_433, %swap3A_434], %swap3A_437 {strides = array<i32>} : memref<512x16xf32, #tpu.memory_space<vmem>>, vector<1x16xf32>,
      %mul3A_438 = arith.constant 4 : i32
      %mul3A_439 = arith.muli %scan3A_168, %mul3A_438 : i32
      %add3A_440 = arith.constant 3 : i32
      %add3A_441 = arith.addi %mul3A_439, %add3A_440 : i32
      %get3A_442 = arith.index_cast %add3A_441 : i32 to index
      %get3A_443 = arith.constant 0 : index
      %get3A_444 = tpu.vector_load %arg11[%get3A_442, %get3A_443] {strides = array<i32>} : memref<64x128xf32, #tpu.memory_space<vmem>>, vector<1x16xf32>,
      %get3A_445 = vector.shape_cast %get3A_444 : vector<1x16xf32> to vector<16xf32>
      %get3A_446 = arith.index_cast %add3A_441 : i32 to index
      %get3A_447 = arith.constant 0 : index
      %get3A_448 = tpu.vector_load %arg12[%get3A_446, %get3A_447] {strides = array<i32>} : memref<64x128xf32, #tpu.memory_space<vmem>>, vector<1x16xf32>,
      %get3A_449 = vector.shape_cast %get3A_448 : vector<1x16xf32> to vector<16xf32>
      %mul3A_450 = arith.mulf %get3A_445, %get3A_449 : vector<16xf32>
      %get3A_451 = arith.index_cast %add3A_441 : i32 to index
      %get3A_452 = arith.constant 16 : index
      %get3A_453 = tpu.vector_load %arg11[%get3A_451, %get3A_452] {strides = array<i32>} : memref<64x128xf32, #tpu.memory_space<vmem>>, vector<1x16xf32>,
      %get3A_454 = vector.shape_cast %get3A_453 : vector<1x16xf32> to vector<16xf32>
      %get3A_455 = arith.index_cast %add3A_441 : i32 to index
      %get3A_456 = arith.constant 16 : index
      %get3A_457 = tpu.vector_load %arg12[%get3A_455, %get3A_456] {strides = array<i32>} : memref<64x128xf32, #tpu.memory_space<vmem>>, vector<1x16xf32>,
      %get3A_458 = vector.shape_cast %get3A_457 : vector<1x16xf32> to vector<16xf32>
      %mul3A_459 = arith.mulf %get3A_454, %get3A_458 : vector<16xf32>
      %add3A_460 = arith.addf %mul3A_450, %mul3A_459 : vector<16xf32>
      %get3A_461 = arith.index_cast %add3A_441 : i32 to index
      %get3A_462 = arith.constant 32 : index
      %get3A_463 = tpu.vector_load %arg11[%get3A_461, %get3A_462] {strides = array<i32>} : memref<64x128xf32, #tpu.memory_space<vmem>>, vector<1x16xf32>,
      %get3A_464 = vector.shape_cast %get3A_463 : vector<1x16xf32> to vector<16xf32>
      %get3A_465 = arith.index_cast %add3A_441 : i32 to index
      %get3A_466 = arith.constant 32 : index
      %get3A_467 = tpu.vector_load %arg12[%get3A_465, %get3A_466] {strides = array<i32>} : memref<64x128xf32, #tpu.memory_space<vmem>>, vector<1x16xf32>,
      %get3A_468 = vector.shape_cast %get3A_467 : vector<1x16xf32> to vector<16xf32>
      %mul3A_469 = arith.mulf %get3A_464, %get3A_468 : vector<16xf32>
      %add3A_470 = arith.addf %add3A_460, %mul3A_469 : vector<16xf32>
      %get3A_471 = arith.index_cast %add3A_441 : i32 to index
      %get3A_472 = arith.constant 48 : index
      %get3A_473 = tpu.vector_load %arg11[%get3A_471, %get3A_472] {strides = array<i32>} : memref<64x128xf32, #tpu.memory_space<vmem>>, vector<1x16xf32>,
      %get3A_474 = vector.shape_cast %get3A_473 : vector<1x16xf32> to vector<16xf32>
      %get3A_475 = arith.index_cast %add3A_441 : i32 to index
      %get3A_476 = arith.constant 48 : index
      %get3A_477 = tpu.vector_load %arg12[%get3A_475, %get3A_476] {strides = array<i32>} : memref<64x128xf32, #tpu.memory_space<vmem>>, vector<1x16xf32>,
      %get3A_478 = vector.shape_cast %get3A_477 : vector<1x16xf32> to vector<16xf32>
      %mul3A_479 = arith.mulf %get3A_474, %get3A_478 : vector<16xf32>
      %add3A_480 = arith.addf %add3A_470, %mul3A_479 : vector<16xf32>
      %get3A_481 = arith.index_cast %add3A_441 : i32 to index
      %get3A_482 = arith.constant 64 : index
      %get3A_483 = tpu.vector_load %arg11[%get3A_481, %get3A_482] {strides = array<i32>} : memref<64x128xf32, #tpu.memory_space<vmem>>, vector<1x16xf32>,
      %get3A_484 = vector.shape_cast %get3A_483 : vector<1x16xf32> to vector<16xf32>
      %get3A_485 = arith.index_cast %add3A_441 : i32 to index
      %get3A_486 = arith.constant 64 : index
      %get3A_487 = tpu.vector_load %arg12[%get3A_485, %get3A_486] {strides = array<i32>} : memref<64x128xf32, #tpu.memory_space<vmem>>, vector<1x16xf32>,
      %get3A_488 = vector.shape_cast %get3A_487 : vector<1x16xf32> to vector<16xf32>
      %mul3A_489 = arith.mulf %get3A_484, %get3A_488 : vector<16xf32>
      %add3A_490 = arith.addf %add3A_480, %mul3A_489 : vector<16xf32>
      %get3A_491 = arith.index_cast %add3A_441 : i32 to index
      %get3A_492 = arith.constant 80 : index
      %get3A_493 = tpu.vector_load %arg11[%get3A_491, %get3A_492] {strides = array<i32>} : memref<64x128xf32, #tpu.memory_space<vmem>>, vector<1x16xf32>,
      %get3A_494 = vector.shape_cast %get3A_493 : vector<1x16xf32> to vector<16xf32>
      %get3A_495 = arith.index_cast %add3A_441 : i32 to index
      %get3A_496 = arith.constant 80 : index
      %get3A_497 = tpu.vector_load %arg12[%get3A_495, %get3A_496] {strides = array<i32>} : memref<64x128xf32, #tpu.memory_space<vmem>>, vector<1x16xf32>,
      %get3A_498 = vector.shape_cast %get3A_497 : vector<1x16xf32> to vector<16xf32>
      %mul3A_499 = arith.mulf %get3A_494, %get3A_498 : vector<16xf32>
      %add3A_500 = arith.addf %add3A_490, %mul3A_499 : vector<16xf32>
      %get3A_501 = arith.index_cast %add3A_441 : i32 to index
      %get3A_502 = arith.constant 96 : index
      %get3A_503 = tpu.vector_load %arg11[%get3A_501, %get3A_502] {strides = array<i32>} : memref<64x128xf32, #tpu.memory_space<vmem>>, vector<1x16xf32>,
      %get3A_504 = vector.shape_cast %get3A_503 : vector<1x16xf32> to vector<16xf32>
      %get3A_505 = arith.index_cast %add3A_441 : i32 to index
      %get3A_506 = arith.constant 96 : index
      %get3A_507 = tpu.vector_load %arg12[%get3A_505, %get3A_506] {strides = array<i32>} : memref<64x128xf32, #tpu.memory_space<vmem>>, vector<1x16xf32>,
      %get3A_508 = vector.shape_cast %get3A_507 : vector<1x16xf32> to vector<16xf32>
      %mul3A_509 = arith.mulf %get3A_504, %get3A_508 : vector<16xf32>
      %add3A_510 = arith.addf %add3A_500, %mul3A_509 : vector<16xf32>
      %get3A_511 = arith.index_cast %add3A_441 : i32 to index
      %get3A_512 = arith.constant 112 : index
      %get3A_513 = tpu.vector_load %arg11[%get3A_511, %get3A_512] {strides = array<i32>} : memref<64x128xf32, #tpu.memory_space<vmem>>, vector<1x16xf32>,
      %get3A_514 = vector.shape_cast %get3A_513 : vector<1x16xf32> to vector<16xf32>
      %get3A_515 = arith.index_cast %add3A_441 : i32 to index
      %get3A_516 = arith.constant 112 : index
      %get3A_517 = tpu.vector_load %arg12[%get3A_515, %get3A_516] {strides = array<i32>} : memref<64x128xf32, #tpu.memory_space<vmem>>, vector<1x16xf32>,
      %get3A_518 = vector.shape_cast %get3A_517 : vector<1x16xf32> to vector<16xf32>
      %mul3A_519 = arith.mulf %get3A_514, %get3A_518 : vector<16xf32>
      %add3A_520 = arith.addf %add3A_510, %mul3A_519 : vector<16xf32>
      %add3A_521 = arith.constant 0 : i32
      %add3A_522 = arith.addi %add3A_521, %add3A_441 : i32
      %swap3A_523 = arith.index_cast %add3A_522 : i32 to index
      %swap3A_524 = arith.constant 0 : index
      %swap3A_525 = tpu.vector_load %arg15[%swap3A_523, %swap3A_524] {strides = array<i32>} : memref<512x16xf32, #tpu.memory_space<vmem>>, vector<1x16xf32>,
      %swap3A_526 = vector.shape_cast %swap3A_525 : vector<1x16xf32> to vector<16xf32>
      %swap3A_527 = vector.shape_cast %add3A_520 : vector<16xf32> to vector<1x16xf32>
      tpu.vector_store %arg15[%swap3A_523, %swap3A_524], %swap3A_527 {strides = array<i32>} : memref<512x16xf32, #tpu.memory_space<vmem>>, vector<1x16xf32>,
      %scan3A_528 = arith.constant 0 : i32
      scf.yield %scan3A_528 : i32
    }
    %scan3A_28 = arith.constant 16 : i32
    %add3A_29 = arith.constant 128 : i32
    %add3A_30 = arith.addi %mul3A_2, %add3A_29 : i32
    "tpu.region"() ({
      %run_scoped3A = tpu.sem_alloc : memref<!tpu.dma_semaphore, #tpu.memory_space<semaphore_mem>>
      %dma_start3A_168 = tpu.memref_slice %arg2[%add3A_30] : memref<16384xi32, #tpu.memory_space<hbm>> -> memref<64xi32, #tpu.memory_space<hbm>>
      %dma_start3A_169 = tpu.memref_slice %arg2[%add3A_30] : memref<16384xi32, #tpu.memory_space<hbm>> -> memref<64xi32, #tpu.memory_space<hbm>>
      tpu.enqueue_dma source(%dma_start3A_169 : memref<64xi32, #tpu.memory_space<hbm>>) target(%arg7 : memref<64xi32, #tpu.memory_space<vmem>>) target_semaphore(%run_scoped3A : memref<!tpu.dma_semaphore, #tpu.memory_space<semaphore_mem>>)
      %dma_wait3A_170 = tpu.memref_slice %arg2[%add3A_30] : memref<16384xi32, #tpu.memory_space<hbm>> -> memref<64xi32, #tpu.memory_space<hbm>>
      %dma_wait3A_171 = tpu.memref_slice %arg2[%add3A_30] : memref<16384xi32, #tpu.memory_space<hbm>> -> memref<64xi32, #tpu.memory_space<hbm>>
      tpu.wait_dma2 semaphore(%run_scoped3A : memref<!tpu.dma_semaphore, #tpu.memory_space<semaphore_mem>>) src(%dma_wait3A_171 : memref<64xi32, #tpu.memory_space<hbm>>) dst(%arg7 : memref<64xi32, #tpu.memory_space<vmem>>)
      tpu.yield
    }) : () -> ()
    "tpu.region"() ({
      %run_scoped3A = tpu.sem_alloc : memref<!tpu.dma_semaphore, #tpu.memory_space<semaphore_mem>>
      %dma_start3A_168 = tpu.memref_slice %arg3[%add3A_30] : memref<16384xi32, #tpu.memory_space<hbm>> -> memref<64xi32, #tpu.memory_space<hbm>>
      %dma_start3A_169 = tpu.memref_slice %arg3[%add3A_30] : memref<16384xi32, #tpu.memory_space<hbm>> -> memref<64xi32, #tpu.memory_space<hbm>>
      tpu.enqueue_dma source(%dma_start3A_169 : memref<64xi32, #tpu.memory_space<hbm>>) target(%arg8 : memref<64xi32, #tpu.memory_space<vmem>>) target_semaphore(%run_scoped3A : memref<!tpu.dma_semaphore, #tpu.memory_space<semaphore_mem>>)
      %dma_wait3A_170 = tpu.memref_slice %arg3[%add3A_30] : memref<16384xi32, #tpu.memory_space<hbm>> -> memref<64xi32, #tpu.memory_space<hbm>>
      %dma_wait3A_171 = tpu.memref_slice %arg3[%add3A_30] : memref<16384xi32, #tpu.memory_space<hbm>> -> memref<64xi32, #tpu.memory_space<hbm>>
      tpu.wait_dma2 semaphore(%run_scoped3A : memref<!tpu.dma_semaphore, #tpu.memory_space<semaphore_mem>>) src(%dma_wait3A_171 : memref<64xi32, #tpu.memory_space<hbm>>) dst(%arg8 : memref<64xi32, #tpu.memory_space<vmem>>)
      tpu.yield
    }) : () -> ()
    %dma_start3A_31 = arith.constant 0 : i32
    %dma_start3A_32 = arith.constant 0 : i32
    %dma_start3A_33 = tpu.memref_slice %arg4[%dma_start3A_31, %dma_start3A_32] : memref<100000x128xf32, #tpu.memory_space<hbm>> -> memref<100000x128xf32, #tpu.memory_space<hbm>>
    tpu.enqueue_indirect_dma source(%dma_start3A_33 : memref<100000x128xf32, #tpu.memory_space<hbm>>) target(%arg11 : memref<64x128xf32, #tpu.memory_space<vmem>>) offsets(%arg7 : memref<64xi32, #tpu.memory_space<vmem>>) semaphore(%arg16 : memref<!tpu.dma_semaphore, #tpu.memory_space<semaphore_mem>>)
    %dma_start3A_34 = arith.constant 0 : i32
    %dma_start3A_35 = arith.constant 0 : i32
    %dma_start3A_36 = tpu.memref_slice %arg5[%dma_start3A_34, %dma_start3A_35] : memref<100000x128xf32, #tpu.memory_space<hbm>> -> memref<100000x128xf32, #tpu.memory_space<hbm>>
    tpu.enqueue_indirect_dma source(%dma_start3A_36 : memref<100000x128xf32, #tpu.memory_space<hbm>>) target(%arg12 : memref<64x128xf32, #tpu.memory_space<vmem>>) offsets(%arg8 : memref<64xi32, #tpu.memory_space<vmem>>) semaphore(%arg16 : memref<!tpu.dma_semaphore, #tpu.memory_space<semaphore_mem>>)
    %dma_wait3A_37 = arith.constant 0 : i32
    %dma_wait3A_38 = arith.constant 0 : i32
    %dma_wait3A_39 = tpu.memref_slice %arg4[%dma_wait3A_37, %dma_wait3A_38] : memref<100000x128xf32, #tpu.memory_space<hbm>> -> memref<100000x128xf32, #tpu.memory_space<hbm>>
    tpu.wait_indirect_dma semaphore(%arg17 : memref<!tpu.dma_semaphore, #tpu.memory_space<semaphore_mem>>) src(%dma_wait3A_39 : memref<100000x128xf32, #tpu.memory_space<hbm>>) dst(%arg13 : memref<64x128xf32, #tpu.memory_space<vmem>>)
    %dma_wait3A_40 = arith.constant 0 : i32
    %dma_wait3A_41 = arith.constant 0 : i32
    %dma_wait3A_42 = tpu.memref_slice %arg5[%dma_wait3A_40, %dma_wait3A_41] : memref<100000x128xf32, #tpu.memory_space<hbm>> -> memref<100000x128xf32, #tpu.memory_space<hbm>>
    tpu.wait_indirect_dma semaphore(%arg17 : memref<!tpu.dma_semaphore, #tpu.memory_space<semaphore_mem>>) src(%dma_wait3A_42 : memref<100000x128xf32, #tpu.memory_space<hbm>>) dst(%arg14 : memref<64x128xf32, #tpu.memory_space<vmem>>)
    %scan3A_43 = arith.constant 0 : i32
    %scan3A_44 = arith.constant 0 : i32
    %scan3A_45 = arith.constant 16 : i32
    %scan3A_46 = arith.addi %scan3A_44, %scan3A_45 : i32
    %scan3A_47 = arith.constant 1 : i32
    %scan3A_48 = scf.for %scan3A_168 = %scan3A_44 to %scan3A_46 step %scan3A_47 iter_args(%scan3A_169 = %scan3A_43) -> (i32)  : i32 {
      %mul3A_170 = arith.constant 4 : i32
      %mul3A_171 = arith.muli %scan3A_168, %mul3A_170 : i32
      %add3A_172 = arith.constant 0 : i32
      %add3A_173 = arith.addi %mul3A_171, %add3A_172 : i32
      %get3A = arith.index_cast %add3A_173 : i32 to index
      %get3A_174 = arith.constant 0 : index
      %get3A_175 = tpu.vector_load %arg13[%get3A, %get3A_174] {strides = array<i32>} : memref<64x128xf32, #tpu.memory_space<vmem>>, vector<1x16xf32>,
      %get3A_176 = vector.shape_cast %get3A_175 : vector<1x16xf32> to vector<16xf32>
      %get3A_177 = arith.index_cast %add3A_173 : i32 to index
      %get3A_178 = arith.constant 0 : index
      %get3A_179 = tpu.vector_load %arg14[%get3A_177, %get3A_178] {strides = array<i32>} : memref<64x128xf32, #tpu.memory_space<vmem>>, vector<1x16xf32>,
      %get3A_180 = vector.shape_cast %get3A_179 : vector<1x16xf32> to vector<16xf32>
      %mul3A_181 = arith.mulf %get3A_176, %get3A_180 : vector<16xf32>
      %get3A_182 = arith.index_cast %add3A_173 : i32 to index
      %get3A_183 = arith.constant 16 : index
      %get3A_184 = tpu.vector_load %arg13[%get3A_182, %get3A_183] {strides = array<i32>} : memref<64x128xf32, #tpu.memory_space<vmem>>, vector<1x16xf32>,
      %get3A_185 = vector.shape_cast %get3A_184 : vector<1x16xf32> to vector<16xf32>
      %get3A_186 = arith.index_cast %add3A_173 : i32 to index
      %get3A_187 = arith.constant 16 : index
      %get3A_188 = tpu.vector_load %arg14[%get3A_186, %get3A_187] {strides = array<i32>} : memref<64x128xf32, #tpu.memory_space<vmem>>, vector<1x16xf32>,
      %get3A_189 = vector.shape_cast %get3A_188 : vector<1x16xf32> to vector<16xf32>
      %mul3A_190 = arith.mulf %get3A_185, %get3A_189 : vector<16xf32>
      %add3A_191 = arith.addf %mul3A_181, %mul3A_190 : vector<16xf32>
      %get3A_192 = arith.index_cast %add3A_173 : i32 to index
      %get3A_193 = arith.constant 32 : index
      %get3A_194 = tpu.vector_load %arg13[%get3A_192, %get3A_193] {strides = array<i32>} : memref<64x128xf32, #tpu.memory_space<vmem>>, vector<1x16xf32>,
      %get3A_195 = vector.shape_cast %get3A_194 : vector<1x16xf32> to vector<16xf32>
      %get3A_196 = arith.index_cast %add3A_173 : i32 to index
      %get3A_197 = arith.constant 32 : index
      %get3A_198 = tpu.vector_load %arg14[%get3A_196, %get3A_197] {strides = array<i32>} : memref<64x128xf32, #tpu.memory_space<vmem>>, vector<1x16xf32>,
      %get3A_199 = vector.shape_cast %get3A_198 : vector<1x16xf32> to vector<16xf32>
      %mul3A_200 = arith.mulf %get3A_195, %get3A_199 : vector<16xf32>
      %add3A_201 = arith.addf %add3A_191, %mul3A_200 : vector<16xf32>
      %get3A_202 = arith.index_cast %add3A_173 : i32 to index
      %get3A_203 = arith.constant 48 : index
      %get3A_204 = tpu.vector_load %arg13[%get3A_202, %get3A_203] {strides = array<i32>} : memref<64x128xf32, #tpu.memory_space<vmem>>, vector<1x16xf32>,
      %get3A_205 = vector.shape_cast %get3A_204 : vector<1x16xf32> to vector<16xf32>
      %get3A_206 = arith.index_cast %add3A_173 : i32 to index
      %get3A_207 = arith.constant 48 : index
      %get3A_208 = tpu.vector_load %arg14[%get3A_206, %get3A_207] {strides = array<i32>} : memref<64x128xf32, #tpu.memory_space<vmem>>, vector<1x16xf32>,
      %get3A_209 = vector.shape_cast %get3A_208 : vector<1x16xf32> to vector<16xf32>
      %mul3A_210 = arith.mulf %get3A_205, %get3A_209 : vector<16xf32>
      %add3A_211 = arith.addf %add3A_201, %mul3A_210 : vector<16xf32>
      %get3A_212 = arith.index_cast %add3A_173 : i32 to index
      %get3A_213 = arith.constant 64 : index
      %get3A_214 = tpu.vector_load %arg13[%get3A_212, %get3A_213] {strides = array<i32>} : memref<64x128xf32, #tpu.memory_space<vmem>>, vector<1x16xf32>,
      %get3A_215 = vector.shape_cast %get3A_214 : vector<1x16xf32> to vector<16xf32>
      %get3A_216 = arith.index_cast %add3A_173 : i32 to index
      %get3A_217 = arith.constant 64 : index
      %get3A_218 = tpu.vector_load %arg14[%get3A_216, %get3A_217] {strides = array<i32>} : memref<64x128xf32, #tpu.memory_space<vmem>>, vector<1x16xf32>,
      %get3A_219 = vector.shape_cast %get3A_218 : vector<1x16xf32> to vector<16xf32>
      %mul3A_220 = arith.mulf %get3A_215, %get3A_219 : vector<16xf32>
      %add3A_221 = arith.addf %add3A_211, %mul3A_220 : vector<16xf32>
      %get3A_222 = arith.index_cast %add3A_173 : i32 to index
      %get3A_223 = arith.constant 80 : index
      %get3A_224 = tpu.vector_load %arg13[%get3A_222, %get3A_223] {strides = array<i32>} : memref<64x128xf32, #tpu.memory_space<vmem>>, vector<1x16xf32>,
      %get3A_225 = vector.shape_cast %get3A_224 : vector<1x16xf32> to vector<16xf32>
      %get3A_226 = arith.index_cast %add3A_173 : i32 to index
      %get3A_227 = arith.constant 80 : index
      %get3A_228 = tpu.vector_load %arg14[%get3A_226, %get3A_227] {strides = array<i32>} : memref<64x128xf32, #tpu.memory_space<vmem>>, vector<1x16xf32>,
      %get3A_229 = vector.shape_cast %get3A_228 : vector<1x16xf32> to vector<16xf32>
      %mul3A_230 = arith.mulf %get3A_225, %get3A_229 : vector<16xf32>
      %add3A_231 = arith.addf %add3A_221, %mul3A_230 : vector<16xf32>
      %get3A_232 = arith.index_cast %add3A_173 : i32 to index
      %get3A_233 = arith.constant 96 : index
      %get3A_234 = tpu.vector_load %arg13[%get3A_232, %get3A_233] {strides = array<i32>} : memref<64x128xf32, #tpu.memory_space<vmem>>, vector<1x16xf32>,
      %get3A_235 = vector.shape_cast %get3A_234 : vector<1x16xf32> to vector<16xf32>
      %get3A_236 = arith.index_cast %add3A_173 : i32 to index
      %get3A_237 = arith.constant 96 : index
      %get3A_238 = tpu.vector_load %arg14[%get3A_236, %get3A_237] {strides = array<i32>} : memref<64x128xf32, #tpu.memory_space<vmem>>, vector<1x16xf32>,
      %get3A_239 = vector.shape_cast %get3A_238 : vector<1x16xf32> to vector<16xf32>
      %mul3A_240 = arith.mulf %get3A_235, %get3A_239 : vector<16xf32>
      %add3A_241 = arith.addf %add3A_231, %mul3A_240 : vector<16xf32>
      %get3A_242 = arith.index_cast %add3A_173 : i32 to index
      %get3A_243 = arith.constant 112 : index
      %get3A_244 = tpu.vector_load %arg13[%get3A_242, %get3A_243] {strides = array<i32>} : memref<64x128xf32, #tpu.memory_space<vmem>>, vector<1x16xf32>,
      %get3A_245 = vector.shape_cast %get3A_244 : vector<1x16xf32> to vector<16xf32>
      %get3A_246 = arith.index_cast %add3A_173 : i32 to index
      %get3A_247 = arith.constant 112 : index
      %get3A_248 = tpu.vector_load %arg14[%get3A_246, %get3A_247] {strides = array<i32>} : memref<64x128xf32, #tpu.memory_space<vmem>>, vector<1x16xf32>,
      %get3A_249 = vector.shape_cast %get3A_248 : vector<1x16xf32> to vector<16xf32>
      %mul3A_250 = arith.mulf %get3A_245, %get3A_249 : vector<16xf32>
      %add3A_251 = arith.addf %add3A_241, %mul3A_250 : vector<16xf32>
      %add3A_252 = arith.constant 64 : i32
      %add3A_253 = arith.addi %add3A_252, %add3A_173 : i32
      %swap3A = arith.index_cast %add3A_253 : i32 to index
      %swap3A_254 = arith.constant 0 : index
      %swap3A_255 = tpu.vector_load %arg15[%swap3A, %swap3A_254] {strides = array<i32>} : memref<512x16xf32, #tpu.memory_space<vmem>>, vector<1x16xf32>,
      %swap3A_256 = vector.shape_cast %swap3A_255 : vector<1x16xf32> to vector<16xf32>
      %swap3A_257 = vector.shape_cast %add3A_251 : vector<16xf32> to vector<1x16xf32>
      tpu.vector_store %arg15[%swap3A, %swap3A_254], %swap3A_257 {strides = array<i32>} : memref<512x16xf32, #tpu.memory_space<vmem>>, vector<1x16xf32>,
      %mul3A_258 = arith.constant 4 : i32
      %mul3A_259 = arith.muli %scan3A_168, %mul3A_258 : i32
      %add3A_260 = arith.constant 1 : i32
      %add3A_261 = arith.addi %mul3A_259, %add3A_260 : i32
      %get3A_262 = arith.index_cast %add3A_261 : i32 to index
      %get3A_263 = arith.constant 0 : index
      %get3A_264 = tpu.vector_load %arg13[%get3A_262, %get3A_263] {strides = array<i32>} : memref<64x128xf32, #tpu.memory_space<vmem>>, vector<1x16xf32>,
      %get3A_265 = vector.shape_cast %get3A_264 : vector<1x16xf32> to vector<16xf32>
      %get3A_266 = arith.index_cast %add3A_261 : i32 to index
      %get3A_267 = arith.constant 0 : index
      %get3A_268 = tpu.vector_load %arg14[%get3A_266, %get3A_267] {strides = array<i32>} : memref<64x128xf32, #tpu.memory_space<vmem>>, vector<1x16xf32>,
      %get3A_269 = vector.shape_cast %get3A_268 : vector<1x16xf32> to vector<16xf32>
      %mul3A_270 = arith.mulf %get3A_265, %get3A_269 : vector<16xf32>
      %get3A_271 = arith.index_cast %add3A_261 : i32 to index
      %get3A_272 = arith.constant 16 : index
      %get3A_273 = tpu.vector_load %arg13[%get3A_271, %get3A_272] {strides = array<i32>} : memref<64x128xf32, #tpu.memory_space<vmem>>, vector<1x16xf32>,
      %get3A_274 = vector.shape_cast %get3A_273 : vector<1x16xf32> to vector<16xf32>
      %get3A_275 = arith.index_cast %add3A_261 : i32 to index
      %get3A_276 = arith.constant 16 : index
      %get3A_277 = tpu.vector_load %arg14[%get3A_275, %get3A_276] {strides = array<i32>} : memref<64x128xf32, #tpu.memory_space<vmem>>, vector<1x16xf32>,
      %get3A_278 = vector.shape_cast %get3A_277 : vector<1x16xf32> to vector<16xf32>
      %mul3A_279 = arith.mulf %get3A_274, %get3A_278 : vector<16xf32>
      %add3A_280 = arith.addf %mul3A_270, %mul3A_279 : vector<16xf32>
      %get3A_281 = arith.index_cast %add3A_261 : i32 to index
      %get3A_282 = arith.constant 32 : index
      %get3A_283 = tpu.vector_load %arg13[%get3A_281, %get3A_282] {strides = array<i32>} : memref<64x128xf32, #tpu.memory_space<vmem>>, vector<1x16xf32>,
      %get3A_284 = vector.shape_cast %get3A_283 : vector<1x16xf32> to vector<16xf32>
      %get3A_285 = arith.index_cast %add3A_261 : i32 to index
      %get3A_286 = arith.constant 32 : index
      %get3A_287 = tpu.vector_load %arg14[%get3A_285, %get3A_286] {strides = array<i32>} : memref<64x128xf32, #tpu.memory_space<vmem>>, vector<1x16xf32>,
      %get3A_288 = vector.shape_cast %get3A_287 : vector<1x16xf32> to vector<16xf32>
      %mul3A_289 = arith.mulf %get3A_284, %get3A_288 : vector<16xf32>
      %add3A_290 = arith.addf %add3A_280, %mul3A_289 : vector<16xf32>
      %get3A_291 = arith.index_cast %add3A_261 : i32 to index
      %get3A_292 = arith.constant 48 : index
      %get3A_293 = tpu.vector_load %arg13[%get3A_291, %get3A_292] {strides = array<i32>} : memref<64x128xf32, #tpu.memory_space<vmem>>, vector<1x16xf32>,
      %get3A_294 = vector.shape_cast %get3A_293 : vector<1x16xf32> to vector<16xf32>
      %get3A_295 = arith.index_cast %add3A_261 : i32 to index
      %get3A_296 = arith.constant 48 : index
      %get3A_297 = tpu.vector_load %arg14[%get3A_295, %get3A_296] {strides = array<i32>} : memref<64x128xf32, #tpu.memory_space<vmem>>, vector<1x16xf32>,
      %get3A_298 = vector.shape_cast %get3A_297 : vector<1x16xf32> to vector<16xf32>
      %mul3A_299 = arith.mulf %get3A_294, %get3A_298 : vector<16xf32>
      %add3A_300 = arith.addf %add3A_290, %mul3A_299 : vector<16xf32>
      %get3A_301 = arith.index_cast %add3A_261 : i32 to index
      %get3A_302 = arith.constant 64 : index
      %get3A_303 = tpu.vector_load %arg13[%get3A_301, %get3A_302] {strides = array<i32>} : memref<64x128xf32, #tpu.memory_space<vmem>>, vector<1x16xf32>,
      %get3A_304 = vector.shape_cast %get3A_303 : vector<1x16xf32> to vector<16xf32>
      %get3A_305 = arith.index_cast %add3A_261 : i32 to index
      %get3A_306 = arith.constant 64 : index
      %get3A_307 = tpu.vector_load %arg14[%get3A_305, %get3A_306] {strides = array<i32>} : memref<64x128xf32, #tpu.memory_space<vmem>>, vector<1x16xf32>,
      %get3A_308 = vector.shape_cast %get3A_307 : vector<1x16xf32> to vector<16xf32>
      %mul3A_309 = arith.mulf %get3A_304, %get3A_308 : vector<16xf32>
      %add3A_310 = arith.addf %add3A_300, %mul3A_309 : vector<16xf32>
      %get3A_311 = arith.index_cast %add3A_261 : i32 to index
      %get3A_312 = arith.constant 80 : index
      %get3A_313 = tpu.vector_load %arg13[%get3A_311, %get3A_312] {strides = array<i32>} : memref<64x128xf32, #tpu.memory_space<vmem>>, vector<1x16xf32>,
      %get3A_314 = vector.shape_cast %get3A_313 : vector<1x16xf32> to vector<16xf32>
      %get3A_315 = arith.index_cast %add3A_261 : i32 to index
      %get3A_316 = arith.constant 80 : index
      %get3A_317 = tpu.vector_load %arg14[%get3A_315, %get3A_316] {strides = array<i32>} : memref<64x128xf32, #tpu.memory_space<vmem>>, vector<1x16xf32>,
      %get3A_318 = vector.shape_cast %get3A_317 : vector<1x16xf32> to vector<16xf32>
      %mul3A_319 = arith.mulf %get3A_314, %get3A_318 : vector<16xf32>
      %add3A_320 = arith.addf %add3A_310, %mul3A_319 : vector<16xf32>
      %get3A_321 = arith.index_cast %add3A_261 : i32 to index
      %get3A_322 = arith.constant 96 : index
      %get3A_323 = tpu.vector_load %arg13[%get3A_321, %get3A_322] {strides = array<i32>} : memref<64x128xf32, #tpu.memory_space<vmem>>, vector<1x16xf32>,
      %get3A_324 = vector.shape_cast %get3A_323 : vector<1x16xf32> to vector<16xf32>
      %get3A_325 = arith.index_cast %add3A_261 : i32 to index
      %get3A_326 = arith.constant 96 : index
      %get3A_327 = tpu.vector_load %arg14[%get3A_325, %get3A_326] {strides = array<i32>} : memref<64x128xf32, #tpu.memory_space<vmem>>, vector<1x16xf32>,
      %get3A_328 = vector.shape_cast %get3A_327 : vector<1x16xf32> to vector<16xf32>
      %mul3A_329 = arith.mulf %get3A_324, %get3A_328 : vector<16xf32>
      %add3A_330 = arith.addf %add3A_320, %mul3A_329 : vector<16xf32>
      %get3A_331 = arith.index_cast %add3A_261 : i32 to index
      %get3A_332 = arith.constant 112 : index
      %get3A_333 = tpu.vector_load %arg13[%get3A_331, %get3A_332] {strides = array<i32>} : memref<64x128xf32, #tpu.memory_space<vmem>>, vector<1x16xf32>,
      %get3A_334 = vector.shape_cast %get3A_333 : vector<1x16xf32> to vector<16xf32>
      %get3A_335 = arith.index_cast %add3A_261 : i32 to index
      %get3A_336 = arith.constant 112 : index
      %get3A_337 = tpu.vector_load %arg14[%get3A_335, %get3A_336] {strides = array<i32>} : memref<64x128xf32, #tpu.memory_space<vmem>>, vector<1x16xf32>,
      %get3A_338 = vector.shape_cast %get3A_337 : vector<1x16xf32> to vector<16xf32>
      %mul3A_339 = arith.mulf %get3A_334, %get3A_338 : vector<16xf32>
      %add3A_340 = arith.addf %add3A_330, %mul3A_339 : vector<16xf32>
      %add3A_341 = arith.constant 64 : i32
      %add3A_342 = arith.addi %add3A_341, %add3A_261 : i32
      %swap3A_343 = arith.index_cast %add3A_342 : i32 to index
      %swap3A_344 = arith.constant 0 : index
      %swap3A_345 = tpu.vector_load %arg15[%swap3A_343, %swap3A_344] {strides = array<i32>} : memref<512x16xf32, #tpu.memory_space<vmem>>, vector<1x16xf32>,
      %swap3A_346 = vector.shape_cast %swap3A_345 : vector<1x16xf32> to vector<16xf32>
      %swap3A_347 = vector.shape_cast %add3A_340 : vector<16xf32> to vector<1x16xf32>
      tpu.vector_store %arg15[%swap3A_343, %swap3A_344], %swap3A_347 {strides = array<i32>} : memref<512x16xf32, #tpu.memory_space<vmem>>, vector<1x16xf32>,
      %mul3A_348 = arith.constant 4 : i32
      %mul3A_349 = arith.muli %scan3A_168, %mul3A_348 : i32
      %add3A_350 = arith.constant 2 : i32
      %add3A_351 = arith.addi %mul3A_349, %add3A_350 : i32
      %get3A_352 = arith.index_cast %add3A_351 : i32 to index
      %get3A_353 = arith.constant 0 : index
      %get3A_354 = tpu.vector_load %arg13[%get3A_352, %get3A_353] {strides = array<i32>} : memref<64x128xf32, #tpu.memory_space<vmem>>, vector<1x16xf32>,
      %get3A_355 = vector.shape_cast %get3A_354 : vector<1x16xf32> to vector<16xf32>
      %get3A_356 = arith.index_cast %add3A_351 : i32 to index
      %get3A_357 = arith.constant 0 : index
      %get3A_358 = tpu.vector_load %arg14[%get3A_356, %get3A_357] {strides = array<i32>} : memref<64x128xf32, #tpu.memory_space<vmem>>, vector<1x16xf32>,
      %get3A_359 = vector.shape_cast %get3A_358 : vector<1x16xf32> to vector<16xf32>
      %mul3A_360 = arith.mulf %get3A_355, %get3A_359 : vector<16xf32>
      %get3A_361 = arith.index_cast %add3A_351 : i32 to index
      %get3A_362 = arith.constant 16 : index
      %get3A_363 = tpu.vector_load %arg13[%get3A_361, %get3A_362] {strides = array<i32>} : memref<64x128xf32, #tpu.memory_space<vmem>>, vector<1x16xf32>,
      %get3A_364 = vector.shape_cast %get3A_363 : vector<1x16xf32> to vector<16xf32>
      %get3A_365 = arith.index_cast %add3A_351 : i32 to index
      %get3A_366 = arith.constant 16 : index
      %get3A_367 = tpu.vector_load %arg14[%get3A_365, %get3A_366] {strides = array<i32>} : memref<64x128xf32, #tpu.memory_space<vmem>>, vector<1x16xf32>,
      %get3A_368 = vector.shape_cast %get3A_367 : vector<1x16xf32> to vector<16xf32>
      %mul3A_369 = arith.mulf %get3A_364, %get3A_368 : vector<16xf32>
      %add3A_370 = arith.addf %mul3A_360, %mul3A_369 : vector<16xf32>
      %get3A_371 = arith.index_cast %add3A_351 : i32 to index
      %get3A_372 = arith.constant 32 : index
      %get3A_373 = tpu.vector_load %arg13[%get3A_371, %get3A_372] {strides = array<i32>} : memref<64x128xf32, #tpu.memory_space<vmem>>, vector<1x16xf32>,
      %get3A_374 = vector.shape_cast %get3A_373 : vector<1x16xf32> to vector<16xf32>
      %get3A_375 = arith.index_cast %add3A_351 : i32 to index
      %get3A_376 = arith.constant 32 : index
      %get3A_377 = tpu.vector_load %arg14[%get3A_375, %get3A_376] {strides = array<i32>} : memref<64x128xf32, #tpu.memory_space<vmem>>, vector<1x16xf32>,
      %get3A_378 = vector.shape_cast %get3A_377 : vector<1x16xf32> to vector<16xf32>
      %mul3A_379 = arith.mulf %get3A_374, %get3A_378 : vector<16xf32>
      %add3A_380 = arith.addf %add3A_370, %mul3A_379 : vector<16xf32>
      %get3A_381 = arith.index_cast %add3A_351 : i32 to index
      %get3A_382 = arith.constant 48 : index
      %get3A_383 = tpu.vector_load %arg13[%get3A_381, %get3A_382] {strides = array<i32>} : memref<64x128xf32, #tpu.memory_space<vmem>>, vector<1x16xf32>,
      %get3A_384 = vector.shape_cast %get3A_383 : vector<1x16xf32> to vector<16xf32>
      %get3A_385 = arith.index_cast %add3A_351 : i32 to index
      %get3A_386 = arith.constant 48 : index
      %get3A_387 = tpu.vector_load %arg14[%get3A_385, %get3A_386] {strides = array<i32>} : memref<64x128xf32, #tpu.memory_space<vmem>>, vector<1x16xf32>,
      %get3A_388 = vector.shape_cast %get3A_387 : vector<1x16xf32> to vector<16xf32>
      %mul3A_389 = arith.mulf %get3A_384, %get3A_388 : vector<16xf32>
      %add3A_390 = arith.addf %add3A_380, %mul3A_389 : vector<16xf32>
      %get3A_391 = arith.index_cast %add3A_351 : i32 to index
      %get3A_392 = arith.constant 64 : index
      %get3A_393 = tpu.vector_load %arg13[%get3A_391, %get3A_392] {strides = array<i32>} : memref<64x128xf32, #tpu.memory_space<vmem>>, vector<1x16xf32>,
      %get3A_394 = vector.shape_cast %get3A_393 : vector<1x16xf32> to vector<16xf32>
      %get3A_395 = arith.index_cast %add3A_351 : i32 to index
      %get3A_396 = arith.constant 64 : index
      %get3A_397 = tpu.vector_load %arg14[%get3A_395, %get3A_396] {strides = array<i32>} : memref<64x128xf32, #tpu.memory_space<vmem>>, vector<1x16xf32>,
      %get3A_398 = vector.shape_cast %get3A_397 : vector<1x16xf32> to vector<16xf32>
      %mul3A_399 = arith.mulf %get3A_394, %get3A_398 : vector<16xf32>
      %add3A_400 = arith.addf %add3A_390, %mul3A_399 : vector<16xf32>
      %get3A_401 = arith.index_cast %add3A_351 : i32 to index
      %get3A_402 = arith.constant 80 : index
      %get3A_403 = tpu.vector_load %arg13[%get3A_401, %get3A_402] {strides = array<i32>} : memref<64x128xf32, #tpu.memory_space<vmem>>, vector<1x16xf32>,
      %get3A_404 = vector.shape_cast %get3A_403 : vector<1x16xf32> to vector<16xf32>
      %get3A_405 = arith.index_cast %add3A_351 : i32 to index
      %get3A_406 = arith.constant 80 : index
      %get3A_407 = tpu.vector_load %arg14[%get3A_405, %get3A_406] {strides = array<i32>} : memref<64x128xf32, #tpu.memory_space<vmem>>, vector<1x16xf32>,
      %get3A_408 = vector.shape_cast %get3A_407 : vector<1x16xf32> to vector<16xf32>
      %mul3A_409 = arith.mulf %get3A_404, %get3A_408 : vector<16xf32>
      %add3A_410 = arith.addf %add3A_400, %mul3A_409 : vector<16xf32>
      %get3A_411 = arith.index_cast %add3A_351 : i32 to index
      %get3A_412 = arith.constant 96 : index
      %get3A_413 = tpu.vector_load %arg13[%get3A_411, %get3A_412] {strides = array<i32>} : memref<64x128xf32, #tpu.memory_space<vmem>>, vector<1x16xf32>,
      %get3A_414 = vector.shape_cast %get3A_413 : vector<1x16xf32> to vector<16xf32>
      %get3A_415 = arith.index_cast %add3A_351 : i32 to index
      %get3A_416 = arith.constant 96 : index
      %get3A_417 = tpu.vector_load %arg14[%get3A_415, %get3A_416] {strides = array<i32>} : memref<64x128xf32, #tpu.memory_space<vmem>>, vector<1x16xf32>,
      %get3A_418 = vector.shape_cast %get3A_417 : vector<1x16xf32> to vector<16xf32>
      %mul3A_419 = arith.mulf %get3A_414, %get3A_418 : vector<16xf32>
      %add3A_420 = arith.addf %add3A_410, %mul3A_419 : vector<16xf32>
      %get3A_421 = arith.index_cast %add3A_351 : i32 to index
      %get3A_422 = arith.constant 112 : index
      %get3A_423 = tpu.vector_load %arg13[%get3A_421, %get3A_422] {strides = array<i32>} : memref<64x128xf32, #tpu.memory_space<vmem>>, vector<1x16xf32>,
      %get3A_424 = vector.shape_cast %get3A_423 : vector<1x16xf32> to vector<16xf32>
      %get3A_425 = arith.index_cast %add3A_351 : i32 to index
      %get3A_426 = arith.constant 112 : index
      %get3A_427 = tpu.vector_load %arg14[%get3A_425, %get3A_426] {strides = array<i32>} : memref<64x128xf32, #tpu.memory_space<vmem>>, vector<1x16xf32>,
      %get3A_428 = vector.shape_cast %get3A_427 : vector<1x16xf32> to vector<16xf32>
      %mul3A_429 = arith.mulf %get3A_424, %get3A_428 : vector<16xf32>
      %add3A_430 = arith.addf %add3A_420, %mul3A_429 : vector<16xf32>
      %add3A_431 = arith.constant 64 : i32
      %add3A_432 = arith.addi %add3A_431, %add3A_351 : i32
      %swap3A_433 = arith.index_cast %add3A_432 : i32 to index
      %swap3A_434 = arith.constant 0 : index
      %swap3A_435 = tpu.vector_load %arg15[%swap3A_433, %swap3A_434] {strides = array<i32>} : memref<512x16xf32, #tpu.memory_space<vmem>>, vector<1x16xf32>,
      %swap3A_436 = vector.shape_cast %swap3A_435 : vector<1x16xf32> to vector<16xf32>
      %swap3A_437 = vector.shape_cast %add3A_430 : vector<16xf32> to vector<1x16xf32>
      tpu.vector_store %arg15[%swap3A_433, %swap3A_434], %swap3A_437 {strides = array<i32>} : memref<512x16xf32, #tpu.memory_space<vmem>>, vector<1x16xf32>,
      %mul3A_438 = arith.constant 4 : i32
      %mul3A_439 = arith.muli %scan3A_168, %mul3A_438 : i32
      %add3A_440 = arith.constant 3 : i32
      %add3A_441 = arith.addi %mul3A_439, %add3A_440 : i32
      %get3A_442 = arith.index_cast %add3A_441 : i32 to index
      %get3A_443 = arith.constant 0 : index
      %get3A_444 = tpu.vector_load %arg13[%get3A_442, %get3A_443] {strides = array<i32>} : memref<64x128xf32, #tpu.memory_space<vmem>>, vector<1x16xf32>,
      %get3A_445 = vector.shape_cast %get3A_444 : vector<1x16xf32> to vector<16xf32>
      %get3A_446 = arith.index_cast %add3A_441 : i32 to index
      %get3A_447 = arith.constant 0 : index
      %get3A_448 = tpu.vector_load %arg14[%get3A_446, %get3A_447] {strides = array<i32>} : memref<64x128xf32, #tpu.memory_space<vmem>>, vector<1x16xf32>,
      %get3A_449 = vector.shape_cast %get3A_448 : vector<1x16xf32> to vector<16xf32>
      %mul3A_450 = arith.mulf %get3A_445, %get3A_449 : vector<16xf32>
      %get3A_451 = arith.index_cast %add3A_441 : i32 to index
      %get3A_452 = arith.constant 16 : index
      %get3A_453 = tpu.vector_load %arg13[%get3A_451, %get3A_452] {strides = array<i32>} : memref<64x128xf32, #tpu.memory_space<vmem>>, vector<1x16xf32>,
      %get3A_454 = vector.shape_cast %get3A_453 : vector<1x16xf32> to vector<16xf32>
      %get3A_455 = arith.index_cast %add3A_441 : i32 to index
      %get3A_456 = arith.constant 16 : index
      %get3A_457 = tpu.vector_load %arg14[%get3A_455, %get3A_456] {strides = array<i32>} : memref<64x128xf32, #tpu.memory_space<vmem>>, vector<1x16xf32>,
      %get3A_458 = vector.shape_cast %get3A_457 : vector<1x16xf32> to vector<16xf32>
      %mul3A_459 = arith.mulf %get3A_454, %get3A_458 : vector<16xf32>
      %add3A_460 = arith.addf %mul3A_450, %mul3A_459 : vector<16xf32>
      %get3A_461 = arith.index_cast %add3A_441 : i32 to index
      %get3A_462 = arith.constant 32 : index
      %get3A_463 = tpu.vector_load %arg13[%get3A_461, %get3A_462] {strides = array<i32>} : memref<64x128xf32, #tpu.memory_space<vmem>>, vector<1x16xf32>,
      %get3A_464 = vector.shape_cast %get3A_463 : vector<1x16xf32> to vector<16xf32>
      %get3A_465 = arith.index_cast %add3A_441 : i32 to index
      %get3A_466 = arith.constant 32 : index
      %get3A_467 = tpu.vector_load %arg14[%get3A_465, %get3A_466] {strides = array<i32>} : memref<64x128xf32, #tpu.memory_space<vmem>>, vector<1x16xf32>,
      %get3A_468 = vector.shape_cast %get3A_467 : vector<1x16xf32> to vector<16xf32>
      %mul3A_469 = arith.mulf %get3A_464, %get3A_468 : vector<16xf32>
      %add3A_470 = arith.addf %add3A_460, %mul3A_469 : vector<16xf32>
      %get3A_471 = arith.index_cast %add3A_441 : i32 to index
      %get3A_472 = arith.constant 48 : index
      %get3A_473 = tpu.vector_load %arg13[%get3A_471, %get3A_472] {strides = array<i32>} : memref<64x128xf32, #tpu.memory_space<vmem>>, vector<1x16xf32>,
      %get3A_474 = vector.shape_cast %get3A_473 : vector<1x16xf32> to vector<16xf32>
      %get3A_475 = arith.index_cast %add3A_441 : i32 to index
      %get3A_476 = arith.constant 48 : index
      %get3A_477 = tpu.vector_load %arg14[%get3A_475, %get3A_476] {strides = array<i32>} : memref<64x128xf32, #tpu.memory_space<vmem>>, vector<1x16xf32>,
      %get3A_478 = vector.shape_cast %get3A_477 : vector<1x16xf32> to vector<16xf32>
      %mul3A_479 = arith.mulf %get3A_474, %get3A_478 : vector<16xf32>
      %add3A_480 = arith.addf %add3A_470, %mul3A_479 : vector<16xf32>
      %get3A_481 = arith.index_cast %add3A_441 : i32 to index
      %get3A_482 = arith.constant 64 : index
      %get3A_483 = tpu.vector_load %arg13[%get3A_481, %get3A_482] {strides = array<i32>} : memref<64x128xf32, #tpu.memory_space<vmem>>, vector<1x16xf32>,
      %get3A_484 = vector.shape_cast %get3A_483 : vector<1x16xf32> to vector<16xf32>
      %get3A_485 = arith.index_cast %add3A_441 : i32 to index
      %get3A_486 = arith.constant 64 : index
      %get3A_487 = tpu.vector_load %arg14[%get3A_485, %get3A_486] {strides = array<i32>} : memref<64x128xf32, #tpu.memory_space<vmem>>, vector<1x16xf32>,
      %get3A_488 = vector.shape_cast %get3A_487 : vector<1x16xf32> to vector<16xf32>
      %mul3A_489 = arith.mulf %get3A_484, %get3A_488 : vector<16xf32>
      %add3A_490 = arith.addf %add3A_480, %mul3A_489 : vector<16xf32>
      %get3A_491 = arith.index_cast %add3A_441 : i32 to index
      %get3A_492 = arith.constant 80 : index
      %get3A_493 = tpu.vector_load %arg13[%get3A_491, %get3A_492] {strides = array<i32>} : memref<64x128xf32, #tpu.memory_space<vmem>>, vector<1x16xf32>,
      %get3A_494 = vector.shape_cast %get3A_493 : vector<1x16xf32> to vector<16xf32>
      %get3A_495 = arith.index_cast %add3A_441 : i32 to index
      %get3A_496 = arith.constant 80 : index
      %get3A_497 = tpu.vector_load %arg14[%get3A_495, %get3A_496] {strides = array<i32>} : memref<64x128xf32, #tpu.memory_space<vmem>>, vector<1x16xf32>,
      %get3A_498 = vector.shape_cast %get3A_497 : vector<1x16xf32> to vector<16xf32>
      %mul3A_499 = arith.mulf %get3A_494, %get3A_498 : vector<16xf32>
      %add3A_500 = arith.addf %add3A_490, %mul3A_499 : vector<16xf32>
      %get3A_501 = arith.index_cast %add3A_441 : i32 to index
      %get3A_502 = arith.constant 96 : index
      %get3A_503 = tpu.vector_load %arg13[%get3A_501, %get3A_502] {strides = array<i32>} : memref<64x128xf32, #tpu.memory_space<vmem>>, vector<1x16xf32>,
      %get3A_504 = vector.shape_cast %get3A_503 : vector<1x16xf32> to vector<16xf32>
      %get3A_505 = arith.index_cast %add3A_441 : i32 to index
      %get3A_506 = arith.constant 96 : index
      %get3A_507 = tpu.vector_load %arg14[%get3A_505, %get3A_506] {strides = array<i32>} : memref<64x128xf32, #tpu.memory_space<vmem>>, vector<1x16xf32>,
      %get3A_508 = vector.shape_cast %get3A_507 : vector<1x16xf32> to vector<16xf32>
      %mul3A_509 = arith.mulf %get3A_504, %get3A_508 : vector<16xf32>
      %add3A_510 = arith.addf %add3A_500, %mul3A_509 : vector<16xf32>
      %get3A_511 = arith.index_cast %add3A_441 : i32 to index
      %get3A_512 = arith.constant 112 : index
      %get3A_513 = tpu.vector_load %arg13[%get3A_511, %get3A_512] {strides = array<i32>} : memref<64x128xf32, #tpu.memory_space<vmem>>, vector<1x16xf32>,
      %get3A_514 = vector.shape_cast %get3A_513 : vector<1x16xf32> to vector<16xf32>
      %get3A_515 = arith.index_cast %add3A_441 : i32 to index
      %get3A_516 = arith.constant 112 : index
      %get3A_517 = tpu.vector_load %arg14[%get3A_515, %get3A_516] {strides = array<i32>} : memref<64x128xf32, #tpu.memory_space<vmem>>, vector<1x16xf32>,
      %get3A_518 = vector.shape_cast %get3A_517 : vector<1x16xf32> to vector<16xf32>
      %mul3A_519 = arith.mulf %get3A_514, %get3A_518 : vector<16xf32>
      %add3A_520 = arith.addf %add3A_510, %mul3A_519 : vector<16xf32>
      %add3A_521 = arith.constant 64 : i32
      %add3A_522 = arith.addi %add3A_521, %add3A_441 : i32
      %swap3A_523 = arith.index_cast %add3A_522 : i32 to index
      %swap3A_524 = arith.constant 0 : index
      %swap3A_525 = tpu.vector_load %arg15[%swap3A_523, %swap3A_524] {strides = array<i32>} : memref<512x16xf32, #tpu.memory_space<vmem>>, vector<1x16xf32>,
      %swap3A_526 = vector.shape_cast %swap3A_525 : vector<1x16xf32> to vector<16xf32>
      %swap3A_527 = vector.shape_cast %add3A_520 : vector<16xf32> to vector<1x16xf32>
      tpu.vector_store %arg15[%swap3A_523, %swap3A_524], %swap3A_527 {strides = array<i32>} : memref<512x16xf32, #tpu.memory_space<vmem>>, vector<1x16xf32>,
      %scan3A_528 = arith.constant 0 : i32
      scf.yield %scan3A_528 : i32
    }
    %scan3A_49 = arith.constant 16 : i32
    %add3A_50 = arith.constant 192 : i32
    %add3A_51 = arith.addi %mul3A_2, %add3A_50 : i32
    "tpu.region"() ({
      %run_scoped3A = tpu.sem_alloc : memref<!tpu.dma_semaphore, #tpu.memory_space<semaphore_mem>>
      %dma_start3A_168 = tpu.memref_slice %arg2[%add3A_51] : memref<16384xi32, #tpu.memory_space<hbm>> -> memref<64xi32, #tpu.memory_space<hbm>>
      %dma_start3A_169 = tpu.memref_slice %arg2[%add3A_51] : memref<16384xi32, #tpu.memory_space<hbm>> -> memref<64xi32, #tpu.memory_space<hbm>>
      tpu.enqueue_dma source(%dma_start3A_169 : memref<64xi32, #tpu.memory_space<hbm>>) target(%arg9 : memref<64xi32, #tpu.memory_space<vmem>>) target_semaphore(%run_scoped3A : memref<!tpu.dma_semaphore, #tpu.memory_space<semaphore_mem>>)
      %dma_wait3A_170 = tpu.memref_slice %arg2[%add3A_51] : memref<16384xi32, #tpu.memory_space<hbm>> -> memref<64xi32, #tpu.memory_space<hbm>>
      %dma_wait3A_171 = tpu.memref_slice %arg2[%add3A_51] : memref<16384xi32, #tpu.memory_space<hbm>> -> memref<64xi32, #tpu.memory_space<hbm>>
      tpu.wait_dma2 semaphore(%run_scoped3A : memref<!tpu.dma_semaphore, #tpu.memory_space<semaphore_mem>>) src(%dma_wait3A_171 : memref<64xi32, #tpu.memory_space<hbm>>) dst(%arg9 : memref<64xi32, #tpu.memory_space<vmem>>)
      tpu.yield
    }) : () -> ()
    "tpu.region"() ({
      %run_scoped3A = tpu.sem_alloc : memref<!tpu.dma_semaphore, #tpu.memory_space<semaphore_mem>>
      %dma_start3A_168 = tpu.memref_slice %arg3[%add3A_51] : memref<16384xi32, #tpu.memory_space<hbm>> -> memref<64xi32, #tpu.memory_space<hbm>>
      %dma_start3A_169 = tpu.memref_slice %arg3[%add3A_51] : memref<16384xi32, #tpu.memory_space<hbm>> -> memref<64xi32, #tpu.memory_space<hbm>>
      tpu.enqueue_dma source(%dma_start3A_169 : memref<64xi32, #tpu.memory_space<hbm>>) target(%arg10 : memref<64xi32, #tpu.memory_space<vmem>>) target_semaphore(%run_scoped3A : memref<!tpu.dma_semaphore, #tpu.memory_space<semaphore_mem>>)
      %dma_wait3A_170 = tpu.memref_slice %arg3[%add3A_51] : memref<16384xi32, #tpu.memory_space<hbm>> -> memref<64xi32, #tpu.memory_space<hbm>>
      %dma_wait3A_171 = tpu.memref_slice %arg3[%add3A_51] : memref<16384xi32, #tpu.memory_space<hbm>> -> memref<64xi32, #tpu.memory_space<hbm>>
      tpu.wait_dma2 semaphore(%run_scoped3A : memref<!tpu.dma_semaphore, #tpu.memory_space<semaphore_mem>>) src(%dma_wait3A_171 : memref<64xi32, #tpu.memory_space<hbm>>) dst(%arg10 : memref<64xi32, #tpu.memory_space<vmem>>)
      tpu.yield
    }) : () -> ()
    %dma_start3A_52 = arith.constant 0 : i32
    %dma_start3A_53 = arith.constant 0 : i32
    %dma_start3A_54 = tpu.memref_slice %arg4[%dma_start3A_52, %dma_start3A_53] : memref<100000x128xf32, #tpu.memory_space<hbm>> -> memref<100000x128xf32, #tpu.memory_space<hbm>>
    tpu.enqueue_indirect_dma source(%dma_start3A_54 : memref<100000x128xf32, #tpu.memory_space<hbm>>) target(%arg13 : memref<64x128xf32, #tpu.memory_space<vmem>>) offsets(%arg9 : memref<64xi32, #tpu.memory_space<vmem>>) semaphore(%arg17 : memref<!tpu.dma_semaphore, #tpu.memory_space<semaphore_mem>>)
    %dma_start3A_55 = arith.constant 0 : i32
    %dma_start3A_56 = arith.constant 0 : i32
    %dma_start3A_57 = tpu.memref_slice %arg5[%dma_start3A_55, %dma_start3A_56] : memref<100000x128xf32, #tpu.memory_space<hbm>> -> memref<100000x128xf32, #tpu.memory_space<hbm>>
    tpu.enqueue_indirect_dma source(%dma_start3A_57 : memref<100000x128xf32, #tpu.memory_space<hbm>>) target(%arg14 : memref<64x128xf32, #tpu.memory_space<vmem>>) offsets(%arg10 : memref<64xi32, #tpu.memory_space<vmem>>) semaphore(%arg17 : memref<!tpu.dma_semaphore, #tpu.memory_space<semaphore_mem>>)
    %dma_wait3A_58 = arith.constant 0 : i32
    %dma_wait3A_59 = arith.constant 0 : i32
    %dma_wait3A_60 = tpu.memref_slice %arg4[%dma_wait3A_58, %dma_wait3A_59] : memref<100000x128xf32, #tpu.memory_space<hbm>> -> memref<100000x128xf32, #tpu.memory_space<hbm>>
    tpu.wait_indirect_dma semaphore(%arg16 : memref<!tpu.dma_semaphore, #tpu.memory_space<semaphore_mem>>) src(%dma_wait3A_60 : memref<100000x128xf32, #tpu.memory_space<hbm>>) dst(%arg11 : memref<64x128xf32, #tpu.memory_space<vmem>>)
    %dma_wait3A_61 = arith.constant 0 : i32
    %dma_wait3A_62 = arith.constant 0 : i32
    %dma_wait3A_63 = tpu.memref_slice %arg5[%dma_wait3A_61, %dma_wait3A_62] : memref<100000x128xf32, #tpu.memory_space<hbm>> -> memref<100000x128xf32, #tpu.memory_space<hbm>>
    tpu.wait_indirect_dma semaphore(%arg16 : memref<!tpu.dma_semaphore, #tpu.memory_space<semaphore_mem>>) src(%dma_wait3A_63 : memref<100000x128xf32, #tpu.memory_space<hbm>>) dst(%arg12 : memref<64x128xf32, #tpu.memory_space<vmem>>)
    %scan3A_64 = arith.constant 0 : i32
    %scan3A_65 = arith.constant 0 : i32
    %scan3A_66 = arith.constant 16 : i32
    %scan3A_67 = arith.addi %scan3A_65, %scan3A_66 : i32
    %scan3A_68 = arith.constant 1 : i32
    %scan3A_69 = scf.for %scan3A_168 = %scan3A_65 to %scan3A_67 step %scan3A_68 iter_args(%scan3A_169 = %scan3A_64) -> (i32)  : i32 {
      %mul3A_170 = arith.constant 4 : i32
      %mul3A_171 = arith.muli %scan3A_168, %mul3A_170 : i32
      %add3A_172 = arith.constant 0 : i32
      %add3A_173 = arith.addi %mul3A_171, %add3A_172 : i32
      %get3A = arith.index_cast %add3A_173 : i32 to index
      %get3A_174 = arith.constant 0 : index
      %get3A_175 = tpu.vector_load %arg11[%get3A, %get3A_174] {strides = array<i32>} : memref<64x128xf32, #tpu.memory_space<vmem>>, vector<1x16xf32>,
      %get3A_176 = vector.shape_cast %get3A_175 : vector<1x16xf32> to vector<16xf32>
      %get3A_177 = arith.index_cast %add3A_173 : i32 to index
      %get3A_178 = arith.constant 0 : index
      %get3A_179 = tpu.vector_load %arg12[%get3A_177, %get3A_178] {strides = array<i32>} : memref<64x128xf32, #tpu.memory_space<vmem>>, vector<1x16xf32>,
      %get3A_180 = vector.shape_cast %get3A_179 : vector<1x16xf32> to vector<16xf32>
      %mul3A_181 = arith.mulf %get3A_176, %get3A_180 : vector<16xf32>
      %get3A_182 = arith.index_cast %add3A_173 : i32 to index
      %get3A_183 = arith.constant 16 : index
      %get3A_184 = tpu.vector_load %arg11[%get3A_182, %get3A_183] {strides = array<i32>} : memref<64x128xf32, #tpu.memory_space<vmem>>, vector<1x16xf32>,
      %get3A_185 = vector.shape_cast %get3A_184 : vector<1x16xf32> to vector<16xf32>
      %get3A_186 = arith.index_cast %add3A_173 : i32 to index
      %get3A_187 = arith.constant 16 : index
      %get3A_188 = tpu.vector_load %arg12[%get3A_186, %get3A_187] {strides = array<i32>} : memref<64x128xf32, #tpu.memory_space<vmem>>, vector<1x16xf32>,
      %get3A_189 = vector.shape_cast %get3A_188 : vector<1x16xf32> to vector<16xf32>
      %mul3A_190 = arith.mulf %get3A_185, %get3A_189 : vector<16xf32>
      %add3A_191 = arith.addf %mul3A_181, %mul3A_190 : vector<16xf32>
      %get3A_192 = arith.index_cast %add3A_173 : i32 to index
      %get3A_193 = arith.constant 32 : index
      %get3A_194 = tpu.vector_load %arg11[%get3A_192, %get3A_193] {strides = array<i32>} : memref<64x128xf32, #tpu.memory_space<vmem>>, vector<1x16xf32>,
      %get3A_195 = vector.shape_cast %get3A_194 : vector<1x16xf32> to vector<16xf32>
      %get3A_196 = arith.index_cast %add3A_173 : i32 to index
      %get3A_197 = arith.constant 32 : index
      %get3A_198 = tpu.vector_load %arg12[%get3A_196, %get3A_197] {strides = array<i32>} : memref<64x128xf32, #tpu.memory_space<vmem>>, vector<1x16xf32>,
      %get3A_199 = vector.shape_cast %get3A_198 : vector<1x16xf32> to vector<16xf32>
      %mul3A_200 = arith.mulf %get3A_195, %get3A_199 : vector<16xf32>
      %add3A_201 = arith.addf %add3A_191, %mul3A_200 : vector<16xf32>
      %get3A_202 = arith.index_cast %add3A_173 : i32 to index
      %get3A_203 = arith.constant 48 : index
      %get3A_204 = tpu.vector_load %arg11[%get3A_202, %get3A_203] {strides = array<i32>} : memref<64x128xf32, #tpu.memory_space<vmem>>, vector<1x16xf32>,
      %get3A_205 = vector.shape_cast %get3A_204 : vector<1x16xf32> to vector<16xf32>
      %get3A_206 = arith.index_cast %add3A_173 : i32 to index
      %get3A_207 = arith.constant 48 : index
      %get3A_208 = tpu.vector_load %arg12[%get3A_206, %get3A_207] {strides = array<i32>} : memref<64x128xf32, #tpu.memory_space<vmem>>, vector<1x16xf32>,
      %get3A_209 = vector.shape_cast %get3A_208 : vector<1x16xf32> to vector<16xf32>
      %mul3A_210 = arith.mulf %get3A_205, %get3A_209 : vector<16xf32>
      %add3A_211 = arith.addf %add3A_201, %mul3A_210 : vector<16xf32>
      %get3A_212 = arith.index_cast %add3A_173 : i32 to index
      %get3A_213 = arith.constant 64 : index
      %get3A_214 = tpu.vector_load %arg11[%get3A_212, %get3A_213] {strides = array<i32>} : memref<64x128xf32, #tpu.memory_space<vmem>>, vector<1x16xf32>,
      %get3A_215 = vector.shape_cast %get3A_214 : vector<1x16xf32> to vector<16xf32>
      %get3A_216 = arith.index_cast %add3A_173 : i32 to index
      %get3A_217 = arith.constant 64 : index
      %get3A_218 = tpu.vector_load %arg12[%get3A_216, %get3A_217] {strides = array<i32>} : memref<64x128xf32, #tpu.memory_space<vmem>>, vector<1x16xf32>,
      %get3A_219 = vector.shape_cast %get3A_218 : vector<1x16xf32> to vector<16xf32>
      %mul3A_220 = arith.mulf %get3A_215, %get3A_219 : vector<16xf32>
      %add3A_221 = arith.addf %add3A_211, %mul3A_220 : vector<16xf32>
      %get3A_222 = arith.index_cast %add3A_173 : i32 to index
      %get3A_223 = arith.constant 80 : index
      %get3A_224 = tpu.vector_load %arg11[%get3A_222, %get3A_223] {strides = array<i32>} : memref<64x128xf32, #tpu.memory_space<vmem>>, vector<1x16xf32>,
      %get3A_225 = vector.shape_cast %get3A_224 : vector<1x16xf32> to vector<16xf32>
      %get3A_226 = arith.index_cast %add3A_173 : i32 to index
      %get3A_227 = arith.constant 80 : index
      %get3A_228 = tpu.vector_load %arg12[%get3A_226, %get3A_227] {strides = array<i32>} : memref<64x128xf32, #tpu.memory_space<vmem>>, vector<1x16xf32>,
      %get3A_229 = vector.shape_cast %get3A_228 : vector<1x16xf32> to vector<16xf32>
      %mul3A_230 = arith.mulf %get3A_225, %get3A_229 : vector<16xf32>
      %add3A_231 = arith.addf %add3A_221, %mul3A_230 : vector<16xf32>
      %get3A_232 = arith.index_cast %add3A_173 : i32 to index
      %get3A_233 = arith.constant 96 : index
      %get3A_234 = tpu.vector_load %arg11[%get3A_232, %get3A_233] {strides = array<i32>} : memref<64x128xf32, #tpu.memory_space<vmem>>, vector<1x16xf32>,
      %get3A_235 = vector.shape_cast %get3A_234 : vector<1x16xf32> to vector<16xf32>
      %get3A_236 = arith.index_cast %add3A_173 : i32 to index
      %get3A_237 = arith.constant 96 : index
      %get3A_238 = tpu.vector_load %arg12[%get3A_236, %get3A_237] {strides = array<i32>} : memref<64x128xf32, #tpu.memory_space<vmem>>, vector<1x16xf32>,
      %get3A_239 = vector.shape_cast %get3A_238 : vector<1x16xf32> to vector<16xf32>
      %mul3A_240 = arith.mulf %get3A_235, %get3A_239 : vector<16xf32>
      %add3A_241 = arith.addf %add3A_231, %mul3A_240 : vector<16xf32>
      %get3A_242 = arith.index_cast %add3A_173 : i32 to index
      %get3A_243 = arith.constant 112 : index
      %get3A_244 = tpu.vector_load %arg11[%get3A_242, %get3A_243] {strides = array<i32>} : memref<64x128xf32, #tpu.memory_space<vmem>>, vector<1x16xf32>,
      %get3A_245 = vector.shape_cast %get3A_244 : vector<1x16xf32> to vector<16xf32>
      %get3A_246 = arith.index_cast %add3A_173 : i32 to index
      %get3A_247 = arith.constant 112 : index
      %get3A_248 = tpu.vector_load %arg12[%get3A_246, %get3A_247] {strides = array<i32>} : memref<64x128xf32, #tpu.memory_space<vmem>>, vector<1x16xf32>,
      %get3A_249 = vector.shape_cast %get3A_248 : vector<1x16xf32> to vector<16xf32>
      %mul3A_250 = arith.mulf %get3A_245, %get3A_249 : vector<16xf32>
      %add3A_251 = arith.addf %add3A_241, %mul3A_250 : vector<16xf32>
      %add3A_252 = arith.constant 128 : i32
      %add3A_253 = arith.addi %add3A_252, %add3A_173 : i32
      %swap3A = arith.index_cast %add3A_253 : i32 to index
      %swap3A_254 = arith.constant 0 : index
      %swap3A_255 = tpu.vector_load %arg15[%swap3A, %swap3A_254] {strides = array<i32>} : memref<512x16xf32, #tpu.memory_space<vmem>>, vector<1x16xf32>,
      %swap3A_256 = vector.shape_cast %swap3A_255 : vector<1x16xf32> to vector<16xf32>
      %swap3A_257 = vector.shape_cast %add3A_251 : vector<16xf32> to vector<1x16xf32>
      tpu.vector_store %arg15[%swap3A, %swap3A_254], %swap3A_257 {strides = array<i32>} : memref<512x16xf32, #tpu.memory_space<vmem>>, vector<1x16xf32>,
      %mul3A_258 = arith.constant 4 : i32
      %mul3A_259 = arith.muli %scan3A_168, %mul3A_258 : i32
      %add3A_260 = arith.constant 1 : i32
      %add3A_261 = arith.addi %mul3A_259, %add3A_260 : i32
      %get3A_262 = arith.index_cast %add3A_261 : i32 to index
      %get3A_263 = arith.constant 0 : index
      %get3A_264 = tpu.vector_load %arg11[%get3A_262, %get3A_263] {strides = array<i32>} : memref<64x128xf32, #tpu.memory_space<vmem>>, vector<1x16xf32>,
      %get3A_265 = vector.shape_cast %get3A_264 : vector<1x16xf32> to vector<16xf32>
      %get3A_266 = arith.index_cast %add3A_261 : i32 to index
      %get3A_267 = arith.constant 0 : index
      %get3A_268 = tpu.vector_load %arg12[%get3A_266, %get3A_267] {strides = array<i32>} : memref<64x128xf32, #tpu.memory_space<vmem>>, vector<1x16xf32>,
      %get3A_269 = vector.shape_cast %get3A_268 : vector<1x16xf32> to vector<16xf32>
      %mul3A_270 = arith.mulf %get3A_265, %get3A_269 : vector<16xf32>
      %get3A_271 = arith.index_cast %add3A_261 : i32 to index
      %get3A_272 = arith.constant 16 : index
      %get3A_273 = tpu.vector_load %arg11[%get3A_271, %get3A_272] {strides = array<i32>} : memref<64x128xf32, #tpu.memory_space<vmem>>, vector<1x16xf32>,
      %get3A_274 = vector.shape_cast %get3A_273 : vector<1x16xf32> to vector<16xf32>
      %get3A_275 = arith.index_cast %add3A_261 : i32 to index
      %get3A_276 = arith.constant 16 : index
      %get3A_277 = tpu.vector_load %arg12[%get3A_275, %get3A_276] {strides = array<i32>} : memref<64x128xf32, #tpu.memory_space<vmem>>, vector<1x16xf32>,
      %get3A_278 = vector.shape_cast %get3A_277 : vector<1x16xf32> to vector<16xf32>
      %mul3A_279 = arith.mulf %get3A_274, %get3A_278 : vector<16xf32>
      %add3A_280 = arith.addf %mul3A_270, %mul3A_279 : vector<16xf32>
      %get3A_281 = arith.index_cast %add3A_261 : i32 to index
      %get3A_282 = arith.constant 32 : index
      %get3A_283 = tpu.vector_load %arg11[%get3A_281, %get3A_282] {strides = array<i32>} : memref<64x128xf32, #tpu.memory_space<vmem>>, vector<1x16xf32>,
      %get3A_284 = vector.shape_cast %get3A_283 : vector<1x16xf32> to vector<16xf32>
      %get3A_285 = arith.index_cast %add3A_261 : i32 to index
      %get3A_286 = arith.constant 32 : index
      %get3A_287 = tpu.vector_load %arg12[%get3A_285, %get3A_286] {strides = array<i32>} : memref<64x128xf32, #tpu.memory_space<vmem>>, vector<1x16xf32>,
      %get3A_288 = vector.shape_cast %get3A_287 : vector<1x16xf32> to vector<16xf32>
      %mul3A_289 = arith.mulf %get3A_284, %get3A_288 : vector<16xf32>
      %add3A_290 = arith.addf %add3A_280, %mul3A_289 : vector<16xf32>
      %get3A_291 = arith.index_cast %add3A_261 : i32 to index
      %get3A_292 = arith.constant 48 : index
      %get3A_293 = tpu.vector_load %arg11[%get3A_291, %get3A_292] {strides = array<i32>} : memref<64x128xf32, #tpu.memory_space<vmem>>, vector<1x16xf32>,
      %get3A_294 = vector.shape_cast %get3A_293 : vector<1x16xf32> to vector<16xf32>
      %get3A_295 = arith.index_cast %add3A_261 : i32 to index
      %get3A_296 = arith.constant 48 : index
      %get3A_297 = tpu.vector_load %arg12[%get3A_295, %get3A_296] {strides = array<i32>} : memref<64x128xf32, #tpu.memory_space<vmem>>, vector<1x16xf32>,
      %get3A_298 = vector.shape_cast %get3A_297 : vector<1x16xf32> to vector<16xf32>
      %mul3A_299 = arith.mulf %get3A_294, %get3A_298 : vector<16xf32>
      %add3A_300 = arith.addf %add3A_290, %mul3A_299 : vector<16xf32>
      %get3A_301 = arith.index_cast %add3A_261 : i32 to index
      %get3A_302 = arith.constant 64 : index
      %get3A_303 = tpu.vector_load %arg11[%get3A_301, %get3A_302] {strides = array<i32>} : memref<64x128xf32, #tpu.memory_space<vmem>>, vector<1x16xf32>,
      %get3A_304 = vector.shape_cast %get3A_303 : vector<1x16xf32> to vector<16xf32>
      %get3A_305 = arith.index_cast %add3A_261 : i32 to index
      %get3A_306 = arith.constant 64 : index
      %get3A_307 = tpu.vector_load %arg12[%get3A_305, %get3A_306] {strides = array<i32>} : memref<64x128xf32, #tpu.memory_space<vmem>>, vector<1x16xf32>,
      %get3A_308 = vector.shape_cast %get3A_307 : vector<1x16xf32> to vector<16xf32>
      %mul3A_309 = arith.mulf %get3A_304, %get3A_308 : vector<16xf32>
      %add3A_310 = arith.addf %add3A_300, %mul3A_309 : vector<16xf32>
      %get3A_311 = arith.index_cast %add3A_261 : i32 to index
      %get3A_312 = arith.constant 80 : index
      %get3A_313 = tpu.vector_load %arg11[%get3A_311, %get3A_312] {strides = array<i32>} : memref<64x128xf32, #tpu.memory_space<vmem>>, vector<1x16xf32>,
      %get3A_314 = vector.shape_cast %get3A_313 : vector<1x16xf32> to vector<16xf32>
      %get3A_315 = arith.index_cast %add3A_261 : i32 to index
      %get3A_316 = arith.constant 80 : index
      %get3A_317 = tpu.vector_load %arg12[%get3A_315, %get3A_316] {strides = array<i32>} : memref<64x128xf32, #tpu.memory_space<vmem>>, vector<1x16xf32>,
      %get3A_318 = vector.shape_cast %get3A_317 : vector<1x16xf32> to vector<16xf32>
      %mul3A_319 = arith.mulf %get3A_314, %get3A_318 : vector<16xf32>
      %add3A_320 = arith.addf %add3A_310, %mul3A_319 : vector<16xf32>
      %get3A_321 = arith.index_cast %add3A_261 : i32 to index
      %get3A_322 = arith.constant 96 : index
      %get3A_323 = tpu.vector_load %arg11[%get3A_321, %get3A_322] {strides = array<i32>} : memref<64x128xf32, #tpu.memory_space<vmem>>, vector<1x16xf32>,
      %get3A_324 = vector.shape_cast %get3A_323 : vector<1x16xf32> to vector<16xf32>
      %get3A_325 = arith.index_cast %add3A_261 : i32 to index
      %get3A_326 = arith.constant 96 : index
      %get3A_327 = tpu.vector_load %arg12[%get3A_325, %get3A_326] {strides = array<i32>} : memref<64x128xf32, #tpu.memory_space<vmem>>, vector<1x16xf32>,
      %get3A_328 = vector.shape_cast %get3A_327 : vector<1x16xf32> to vector<16xf32>
      %mul3A_329 = arith.mulf %get3A_324, %get3A_328 : vector<16xf32>
      %add3A_330 = arith.addf %add3A_320, %mul3A_329 : vector<16xf32>
      %get3A_331 = arith.index_cast %add3A_261 : i32 to index
      %get3A_332 = arith.constant 112 : index
      %get3A_333 = tpu.vector_load %arg11[%get3A_331, %get3A_332] {strides = array<i32>} : memref<64x128xf32, #tpu.memory_space<vmem>>, vector<1x16xf32>,
      %get3A_334 = vector.shape_cast %get3A_333 : vector<1x16xf32> to vector<16xf32>
      %get3A_335 = arith.index_cast %add3A_261 : i32 to index
      %get3A_336 = arith.constant 112 : index
      %get3A_337 = tpu.vector_load %arg12[%get3A_335, %get3A_336] {strides = array<i32>} : memref<64x128xf32, #tpu.memory_space<vmem>>, vector<1x16xf32>,
      %get3A_338 = vector.shape_cast %get3A_337 : vector<1x16xf32> to vector<16xf32>
      %mul3A_339 = arith.mulf %get3A_334, %get3A_338 : vector<16xf32>
      %add3A_340 = arith.addf %add3A_330, %mul3A_339 : vector<16xf32>
      %add3A_341 = arith.constant 128 : i32
      %add3A_342 = arith.addi %add3A_341, %add3A_261 : i32
      %swap3A_343 = arith.index_cast %add3A_342 : i32 to index
      %swap3A_344 = arith.constant 0 : index
      %swap3A_345 = tpu.vector_load %arg15[%swap3A_343, %swap3A_344] {strides = array<i32>} : memref<512x16xf32, #tpu.memory_space<vmem>>, vector<1x16xf32>,
      %swap3A_346 = vector.shape_cast %swap3A_345 : vector<1x16xf32> to vector<16xf32>
      %swap3A_347 = vector.shape_cast %add3A_340 : vector<16xf32> to vector<1x16xf32>
      tpu.vector_store %arg15[%swap3A_343, %swap3A_344], %swap3A_347 {strides = array<i32>} : memref<512x16xf32, #tpu.memory_space<vmem>>, vector<1x16xf32>,
      %mul3A_348 = arith.constant 4 : i32
      %mul3A_349 = arith.muli %scan3A_168, %mul3A_348 : i32
      %add3A_350 = arith.constant 2 : i32
      %add3A_351 = arith.addi %mul3A_349, %add3A_350 : i32
      %get3A_352 = arith.index_cast %add3A_351 : i32 to index
      %get3A_353 = arith.constant 0 : index
      %get3A_354 = tpu.vector_load %arg11[%get3A_352, %get3A_353] {strides = array<i32>} : memref<64x128xf32, #tpu.memory_space<vmem>>, vector<1x16xf32>,
      %get3A_355 = vector.shape_cast %get3A_354 : vector<1x16xf32> to vector<16xf32>
      %get3A_356 = arith.index_cast %add3A_351 : i32 to index
      %get3A_357 = arith.constant 0 : index
      %get3A_358 = tpu.vector_load %arg12[%get3A_356, %get3A_357] {strides = array<i32>} : memref<64x128xf32, #tpu.memory_space<vmem>>, vector<1x16xf32>,
      %get3A_359 = vector.shape_cast %get3A_358 : vector<1x16xf32> to vector<16xf32>
      %mul3A_360 = arith.mulf %get3A_355, %get3A_359 : vector<16xf32>
      %get3A_361 = arith.index_cast %add3A_351 : i32 to index
      %get3A_362 = arith.constant 16 : index
      %get3A_363 = tpu.vector_load %arg11[%get3A_361, %get3A_362] {strides = array<i32>} : memref<64x128xf32, #tpu.memory_space<vmem>>, vector<1x16xf32>,
      %get3A_364 = vector.shape_cast %get3A_363 : vector<1x16xf32> to vector<16xf32>
      %get3A_365 = arith.index_cast %add3A_351 : i32 to index
      %get3A_366 = arith.constant 16 : index
      %get3A_367 = tpu.vector_load %arg12[%get3A_365, %get3A_366] {strides = array<i32>} : memref<64x128xf32, #tpu.memory_space<vmem>>, vector<1x16xf32>,
      %get3A_368 = vector.shape_cast %get3A_367 : vector<1x16xf32> to vector<16xf32>
      %mul3A_369 = arith.mulf %get3A_364, %get3A_368 : vector<16xf32>
      %add3A_370 = arith.addf %mul3A_360, %mul3A_369 : vector<16xf32>
      %get3A_371 = arith.index_cast %add3A_351 : i32 to index
      %get3A_372 = arith.constant 32 : index
      %get3A_373 = tpu.vector_load %arg11[%get3A_371, %get3A_372] {strides = array<i32>} : memref<64x128xf32, #tpu.memory_space<vmem>>, vector<1x16xf32>,
      %get3A_374 = vector.shape_cast %get3A_373 : vector<1x16xf32> to vector<16xf32>
      %get3A_375 = arith.index_cast %add3A_351 : i32 to index
      %get3A_376 = arith.constant 32 : index
      %get3A_377 = tpu.vector_load %arg12[%get3A_375, %get3A_376] {strides = array<i32>} : memref<64x128xf32, #tpu.memory_space<vmem>>, vector<1x16xf32>,
      %get3A_378 = vector.shape_cast %get3A_377 : vector<1x16xf32> to vector<16xf32>
      %mul3A_379 = arith.mulf %get3A_374, %get3A_378 : vector<16xf32>
      %add3A_380 = arith.addf %add3A_370, %mul3A_379 : vector<16xf32>
      %get3A_381 = arith.index_cast %add3A_351 : i32 to index
      %get3A_382 = arith.constant 48 : index
      %get3A_383 = tpu.vector_load %arg11[%get3A_381, %get3A_382] {strides = array<i32>} : memref<64x128xf32, #tpu.memory_space<vmem>>, vector<1x16xf32>,
      %get3A_384 = vector.shape_cast %get3A_383 : vector<1x16xf32> to vector<16xf32>
      %get3A_385 = arith.index_cast %add3A_351 : i32 to index
      %get3A_386 = arith.constant 48 : index
      %get3A_387 = tpu.vector_load %arg12[%get3A_385, %get3A_386] {strides = array<i32>} : memref<64x128xf32, #tpu.memory_space<vmem>>, vector<1x16xf32>,
      %get3A_388 = vector.shape_cast %get3A_387 : vector<1x16xf32> to vector<16xf32>
      %mul3A_389 = arith.mulf %get3A_384, %get3A_388 : vector<16xf32>
      %add3A_390 = arith.addf %add3A_380, %mul3A_389 : vector<16xf32>
      %get3A_391 = arith.index_cast %add3A_351 : i32 to index
      %get3A_392 = arith.constant 64 : index
      %get3A_393 = tpu.vector_load %arg11[%get3A_391, %get3A_392] {strides = array<i32>} : memref<64x128xf32, #tpu.memory_space<vmem>>, vector<1x16xf32>,
      %get3A_394 = vector.shape_cast %get3A_393 : vector<1x16xf32> to vector<16xf32>
      %get3A_395 = arith.index_cast %add3A_351 : i32 to index
      %get3A_396 = arith.constant 64 : index
      %get3A_397 = tpu.vector_load %arg12[%get3A_395, %get3A_396] {strides = array<i32>} : memref<64x128xf32, #tpu.memory_space<vmem>>, vector<1x16xf32>,
      %get3A_398 = vector.shape_cast %get3A_397 : vector<1x16xf32> to vector<16xf32>
      %mul3A_399 = arith.mulf %get3A_394, %get3A_398 : vector<16xf32>
      %add3A_400 = arith.addf %add3A_390, %mul3A_399 : vector<16xf32>
      %get3A_401 = arith.index_cast %add3A_351 : i32 to index
      %get3A_402 = arith.constant 80 : index
      %get3A_403 = tpu.vector_load %arg11[%get3A_401, %get3A_402] {strides = array<i32>} : memref<64x128xf32, #tpu.memory_space<vmem>>, vector<1x16xf32>,
      %get3A_404 = vector.shape_cast %get3A_403 : vector<1x16xf32> to vector<16xf32>
      %get3A_405 = arith.index_cast %add3A_351 : i32 to index
      %get3A_406 = arith.constant 80 : index
      %get3A_407 = tpu.vector_load %arg12[%get3A_405, %get3A_406] {strides = array<i32>} : memref<64x128xf32, #tpu.memory_space<vmem>>, vector<1x16xf32>,
      %get3A_408 = vector.shape_cast %get3A_407 : vector<1x16xf32> to vector<16xf32>
      %mul3A_409 = arith.mulf %get3A_404, %get3A_408 : vector<16xf32>
      %add3A_410 = arith.addf %add3A_400, %mul3A_409 : vector<16xf32>
      %get3A_411 = arith.index_cast %add3A_351 : i32 to index
      %get3A_412 = arith.constant 96 : index
      %get3A_413 = tpu.vector_load %arg11[%get3A_411, %get3A_412] {strides = array<i32>} : memref<64x128xf32, #tpu.memory_space<vmem>>, vector<1x16xf32>,
      %get3A_414 = vector.shape_cast %get3A_413 : vector<1x16xf32> to vector<16xf32>
      %get3A_415 = arith.index_cast %add3A_351 : i32 to index
      %get3A_416 = arith.constant 96 : index
      %get3A_417 = tpu.vector_load %arg12[%get3A_415, %get3A_416] {strides = array<i32>} : memref<64x128xf32, #tpu.memory_space<vmem>>, vector<1x16xf32>,
      %get3A_418 = vector.shape_cast %get3A_417 : vector<1x16xf32> to vector<16xf32>
      %mul3A_419 = arith.mulf %get3A_414, %get3A_418 : vector<16xf32>
      %add3A_420 = arith.addf %add3A_410, %mul3A_419 : vector<16xf32>
      %get3A_421 = arith.index_cast %add3A_351 : i32 to index
      %get3A_422 = arith.constant 112 : index
      %get3A_423 = tpu.vector_load %arg11[%get3A_421, %get3A_422] {strides = array<i32>} : memref<64x128xf32, #tpu.memory_space<vmem>>, vector<1x16xf32>,
      %get3A_424 = vector.shape_cast %get3A_423 : vector<1x16xf32> to vector<16xf32>
      %get3A_425 = arith.index_cast %add3A_351 : i32 to index
      %get3A_426 = arith.constant 112 : index
      %get3A_427 = tpu.vector_load %arg12[%get3A_425, %get3A_426] {strides = array<i32>} : memref<64x128xf32, #tpu.memory_space<vmem>>, vector<1x16xf32>,
      %get3A_428 = vector.shape_cast %get3A_427 : vector<1x16xf32> to vector<16xf32>
      %mul3A_429 = arith.mulf %get3A_424, %get3A_428 : vector<16xf32>
      %add3A_430 = arith.addf %add3A_420, %mul3A_429 : vector<16xf32>
      %add3A_431 = arith.constant 128 : i32
      %add3A_432 = arith.addi %add3A_431, %add3A_351 : i32
      %swap3A_433 = arith.index_cast %add3A_432 : i32 to index
      %swap3A_434 = arith.constant 0 : index
      %swap3A_435 = tpu.vector_load %arg15[%swap3A_433, %swap3A_434] {strides = array<i32>} : memref<512x16xf32, #tpu.memory_space<vmem>>, vector<1x16xf32>,
      %swap3A_436 = vector.shape_cast %swap3A_435 : vector<1x16xf32> to vector<16xf32>
      %swap3A_437 = vector.shape_cast %add3A_430 : vector<16xf32> to vector<1x16xf32>
      tpu.vector_store %arg15[%swap3A_433, %swap3A_434], %swap3A_437 {strides = array<i32>} : memref<512x16xf32, #tpu.memory_space<vmem>>, vector<1x16xf32>,
      %mul3A_438 = arith.constant 4 : i32
      %mul3A_439 = arith.muli %scan3A_168, %mul3A_438 : i32
      %add3A_440 = arith.constant 3 : i32
      %add3A_441 = arith.addi %mul3A_439, %add3A_440 : i32
      %get3A_442 = arith.index_cast %add3A_441 : i32 to index
      %get3A_443 = arith.constant 0 : index
      %get3A_444 = tpu.vector_load %arg11[%get3A_442, %get3A_443] {strides = array<i32>} : memref<64x128xf32, #tpu.memory_space<vmem>>, vector<1x16xf32>,
      %get3A_445 = vector.shape_cast %get3A_444 : vector<1x16xf32> to vector<16xf32>
      %get3A_446 = arith.index_cast %add3A_441 : i32 to index
      %get3A_447 = arith.constant 0 : index
      %get3A_448 = tpu.vector_load %arg12[%get3A_446, %get3A_447] {strides = array<i32>} : memref<64x128xf32, #tpu.memory_space<vmem>>, vector<1x16xf32>,
      %get3A_449 = vector.shape_cast %get3A_448 : vector<1x16xf32> to vector<16xf32>
      %mul3A_450 = arith.mulf %get3A_445, %get3A_449 : vector<16xf32>
      %get3A_451 = arith.index_cast %add3A_441 : i32 to index
      %get3A_452 = arith.constant 16 : index
      %get3A_453 = tpu.vector_load %arg11[%get3A_451, %get3A_452] {strides = array<i32>} : memref<64x128xf32, #tpu.memory_space<vmem>>, vector<1x16xf32>,
      %get3A_454 = vector.shape_cast %get3A_453 : vector<1x16xf32> to vector<16xf32>
      %get3A_455 = arith.index_cast %add3A_441 : i32 to index
      %get3A_456 = arith.constant 16 : index
      %get3A_457 = tpu.vector_load %arg12[%get3A_455, %get3A_456] {strides = array<i32>} : memref<64x128xf32, #tpu.memory_space<vmem>>, vector<1x16xf32>,
      %get3A_458 = vector.shape_cast %get3A_457 : vector<1x16xf32> to vector<16xf32>
      %mul3A_459 = arith.mulf %get3A_454, %get3A_458 : vector<16xf32>
      %add3A_460 = arith.addf %mul3A_450, %mul3A_459 : vector<16xf32>
      %get3A_461 = arith.index_cast %add3A_441 : i32 to index
      %get3A_462 = arith.constant 32 : index
      %get3A_463 = tpu.vector_load %arg11[%get3A_461, %get3A_462] {strides = array<i32>} : memref<64x128xf32, #tpu.memory_space<vmem>>, vector<1x16xf32>,
      %get3A_464 = vector.shape_cast %get3A_463 : vector<1x16xf32> to vector<16xf32>
      %get3A_465 = arith.index_cast %add3A_441 : i32 to index
      %get3A_466 = arith.constant 32 : index
      %get3A_467 = tpu.vector_load %arg12[%get3A_465, %get3A_466] {strides = array<i32>} : memref<64x128xf32, #tpu.memory_space<vmem>>, vector<1x16xf32>,
      %get3A_468 = vector.shape_cast %get3A_467 : vector<1x16xf32> to vector<16xf32>
      %mul3A_469 = arith.mulf %get3A_464, %get3A_468 : vector<16xf32>
      %add3A_470 = arith.addf %add3A_460, %mul3A_469 : vector<16xf32>
      %get3A_471 = arith.index_cast %add3A_441 : i32 to index
      %get3A_472 = arith.constant 48 : index
      %get3A_473 = tpu.vector_load %arg11[%get3A_471, %get3A_472] {strides = array<i32>} : memref<64x128xf32, #tpu.memory_space<vmem>>, vector<1x16xf32>,
      %get3A_474 = vector.shape_cast %get3A_473 : vector<1x16xf32> to vector<16xf32>
      %get3A_475 = arith.index_cast %add3A_441 : i32 to index
      %get3A_476 = arith.constant 48 : index
      %get3A_477 = tpu.vector_load %arg12[%get3A_475, %get3A_476] {strides = array<i32>} : memref<64x128xf32, #tpu.memory_space<vmem>>, vector<1x16xf32>,
      %get3A_478 = vector.shape_cast %get3A_477 : vector<1x16xf32> to vector<16xf32>
      %mul3A_479 = arith.mulf %get3A_474, %get3A_478 : vector<16xf32>
      %add3A_480 = arith.addf %add3A_470, %mul3A_479 : vector<16xf32>
      %get3A_481 = arith.index_cast %add3A_441 : i32 to index
      %get3A_482 = arith.constant 64 : index
      %get3A_483 = tpu.vector_load %arg11[%get3A_481, %get3A_482] {strides = array<i32>} : memref<64x128xf32, #tpu.memory_space<vmem>>, vector<1x16xf32>,
      %get3A_484 = vector.shape_cast %get3A_483 : vector<1x16xf32> to vector<16xf32>
      %get3A_485 = arith.index_cast %add3A_441 : i32 to index
      %get3A_486 = arith.constant 64 : index
      %get3A_487 = tpu.vector_load %arg12[%get3A_485, %get3A_486] {strides = array<i32>} : memref<64x128xf32, #tpu.memory_space<vmem>>, vector<1x16xf32>,
      %get3A_488 = vector.shape_cast %get3A_487 : vector<1x16xf32> to vector<16xf32>
      %mul3A_489 = arith.mulf %get3A_484, %get3A_488 : vector<16xf32>
      %add3A_490 = arith.addf %add3A_480, %mul3A_489 : vector<16xf32>
      %get3A_491 = arith.index_cast %add3A_441 : i32 to index
      %get3A_492 = arith.constant 80 : index
      %get3A_493 = tpu.vector_load %arg11[%get3A_491, %get3A_492] {strides = array<i32>} : memref<64x128xf32, #tpu.memory_space<vmem>>, vector<1x16xf32>,
      %get3A_494 = vector.shape_cast %get3A_493 : vector<1x16xf32> to vector<16xf32>
      %get3A_495 = arith.index_cast %add3A_441 : i32 to index
      %get3A_496 = arith.constant 80 : index
      %get3A_497 = tpu.vector_load %arg12[%get3A_495, %get3A_496] {strides = array<i32>} : memref<64x128xf32, #tpu.memory_space<vmem>>, vector<1x16xf32>,
      %get3A_498 = vector.shape_cast %get3A_497 : vector<1x16xf32> to vector<16xf32>
      %mul3A_499 = arith.mulf %get3A_494, %get3A_498 : vector<16xf32>
      %add3A_500 = arith.addf %add3A_490, %mul3A_499 : vector<16xf32>
      %get3A_501 = arith.index_cast %add3A_441 : i32 to index
      %get3A_502 = arith.constant 96 : index
      %get3A_503 = tpu.vector_load %arg11[%get3A_501, %get3A_502] {strides = array<i32>} : memref<64x128xf32, #tpu.memory_space<vmem>>, vector<1x16xf32>,
      %get3A_504 = vector.shape_cast %get3A_503 : vector<1x16xf32> to vector<16xf32>
      %get3A_505 = arith.index_cast %add3A_441 : i32 to index
      %get3A_506 = arith.constant 96 : index
      %get3A_507 = tpu.vector_load %arg12[%get3A_505, %get3A_506] {strides = array<i32>} : memref<64x128xf32, #tpu.memory_space<vmem>>, vector<1x16xf32>,
      %get3A_508 = vector.shape_cast %get3A_507 : vector<1x16xf32> to vector<16xf32>
      %mul3A_509 = arith.mulf %get3A_504, %get3A_508 : vector<16xf32>
      %add3A_510 = arith.addf %add3A_500, %mul3A_509 : vector<16xf32>
      %get3A_511 = arith.index_cast %add3A_441 : i32 to index
      %get3A_512 = arith.constant 112 : index
      %get3A_513 = tpu.vector_load %arg11[%get3A_511, %get3A_512] {strides = array<i32>} : memref<64x128xf32, #tpu.memory_space<vmem>>, vector<1x16xf32>,
      %get3A_514 = vector.shape_cast %get3A_513 : vector<1x16xf32> to vector<16xf32>
      %get3A_515 = arith.index_cast %add3A_441 : i32 to index
      %get3A_516 = arith.constant 112 : index
      %get3A_517 = tpu.vector_load %arg12[%get3A_515, %get3A_516] {strides = array<i32>} : memref<64x128xf32, #tpu.memory_space<vmem>>, vector<1x16xf32>,
      %get3A_518 = vector.shape_cast %get3A_517 : vector<1x16xf32> to vector<16xf32>
      %mul3A_519 = arith.mulf %get3A_514, %get3A_518 : vector<16xf32>
      %add3A_520 = arith.addf %add3A_510, %mul3A_519 : vector<16xf32>
      %add3A_521 = arith.constant 128 : i32
      %add3A_522 = arith.addi %add3A_521, %add3A_441 : i32
      %swap3A_523 = arith.index_cast %add3A_522 : i32 to index
      %swap3A_524 = arith.constant 0 : index
      %swap3A_525 = tpu.vector_load %arg15[%swap3A_523, %swap3A_524] {strides = array<i32>} : memref<512x16xf32, #tpu.memory_space<vmem>>, vector<1x16xf32>,
      %swap3A_526 = vector.shape_cast %swap3A_525 : vector<1x16xf32> to vector<16xf32>
      %swap3A_527 = vector.shape_cast %add3A_520 : vector<16xf32> to vector<1x16xf32>
      tpu.vector_store %arg15[%swap3A_523, %swap3A_524], %swap3A_527 {strides = array<i32>} : memref<512x16xf32, #tpu.memory_space<vmem>>, vector<1x16xf32>,
      %scan3A_528 = arith.constant 0 : i32
      scf.yield %scan3A_528 : i32
    }
    %scan3A_70 = arith.constant 16 : i32
    %add3A_71 = arith.constant 256 : i32
    %add3A_72 = arith.addi %mul3A_2, %add3A_71 : i32
    "tpu.region"() ({
      %run_scoped3A = tpu.sem_alloc : memref<!tpu.dma_semaphore, #tpu.memory_space<semaphore_mem>>
      %dma_start3A_168 = tpu.memref_slice %arg2[%add3A_72] : memref<16384xi32, #tpu.memory_space<hbm>> -> memref<64xi32, #tpu.memory_space<hbm>>
      %dma_start3A_169 = tpu.memref_slice %arg2[%add3A_72] : memref<16384xi32, #tpu.memory_space<hbm>> -> memref<64xi32, #tpu.memory_space<hbm>>
      tpu.enqueue_dma source(%dma_start3A_169 : memref<64xi32, #tpu.memory_space<hbm>>) target(%arg7 : memref<64xi32, #tpu.memory_space<vmem>>) target_semaphore(%run_scoped3A : memref<!tpu.dma_semaphore, #tpu.memory_space<semaphore_mem>>)
      %dma_wait3A_170 = tpu.memref_slice %arg2[%add3A_72] : memref<16384xi32, #tpu.memory_space<hbm>> -> memref<64xi32, #tpu.memory_space<hbm>>
      %dma_wait3A_171 = tpu.memref_slice %arg2[%add3A_72] : memref<16384xi32, #tpu.memory_space<hbm>> -> memref<64xi32, #tpu.memory_space<hbm>>
      tpu.wait_dma2 semaphore(%run_scoped3A : memref<!tpu.dma_semaphore, #tpu.memory_space<semaphore_mem>>) src(%dma_wait3A_171 : memref<64xi32, #tpu.memory_space<hbm>>) dst(%arg7 : memref<64xi32, #tpu.memory_space<vmem>>)
      tpu.yield
    }) : () -> ()
    "tpu.region"() ({
      %run_scoped3A = tpu.sem_alloc : memref<!tpu.dma_semaphore, #tpu.memory_space<semaphore_mem>>
      %dma_start3A_168 = tpu.memref_slice %arg3[%add3A_72] : memref<16384xi32, #tpu.memory_space<hbm>> -> memref<64xi32, #tpu.memory_space<hbm>>
      %dma_start3A_169 = tpu.memref_slice %arg3[%add3A_72] : memref<16384xi32, #tpu.memory_space<hbm>> -> memref<64xi32, #tpu.memory_space<hbm>>
      tpu.enqueue_dma source(%dma_start3A_169 : memref<64xi32, #tpu.memory_space<hbm>>) target(%arg8 : memref<64xi32, #tpu.memory_space<vmem>>) target_semaphore(%run_scoped3A : memref<!tpu.dma_semaphore, #tpu.memory_space<semaphore_mem>>)
      %dma_wait3A_170 = tpu.memref_slice %arg3[%add3A_72] : memref<16384xi32, #tpu.memory_space<hbm>> -> memref<64xi32, #tpu.memory_space<hbm>>
      %dma_wait3A_171 = tpu.memref_slice %arg3[%add3A_72] : memref<16384xi32, #tpu.memory_space<hbm>> -> memref<64xi32, #tpu.memory_space<hbm>>
      tpu.wait_dma2 semaphore(%run_scoped3A : memref<!tpu.dma_semaphore, #tpu.memory_space<semaphore_mem>>) src(%dma_wait3A_171 : memref<64xi32, #tpu.memory_space<hbm>>) dst(%arg8 : memref<64xi32, #tpu.memory_space<vmem>>)
      tpu.yield
    }) : () -> ()
    %dma_start3A_73 = arith.constant 0 : i32
    %dma_start3A_74 = arith.constant 0 : i32
    %dma_start3A_75 = tpu.memref_slice %arg4[%dma_start3A_73, %dma_start3A_74] : memref<100000x128xf32, #tpu.memory_space<hbm>> -> memref<100000x128xf32, #tpu.memory_space<hbm>>
    tpu.enqueue_indirect_dma source(%dma_start3A_75 : memref<100000x128xf32, #tpu.memory_space<hbm>>) target(%arg11 : memref<64x128xf32, #tpu.memory_space<vmem>>) offsets(%arg7 : memref<64xi32, #tpu.memory_space<vmem>>) semaphore(%arg16 : memref<!tpu.dma_semaphore, #tpu.memory_space<semaphore_mem>>)
    %dma_start3A_76 = arith.constant 0 : i32
    %dma_start3A_77 = arith.constant 0 : i32
    %dma_start3A_78 = tpu.memref_slice %arg5[%dma_start3A_76, %dma_start3A_77] : memref<100000x128xf32, #tpu.memory_space<hbm>> -> memref<100000x128xf32, #tpu.memory_space<hbm>>
    tpu.enqueue_indirect_dma source(%dma_start3A_78 : memref<100000x128xf32, #tpu.memory_space<hbm>>) target(%arg12 : memref<64x128xf32, #tpu.memory_space<vmem>>) offsets(%arg8 : memref<64xi32, #tpu.memory_space<vmem>>) semaphore(%arg16 : memref<!tpu.dma_semaphore, #tpu.memory_space<semaphore_mem>>)
    %dma_wait3A_79 = arith.constant 0 : i32
    %dma_wait3A_80 = arith.constant 0 : i32
    %dma_wait3A_81 = tpu.memref_slice %arg4[%dma_wait3A_79, %dma_wait3A_80] : memref<100000x128xf32, #tpu.memory_space<hbm>> -> memref<100000x128xf32, #tpu.memory_space<hbm>>
    tpu.wait_indirect_dma semaphore(%arg17 : memref<!tpu.dma_semaphore, #tpu.memory_space<semaphore_mem>>) src(%dma_wait3A_81 : memref<100000x128xf32, #tpu.memory_space<hbm>>) dst(%arg13 : memref<64x128xf32, #tpu.memory_space<vmem>>)
    %dma_wait3A_82 = arith.constant 0 : i32
    %dma_wait3A_83 = arith.constant 0 : i32
    %dma_wait3A_84 = tpu.memref_slice %arg5[%dma_wait3A_82, %dma_wait3A_83] : memref<100000x128xf32, #tpu.memory_space<hbm>> -> memref<100000x128xf32, #tpu.memory_space<hbm>>
    tpu.wait_indirect_dma semaphore(%arg17 : memref<!tpu.dma_semaphore, #tpu.memory_space<semaphore_mem>>) src(%dma_wait3A_84 : memref<100000x128xf32, #tpu.memory_space<hbm>>) dst(%arg14 : memref<64x128xf32, #tpu.memory_space<vmem>>)
    %scan3A_85 = arith.constant 0 : i32
    %scan3A_86 = arith.constant 0 : i32
    %scan3A_87 = arith.constant 16 : i32
    %scan3A_88 = arith.addi %scan3A_86, %scan3A_87 : i32
    %scan3A_89 = arith.constant 1 : i32
    %scan3A_90 = scf.for %scan3A_168 = %scan3A_86 to %scan3A_88 step %scan3A_89 iter_args(%scan3A_169 = %scan3A_85) -> (i32)  : i32 {
      %mul3A_170 = arith.constant 4 : i32
      %mul3A_171 = arith.muli %scan3A_168, %mul3A_170 : i32
      %add3A_172 = arith.constant 0 : i32
      %add3A_173 = arith.addi %mul3A_171, %add3A_172 : i32
      %get3A = arith.index_cast %add3A_173 : i32 to index
      %get3A_174 = arith.constant 0 : index
      %get3A_175 = tpu.vector_load %arg13[%get3A, %get3A_174] {strides = array<i32>} : memref<64x128xf32, #tpu.memory_space<vmem>>, vector<1x16xf32>,
      %get3A_176 = vector.shape_cast %get3A_175 : vector<1x16xf32> to vector<16xf32>
      %get3A_177 = arith.index_cast %add3A_173 : i32 to index
      %get3A_178 = arith.constant 0 : index
      %get3A_179 = tpu.vector_load %arg14[%get3A_177, %get3A_178] {strides = array<i32>} : memref<64x128xf32, #tpu.memory_space<vmem>>, vector<1x16xf32>,
      %get3A_180 = vector.shape_cast %get3A_179 : vector<1x16xf32> to vector<16xf32>
      %mul3A_181 = arith.mulf %get3A_176, %get3A_180 : vector<16xf32>
      %get3A_182 = arith.index_cast %add3A_173 : i32 to index
      %get3A_183 = arith.constant 16 : index
      %get3A_184 = tpu.vector_load %arg13[%get3A_182, %get3A_183] {strides = array<i32>} : memref<64x128xf32, #tpu.memory_space<vmem>>, vector<1x16xf32>,
      %get3A_185 = vector.shape_cast %get3A_184 : vector<1x16xf32> to vector<16xf32>
      %get3A_186 = arith.index_cast %add3A_173 : i32 to index
      %get3A_187 = arith.constant 16 : index
      %get3A_188 = tpu.vector_load %arg14[%get3A_186, %get3A_187] {strides = array<i32>} : memref<64x128xf32, #tpu.memory_space<vmem>>, vector<1x16xf32>,
      %get3A_189 = vector.shape_cast %get3A_188 : vector<1x16xf32> to vector<16xf32>
      %mul3A_190 = arith.mulf %get3A_185, %get3A_189 : vector<16xf32>
      %add3A_191 = arith.addf %mul3A_181, %mul3A_190 : vector<16xf32>
      %get3A_192 = arith.index_cast %add3A_173 : i32 to index
      %get3A_193 = arith.constant 32 : index
      %get3A_194 = tpu.vector_load %arg13[%get3A_192, %get3A_193] {strides = array<i32>} : memref<64x128xf32, #tpu.memory_space<vmem>>, vector<1x16xf32>,
      %get3A_195 = vector.shape_cast %get3A_194 : vector<1x16xf32> to vector<16xf32>
      %get3A_196 = arith.index_cast %add3A_173 : i32 to index
      %get3A_197 = arith.constant 32 : index
      %get3A_198 = tpu.vector_load %arg14[%get3A_196, %get3A_197] {strides = array<i32>} : memref<64x128xf32, #tpu.memory_space<vmem>>, vector<1x16xf32>,
      %get3A_199 = vector.shape_cast %get3A_198 : vector<1x16xf32> to vector<16xf32>
      %mul3A_200 = arith.mulf %get3A_195, %get3A_199 : vector<16xf32>
      %add3A_201 = arith.addf %add3A_191, %mul3A_200 : vector<16xf32>
      %get3A_202 = arith.index_cast %add3A_173 : i32 to index
      %get3A_203 = arith.constant 48 : index
      %get3A_204 = tpu.vector_load %arg13[%get3A_202, %get3A_203] {strides = array<i32>} : memref<64x128xf32, #tpu.memory_space<vmem>>, vector<1x16xf32>,
      %get3A_205 = vector.shape_cast %get3A_204 : vector<1x16xf32> to vector<16xf32>
      %get3A_206 = arith.index_cast %add3A_173 : i32 to index
      %get3A_207 = arith.constant 48 : index
      %get3A_208 = tpu.vector_load %arg14[%get3A_206, %get3A_207] {strides = array<i32>} : memref<64x128xf32, #tpu.memory_space<vmem>>, vector<1x16xf32>,
      %get3A_209 = vector.shape_cast %get3A_208 : vector<1x16xf32> to vector<16xf32>
      %mul3A_210 = arith.mulf %get3A_205, %get3A_209 : vector<16xf32>
      %add3A_211 = arith.addf %add3A_201, %mul3A_210 : vector<16xf32>
      %get3A_212 = arith.index_cast %add3A_173 : i32 to index
      %get3A_213 = arith.constant 64 : index
      %get3A_214 = tpu.vector_load %arg13[%get3A_212, %get3A_213] {strides = array<i32>} : memref<64x128xf32, #tpu.memory_space<vmem>>, vector<1x16xf32>,
      %get3A_215 = vector.shape_cast %get3A_214 : vector<1x16xf32> to vector<16xf32>
      %get3A_216 = arith.index_cast %add3A_173 : i32 to index
      %get3A_217 = arith.constant 64 : index
      %get3A_218 = tpu.vector_load %arg14[%get3A_216, %get3A_217] {strides = array<i32>} : memref<64x128xf32, #tpu.memory_space<vmem>>, vector<1x16xf32>,
      %get3A_219 = vector.shape_cast %get3A_218 : vector<1x16xf32> to vector<16xf32>
      %mul3A_220 = arith.mulf %get3A_215, %get3A_219 : vector<16xf32>
      %add3A_221 = arith.addf %add3A_211, %mul3A_220 : vector<16xf32>
      %get3A_222 = arith.index_cast %add3A_173 : i32 to index
      %get3A_223 = arith.constant 80 : index
      %get3A_224 = tpu.vector_load %arg13[%get3A_222, %get3A_223] {strides = array<i32>} : memref<64x128xf32, #tpu.memory_space<vmem>>, vector<1x16xf32>,
      %get3A_225 = vector.shape_cast %get3A_224 : vector<1x16xf32> to vector<16xf32>
      %get3A_226 = arith.index_cast %add3A_173 : i32 to index
      %get3A_227 = arith.constant 80 : index
      %get3A_228 = tpu.vector_load %arg14[%get3A_226, %get3A_227] {strides = array<i32>} : memref<64x128xf32, #tpu.memory_space<vmem>>, vector<1x16xf32>,
      %get3A_229 = vector.shape_cast %get3A_228 : vector<1x16xf32> to vector<16xf32>
      %mul3A_230 = arith.mulf %get3A_225, %get3A_229 : vector<16xf32>
      %add3A_231 = arith.addf %add3A_221, %mul3A_230 : vector<16xf32>
      %get3A_232 = arith.index_cast %add3A_173 : i32 to index
      %get3A_233 = arith.constant 96 : index
      %get3A_234 = tpu.vector_load %arg13[%get3A_232, %get3A_233] {strides = array<i32>} : memref<64x128xf32, #tpu.memory_space<vmem>>, vector<1x16xf32>,
      %get3A_235 = vector.shape_cast %get3A_234 : vector<1x16xf32> to vector<16xf32>
      %get3A_236 = arith.index_cast %add3A_173 : i32 to index
      %get3A_237 = arith.constant 96 : index
      %get3A_238 = tpu.vector_load %arg14[%get3A_236, %get3A_237] {strides = array<i32>} : memref<64x128xf32, #tpu.memory_space<vmem>>, vector<1x16xf32>,
      %get3A_239 = vector.shape_cast %get3A_238 : vector<1x16xf32> to vector<16xf32>
      %mul3A_240 = arith.mulf %get3A_235, %get3A_239 : vector<16xf32>
      %add3A_241 = arith.addf %add3A_231, %mul3A_240 : vector<16xf32>
      %get3A_242 = arith.index_cast %add3A_173 : i32 to index
      %get3A_243 = arith.constant 112 : index
      %get3A_244 = tpu.vector_load %arg13[%get3A_242, %get3A_243] {strides = array<i32>} : memref<64x128xf32, #tpu.memory_space<vmem>>, vector<1x16xf32>,
      %get3A_245 = vector.shape_cast %get3A_244 : vector<1x16xf32> to vector<16xf32>
      %get3A_246 = arith.index_cast %add3A_173 : i32 to index
      %get3A_247 = arith.constant 112 : index
      %get3A_248 = tpu.vector_load %arg14[%get3A_246, %get3A_247] {strides = array<i32>} : memref<64x128xf32, #tpu.memory_space<vmem>>, vector<1x16xf32>,
      %get3A_249 = vector.shape_cast %get3A_248 : vector<1x16xf32> to vector<16xf32>
      %mul3A_250 = arith.mulf %get3A_245, %get3A_249 : vector<16xf32>
      %add3A_251 = arith.addf %add3A_241, %mul3A_250 : vector<16xf32>
      %add3A_252 = arith.constant 192 : i32
      %add3A_253 = arith.addi %add3A_252, %add3A_173 : i32
      %swap3A = arith.index_cast %add3A_253 : i32 to index
      %swap3A_254 = arith.constant 0 : index
      %swap3A_255 = tpu.vector_load %arg15[%swap3A, %swap3A_254] {strides = array<i32>} : memref<512x16xf32, #tpu.memory_space<vmem>>, vector<1x16xf32>,
      %swap3A_256 = vector.shape_cast %swap3A_255 : vector<1x16xf32> to vector<16xf32>
      %swap3A_257 = vector.shape_cast %add3A_251 : vector<16xf32> to vector<1x16xf32>
      tpu.vector_store %arg15[%swap3A, %swap3A_254], %swap3A_257 {strides = array<i32>} : memref<512x16xf32, #tpu.memory_space<vmem>>, vector<1x16xf32>,
      %mul3A_258 = arith.constant 4 : i32
      %mul3A_259 = arith.muli %scan3A_168, %mul3A_258 : i32
      %add3A_260 = arith.constant 1 : i32
      %add3A_261 = arith.addi %mul3A_259, %add3A_260 : i32
      %get3A_262 = arith.index_cast %add3A_261 : i32 to index
      %get3A_263 = arith.constant 0 : index
      %get3A_264 = tpu.vector_load %arg13[%get3A_262, %get3A_263] {strides = array<i32>} : memref<64x128xf32, #tpu.memory_space<vmem>>, vector<1x16xf32>,
      %get3A_265 = vector.shape_cast %get3A_264 : vector<1x16xf32> to vector<16xf32>
      %get3A_266 = arith.index_cast %add3A_261 : i32 to index
      %get3A_267 = arith.constant 0 : index
      %get3A_268 = tpu.vector_load %arg14[%get3A_266, %get3A_267] {strides = array<i32>} : memref<64x128xf32, #tpu.memory_space<vmem>>, vector<1x16xf32>,
      %get3A_269 = vector.shape_cast %get3A_268 : vector<1x16xf32> to vector<16xf32>
      %mul3A_270 = arith.mulf %get3A_265, %get3A_269 : vector<16xf32>
      %get3A_271 = arith.index_cast %add3A_261 : i32 to index
      %get3A_272 = arith.constant 16 : index
      %get3A_273 = tpu.vector_load %arg13[%get3A_271, %get3A_272] {strides = array<i32>} : memref<64x128xf32, #tpu.memory_space<vmem>>, vector<1x16xf32>,
      %get3A_274 = vector.shape_cast %get3A_273 : vector<1x16xf32> to vector<16xf32>
      %get3A_275 = arith.index_cast %add3A_261 : i32 to index
      %get3A_276 = arith.constant 16 : index
      %get3A_277 = tpu.vector_load %arg14[%get3A_275, %get3A_276] {strides = array<i32>} : memref<64x128xf32, #tpu.memory_space<vmem>>, vector<1x16xf32>,
      %get3A_278 = vector.shape_cast %get3A_277 : vector<1x16xf32> to vector<16xf32>
      %mul3A_279 = arith.mulf %get3A_274, %get3A_278 : vector<16xf32>
      %add3A_280 = arith.addf %mul3A_270, %mul3A_279 : vector<16xf32>
      %get3A_281 = arith.index_cast %add3A_261 : i32 to index
      %get3A_282 = arith.constant 32 : index
      %get3A_283 = tpu.vector_load %arg13[%get3A_281, %get3A_282] {strides = array<i32>} : memref<64x128xf32, #tpu.memory_space<vmem>>, vector<1x16xf32>,
      %get3A_284 = vector.shape_cast %get3A_283 : vector<1x16xf32> to vector<16xf32>
      %get3A_285 = arith.index_cast %add3A_261 : i32 to index
      %get3A_286 = arith.constant 32 : index
      %get3A_287 = tpu.vector_load %arg14[%get3A_285, %get3A_286] {strides = array<i32>} : memref<64x128xf32, #tpu.memory_space<vmem>>, vector<1x16xf32>,
      %get3A_288 = vector.shape_cast %get3A_287 : vector<1x16xf32> to vector<16xf32>
      %mul3A_289 = arith.mulf %get3A_284, %get3A_288 : vector<16xf32>
      %add3A_290 = arith.addf %add3A_280, %mul3A_289 : vector<16xf32>
      %get3A_291 = arith.index_cast %add3A_261 : i32 to index
      %get3A_292 = arith.constant 48 : index
      %get3A_293 = tpu.vector_load %arg13[%get3A_291, %get3A_292] {strides = array<i32>} : memref<64x128xf32, #tpu.memory_space<vmem>>, vector<1x16xf32>,
      %get3A_294 = vector.shape_cast %get3A_293 : vector<1x16xf32> to vector<16xf32>
      %get3A_295 = arith.index_cast %add3A_261 : i32 to index
      %get3A_296 = arith.constant 48 : index
      %get3A_297 = tpu.vector_load %arg14[%get3A_295, %get3A_296] {strides = array<i32>} : memref<64x128xf32, #tpu.memory_space<vmem>>, vector<1x16xf32>,
      %get3A_298 = vector.shape_cast %get3A_297 : vector<1x16xf32> to vector<16xf32>
      %mul3A_299 = arith.mulf %get3A_294, %get3A_298 : vector<16xf32>
      %add3A_300 = arith.addf %add3A_290, %mul3A_299 : vector<16xf32>
      %get3A_301 = arith.index_cast %add3A_261 : i32 to index
      %get3A_302 = arith.constant 64 : index
      %get3A_303 = tpu.vector_load %arg13[%get3A_301, %get3A_302] {strides = array<i32>} : memref<64x128xf32, #tpu.memory_space<vmem>>, vector<1x16xf32>,
      %get3A_304 = vector.shape_cast %get3A_303 : vector<1x16xf32> to vector<16xf32>
      %get3A_305 = arith.index_cast %add3A_261 : i32 to index
      %get3A_306 = arith.constant 64 : index
      %get3A_307 = tpu.vector_load %arg14[%get3A_305, %get3A_306] {strides = array<i32>} : memref<64x128xf32, #tpu.memory_space<vmem>>, vector<1x16xf32>,
      %get3A_308 = vector.shape_cast %get3A_307 : vector<1x16xf32> to vector<16xf32>
      %mul3A_309 = arith.mulf %get3A_304, %get3A_308 : vector<16xf32>
      %add3A_310 = arith.addf %add3A_300, %mul3A_309 : vector<16xf32>
      %get3A_311 = arith.index_cast %add3A_261 : i32 to index
      %get3A_312 = arith.constant 80 : index
      %get3A_313 = tpu.vector_load %arg13[%get3A_311, %get3A_312] {strides = array<i32>} : memref<64x128xf32, #tpu.memory_space<vmem>>, vector<1x16xf32>,
      %get3A_314 = vector.shape_cast %get3A_313 : vector<1x16xf32> to vector<16xf32>
      %get3A_315 = arith.index_cast %add3A_261 : i32 to index
      %get3A_316 = arith.constant 80 : index
      %get3A_317 = tpu.vector_load %arg14[%get3A_315, %get3A_316] {strides = array<i32>} : memref<64x128xf32, #tpu.memory_space<vmem>>, vector<1x16xf32>,
      %get3A_318 = vector.shape_cast %get3A_317 : vector<1x16xf32> to vector<16xf32>
      %mul3A_319 = arith.mulf %get3A_314, %get3A_318 : vector<16xf32>
      %add3A_320 = arith.addf %add3A_310, %mul3A_319 : vector<16xf32>
      %get3A_321 = arith.index_cast %add3A_261 : i32 to index
      %get3A_322 = arith.constant 96 : index
      %get3A_323 = tpu.vector_load %arg13[%get3A_321, %get3A_322] {strides = array<i32>} : memref<64x128xf32, #tpu.memory_space<vmem>>, vector<1x16xf32>,
      %get3A_324 = vector.shape_cast %get3A_323 : vector<1x16xf32> to vector<16xf32>
      %get3A_325 = arith.index_cast %add3A_261 : i32 to index
      %get3A_326 = arith.constant 96 : index
      %get3A_327 = tpu.vector_load %arg14[%get3A_325, %get3A_326] {strides = array<i32>} : memref<64x128xf32, #tpu.memory_space<vmem>>, vector<1x16xf32>,
      %get3A_328 = vector.shape_cast %get3A_327 : vector<1x16xf32> to vector<16xf32>
      %mul3A_329 = arith.mulf %get3A_324, %get3A_328 : vector<16xf32>
      %add3A_330 = arith.addf %add3A_320, %mul3A_329 : vector<16xf32>
      %get3A_331 = arith.index_cast %add3A_261 : i32 to index
      %get3A_332 = arith.constant 112 : index
      %get3A_333 = tpu.vector_load %arg13[%get3A_331, %get3A_332] {strides = array<i32>} : memref<64x128xf32, #tpu.memory_space<vmem>>, vector<1x16xf32>,
      %get3A_334 = vector.shape_cast %get3A_333 : vector<1x16xf32> to vector<16xf32>
      %get3A_335 = arith.index_cast %add3A_261 : i32 to index
      %get3A_336 = arith.constant 112 : index
      %get3A_337 = tpu.vector_load %arg14[%get3A_335, %get3A_336] {strides = array<i32>} : memref<64x128xf32, #tpu.memory_space<vmem>>, vector<1x16xf32>,
      %get3A_338 = vector.shape_cast %get3A_337 : vector<1x16xf32> to vector<16xf32>
      %mul3A_339 = arith.mulf %get3A_334, %get3A_338 : vector<16xf32>
      %add3A_340 = arith.addf %add3A_330, %mul3A_339 : vector<16xf32>
      %add3A_341 = arith.constant 192 : i32
      %add3A_342 = arith.addi %add3A_341, %add3A_261 : i32
      %swap3A_343 = arith.index_cast %add3A_342 : i32 to index
      %swap3A_344 = arith.constant 0 : index
      %swap3A_345 = tpu.vector_load %arg15[%swap3A_343, %swap3A_344] {strides = array<i32>} : memref<512x16xf32, #tpu.memory_space<vmem>>, vector<1x16xf32>,
      %swap3A_346 = vector.shape_cast %swap3A_345 : vector<1x16xf32> to vector<16xf32>
      %swap3A_347 = vector.shape_cast %add3A_340 : vector<16xf32> to vector<1x16xf32>
      tpu.vector_store %arg15[%swap3A_343, %swap3A_344], %swap3A_347 {strides = array<i32>} : memref<512x16xf32, #tpu.memory_space<vmem>>, vector<1x16xf32>,
      %mul3A_348 = arith.constant 4 : i32
      %mul3A_349 = arith.muli %scan3A_168, %mul3A_348 : i32
      %add3A_350 = arith.constant 2 : i32
      %add3A_351 = arith.addi %mul3A_349, %add3A_350 : i32
      %get3A_352 = arith.index_cast %add3A_351 : i32 to index
      %get3A_353 = arith.constant 0 : index
      %get3A_354 = tpu.vector_load %arg13[%get3A_352, %get3A_353] {strides = array<i32>} : memref<64x128xf32, #tpu.memory_space<vmem>>, vector<1x16xf32>,
      %get3A_355 = vector.shape_cast %get3A_354 : vector<1x16xf32> to vector<16xf32>
      %get3A_356 = arith.index_cast %add3A_351 : i32 to index
      %get3A_357 = arith.constant 0 : index
      %get3A_358 = tpu.vector_load %arg14[%get3A_356, %get3A_357] {strides = array<i32>} : memref<64x128xf32, #tpu.memory_space<vmem>>, vector<1x16xf32>,
      %get3A_359 = vector.shape_cast %get3A_358 : vector<1x16xf32> to vector<16xf32>
      %mul3A_360 = arith.mulf %get3A_355, %get3A_359 : vector<16xf32>
      %get3A_361 = arith.index_cast %add3A_351 : i32 to index
      %get3A_362 = arith.constant 16 : index
      %get3A_363 = tpu.vector_load %arg13[%get3A_361, %get3A_362] {strides = array<i32>} : memref<64x128xf32, #tpu.memory_space<vmem>>, vector<1x16xf32>,
      %get3A_364 = vector.shape_cast %get3A_363 : vector<1x16xf32> to vector<16xf32>
      %get3A_365 = arith.index_cast %add3A_351 : i32 to index
      %get3A_366 = arith.constant 16 : index
      %get3A_367 = tpu.vector_load %arg14[%get3A_365, %get3A_366] {strides = array<i32>} : memref<64x128xf32, #tpu.memory_space<vmem>>, vector<1x16xf32>,
      %get3A_368 = vector.shape_cast %get3A_367 : vector<1x16xf32> to vector<16xf32>
      %mul3A_369 = arith.mulf %get3A_364, %get3A_368 : vector<16xf32>
      %add3A_370 = arith.addf %mul3A_360, %mul3A_369 : vector<16xf32>
      %get3A_371 = arith.index_cast %add3A_351 : i32 to index
      %get3A_372 = arith.constant 32 : index
      %get3A_373 = tpu.vector_load %arg13[%get3A_371, %get3A_372] {strides = array<i32>} : memref<64x128xf32, #tpu.memory_space<vmem>>, vector<1x16xf32>,
      %get3A_374 = vector.shape_cast %get3A_373 : vector<1x16xf32> to vector<16xf32>
      %get3A_375 = arith.index_cast %add3A_351 : i32 to index
      %get3A_376 = arith.constant 32 : index
      %get3A_377 = tpu.vector_load %arg14[%get3A_375, %get3A_376] {strides = array<i32>} : memref<64x128xf32, #tpu.memory_space<vmem>>, vector<1x16xf32>,
      %get3A_378 = vector.shape_cast %get3A_377 : vector<1x16xf32> to vector<16xf32>
      %mul3A_379 = arith.mulf %get3A_374, %get3A_378 : vector<16xf32>
      %add3A_380 = arith.addf %add3A_370, %mul3A_379 : vector<16xf32>
      %get3A_381 = arith.index_cast %add3A_351 : i32 to index
      %get3A_382 = arith.constant 48 : index
      %get3A_383 = tpu.vector_load %arg13[%get3A_381, %get3A_382] {strides = array<i32>} : memref<64x128xf32, #tpu.memory_space<vmem>>, vector<1x16xf32>,
      %get3A_384 = vector.shape_cast %get3A_383 : vector<1x16xf32> to vector<16xf32>
      %get3A_385 = arith.index_cast %add3A_351 : i32 to index
      %get3A_386 = arith.constant 48 : index
      %get3A_387 = tpu.vector_load %arg14[%get3A_385, %get3A_386] {strides = array<i32>} : memref<64x128xf32, #tpu.memory_space<vmem>>, vector<1x16xf32>,
      %get3A_388 = vector.shape_cast %get3A_387 : vector<1x16xf32> to vector<16xf32>
      %mul3A_389 = arith.mulf %get3A_384, %get3A_388 : vector<16xf32>
      %add3A_390 = arith.addf %add3A_380, %mul3A_389 : vector<16xf32>
      %get3A_391 = arith.index_cast %add3A_351 : i32 to index
      %get3A_392 = arith.constant 64 : index
      %get3A_393 = tpu.vector_load %arg13[%get3A_391, %get3A_392] {strides = array<i32>} : memref<64x128xf32, #tpu.memory_space<vmem>>, vector<1x16xf32>,
      %get3A_394 = vector.shape_cast %get3A_393 : vector<1x16xf32> to vector<16xf32>
      %get3A_395 = arith.index_cast %add3A_351 : i32 to index
      %get3A_396 = arith.constant 64 : index
      %get3A_397 = tpu.vector_load %arg14[%get3A_395, %get3A_396] {strides = array<i32>} : memref<64x128xf32, #tpu.memory_space<vmem>>, vector<1x16xf32>,
      %get3A_398 = vector.shape_cast %get3A_397 : vector<1x16xf32> to vector<16xf32>
      %mul3A_399 = arith.mulf %get3A_394, %get3A_398 : vector<16xf32>
      %add3A_400 = arith.addf %add3A_390, %mul3A_399 : vector<16xf32>
      %get3A_401 = arith.index_cast %add3A_351 : i32 to index
      %get3A_402 = arith.constant 80 : index
      %get3A_403 = tpu.vector_load %arg13[%get3A_401, %get3A_402] {strides = array<i32>} : memref<64x128xf32, #tpu.memory_space<vmem>>, vector<1x16xf32>,
      %get3A_404 = vector.shape_cast %get3A_403 : vector<1x16xf32> to vector<16xf32>
      %get3A_405 = arith.index_cast %add3A_351 : i32 to index
      %get3A_406 = arith.constant 80 : index
      %get3A_407 = tpu.vector_load %arg14[%get3A_405, %get3A_406] {strides = array<i32>} : memref<64x128xf32, #tpu.memory_space<vmem>>, vector<1x16xf32>,
      %get3A_408 = vector.shape_cast %get3A_407 : vector<1x16xf32> to vector<16xf32>
      %mul3A_409 = arith.mulf %get3A_404, %get3A_408 : vector<16xf32>
      %add3A_410 = arith.addf %add3A_400, %mul3A_409 : vector<16xf32>
      %get3A_411 = arith.index_cast %add3A_351 : i32 to index
      %get3A_412 = arith.constant 96 : index
      %get3A_413 = tpu.vector_load %arg13[%get3A_411, %get3A_412] {strides = array<i32>} : memref<64x128xf32, #tpu.memory_space<vmem>>, vector<1x16xf32>,
      %get3A_414 = vector.shape_cast %get3A_413 : vector<1x16xf32> to vector<16xf32>
      %get3A_415 = arith.index_cast %add3A_351 : i32 to index
      %get3A_416 = arith.constant 96 : index
      %get3A_417 = tpu.vector_load %arg14[%get3A_415, %get3A_416] {strides = array<i32>} : memref<64x128xf32, #tpu.memory_space<vmem>>, vector<1x16xf32>,
      %get3A_418 = vector.shape_cast %get3A_417 : vector<1x16xf32> to vector<16xf32>
      %mul3A_419 = arith.mulf %get3A_414, %get3A_418 : vector<16xf32>
      %add3A_420 = arith.addf %add3A_410, %mul3A_419 : vector<16xf32>
      %get3A_421 = arith.index_cast %add3A_351 : i32 to index
      %get3A_422 = arith.constant 112 : index
      %get3A_423 = tpu.vector_load %arg13[%get3A_421, %get3A_422] {strides = array<i32>} : memref<64x128xf32, #tpu.memory_space<vmem>>, vector<1x16xf32>,
      %get3A_424 = vector.shape_cast %get3A_423 : vector<1x16xf32> to vector<16xf32>
      %get3A_425 = arith.index_cast %add3A_351 : i32 to index
      %get3A_426 = arith.constant 112 : index
      %get3A_427 = tpu.vector_load %arg14[%get3A_425, %get3A_426] {strides = array<i32>} : memref<64x128xf32, #tpu.memory_space<vmem>>, vector<1x16xf32>,
      %get3A_428 = vector.shape_cast %get3A_427 : vector<1x16xf32> to vector<16xf32>
      %mul3A_429 = arith.mulf %get3A_424, %get3A_428 : vector<16xf32>
      %add3A_430 = arith.addf %add3A_420, %mul3A_429 : vector<16xf32>
      %add3A_431 = arith.constant 192 : i32
      %add3A_432 = arith.addi %add3A_431, %add3A_351 : i32
      %swap3A_433 = arith.index_cast %add3A_432 : i32 to index
      %swap3A_434 = arith.constant 0 : index
      %swap3A_435 = tpu.vector_load %arg15[%swap3A_433, %swap3A_434] {strides = array<i32>} : memref<512x16xf32, #tpu.memory_space<vmem>>, vector<1x16xf32>,
      %swap3A_436 = vector.shape_cast %swap3A_435 : vector<1x16xf32> to vector<16xf32>
      %swap3A_437 = vector.shape_cast %add3A_430 : vector<16xf32> to vector<1x16xf32>
      tpu.vector_store %arg15[%swap3A_433, %swap3A_434], %swap3A_437 {strides = array<i32>} : memref<512x16xf32, #tpu.memory_space<vmem>>, vector<1x16xf32>,
      %mul3A_438 = arith.constant 4 : i32
      %mul3A_439 = arith.muli %scan3A_168, %mul3A_438 : i32
      %add3A_440 = arith.constant 3 : i32
      %add3A_441 = arith.addi %mul3A_439, %add3A_440 : i32
      %get3A_442 = arith.index_cast %add3A_441 : i32 to index
      %get3A_443 = arith.constant 0 : index
      %get3A_444 = tpu.vector_load %arg13[%get3A_442, %get3A_443] {strides = array<i32>} : memref<64x128xf32, #tpu.memory_space<vmem>>, vector<1x16xf32>,
      %get3A_445 = vector.shape_cast %get3A_444 : vector<1x16xf32> to vector<16xf32>
      %get3A_446 = arith.index_cast %add3A_441 : i32 to index
      %get3A_447 = arith.constant 0 : index
      %get3A_448 = tpu.vector_load %arg14[%get3A_446, %get3A_447] {strides = array<i32>} : memref<64x128xf32, #tpu.memory_space<vmem>>, vector<1x16xf32>,
      %get3A_449 = vector.shape_cast %get3A_448 : vector<1x16xf32> to vector<16xf32>
      %mul3A_450 = arith.mulf %get3A_445, %get3A_449 : vector<16xf32>
      %get3A_451 = arith.index_cast %add3A_441 : i32 to index
      %get3A_452 = arith.constant 16 : index
      %get3A_453 = tpu.vector_load %arg13[%get3A_451, %get3A_452] {strides = array<i32>} : memref<64x128xf32, #tpu.memory_space<vmem>>, vector<1x16xf32>,
      %get3A_454 = vector.shape_cast %get3A_453 : vector<1x16xf32> to vector<16xf32>
      %get3A_455 = arith.index_cast %add3A_441 : i32 to index
      %get3A_456 = arith.constant 16 : index
      %get3A_457 = tpu.vector_load %arg14[%get3A_455, %get3A_456] {strides = array<i32>} : memref<64x128xf32, #tpu.memory_space<vmem>>, vector<1x16xf32>,
      %get3A_458 = vector.shape_cast %get3A_457 : vector<1x16xf32> to vector<16xf32>
      %mul3A_459 = arith.mulf %get3A_454, %get3A_458 : vector<16xf32>
      %add3A_460 = arith.addf %mul3A_450, %mul3A_459 : vector<16xf32>
      %get3A_461 = arith.index_cast %add3A_441 : i32 to index
      %get3A_462 = arith.constant 32 : index
      %get3A_463 = tpu.vector_load %arg13[%get3A_461, %get3A_462] {strides = array<i32>} : memref<64x128xf32, #tpu.memory_space<vmem>>, vector<1x16xf32>,
      %get3A_464 = vector.shape_cast %get3A_463 : vector<1x16xf32> to vector<16xf32>
      %get3A_465 = arith.index_cast %add3A_441 : i32 to index
      %get3A_466 = arith.constant 32 : index
      %get3A_467 = tpu.vector_load %arg14[%get3A_465, %get3A_466] {strides = array<i32>} : memref<64x128xf32, #tpu.memory_space<vmem>>, vector<1x16xf32>,
      %get3A_468 = vector.shape_cast %get3A_467 : vector<1x16xf32> to vector<16xf32>
      %mul3A_469 = arith.mulf %get3A_464, %get3A_468 : vector<16xf32>
      %add3A_470 = arith.addf %add3A_460, %mul3A_469 : vector<16xf32>
      %get3A_471 = arith.index_cast %add3A_441 : i32 to index
      %get3A_472 = arith.constant 48 : index
      %get3A_473 = tpu.vector_load %arg13[%get3A_471, %get3A_472] {strides = array<i32>} : memref<64x128xf32, #tpu.memory_space<vmem>>, vector<1x16xf32>,
      %get3A_474 = vector.shape_cast %get3A_473 : vector<1x16xf32> to vector<16xf32>
      %get3A_475 = arith.index_cast %add3A_441 : i32 to index
      %get3A_476 = arith.constant 48 : index
      %get3A_477 = tpu.vector_load %arg14[%get3A_475, %get3A_476] {strides = array<i32>} : memref<64x128xf32, #tpu.memory_space<vmem>>, vector<1x16xf32>,
      %get3A_478 = vector.shape_cast %get3A_477 : vector<1x16xf32> to vector<16xf32>
      %mul3A_479 = arith.mulf %get3A_474, %get3A_478 : vector<16xf32>
      %add3A_480 = arith.addf %add3A_470, %mul3A_479 : vector<16xf32>
      %get3A_481 = arith.index_cast %add3A_441 : i32 to index
      %get3A_482 = arith.constant 64 : index
      %get3A_483 = tpu.vector_load %arg13[%get3A_481, %get3A_482] {strides = array<i32>} : memref<64x128xf32, #tpu.memory_space<vmem>>, vector<1x16xf32>,
      %get3A_484 = vector.shape_cast %get3A_483 : vector<1x16xf32> to vector<16xf32>
      %get3A_485 = arith.index_cast %add3A_441 : i32 to index
      %get3A_486 = arith.constant 64 : index
      %get3A_487 = tpu.vector_load %arg14[%get3A_485, %get3A_486] {strides = array<i32>} : memref<64x128xf32, #tpu.memory_space<vmem>>, vector<1x16xf32>,
      %get3A_488 = vector.shape_cast %get3A_487 : vector<1x16xf32> to vector<16xf32>
      %mul3A_489 = arith.mulf %get3A_484, %get3A_488 : vector<16xf32>
      %add3A_490 = arith.addf %add3A_480, %mul3A_489 : vector<16xf32>
      %get3A_491 = arith.index_cast %add3A_441 : i32 to index
      %get3A_492 = arith.constant 80 : index
      %get3A_493 = tpu.vector_load %arg13[%get3A_491, %get3A_492] {strides = array<i32>} : memref<64x128xf32, #tpu.memory_space<vmem>>, vector<1x16xf32>,
      %get3A_494 = vector.shape_cast %get3A_493 : vector<1x16xf32> to vector<16xf32>
      %get3A_495 = arith.index_cast %add3A_441 : i32 to index
      %get3A_496 = arith.constant 80 : index
      %get3A_497 = tpu.vector_load %arg14[%get3A_495, %get3A_496] {strides = array<i32>} : memref<64x128xf32, #tpu.memory_space<vmem>>, vector<1x16xf32>,
      %get3A_498 = vector.shape_cast %get3A_497 : vector<1x16xf32> to vector<16xf32>
      %mul3A_499 = arith.mulf %get3A_494, %get3A_498 : vector<16xf32>
      %add3A_500 = arith.addf %add3A_490, %mul3A_499 : vector<16xf32>
      %get3A_501 = arith.index_cast %add3A_441 : i32 to index
      %get3A_502 = arith.constant 96 : index
      %get3A_503 = tpu.vector_load %arg13[%get3A_501, %get3A_502] {strides = array<i32>} : memref<64x128xf32, #tpu.memory_space<vmem>>, vector<1x16xf32>,
      %get3A_504 = vector.shape_cast %get3A_503 : vector<1x16xf32> to vector<16xf32>
      %get3A_505 = arith.index_cast %add3A_441 : i32 to index
      %get3A_506 = arith.constant 96 : index
      %get3A_507 = tpu.vector_load %arg14[%get3A_505, %get3A_506] {strides = array<i32>} : memref<64x128xf32, #tpu.memory_space<vmem>>, vector<1x16xf32>,
      %get3A_508 = vector.shape_cast %get3A_507 : vector<1x16xf32> to vector<16xf32>
      %mul3A_509 = arith.mulf %get3A_504, %get3A_508 : vector<16xf32>
      %add3A_510 = arith.addf %add3A_500, %mul3A_509 : vector<16xf32>
      %get3A_511 = arith.index_cast %add3A_441 : i32 to index
      %get3A_512 = arith.constant 112 : index
      %get3A_513 = tpu.vector_load %arg13[%get3A_511, %get3A_512] {strides = array<i32>} : memref<64x128xf32, #tpu.memory_space<vmem>>, vector<1x16xf32>,
      %get3A_514 = vector.shape_cast %get3A_513 : vector<1x16xf32> to vector<16xf32>
      %get3A_515 = arith.index_cast %add3A_441 : i32 to index
      %get3A_516 = arith.constant 112 : index
      %get3A_517 = tpu.vector_load %arg14[%get3A_515, %get3A_516] {strides = array<i32>} : memref<64x128xf32, #tpu.memory_space<vmem>>, vector<1x16xf32>,
      %get3A_518 = vector.shape_cast %get3A_517 : vector<1x16xf32> to vector<16xf32>
      %mul3A_519 = arith.mulf %get3A_514, %get3A_518 : vector<16xf32>
      %add3A_520 = arith.addf %add3A_510, %mul3A_519 : vector<16xf32>
      %add3A_521 = arith.constant 192 : i32
      %add3A_522 = arith.addi %add3A_521, %add3A_441 : i32
      %swap3A_523 = arith.index_cast %add3A_522 : i32 to index
      %swap3A_524 = arith.constant 0 : index
      %swap3A_525 = tpu.vector_load %arg15[%swap3A_523, %swap3A_524] {strides = array<i32>} : memref<512x16xf32, #tpu.memory_space<vmem>>, vector<1x16xf32>,
      %swap3A_526 = vector.shape_cast %swap3A_525 : vector<1x16xf32> to vector<16xf32>
      %swap3A_527 = vector.shape_cast %add3A_520 : vector<16xf32> to vector<1x16xf32>
      tpu.vector_store %arg15[%swap3A_523, %swap3A_524], %swap3A_527 {strides = array<i32>} : memref<512x16xf32, #tpu.memory_space<vmem>>, vector<1x16xf32>,
      %scan3A_528 = arith.constant 0 : i32
      scf.yield %scan3A_528 : i32
    }
    %scan3A_91 = arith.constant 16 : i32
    %add3A_92 = arith.constant 320 : i32
    %add3A_93 = arith.addi %mul3A_2, %add3A_92 : i32
    "tpu.region"() ({
      %run_scoped3A = tpu.sem_alloc : memref<!tpu.dma_semaphore, #tpu.memory_space<semaphore_mem>>
      %dma_start3A_168 = tpu.memref_slice %arg2[%add3A_93] : memref<16384xi32, #tpu.memory_space<hbm>> -> memref<64xi32, #tpu.memory_space<hbm>>
      %dma_start3A_169 = tpu.memref_slice %arg2[%add3A_93] : memref<16384xi32, #tpu.memory_space<hbm>> -> memref<64xi32, #tpu.memory_space<hbm>>
      tpu.enqueue_dma source(%dma_start3A_169 : memref<64xi32, #tpu.memory_space<hbm>>) target(%arg9 : memref<64xi32, #tpu.memory_space<vmem>>) target_semaphore(%run_scoped3A : memref<!tpu.dma_semaphore, #tpu.memory_space<semaphore_mem>>)
      %dma_wait3A_170 = tpu.memref_slice %arg2[%add3A_93] : memref<16384xi32, #tpu.memory_space<hbm>> -> memref<64xi32, #tpu.memory_space<hbm>>
      %dma_wait3A_171 = tpu.memref_slice %arg2[%add3A_93] : memref<16384xi32, #tpu.memory_space<hbm>> -> memref<64xi32, #tpu.memory_space<hbm>>
      tpu.wait_dma2 semaphore(%run_scoped3A : memref<!tpu.dma_semaphore, #tpu.memory_space<semaphore_mem>>) src(%dma_wait3A_171 : memref<64xi32, #tpu.memory_space<hbm>>) dst(%arg9 : memref<64xi32, #tpu.memory_space<vmem>>)
      tpu.yield
    }) : () -> ()
    "tpu.region"() ({
      %run_scoped3A = tpu.sem_alloc : memref<!tpu.dma_semaphore, #tpu.memory_space<semaphore_mem>>
      %dma_start3A_168 = tpu.memref_slice %arg3[%add3A_93] : memref<16384xi32, #tpu.memory_space<hbm>> -> memref<64xi32, #tpu.memory_space<hbm>>
      %dma_start3A_169 = tpu.memref_slice %arg3[%add3A_93] : memref<16384xi32, #tpu.memory_space<hbm>> -> memref<64xi32, #tpu.memory_space<hbm>>
      tpu.enqueue_dma source(%dma_start3A_169 : memref<64xi32, #tpu.memory_space<hbm>>) target(%arg10 : memref<64xi32, #tpu.memory_space<vmem>>) target_semaphore(%run_scoped3A : memref<!tpu.dma_semaphore, #tpu.memory_space<semaphore_mem>>)
      %dma_wait3A_170 = tpu.memref_slice %arg3[%add3A_93] : memref<16384xi32, #tpu.memory_space<hbm>> -> memref<64xi32, #tpu.memory_space<hbm>>
      %dma_wait3A_171 = tpu.memref_slice %arg3[%add3A_93] : memref<16384xi32, #tpu.memory_space<hbm>> -> memref<64xi32, #tpu.memory_space<hbm>>
      tpu.wait_dma2 semaphore(%run_scoped3A : memref<!tpu.dma_semaphore, #tpu.memory_space<semaphore_mem>>) src(%dma_wait3A_171 : memref<64xi32, #tpu.memory_space<hbm>>) dst(%arg10 : memref<64xi32, #tpu.memory_space<vmem>>)
      tpu.yield
    }) : () -> ()
    %dma_start3A_94 = arith.constant 0 : i32
    %dma_start3A_95 = arith.constant 0 : i32
    %dma_start3A_96 = tpu.memref_slice %arg4[%dma_start3A_94, %dma_start3A_95] : memref<100000x128xf32, #tpu.memory_space<hbm>> -> memref<100000x128xf32, #tpu.memory_space<hbm>>
    tpu.enqueue_indirect_dma source(%dma_start3A_96 : memref<100000x128xf32, #tpu.memory_space<hbm>>) target(%arg13 : memref<64x128xf32, #tpu.memory_space<vmem>>) offsets(%arg9 : memref<64xi32, #tpu.memory_space<vmem>>) semaphore(%arg17 : memref<!tpu.dma_semaphore, #tpu.memory_space<semaphore_mem>>)
    %dma_start3A_97 = arith.constant 0 : i32
    %dma_start3A_98 = arith.constant 0 : i32
    %dma_start3A_99 = tpu.memref_slice %arg5[%dma_start3A_97, %dma_start3A_98] : memref<100000x128xf32, #tpu.memory_space<hbm>> -> memref<100000x128xf32, #tpu.memory_space<hbm>>
    tpu.enqueue_indirect_dma source(%dma_start3A_99 : memref<100000x128xf32, #tpu.memory_space<hbm>>) target(%arg14 : memref<64x128xf32, #tpu.memory_space<vmem>>) offsets(%arg10 : memref<64xi32, #tpu.memory_space<vmem>>) semaphore(%arg17 : memref<!tpu.dma_semaphore, #tpu.memory_space<semaphore_mem>>)
    %dma_wait3A_100 = arith.constant 0 : i32
    %dma_wait3A_101 = arith.constant 0 : i32
    %dma_wait3A_102 = tpu.memref_slice %arg4[%dma_wait3A_100, %dma_wait3A_101] : memref<100000x128xf32, #tpu.memory_space<hbm>> -> memref<100000x128xf32, #tpu.memory_space<hbm>>
    tpu.wait_indirect_dma semaphore(%arg16 : memref<!tpu.dma_semaphore, #tpu.memory_space<semaphore_mem>>) src(%dma_wait3A_102 : memref<100000x128xf32, #tpu.memory_space<hbm>>) dst(%arg11 : memref<64x128xf32, #tpu.memory_space<vmem>>)
    %dma_wait3A_103 = arith.constant 0 : i32
    %dma_wait3A_104 = arith.constant 0 : i32
    %dma_wait3A_105 = tpu.memref_slice %arg5[%dma_wait3A_103, %dma_wait3A_104] : memref<100000x128xf32, #tpu.memory_space<hbm>> -> memref<100000x128xf32, #tpu.memory_space<hbm>>
    tpu.wait_indirect_dma semaphore(%arg16 : memref<!tpu.dma_semaphore, #tpu.memory_space<semaphore_mem>>) src(%dma_wait3A_105 : memref<100000x128xf32, #tpu.memory_space<hbm>>) dst(%arg12 : memref<64x128xf32, #tpu.memory_space<vmem>>)
    %scan3A_106 = arith.constant 0 : i32
    %scan3A_107 = arith.constant 0 : i32
    %scan3A_108 = arith.constant 16 : i32
    %scan3A_109 = arith.addi %scan3A_107, %scan3A_108 : i32
    %scan3A_110 = arith.constant 1 : i32
    %scan3A_111 = scf.for %scan3A_168 = %scan3A_107 to %scan3A_109 step %scan3A_110 iter_args(%scan3A_169 = %scan3A_106) -> (i32)  : i32 {
      %mul3A_170 = arith.constant 4 : i32
      %mul3A_171 = arith.muli %scan3A_168, %mul3A_170 : i32
      %add3A_172 = arith.constant 0 : i32
      %add3A_173 = arith.addi %mul3A_171, %add3A_172 : i32
      %get3A = arith.index_cast %add3A_173 : i32 to index
      %get3A_174 = arith.constant 0 : index
      %get3A_175 = tpu.vector_load %arg11[%get3A, %get3A_174] {strides = array<i32>} : memref<64x128xf32, #tpu.memory_space<vmem>>, vector<1x16xf32>,
      %get3A_176 = vector.shape_cast %get3A_175 : vector<1x16xf32> to vector<16xf32>
      %get3A_177 = arith.index_cast %add3A_173 : i32 to index
      %get3A_178 = arith.constant 0 : index
      %get3A_179 = tpu.vector_load %arg12[%get3A_177, %get3A_178] {strides = array<i32>} : memref<64x128xf32, #tpu.memory_space<vmem>>, vector<1x16xf32>,
      %get3A_180 = vector.shape_cast %get3A_179 : vector<1x16xf32> to vector<16xf32>
      %mul3A_181 = arith.mulf %get3A_176, %get3A_180 : vector<16xf32>
      %get3A_182 = arith.index_cast %add3A_173 : i32 to index
      %get3A_183 = arith.constant 16 : index
      %get3A_184 = tpu.vector_load %arg11[%get3A_182, %get3A_183] {strides = array<i32>} : memref<64x128xf32, #tpu.memory_space<vmem>>, vector<1x16xf32>,
      %get3A_185 = vector.shape_cast %get3A_184 : vector<1x16xf32> to vector<16xf32>
      %get3A_186 = arith.index_cast %add3A_173 : i32 to index
      %get3A_187 = arith.constant 16 : index
      %get3A_188 = tpu.vector_load %arg12[%get3A_186, %get3A_187] {strides = array<i32>} : memref<64x128xf32, #tpu.memory_space<vmem>>, vector<1x16xf32>,
      %get3A_189 = vector.shape_cast %get3A_188 : vector<1x16xf32> to vector<16xf32>
      %mul3A_190 = arith.mulf %get3A_185, %get3A_189 : vector<16xf32>
      %add3A_191 = arith.addf %mul3A_181, %mul3A_190 : vector<16xf32>
      %get3A_192 = arith.index_cast %add3A_173 : i32 to index
      %get3A_193 = arith.constant 32 : index
      %get3A_194 = tpu.vector_load %arg11[%get3A_192, %get3A_193] {strides = array<i32>} : memref<64x128xf32, #tpu.memory_space<vmem>>, vector<1x16xf32>,
      %get3A_195 = vector.shape_cast %get3A_194 : vector<1x16xf32> to vector<16xf32>
      %get3A_196 = arith.index_cast %add3A_173 : i32 to index
      %get3A_197 = arith.constant 32 : index
      %get3A_198 = tpu.vector_load %arg12[%get3A_196, %get3A_197] {strides = array<i32>} : memref<64x128xf32, #tpu.memory_space<vmem>>, vector<1x16xf32>,
      %get3A_199 = vector.shape_cast %get3A_198 : vector<1x16xf32> to vector<16xf32>
      %mul3A_200 = arith.mulf %get3A_195, %get3A_199 : vector<16xf32>
      %add3A_201 = arith.addf %add3A_191, %mul3A_200 : vector<16xf32>
      %get3A_202 = arith.index_cast %add3A_173 : i32 to index
      %get3A_203 = arith.constant 48 : index
      %get3A_204 = tpu.vector_load %arg11[%get3A_202, %get3A_203] {strides = array<i32>} : memref<64x128xf32, #tpu.memory_space<vmem>>, vector<1x16xf32>,
      %get3A_205 = vector.shape_cast %get3A_204 : vector<1x16xf32> to vector<16xf32>
      %get3A_206 = arith.index_cast %add3A_173 : i32 to index
      %get3A_207 = arith.constant 48 : index
      %get3A_208 = tpu.vector_load %arg12[%get3A_206, %get3A_207] {strides = array<i32>} : memref<64x128xf32, #tpu.memory_space<vmem>>, vector<1x16xf32>,
      %get3A_209 = vector.shape_cast %get3A_208 : vector<1x16xf32> to vector<16xf32>
      %mul3A_210 = arith.mulf %get3A_205, %get3A_209 : vector<16xf32>
      %add3A_211 = arith.addf %add3A_201, %mul3A_210 : vector<16xf32>
      %get3A_212 = arith.index_cast %add3A_173 : i32 to index
      %get3A_213 = arith.constant 64 : index
      %get3A_214 = tpu.vector_load %arg11[%get3A_212, %get3A_213] {strides = array<i32>} : memref<64x128xf32, #tpu.memory_space<vmem>>, vector<1x16xf32>,
      %get3A_215 = vector.shape_cast %get3A_214 : vector<1x16xf32> to vector<16xf32>
      %get3A_216 = arith.index_cast %add3A_173 : i32 to index
      %get3A_217 = arith.constant 64 : index
      %get3A_218 = tpu.vector_load %arg12[%get3A_216, %get3A_217] {strides = array<i32>} : memref<64x128xf32, #tpu.memory_space<vmem>>, vector<1x16xf32>,
      %get3A_219 = vector.shape_cast %get3A_218 : vector<1x16xf32> to vector<16xf32>
      %mul3A_220 = arith.mulf %get3A_215, %get3A_219 : vector<16xf32>
      %add3A_221 = arith.addf %add3A_211, %mul3A_220 : vector<16xf32>
      %get3A_222 = arith.index_cast %add3A_173 : i32 to index
      %get3A_223 = arith.constant 80 : index
      %get3A_224 = tpu.vector_load %arg11[%get3A_222, %get3A_223] {strides = array<i32>} : memref<64x128xf32, #tpu.memory_space<vmem>>, vector<1x16xf32>,
      %get3A_225 = vector.shape_cast %get3A_224 : vector<1x16xf32> to vector<16xf32>
      %get3A_226 = arith.index_cast %add3A_173 : i32 to index
      %get3A_227 = arith.constant 80 : index
      %get3A_228 = tpu.vector_load %arg12[%get3A_226, %get3A_227] {strides = array<i32>} : memref<64x128xf32, #tpu.memory_space<vmem>>, vector<1x16xf32>,
      %get3A_229 = vector.shape_cast %get3A_228 : vector<1x16xf32> to vector<16xf32>
      %mul3A_230 = arith.mulf %get3A_225, %get3A_229 : vector<16xf32>
      %add3A_231 = arith.addf %add3A_221, %mul3A_230 : vector<16xf32>
      %get3A_232 = arith.index_cast %add3A_173 : i32 to index
      %get3A_233 = arith.constant 96 : index
      %get3A_234 = tpu.vector_load %arg11[%get3A_232, %get3A_233] {strides = array<i32>} : memref<64x128xf32, #tpu.memory_space<vmem>>, vector<1x16xf32>,
      %get3A_235 = vector.shape_cast %get3A_234 : vector<1x16xf32> to vector<16xf32>
      %get3A_236 = arith.index_cast %add3A_173 : i32 to index
      %get3A_237 = arith.constant 96 : index
      %get3A_238 = tpu.vector_load %arg12[%get3A_236, %get3A_237] {strides = array<i32>} : memref<64x128xf32, #tpu.memory_space<vmem>>, vector<1x16xf32>,
      %get3A_239 = vector.shape_cast %get3A_238 : vector<1x16xf32> to vector<16xf32>
      %mul3A_240 = arith.mulf %get3A_235, %get3A_239 : vector<16xf32>
      %add3A_241 = arith.addf %add3A_231, %mul3A_240 : vector<16xf32>
      %get3A_242 = arith.index_cast %add3A_173 : i32 to index
      %get3A_243 = arith.constant 112 : index
      %get3A_244 = tpu.vector_load %arg11[%get3A_242, %get3A_243] {strides = array<i32>} : memref<64x128xf32, #tpu.memory_space<vmem>>, vector<1x16xf32>,
      %get3A_245 = vector.shape_cast %get3A_244 : vector<1x16xf32> to vector<16xf32>
      %get3A_246 = arith.index_cast %add3A_173 : i32 to index
      %get3A_247 = arith.constant 112 : index
      %get3A_248 = tpu.vector_load %arg12[%get3A_246, %get3A_247] {strides = array<i32>} : memref<64x128xf32, #tpu.memory_space<vmem>>, vector<1x16xf32>,
      %get3A_249 = vector.shape_cast %get3A_248 : vector<1x16xf32> to vector<16xf32>
      %mul3A_250 = arith.mulf %get3A_245, %get3A_249 : vector<16xf32>
      %add3A_251 = arith.addf %add3A_241, %mul3A_250 : vector<16xf32>
      %add3A_252 = arith.constant 256 : i32
      %add3A_253 = arith.addi %add3A_252, %add3A_173 : i32
      %swap3A = arith.index_cast %add3A_253 : i32 to index
      %swap3A_254 = arith.constant 0 : index
      %swap3A_255 = tpu.vector_load %arg15[%swap3A, %swap3A_254] {strides = array<i32>} : memref<512x16xf32, #tpu.memory_space<vmem>>, vector<1x16xf32>,
      %swap3A_256 = vector.shape_cast %swap3A_255 : vector<1x16xf32> to vector<16xf32>
      %swap3A_257 = vector.shape_cast %add3A_251 : vector<16xf32> to vector<1x16xf32>
      tpu.vector_store %arg15[%swap3A, %swap3A_254], %swap3A_257 {strides = array<i32>} : memref<512x16xf32, #tpu.memory_space<vmem>>, vector<1x16xf32>,
      %mul3A_258 = arith.constant 4 : i32
      %mul3A_259 = arith.muli %scan3A_168, %mul3A_258 : i32
      %add3A_260 = arith.constant 1 : i32
      %add3A_261 = arith.addi %mul3A_259, %add3A_260 : i32
      %get3A_262 = arith.index_cast %add3A_261 : i32 to index
      %get3A_263 = arith.constant 0 : index
      %get3A_264 = tpu.vector_load %arg11[%get3A_262, %get3A_263] {strides = array<i32>} : memref<64x128xf32, #tpu.memory_space<vmem>>, vector<1x16xf32>,
      %get3A_265 = vector.shape_cast %get3A_264 : vector<1x16xf32> to vector<16xf32>
      %get3A_266 = arith.index_cast %add3A_261 : i32 to index
      %get3A_267 = arith.constant 0 : index
      %get3A_268 = tpu.vector_load %arg12[%get3A_266, %get3A_267] {strides = array<i32>} : memref<64x128xf32, #tpu.memory_space<vmem>>, vector<1x16xf32>,
      %get3A_269 = vector.shape_cast %get3A_268 : vector<1x16xf32> to vector<16xf32>
      %mul3A_270 = arith.mulf %get3A_265, %get3A_269 : vector<16xf32>
      %get3A_271 = arith.index_cast %add3A_261 : i32 to index
      %get3A_272 = arith.constant 16 : index
      %get3A_273 = tpu.vector_load %arg11[%get3A_271, %get3A_272] {strides = array<i32>} : memref<64x128xf32, #tpu.memory_space<vmem>>, vector<1x16xf32>,
      %get3A_274 = vector.shape_cast %get3A_273 : vector<1x16xf32> to vector<16xf32>
      %get3A_275 = arith.index_cast %add3A_261 : i32 to index
      %get3A_276 = arith.constant 16 : index
      %get3A_277 = tpu.vector_load %arg12[%get3A_275, %get3A_276] {strides = array<i32>} : memref<64x128xf32, #tpu.memory_space<vmem>>, vector<1x16xf32>,
      %get3A_278 = vector.shape_cast %get3A_277 : vector<1x16xf32> to vector<16xf32>
      %mul3A_279 = arith.mulf %get3A_274, %get3A_278 : vector<16xf32>
      %add3A_280 = arith.addf %mul3A_270, %mul3A_279 : vector<16xf32>
      %get3A_281 = arith.index_cast %add3A_261 : i32 to index
      %get3A_282 = arith.constant 32 : index
      %get3A_283 = tpu.vector_load %arg11[%get3A_281, %get3A_282] {strides = array<i32>} : memref<64x128xf32, #tpu.memory_space<vmem>>, vector<1x16xf32>,
      %get3A_284 = vector.shape_cast %get3A_283 : vector<1x16xf32> to vector<16xf32>
      %get3A_285 = arith.index_cast %add3A_261 : i32 to index
      %get3A_286 = arith.constant 32 : index
      %get3A_287 = tpu.vector_load %arg12[%get3A_285, %get3A_286] {strides = array<i32>} : memref<64x128xf32, #tpu.memory_space<vmem>>, vector<1x16xf32>,
      %get3A_288 = vector.shape_cast %get3A_287 : vector<1x16xf32> to vector<16xf32>
      %mul3A_289 = arith.mulf %get3A_284, %get3A_288 : vector<16xf32>
      %add3A_290 = arith.addf %add3A_280, %mul3A_289 : vector<16xf32>
      %get3A_291 = arith.index_cast %add3A_261 : i32 to index
      %get3A_292 = arith.constant 48 : index
      %get3A_293 = tpu.vector_load %arg11[%get3A_291, %get3A_292] {strides = array<i32>} : memref<64x128xf32, #tpu.memory_space<vmem>>, vector<1x16xf32>,
      %get3A_294 = vector.shape_cast %get3A_293 : vector<1x16xf32> to vector<16xf32>
      %get3A_295 = arith.index_cast %add3A_261 : i32 to index
      %get3A_296 = arith.constant 48 : index
      %get3A_297 = tpu.vector_load %arg12[%get3A_295, %get3A_296] {strides = array<i32>} : memref<64x128xf32, #tpu.memory_space<vmem>>, vector<1x16xf32>,
      %get3A_298 = vector.shape_cast %get3A_297 : vector<1x16xf32> to vector<16xf32>
      %mul3A_299 = arith.mulf %get3A_294, %get3A_298 : vector<16xf32>
      %add3A_300 = arith.addf %add3A_290, %mul3A_299 : vector<16xf32>
      %get3A_301 = arith.index_cast %add3A_261 : i32 to index
      %get3A_302 = arith.constant 64 : index
      %get3A_303 = tpu.vector_load %arg11[%get3A_301, %get3A_302] {strides = array<i32>} : memref<64x128xf32, #tpu.memory_space<vmem>>, vector<1x16xf32>,
      %get3A_304 = vector.shape_cast %get3A_303 : vector<1x16xf32> to vector<16xf32>
      %get3A_305 = arith.index_cast %add3A_261 : i32 to index
      %get3A_306 = arith.constant 64 : index
      %get3A_307 = tpu.vector_load %arg12[%get3A_305, %get3A_306] {strides = array<i32>} : memref<64x128xf32, #tpu.memory_space<vmem>>, vector<1x16xf32>,
      %get3A_308 = vector.shape_cast %get3A_307 : vector<1x16xf32> to vector<16xf32>
      %mul3A_309 = arith.mulf %get3A_304, %get3A_308 : vector<16xf32>
      %add3A_310 = arith.addf %add3A_300, %mul3A_309 : vector<16xf32>
      %get3A_311 = arith.index_cast %add3A_261 : i32 to index
      %get3A_312 = arith.constant 80 : index
      %get3A_313 = tpu.vector_load %arg11[%get3A_311, %get3A_312] {strides = array<i32>} : memref<64x128xf32, #tpu.memory_space<vmem>>, vector<1x16xf32>,
      %get3A_314 = vector.shape_cast %get3A_313 : vector<1x16xf32> to vector<16xf32>
      %get3A_315 = arith.index_cast %add3A_261 : i32 to index
      %get3A_316 = arith.constant 80 : index
      %get3A_317 = tpu.vector_load %arg12[%get3A_315, %get3A_316] {strides = array<i32>} : memref<64x128xf32, #tpu.memory_space<vmem>>, vector<1x16xf32>,
      %get3A_318 = vector.shape_cast %get3A_317 : vector<1x16xf32> to vector<16xf32>
      %mul3A_319 = arith.mulf %get3A_314, %get3A_318 : vector<16xf32>
      %add3A_320 = arith.addf %add3A_310, %mul3A_319 : vector<16xf32>
      %get3A_321 = arith.index_cast %add3A_261 : i32 to index
      %get3A_322 = arith.constant 96 : index
      %get3A_323 = tpu.vector_load %arg11[%get3A_321, %get3A_322] {strides = array<i32>} : memref<64x128xf32, #tpu.memory_space<vmem>>, vector<1x16xf32>,
      %get3A_324 = vector.shape_cast %get3A_323 : vector<1x16xf32> to vector<16xf32>
      %get3A_325 = arith.index_cast %add3A_261 : i32 to index
      %get3A_326 = arith.constant 96 : index
      %get3A_327 = tpu.vector_load %arg12[%get3A_325, %get3A_326] {strides = array<i32>} : memref<64x128xf32, #tpu.memory_space<vmem>>, vector<1x16xf32>,
      %get3A_328 = vector.shape_cast %get3A_327 : vector<1x16xf32> to vector<16xf32>
      %mul3A_329 = arith.mulf %get3A_324, %get3A_328 : vector<16xf32>
      %add3A_330 = arith.addf %add3A_320, %mul3A_329 : vector<16xf32>
      %get3A_331 = arith.index_cast %add3A_261 : i32 to index
      %get3A_332 = arith.constant 112 : index
      %get3A_333 = tpu.vector_load %arg11[%get3A_331, %get3A_332] {strides = array<i32>} : memref<64x128xf32, #tpu.memory_space<vmem>>, vector<1x16xf32>,
      %get3A_334 = vector.shape_cast %get3A_333 : vector<1x16xf32> to vector<16xf32>
      %get3A_335 = arith.index_cast %add3A_261 : i32 to index
      %get3A_336 = arith.constant 112 : index
      %get3A_337 = tpu.vector_load %arg12[%get3A_335, %get3A_336] {strides = array<i32>} : memref<64x128xf32, #tpu.memory_space<vmem>>, vector<1x16xf32>,
      %get3A_338 = vector.shape_cast %get3A_337 : vector<1x16xf32> to vector<16xf32>
      %mul3A_339 = arith.mulf %get3A_334, %get3A_338 : vector<16xf32>
      %add3A_340 = arith.addf %add3A_330, %mul3A_339 : vector<16xf32>
      %add3A_341 = arith.constant 256 : i32
      %add3A_342 = arith.addi %add3A_341, %add3A_261 : i32
      %swap3A_343 = arith.index_cast %add3A_342 : i32 to index
      %swap3A_344 = arith.constant 0 : index
      %swap3A_345 = tpu.vector_load %arg15[%swap3A_343, %swap3A_344] {strides = array<i32>} : memref<512x16xf32, #tpu.memory_space<vmem>>, vector<1x16xf32>,
      %swap3A_346 = vector.shape_cast %swap3A_345 : vector<1x16xf32> to vector<16xf32>
      %swap3A_347 = vector.shape_cast %add3A_340 : vector<16xf32> to vector<1x16xf32>
      tpu.vector_store %arg15[%swap3A_343, %swap3A_344], %swap3A_347 {strides = array<i32>} : memref<512x16xf32, #tpu.memory_space<vmem>>, vector<1x16xf32>,
      %mul3A_348 = arith.constant 4 : i32
      %mul3A_349 = arith.muli %scan3A_168, %mul3A_348 : i32
      %add3A_350 = arith.constant 2 : i32
      %add3A_351 = arith.addi %mul3A_349, %add3A_350 : i32
      %get3A_352 = arith.index_cast %add3A_351 : i32 to index
      %get3A_353 = arith.constant 0 : index
      %get3A_354 = tpu.vector_load %arg11[%get3A_352, %get3A_353] {strides = array<i32>} : memref<64x128xf32, #tpu.memory_space<vmem>>, vector<1x16xf32>,
      %get3A_355 = vector.shape_cast %get3A_354 : vector<1x16xf32> to vector<16xf32>
      %get3A_356 = arith.index_cast %add3A_351 : i32 to index
      %get3A_357 = arith.constant 0 : index
      %get3A_358 = tpu.vector_load %arg12[%get3A_356, %get3A_357] {strides = array<i32>} : memref<64x128xf32, #tpu.memory_space<vmem>>, vector<1x16xf32>,
      %get3A_359 = vector.shape_cast %get3A_358 : vector<1x16xf32> to vector<16xf32>
      %mul3A_360 = arith.mulf %get3A_355, %get3A_359 : vector<16xf32>
      %get3A_361 = arith.index_cast %add3A_351 : i32 to index
      %get3A_362 = arith.constant 16 : index
      %get3A_363 = tpu.vector_load %arg11[%get3A_361, %get3A_362] {strides = array<i32>} : memref<64x128xf32, #tpu.memory_space<vmem>>, vector<1x16xf32>,
      %get3A_364 = vector.shape_cast %get3A_363 : vector<1x16xf32> to vector<16xf32>
      %get3A_365 = arith.index_cast %add3A_351 : i32 to index
      %get3A_366 = arith.constant 16 : index
      %get3A_367 = tpu.vector_load %arg12[%get3A_365, %get3A_366] {strides = array<i32>} : memref<64x128xf32, #tpu.memory_space<vmem>>, vector<1x16xf32>,
      %get3A_368 = vector.shape_cast %get3A_367 : vector<1x16xf32> to vector<16xf32>
      %mul3A_369 = arith.mulf %get3A_364, %get3A_368 : vector<16xf32>
      %add3A_370 = arith.addf %mul3A_360, %mul3A_369 : vector<16xf32>
      %get3A_371 = arith.index_cast %add3A_351 : i32 to index
      %get3A_372 = arith.constant 32 : index
      %get3A_373 = tpu.vector_load %arg11[%get3A_371, %get3A_372] {strides = array<i32>} : memref<64x128xf32, #tpu.memory_space<vmem>>, vector<1x16xf32>,
      %get3A_374 = vector.shape_cast %get3A_373 : vector<1x16xf32> to vector<16xf32>
      %get3A_375 = arith.index_cast %add3A_351 : i32 to index
      %get3A_376 = arith.constant 32 : index
      %get3A_377 = tpu.vector_load %arg12[%get3A_375, %get3A_376] {strides = array<i32>} : memref<64x128xf32, #tpu.memory_space<vmem>>, vector<1x16xf32>,
      %get3A_378 = vector.shape_cast %get3A_377 : vector<1x16xf32> to vector<16xf32>
      %mul3A_379 = arith.mulf %get3A_374, %get3A_378 : vector<16xf32>
      %add3A_380 = arith.addf %add3A_370, %mul3A_379 : vector<16xf32>
      %get3A_381 = arith.index_cast %add3A_351 : i32 to index
      %get3A_382 = arith.constant 48 : index
      %get3A_383 = tpu.vector_load %arg11[%get3A_381, %get3A_382] {strides = array<i32>} : memref<64x128xf32, #tpu.memory_space<vmem>>, vector<1x16xf32>,
      %get3A_384 = vector.shape_cast %get3A_383 : vector<1x16xf32> to vector<16xf32>
      %get3A_385 = arith.index_cast %add3A_351 : i32 to index
      %get3A_386 = arith.constant 48 : index
      %get3A_387 = tpu.vector_load %arg12[%get3A_385, %get3A_386] {strides = array<i32>} : memref<64x128xf32, #tpu.memory_space<vmem>>, vector<1x16xf32>,
      %get3A_388 = vector.shape_cast %get3A_387 : vector<1x16xf32> to vector<16xf32>
      %mul3A_389 = arith.mulf %get3A_384, %get3A_388 : vector<16xf32>
      %add3A_390 = arith.addf %add3A_380, %mul3A_389 : vector<16xf32>
      %get3A_391 = arith.index_cast %add3A_351 : i32 to index
      %get3A_392 = arith.constant 64 : index
      %get3A_393 = tpu.vector_load %arg11[%get3A_391, %get3A_392] {strides = array<i32>} : memref<64x128xf32, #tpu.memory_space<vmem>>, vector<1x16xf32>,
      %get3A_394 = vector.shape_cast %get3A_393 : vector<1x16xf32> to vector<16xf32>
      %get3A_395 = arith.index_cast %add3A_351 : i32 to index
      %get3A_396 = arith.constant 64 : index
      %get3A_397 = tpu.vector_load %arg12[%get3A_395, %get3A_396] {strides = array<i32>} : memref<64x128xf32, #tpu.memory_space<vmem>>, vector<1x16xf32>,
      %get3A_398 = vector.shape_cast %get3A_397 : vector<1x16xf32> to vector<16xf32>
      %mul3A_399 = arith.mulf %get3A_394, %get3A_398 : vector<16xf32>
      %add3A_400 = arith.addf %add3A_390, %mul3A_399 : vector<16xf32>
      %get3A_401 = arith.index_cast %add3A_351 : i32 to index
      %get3A_402 = arith.constant 80 : index
      %get3A_403 = tpu.vector_load %arg11[%get3A_401, %get3A_402] {strides = array<i32>} : memref<64x128xf32, #tpu.memory_space<vmem>>, vector<1x16xf32>,
      %get3A_404 = vector.shape_cast %get3A_403 : vector<1x16xf32> to vector<16xf32>
      %get3A_405 = arith.index_cast %add3A_351 : i32 to index
      %get3A_406 = arith.constant 80 : index
      %get3A_407 = tpu.vector_load %arg12[%get3A_405, %get3A_406] {strides = array<i32>} : memref<64x128xf32, #tpu.memory_space<vmem>>, vector<1x16xf32>,
      %get3A_408 = vector.shape_cast %get3A_407 : vector<1x16xf32> to vector<16xf32>
      %mul3A_409 = arith.mulf %get3A_404, %get3A_408 : vector<16xf32>
      %add3A_410 = arith.addf %add3A_400, %mul3A_409 : vector<16xf32>
      %get3A_411 = arith.index_cast %add3A_351 : i32 to index
      %get3A_412 = arith.constant 96 : index
      %get3A_413 = tpu.vector_load %arg11[%get3A_411, %get3A_412] {strides = array<i32>} : memref<64x128xf32, #tpu.memory_space<vmem>>, vector<1x16xf32>,
      %get3A_414 = vector.shape_cast %get3A_413 : vector<1x16xf32> to vector<16xf32>
      %get3A_415 = arith.index_cast %add3A_351 : i32 to index
      %get3A_416 = arith.constant 96 : index
      %get3A_417 = tpu.vector_load %arg12[%get3A_415, %get3A_416] {strides = array<i32>} : memref<64x128xf32, #tpu.memory_space<vmem>>, vector<1x16xf32>,
      %get3A_418 = vector.shape_cast %get3A_417 : vector<1x16xf32> to vector<16xf32>
      %mul3A_419 = arith.mulf %get3A_414, %get3A_418 : vector<16xf32>
      %add3A_420 = arith.addf %add3A_410, %mul3A_419 : vector<16xf32>
      %get3A_421 = arith.index_cast %add3A_351 : i32 to index
      %get3A_422 = arith.constant 112 : index
      %get3A_423 = tpu.vector_load %arg11[%get3A_421, %get3A_422] {strides = array<i32>} : memref<64x128xf32, #tpu.memory_space<vmem>>, vector<1x16xf32>,
      %get3A_424 = vector.shape_cast %get3A_423 : vector<1x16xf32> to vector<16xf32>
      %get3A_425 = arith.index_cast %add3A_351 : i32 to index
      %get3A_426 = arith.constant 112 : index
      %get3A_427 = tpu.vector_load %arg12[%get3A_425, %get3A_426] {strides = array<i32>} : memref<64x128xf32, #tpu.memory_space<vmem>>, vector<1x16xf32>,
      %get3A_428 = vector.shape_cast %get3A_427 : vector<1x16xf32> to vector<16xf32>
      %mul3A_429 = arith.mulf %get3A_424, %get3A_428 : vector<16xf32>
      %add3A_430 = arith.addf %add3A_420, %mul3A_429 : vector<16xf32>
      %add3A_431 = arith.constant 256 : i32
      %add3A_432 = arith.addi %add3A_431, %add3A_351 : i32
      %swap3A_433 = arith.index_cast %add3A_432 : i32 to index
      %swap3A_434 = arith.constant 0 : index
      %swap3A_435 = tpu.vector_load %arg15[%swap3A_433, %swap3A_434] {strides = array<i32>} : memref<512x16xf32, #tpu.memory_space<vmem>>, vector<1x16xf32>,
      %swap3A_436 = vector.shape_cast %swap3A_435 : vector<1x16xf32> to vector<16xf32>
      %swap3A_437 = vector.shape_cast %add3A_430 : vector<16xf32> to vector<1x16xf32>
      tpu.vector_store %arg15[%swap3A_433, %swap3A_434], %swap3A_437 {strides = array<i32>} : memref<512x16xf32, #tpu.memory_space<vmem>>, vector<1x16xf32>,
      %mul3A_438 = arith.constant 4 : i32
      %mul3A_439 = arith.muli %scan3A_168, %mul3A_438 : i32
      %add3A_440 = arith.constant 3 : i32
      %add3A_441 = arith.addi %mul3A_439, %add3A_440 : i32
      %get3A_442 = arith.index_cast %add3A_441 : i32 to index
      %get3A_443 = arith.constant 0 : index
      %get3A_444 = tpu.vector_load %arg11[%get3A_442, %get3A_443] {strides = array<i32>} : memref<64x128xf32, #tpu.memory_space<vmem>>, vector<1x16xf32>,
      %get3A_445 = vector.shape_cast %get3A_444 : vector<1x16xf32> to vector<16xf32>
      %get3A_446 = arith.index_cast %add3A_441 : i32 to index
      %get3A_447 = arith.constant 0 : index
      %get3A_448 = tpu.vector_load %arg12[%get3A_446, %get3A_447] {strides = array<i32>} : memref<64x128xf32, #tpu.memory_space<vmem>>, vector<1x16xf32>,
      %get3A_449 = vector.shape_cast %get3A_448 : vector<1x16xf32> to vector<16xf32>
      %mul3A_450 = arith.mulf %get3A_445, %get3A_449 : vector<16xf32>
      %get3A_451 = arith.index_cast %add3A_441 : i32 to index
      %get3A_452 = arith.constant 16 : index
      %get3A_453 = tpu.vector_load %arg11[%get3A_451, %get3A_452] {strides = array<i32>} : memref<64x128xf32, #tpu.memory_space<vmem>>, vector<1x16xf32>,
      %get3A_454 = vector.shape_cast %get3A_453 : vector<1x16xf32> to vector<16xf32>
      %get3A_455 = arith.index_cast %add3A_441 : i32 to index
      %get3A_456 = arith.constant 16 : index
      %get3A_457 = tpu.vector_load %arg12[%get3A_455, %get3A_456] {strides = array<i32>} : memref<64x128xf32, #tpu.memory_space<vmem>>, vector<1x16xf32>,
      %get3A_458 = vector.shape_cast %get3A_457 : vector<1x16xf32> to vector<16xf32>
      %mul3A_459 = arith.mulf %get3A_454, %get3A_458 : vector<16xf32>
      %add3A_460 = arith.addf %mul3A_450, %mul3A_459 : vector<16xf32>
      %get3A_461 = arith.index_cast %add3A_441 : i32 to index
      %get3A_462 = arith.constant 32 : index
      %get3A_463 = tpu.vector_load %arg11[%get3A_461, %get3A_462] {strides = array<i32>} : memref<64x128xf32, #tpu.memory_space<vmem>>, vector<1x16xf32>,
      %get3A_464 = vector.shape_cast %get3A_463 : vector<1x16xf32> to vector<16xf32>
      %get3A_465 = arith.index_cast %add3A_441 : i32 to index
      %get3A_466 = arith.constant 32 : index
      %get3A_467 = tpu.vector_load %arg12[%get3A_465, %get3A_466] {strides = array<i32>} : memref<64x128xf32, #tpu.memory_space<vmem>>, vector<1x16xf32>,
      %get3A_468 = vector.shape_cast %get3A_467 : vector<1x16xf32> to vector<16xf32>
      %mul3A_469 = arith.mulf %get3A_464, %get3A_468 : vector<16xf32>
      %add3A_470 = arith.addf %add3A_460, %mul3A_469 : vector<16xf32>
      %get3A_471 = arith.index_cast %add3A_441 : i32 to index
      %get3A_472 = arith.constant 48 : index
      %get3A_473 = tpu.vector_load %arg11[%get3A_471, %get3A_472] {strides = array<i32>} : memref<64x128xf32, #tpu.memory_space<vmem>>, vector<1x16xf32>,
      %get3A_474 = vector.shape_cast %get3A_473 : vector<1x16xf32> to vector<16xf32>
      %get3A_475 = arith.index_cast %add3A_441 : i32 to index
      %get3A_476 = arith.constant 48 : index
      %get3A_477 = tpu.vector_load %arg12[%get3A_475, %get3A_476] {strides = array<i32>} : memref<64x128xf32, #tpu.memory_space<vmem>>, vector<1x16xf32>,
      %get3A_478 = vector.shape_cast %get3A_477 : vector<1x16xf32> to vector<16xf32>
      %mul3A_479 = arith.mulf %get3A_474, %get3A_478 : vector<16xf32>
      %add3A_480 = arith.addf %add3A_470, %mul3A_479 : vector<16xf32>
      %get3A_481 = arith.index_cast %add3A_441 : i32 to index
      %get3A_482 = arith.constant 64 : index
      %get3A_483 = tpu.vector_load %arg11[%get3A_481, %get3A_482] {strides = array<i32>} : memref<64x128xf32, #tpu.memory_space<vmem>>, vector<1x16xf32>,
      %get3A_484 = vector.shape_cast %get3A_483 : vector<1x16xf32> to vector<16xf32>
      %get3A_485 = arith.index_cast %add3A_441 : i32 to index
      %get3A_486 = arith.constant 64 : index
      %get3A_487 = tpu.vector_load %arg12[%get3A_485, %get3A_486] {strides = array<i32>} : memref<64x128xf32, #tpu.memory_space<vmem>>, vector<1x16xf32>,
      %get3A_488 = vector.shape_cast %get3A_487 : vector<1x16xf32> to vector<16xf32>
      %mul3A_489 = arith.mulf %get3A_484, %get3A_488 : vector<16xf32>
      %add3A_490 = arith.addf %add3A_480, %mul3A_489 : vector<16xf32>
      %get3A_491 = arith.index_cast %add3A_441 : i32 to index
      %get3A_492 = arith.constant 80 : index
      %get3A_493 = tpu.vector_load %arg11[%get3A_491, %get3A_492] {strides = array<i32>} : memref<64x128xf32, #tpu.memory_space<vmem>>, vector<1x16xf32>,
      %get3A_494 = vector.shape_cast %get3A_493 : vector<1x16xf32> to vector<16xf32>
      %get3A_495 = arith.index_cast %add3A_441 : i32 to index
      %get3A_496 = arith.constant 80 : index
      %get3A_497 = tpu.vector_load %arg12[%get3A_495, %get3A_496] {strides = array<i32>} : memref<64x128xf32, #tpu.memory_space<vmem>>, vector<1x16xf32>,
      %get3A_498 = vector.shape_cast %get3A_497 : vector<1x16xf32> to vector<16xf32>
      %mul3A_499 = arith.mulf %get3A_494, %get3A_498 : vector<16xf32>
      %add3A_500 = arith.addf %add3A_490, %mul3A_499 : vector<16xf32>
      %get3A_501 = arith.index_cast %add3A_441 : i32 to index
      %get3A_502 = arith.constant 96 : index
      %get3A_503 = tpu.vector_load %arg11[%get3A_501, %get3A_502] {strides = array<i32>} : memref<64x128xf32, #tpu.memory_space<vmem>>, vector<1x16xf32>,
      %get3A_504 = vector.shape_cast %get3A_503 : vector<1x16xf32> to vector<16xf32>
      %get3A_505 = arith.index_cast %add3A_441 : i32 to index
      %get3A_506 = arith.constant 96 : index
      %get3A_507 = tpu.vector_load %arg12[%get3A_505, %get3A_506] {strides = array<i32>} : memref<64x128xf32, #tpu.memory_space<vmem>>, vector<1x16xf32>,
      %get3A_508 = vector.shape_cast %get3A_507 : vector<1x16xf32> to vector<16xf32>
      %mul3A_509 = arith.mulf %get3A_504, %get3A_508 : vector<16xf32>
      %add3A_510 = arith.addf %add3A_500, %mul3A_509 : vector<16xf32>
      %get3A_511 = arith.index_cast %add3A_441 : i32 to index
      %get3A_512 = arith.constant 112 : index
      %get3A_513 = tpu.vector_load %arg11[%get3A_511, %get3A_512] {strides = array<i32>} : memref<64x128xf32, #tpu.memory_space<vmem>>, vector<1x16xf32>,
      %get3A_514 = vector.shape_cast %get3A_513 : vector<1x16xf32> to vector<16xf32>
      %get3A_515 = arith.index_cast %add3A_441 : i32 to index
      %get3A_516 = arith.constant 112 : index
      %get3A_517 = tpu.vector_load %arg12[%get3A_515, %get3A_516] {strides = array<i32>} : memref<64x128xf32, #tpu.memory_space<vmem>>, vector<1x16xf32>,
      %get3A_518 = vector.shape_cast %get3A_517 : vector<1x16xf32> to vector<16xf32>
      %mul3A_519 = arith.mulf %get3A_514, %get3A_518 : vector<16xf32>
      %add3A_520 = arith.addf %add3A_510, %mul3A_519 : vector<16xf32>
      %add3A_521 = arith.constant 256 : i32
      %add3A_522 = arith.addi %add3A_521, %add3A_441 : i32
      %swap3A_523 = arith.index_cast %add3A_522 : i32 to index
      %swap3A_524 = arith.constant 0 : index
      %swap3A_525 = tpu.vector_load %arg15[%swap3A_523, %swap3A_524] {strides = array<i32>} : memref<512x16xf32, #tpu.memory_space<vmem>>, vector<1x16xf32>,
      %swap3A_526 = vector.shape_cast %swap3A_525 : vector<1x16xf32> to vector<16xf32>
      %swap3A_527 = vector.shape_cast %add3A_520 : vector<16xf32> to vector<1x16xf32>
      tpu.vector_store %arg15[%swap3A_523, %swap3A_524], %swap3A_527 {strides = array<i32>} : memref<512x16xf32, #tpu.memory_space<vmem>>, vector<1x16xf32>,
      %scan3A_528 = arith.constant 0 : i32
      scf.yield %scan3A_528 : i32
    }
    %scan3A_112 = arith.constant 16 : i32
    %add3A_113 = arith.constant 384 : i32
    %add3A_114 = arith.addi %mul3A_2, %add3A_113 : i32
    "tpu.region"() ({
      %run_scoped3A = tpu.sem_alloc : memref<!tpu.dma_semaphore, #tpu.memory_space<semaphore_mem>>
      %dma_start3A_168 = tpu.memref_slice %arg2[%add3A_114] : memref<16384xi32, #tpu.memory_space<hbm>> -> memref<64xi32, #tpu.memory_space<hbm>>
      %dma_start3A_169 = tpu.memref_slice %arg2[%add3A_114] : memref<16384xi32, #tpu.memory_space<hbm>> -> memref<64xi32, #tpu.memory_space<hbm>>
      tpu.enqueue_dma source(%dma_start3A_169 : memref<64xi32, #tpu.memory_space<hbm>>) target(%arg7 : memref<64xi32, #tpu.memory_space<vmem>>) target_semaphore(%run_scoped3A : memref<!tpu.dma_semaphore, #tpu.memory_space<semaphore_mem>>)
      %dma_wait3A_170 = tpu.memref_slice %arg2[%add3A_114] : memref<16384xi32, #tpu.memory_space<hbm>> -> memref<64xi32, #tpu.memory_space<hbm>>
      %dma_wait3A_171 = tpu.memref_slice %arg2[%add3A_114] : memref<16384xi32, #tpu.memory_space<hbm>> -> memref<64xi32, #tpu.memory_space<hbm>>
      tpu.wait_dma2 semaphore(%run_scoped3A : memref<!tpu.dma_semaphore, #tpu.memory_space<semaphore_mem>>) src(%dma_wait3A_171 : memref<64xi32, #tpu.memory_space<hbm>>) dst(%arg7 : memref<64xi32, #tpu.memory_space<vmem>>)
      tpu.yield
    }) : () -> ()
    "tpu.region"() ({
      %run_scoped3A = tpu.sem_alloc : memref<!tpu.dma_semaphore, #tpu.memory_space<semaphore_mem>>
      %dma_start3A_168 = tpu.memref_slice %arg3[%add3A_114] : memref<16384xi32, #tpu.memory_space<hbm>> -> memref<64xi32, #tpu.memory_space<hbm>>
      %dma_start3A_169 = tpu.memref_slice %arg3[%add3A_114] : memref<16384xi32, #tpu.memory_space<hbm>> -> memref<64xi32, #tpu.memory_space<hbm>>
      tpu.enqueue_dma source(%dma_start3A_169 : memref<64xi32, #tpu.memory_space<hbm>>) target(%arg8 : memref<64xi32, #tpu.memory_space<vmem>>) target_semaphore(%run_scoped3A : memref<!tpu.dma_semaphore, #tpu.memory_space<semaphore_mem>>)
      %dma_wait3A_170 = tpu.memref_slice %arg3[%add3A_114] : memref<16384xi32, #tpu.memory_space<hbm>> -> memref<64xi32, #tpu.memory_space<hbm>>
      %dma_wait3A_171 = tpu.memref_slice %arg3[%add3A_114] : memref<16384xi32, #tpu.memory_space<hbm>> -> memref<64xi32, #tpu.memory_space<hbm>>
      tpu.wait_dma2 semaphore(%run_scoped3A : memref<!tpu.dma_semaphore, #tpu.memory_space<semaphore_mem>>) src(%dma_wait3A_171 : memref<64xi32, #tpu.memory_space<hbm>>) dst(%arg8 : memref<64xi32, #tpu.memory_space<vmem>>)
      tpu.yield
    }) : () -> ()
    %dma_start3A_115 = arith.constant 0 : i32
    %dma_start3A_116 = arith.constant 0 : i32
    %dma_start3A_117 = tpu.memref_slice %arg4[%dma_start3A_115, %dma_start3A_116] : memref<100000x128xf32, #tpu.memory_space<hbm>> -> memref<100000x128xf32, #tpu.memory_space<hbm>>
    tpu.enqueue_indirect_dma source(%dma_start3A_117 : memref<100000x128xf32, #tpu.memory_space<hbm>>) target(%arg11 : memref<64x128xf32, #tpu.memory_space<vmem>>) offsets(%arg7 : memref<64xi32, #tpu.memory_space<vmem>>) semaphore(%arg16 : memref<!tpu.dma_semaphore, #tpu.memory_space<semaphore_mem>>)
    %dma_start3A_118 = arith.constant 0 : i32
    %dma_start3A_119 = arith.constant 0 : i32
    %dma_start3A_120 = tpu.memref_slice %arg5[%dma_start3A_118, %dma_start3A_119] : memref<100000x128xf32, #tpu.memory_space<hbm>> -> memref<100000x128xf32, #tpu.memory_space<hbm>>
    tpu.enqueue_indirect_dma source(%dma_start3A_120 : memref<100000x128xf32, #tpu.memory_space<hbm>>) target(%arg12 : memref<64x128xf32, #tpu.memory_space<vmem>>) offsets(%arg8 : memref<64xi32, #tpu.memory_space<vmem>>) semaphore(%arg16 : memref<!tpu.dma_semaphore, #tpu.memory_space<semaphore_mem>>)
    %dma_wait3A_121 = arith.constant 0 : i32
    %dma_wait3A_122 = arith.constant 0 : i32
    %dma_wait3A_123 = tpu.memref_slice %arg4[%dma_wait3A_121, %dma_wait3A_122] : memref<100000x128xf32, #tpu.memory_space<hbm>> -> memref<100000x128xf32, #tpu.memory_space<hbm>>
    tpu.wait_indirect_dma semaphore(%arg17 : memref<!tpu.dma_semaphore, #tpu.memory_space<semaphore_mem>>) src(%dma_wait3A_123 : memref<100000x128xf32, #tpu.memory_space<hbm>>) dst(%arg13 : memref<64x128xf32, #tpu.memory_space<vmem>>)
    %dma_wait3A_124 = arith.constant 0 : i32
    %dma_wait3A_125 = arith.constant 0 : i32
    %dma_wait3A_126 = tpu.memref_slice %arg5[%dma_wait3A_124, %dma_wait3A_125] : memref<100000x128xf32, #tpu.memory_space<hbm>> -> memref<100000x128xf32, #tpu.memory_space<hbm>>
    tpu.wait_indirect_dma semaphore(%arg17 : memref<!tpu.dma_semaphore, #tpu.memory_space<semaphore_mem>>) src(%dma_wait3A_126 : memref<100000x128xf32, #tpu.memory_space<hbm>>) dst(%arg14 : memref<64x128xf32, #tpu.memory_space<vmem>>)
    %scan3A_127 = arith.constant 0 : i32
    %scan3A_128 = arith.constant 0 : i32
    %scan3A_129 = arith.constant 16 : i32
    %scan3A_130 = arith.addi %scan3A_128, %scan3A_129 : i32
    %scan3A_131 = arith.constant 1 : i32
    %scan3A_132 = scf.for %scan3A_168 = %scan3A_128 to %scan3A_130 step %scan3A_131 iter_args(%scan3A_169 = %scan3A_127) -> (i32)  : i32 {
      %mul3A_170 = arith.constant 4 : i32
      %mul3A_171 = arith.muli %scan3A_168, %mul3A_170 : i32
      %add3A_172 = arith.constant 0 : i32
      %add3A_173 = arith.addi %mul3A_171, %add3A_172 : i32
      %get3A = arith.index_cast %add3A_173 : i32 to index
      %get3A_174 = arith.constant 0 : index
      %get3A_175 = tpu.vector_load %arg13[%get3A, %get3A_174] {strides = array<i32>} : memref<64x128xf32, #tpu.memory_space<vmem>>, vector<1x16xf32>,
      %get3A_176 = vector.shape_cast %get3A_175 : vector<1x16xf32> to vector<16xf32>
      %get3A_177 = arith.index_cast %add3A_173 : i32 to index
      %get3A_178 = arith.constant 0 : index
      %get3A_179 = tpu.vector_load %arg14[%get3A_177, %get3A_178] {strides = array<i32>} : memref<64x128xf32, #tpu.memory_space<vmem>>, vector<1x16xf32>,
      %get3A_180 = vector.shape_cast %get3A_179 : vector<1x16xf32> to vector<16xf32>
      %mul3A_181 = arith.mulf %get3A_176, %get3A_180 : vector<16xf32>
      %get3A_182 = arith.index_cast %add3A_173 : i32 to index
      %get3A_183 = arith.constant 16 : index
      %get3A_184 = tpu.vector_load %arg13[%get3A_182, %get3A_183] {strides = array<i32>} : memref<64x128xf32, #tpu.memory_space<vmem>>, vector<1x16xf32>,
      %get3A_185 = vector.shape_cast %get3A_184 : vector<1x16xf32> to vector<16xf32>
      %get3A_186 = arith.index_cast %add3A_173 : i32 to index
      %get3A_187 = arith.constant 16 : index
      %get3A_188 = tpu.vector_load %arg14[%get3A_186, %get3A_187] {strides = array<i32>} : memref<64x128xf32, #tpu.memory_space<vmem>>, vector<1x16xf32>,
      %get3A_189 = vector.shape_cast %get3A_188 : vector<1x16xf32> to vector<16xf32>
      %mul3A_190 = arith.mulf %get3A_185, %get3A_189 : vector<16xf32>
      %add3A_191 = arith.addf %mul3A_181, %mul3A_190 : vector<16xf32>
      %get3A_192 = arith.index_cast %add3A_173 : i32 to index
      %get3A_193 = arith.constant 32 : index
      %get3A_194 = tpu.vector_load %arg13[%get3A_192, %get3A_193] {strides = array<i32>} : memref<64x128xf32, #tpu.memory_space<vmem>>, vector<1x16xf32>,
      %get3A_195 = vector.shape_cast %get3A_194 : vector<1x16xf32> to vector<16xf32>
      %get3A_196 = arith.index_cast %add3A_173 : i32 to index
      %get3A_197 = arith.constant 32 : index
      %get3A_198 = tpu.vector_load %arg14[%get3A_196, %get3A_197] {strides = array<i32>} : memref<64x128xf32, #tpu.memory_space<vmem>>, vector<1x16xf32>,
      %get3A_199 = vector.shape_cast %get3A_198 : vector<1x16xf32> to vector<16xf32>
      %mul3A_200 = arith.mulf %get3A_195, %get3A_199 : vector<16xf32>
      %add3A_201 = arith.addf %add3A_191, %mul3A_200 : vector<16xf32>
      %get3A_202 = arith.index_cast %add3A_173 : i32 to index
      %get3A_203 = arith.constant 48 : index
      %get3A_204 = tpu.vector_load %arg13[%get3A_202, %get3A_203] {strides = array<i32>} : memref<64x128xf32, #tpu.memory_space<vmem>>, vector<1x16xf32>,
      %get3A_205 = vector.shape_cast %get3A_204 : vector<1x16xf32> to vector<16xf32>
      %get3A_206 = arith.index_cast %add3A_173 : i32 to index
      %get3A_207 = arith.constant 48 : index
      %get3A_208 = tpu.vector_load %arg14[%get3A_206, %get3A_207] {strides = array<i32>} : memref<64x128xf32, #tpu.memory_space<vmem>>, vector<1x16xf32>,
      %get3A_209 = vector.shape_cast %get3A_208 : vector<1x16xf32> to vector<16xf32>
      %mul3A_210 = arith.mulf %get3A_205, %get3A_209 : vector<16xf32>
      %add3A_211 = arith.addf %add3A_201, %mul3A_210 : vector<16xf32>
      %get3A_212 = arith.index_cast %add3A_173 : i32 to index
      %get3A_213 = arith.constant 64 : index
      %get3A_214 = tpu.vector_load %arg13[%get3A_212, %get3A_213] {strides = array<i32>} : memref<64x128xf32, #tpu.memory_space<vmem>>, vector<1x16xf32>,
      %get3A_215 = vector.shape_cast %get3A_214 : vector<1x16xf32> to vector<16xf32>
      %get3A_216 = arith.index_cast %add3A_173 : i32 to index
      %get3A_217 = arith.constant 64 : index
      %get3A_218 = tpu.vector_load %arg14[%get3A_216, %get3A_217] {strides = array<i32>} : memref<64x128xf32, #tpu.memory_space<vmem>>, vector<1x16xf32>,
      %get3A_219 = vector.shape_cast %get3A_218 : vector<1x16xf32> to vector<16xf32>
      %mul3A_220 = arith.mulf %get3A_215, %get3A_219 : vector<16xf32>
      %add3A_221 = arith.addf %add3A_211, %mul3A_220 : vector<16xf32>
      %get3A_222 = arith.index_cast %add3A_173 : i32 to index
      %get3A_223 = arith.constant 80 : index
      %get3A_224 = tpu.vector_load %arg13[%get3A_222, %get3A_223] {strides = array<i32>} : memref<64x128xf32, #tpu.memory_space<vmem>>, vector<1x16xf32>,
      %get3A_225 = vector.shape_cast %get3A_224 : vector<1x16xf32> to vector<16xf32>
      %get3A_226 = arith.index_cast %add3A_173 : i32 to index
      %get3A_227 = arith.constant 80 : index
      %get3A_228 = tpu.vector_load %arg14[%get3A_226, %get3A_227] {strides = array<i32>} : memref<64x128xf32, #tpu.memory_space<vmem>>, vector<1x16xf32>,
      %get3A_229 = vector.shape_cast %get3A_228 : vector<1x16xf32> to vector<16xf32>
      %mul3A_230 = arith.mulf %get3A_225, %get3A_229 : vector<16xf32>
      %add3A_231 = arith.addf %add3A_221, %mul3A_230 : vector<16xf32>
      %get3A_232 = arith.index_cast %add3A_173 : i32 to index
      %get3A_233 = arith.constant 96 : index
      %get3A_234 = tpu.vector_load %arg13[%get3A_232, %get3A_233] {strides = array<i32>} : memref<64x128xf32, #tpu.memory_space<vmem>>, vector<1x16xf32>,
      %get3A_235 = vector.shape_cast %get3A_234 : vector<1x16xf32> to vector<16xf32>
      %get3A_236 = arith.index_cast %add3A_173 : i32 to index
      %get3A_237 = arith.constant 96 : index
      %get3A_238 = tpu.vector_load %arg14[%get3A_236, %get3A_237] {strides = array<i32>} : memref<64x128xf32, #tpu.memory_space<vmem>>, vector<1x16xf32>,
      %get3A_239 = vector.shape_cast %get3A_238 : vector<1x16xf32> to vector<16xf32>
      %mul3A_240 = arith.mulf %get3A_235, %get3A_239 : vector<16xf32>
      %add3A_241 = arith.addf %add3A_231, %mul3A_240 : vector<16xf32>
      %get3A_242 = arith.index_cast %add3A_173 : i32 to index
      %get3A_243 = arith.constant 112 : index
      %get3A_244 = tpu.vector_load %arg13[%get3A_242, %get3A_243] {strides = array<i32>} : memref<64x128xf32, #tpu.memory_space<vmem>>, vector<1x16xf32>,
      %get3A_245 = vector.shape_cast %get3A_244 : vector<1x16xf32> to vector<16xf32>
      %get3A_246 = arith.index_cast %add3A_173 : i32 to index
      %get3A_247 = arith.constant 112 : index
      %get3A_248 = tpu.vector_load %arg14[%get3A_246, %get3A_247] {strides = array<i32>} : memref<64x128xf32, #tpu.memory_space<vmem>>, vector<1x16xf32>,
      %get3A_249 = vector.shape_cast %get3A_248 : vector<1x16xf32> to vector<16xf32>
      %mul3A_250 = arith.mulf %get3A_245, %get3A_249 : vector<16xf32>
      %add3A_251 = arith.addf %add3A_241, %mul3A_250 : vector<16xf32>
      %add3A_252 = arith.constant 320 : i32
      %add3A_253 = arith.addi %add3A_252, %add3A_173 : i32
      %swap3A = arith.index_cast %add3A_253 : i32 to index
      %swap3A_254 = arith.constant 0 : index
      %swap3A_255 = tpu.vector_load %arg15[%swap3A, %swap3A_254] {strides = array<i32>} : memref<512x16xf32, #tpu.memory_space<vmem>>, vector<1x16xf32>,
      %swap3A_256 = vector.shape_cast %swap3A_255 : vector<1x16xf32> to vector<16xf32>
      %swap3A_257 = vector.shape_cast %add3A_251 : vector<16xf32> to vector<1x16xf32>
      tpu.vector_store %arg15[%swap3A, %swap3A_254], %swap3A_257 {strides = array<i32>} : memref<512x16xf32, #tpu.memory_space<vmem>>, vector<1x16xf32>,
      %mul3A_258 = arith.constant 4 : i32
      %mul3A_259 = arith.muli %scan3A_168, %mul3A_258 : i32
      %add3A_260 = arith.constant 1 : i32
      %add3A_261 = arith.addi %mul3A_259, %add3A_260 : i32
      %get3A_262 = arith.index_cast %add3A_261 : i32 to index
      %get3A_263 = arith.constant 0 : index
      %get3A_264 = tpu.vector_load %arg13[%get3A_262, %get3A_263] {strides = array<i32>} : memref<64x128xf32, #tpu.memory_space<vmem>>, vector<1x16xf32>,
      %get3A_265 = vector.shape_cast %get3A_264 : vector<1x16xf32> to vector<16xf32>
      %get3A_266 = arith.index_cast %add3A_261 : i32 to index
      %get3A_267 = arith.constant 0 : index
      %get3A_268 = tpu.vector_load %arg14[%get3A_266, %get3A_267] {strides = array<i32>} : memref<64x128xf32, #tpu.memory_space<vmem>>, vector<1x16xf32>,
      %get3A_269 = vector.shape_cast %get3A_268 : vector<1x16xf32> to vector<16xf32>
      %mul3A_270 = arith.mulf %get3A_265, %get3A_269 : vector<16xf32>
      %get3A_271 = arith.index_cast %add3A_261 : i32 to index
      %get3A_272 = arith.constant 16 : index
      %get3A_273 = tpu.vector_load %arg13[%get3A_271, %get3A_272] {strides = array<i32>} : memref<64x128xf32, #tpu.memory_space<vmem>>, vector<1x16xf32>,
      %get3A_274 = vector.shape_cast %get3A_273 : vector<1x16xf32> to vector<16xf32>
      %get3A_275 = arith.index_cast %add3A_261 : i32 to index
      %get3A_276 = arith.constant 16 : index
      %get3A_277 = tpu.vector_load %arg14[%get3A_275, %get3A_276] {strides = array<i32>} : memref<64x128xf32, #tpu.memory_space<vmem>>, vector<1x16xf32>,
      %get3A_278 = vector.shape_cast %get3A_277 : vector<1x16xf32> to vector<16xf32>
      %mul3A_279 = arith.mulf %get3A_274, %get3A_278 : vector<16xf32>
      %add3A_280 = arith.addf %mul3A_270, %mul3A_279 : vector<16xf32>
      %get3A_281 = arith.index_cast %add3A_261 : i32 to index
      %get3A_282 = arith.constant 32 : index
      %get3A_283 = tpu.vector_load %arg13[%get3A_281, %get3A_282] {strides = array<i32>} : memref<64x128xf32, #tpu.memory_space<vmem>>, vector<1x16xf32>,
      %get3A_284 = vector.shape_cast %get3A_283 : vector<1x16xf32> to vector<16xf32>
      %get3A_285 = arith.index_cast %add3A_261 : i32 to index
      %get3A_286 = arith.constant 32 : index
      %get3A_287 = tpu.vector_load %arg14[%get3A_285, %get3A_286] {strides = array<i32>} : memref<64x128xf32, #tpu.memory_space<vmem>>, vector<1x16xf32>,
      %get3A_288 = vector.shape_cast %get3A_287 : vector<1x16xf32> to vector<16xf32>
      %mul3A_289 = arith.mulf %get3A_284, %get3A_288 : vector<16xf32>
      %add3A_290 = arith.addf %add3A_280, %mul3A_289 : vector<16xf32>
      %get3A_291 = arith.index_cast %add3A_261 : i32 to index
      %get3A_292 = arith.constant 48 : index
      %get3A_293 = tpu.vector_load %arg13[%get3A_291, %get3A_292] {strides = array<i32>} : memref<64x128xf32, #tpu.memory_space<vmem>>, vector<1x16xf32>,
      %get3A_294 = vector.shape_cast %get3A_293 : vector<1x16xf32> to vector<16xf32>
      %get3A_295 = arith.index_cast %add3A_261 : i32 to index
      %get3A_296 = arith.constant 48 : index
      %get3A_297 = tpu.vector_load %arg14[%get3A_295, %get3A_296] {strides = array<i32>} : memref<64x128xf32, #tpu.memory_space<vmem>>, vector<1x16xf32>,
      %get3A_298 = vector.shape_cast %get3A_297 : vector<1x16xf32> to vector<16xf32>
      %mul3A_299 = arith.mulf %get3A_294, %get3A_298 : vector<16xf32>
      %add3A_300 = arith.addf %add3A_290, %mul3A_299 : vector<16xf32>
      %get3A_301 = arith.index_cast %add3A_261 : i32 to index
      %get3A_302 = arith.constant 64 : index
      %get3A_303 = tpu.vector_load %arg13[%get3A_301, %get3A_302] {strides = array<i32>} : memref<64x128xf32, #tpu.memory_space<vmem>>, vector<1x16xf32>,
      %get3A_304 = vector.shape_cast %get3A_303 : vector<1x16xf32> to vector<16xf32>
      %get3A_305 = arith.index_cast %add3A_261 : i32 to index
      %get3A_306 = arith.constant 64 : index
      %get3A_307 = tpu.vector_load %arg14[%get3A_305, %get3A_306] {strides = array<i32>} : memref<64x128xf32, #tpu.memory_space<vmem>>, vector<1x16xf32>,
      %get3A_308 = vector.shape_cast %get3A_307 : vector<1x16xf32> to vector<16xf32>
      %mul3A_309 = arith.mulf %get3A_304, %get3A_308 : vector<16xf32>
      %add3A_310 = arith.addf %add3A_300, %mul3A_309 : vector<16xf32>
      %get3A_311 = arith.index_cast %add3A_261 : i32 to index
      %get3A_312 = arith.constant 80 : index
      %get3A_313 = tpu.vector_load %arg13[%get3A_311, %get3A_312] {strides = array<i32>} : memref<64x128xf32, #tpu.memory_space<vmem>>, vector<1x16xf32>,
      %get3A_314 = vector.shape_cast %get3A_313 : vector<1x16xf32> to vector<16xf32>
      %get3A_315 = arith.index_cast %add3A_261 : i32 to index
      %get3A_316 = arith.constant 80 : index
      %get3A_317 = tpu.vector_load %arg14[%get3A_315, %get3A_316] {strides = array<i32>} : memref<64x128xf32, #tpu.memory_space<vmem>>, vector<1x16xf32>,
      %get3A_318 = vector.shape_cast %get3A_317 : vector<1x16xf32> to vector<16xf32>
      %mul3A_319 = arith.mulf %get3A_314, %get3A_318 : vector<16xf32>
      %add3A_320 = arith.addf %add3A_310, %mul3A_319 : vector<16xf32>
      %get3A_321 = arith.index_cast %add3A_261 : i32 to index
      %get3A_322 = arith.constant 96 : index
      %get3A_323 = tpu.vector_load %arg13[%get3A_321, %get3A_322] {strides = array<i32>} : memref<64x128xf32, #tpu.memory_space<vmem>>, vector<1x16xf32>,
      %get3A_324 = vector.shape_cast %get3A_323 : vector<1x16xf32> to vector<16xf32>
      %get3A_325 = arith.index_cast %add3A_261 : i32 to index
      %get3A_326 = arith.constant 96 : index
      %get3A_327 = tpu.vector_load %arg14[%get3A_325, %get3A_326] {strides = array<i32>} : memref<64x128xf32, #tpu.memory_space<vmem>>, vector<1x16xf32>,
      %get3A_328 = vector.shape_cast %get3A_327 : vector<1x16xf32> to vector<16xf32>
      %mul3A_329 = arith.mulf %get3A_324, %get3A_328 : vector<16xf32>
      %add3A_330 = arith.addf %add3A_320, %mul3A_329 : vector<16xf32>
      %get3A_331 = arith.index_cast %add3A_261 : i32 to index
      %get3A_332 = arith.constant 112 : index
      %get3A_333 = tpu.vector_load %arg13[%get3A_331, %get3A_332] {strides = array<i32>} : memref<64x128xf32, #tpu.memory_space<vmem>>, vector<1x16xf32>,
      %get3A_334 = vector.shape_cast %get3A_333 : vector<1x16xf32> to vector<16xf32>
      %get3A_335 = arith.index_cast %add3A_261 : i32 to index
      %get3A_336 = arith.constant 112 : index
      %get3A_337 = tpu.vector_load %arg14[%get3A_335, %get3A_336] {strides = array<i32>} : memref<64x128xf32, #tpu.memory_space<vmem>>, vector<1x16xf32>,
      %get3A_338 = vector.shape_cast %get3A_337 : vector<1x16xf32> to vector<16xf32>
      %mul3A_339 = arith.mulf %get3A_334, %get3A_338 : vector<16xf32>
      %add3A_340 = arith.addf %add3A_330, %mul3A_339 : vector<16xf32>
      %add3A_341 = arith.constant 320 : i32
      %add3A_342 = arith.addi %add3A_341, %add3A_261 : i32
      %swap3A_343 = arith.index_cast %add3A_342 : i32 to index
      %swap3A_344 = arith.constant 0 : index
      %swap3A_345 = tpu.vector_load %arg15[%swap3A_343, %swap3A_344] {strides = array<i32>} : memref<512x16xf32, #tpu.memory_space<vmem>>, vector<1x16xf32>,
      %swap3A_346 = vector.shape_cast %swap3A_345 : vector<1x16xf32> to vector<16xf32>
      %swap3A_347 = vector.shape_cast %add3A_340 : vector<16xf32> to vector<1x16xf32>
      tpu.vector_store %arg15[%swap3A_343, %swap3A_344], %swap3A_347 {strides = array<i32>} : memref<512x16xf32, #tpu.memory_space<vmem>>, vector<1x16xf32>,
      %mul3A_348 = arith.constant 4 : i32
      %mul3A_349 = arith.muli %scan3A_168, %mul3A_348 : i32
      %add3A_350 = arith.constant 2 : i32
      %add3A_351 = arith.addi %mul3A_349, %add3A_350 : i32
      %get3A_352 = arith.index_cast %add3A_351 : i32 to index
      %get3A_353 = arith.constant 0 : index
      %get3A_354 = tpu.vector_load %arg13[%get3A_352, %get3A_353] {strides = array<i32>} : memref<64x128xf32, #tpu.memory_space<vmem>>, vector<1x16xf32>,
      %get3A_355 = vector.shape_cast %get3A_354 : vector<1x16xf32> to vector<16xf32>
      %get3A_356 = arith.index_cast %add3A_351 : i32 to index
      %get3A_357 = arith.constant 0 : index
      %get3A_358 = tpu.vector_load %arg14[%get3A_356, %get3A_357] {strides = array<i32>} : memref<64x128xf32, #tpu.memory_space<vmem>>, vector<1x16xf32>,
      %get3A_359 = vector.shape_cast %get3A_358 : vector<1x16xf32> to vector<16xf32>
      %mul3A_360 = arith.mulf %get3A_355, %get3A_359 : vector<16xf32>
      %get3A_361 = arith.index_cast %add3A_351 : i32 to index
      %get3A_362 = arith.constant 16 : index
      %get3A_363 = tpu.vector_load %arg13[%get3A_361, %get3A_362] {strides = array<i32>} : memref<64x128xf32, #tpu.memory_space<vmem>>, vector<1x16xf32>,
      %get3A_364 = vector.shape_cast %get3A_363 : vector<1x16xf32> to vector<16xf32>
      %get3A_365 = arith.index_cast %add3A_351 : i32 to index
      %get3A_366 = arith.constant 16 : index
      %get3A_367 = tpu.vector_load %arg14[%get3A_365, %get3A_366] {strides = array<i32>} : memref<64x128xf32, #tpu.memory_space<vmem>>, vector<1x16xf32>,
      %get3A_368 = vector.shape_cast %get3A_367 : vector<1x16xf32> to vector<16xf32>
      %mul3A_369 = arith.mulf %get3A_364, %get3A_368 : vector<16xf32>
      %add3A_370 = arith.addf %mul3A_360, %mul3A_369 : vector<16xf32>
      %get3A_371 = arith.index_cast %add3A_351 : i32 to index
      %get3A_372 = arith.constant 32 : index
      %get3A_373 = tpu.vector_load %arg13[%get3A_371, %get3A_372] {strides = array<i32>} : memref<64x128xf32, #tpu.memory_space<vmem>>, vector<1x16xf32>,
      %get3A_374 = vector.shape_cast %get3A_373 : vector<1x16xf32> to vector<16xf32>
      %get3A_375 = arith.index_cast %add3A_351 : i32 to index
      %get3A_376 = arith.constant 32 : index
      %get3A_377 = tpu.vector_load %arg14[%get3A_375, %get3A_376] {strides = array<i32>} : memref<64x128xf32, #tpu.memory_space<vmem>>, vector<1x16xf32>,
      %get3A_378 = vector.shape_cast %get3A_377 : vector<1x16xf32> to vector<16xf32>
      %mul3A_379 = arith.mulf %get3A_374, %get3A_378 : vector<16xf32>
      %add3A_380 = arith.addf %add3A_370, %mul3A_379 : vector<16xf32>
      %get3A_381 = arith.index_cast %add3A_351 : i32 to index
      %get3A_382 = arith.constant 48 : index
      %get3A_383 = tpu.vector_load %arg13[%get3A_381, %get3A_382] {strides = array<i32>} : memref<64x128xf32, #tpu.memory_space<vmem>>, vector<1x16xf32>,
      %get3A_384 = vector.shape_cast %get3A_383 : vector<1x16xf32> to vector<16xf32>
      %get3A_385 = arith.index_cast %add3A_351 : i32 to index
      %get3A_386 = arith.constant 48 : index
      %get3A_387 = tpu.vector_load %arg14[%get3A_385, %get3A_386] {strides = array<i32>} : memref<64x128xf32, #tpu.memory_space<vmem>>, vector<1x16xf32>,
      %get3A_388 = vector.shape_cast %get3A_387 : vector<1x16xf32> to vector<16xf32>
      %mul3A_389 = arith.mulf %get3A_384, %get3A_388 : vector<16xf32>
      %add3A_390 = arith.addf %add3A_380, %mul3A_389 : vector<16xf32>
      %get3A_391 = arith.index_cast %add3A_351 : i32 to index
      %get3A_392 = arith.constant 64 : index
      %get3A_393 = tpu.vector_load %arg13[%get3A_391, %get3A_392] {strides = array<i32>} : memref<64x128xf32, #tpu.memory_space<vmem>>, vector<1x16xf32>,
      %get3A_394 = vector.shape_cast %get3A_393 : vector<1x16xf32> to vector<16xf32>
      %get3A_395 = arith.index_cast %add3A_351 : i32 to index
      %get3A_396 = arith.constant 64 : index
      %get3A_397 = tpu.vector_load %arg14[%get3A_395, %get3A_396] {strides = array<i32>} : memref<64x128xf32, #tpu.memory_space<vmem>>, vector<1x16xf32>,
      %get3A_398 = vector.shape_cast %get3A_397 : vector<1x16xf32> to vector<16xf32>
      %mul3A_399 = arith.mulf %get3A_394, %get3A_398 : vector<16xf32>
      %add3A_400 = arith.addf %add3A_390, %mul3A_399 : vector<16xf32>
      %get3A_401 = arith.index_cast %add3A_351 : i32 to index
      %get3A_402 = arith.constant 80 : index
      %get3A_403 = tpu.vector_load %arg13[%get3A_401, %get3A_402] {strides = array<i32>} : memref<64x128xf32, #tpu.memory_space<vmem>>, vector<1x16xf32>,
      %get3A_404 = vector.shape_cast %get3A_403 : vector<1x16xf32> to vector<16xf32>
      %get3A_405 = arith.index_cast %add3A_351 : i32 to index
      %get3A_406 = arith.constant 80 : index
      %get3A_407 = tpu.vector_load %arg14[%get3A_405, %get3A_406] {strides = array<i32>} : memref<64x128xf32, #tpu.memory_space<vmem>>, vector<1x16xf32>,
      %get3A_408 = vector.shape_cast %get3A_407 : vector<1x16xf32> to vector<16xf32>
      %mul3A_409 = arith.mulf %get3A_404, %get3A_408 : vector<16xf32>
      %add3A_410 = arith.addf %add3A_400, %mul3A_409 : vector<16xf32>
      %get3A_411 = arith.index_cast %add3A_351 : i32 to index
      %get3A_412 = arith.constant 96 : index
      %get3A_413 = tpu.vector_load %arg13[%get3A_411, %get3A_412] {strides = array<i32>} : memref<64x128xf32, #tpu.memory_space<vmem>>, vector<1x16xf32>,
      %get3A_414 = vector.shape_cast %get3A_413 : vector<1x16xf32> to vector<16xf32>
      %get3A_415 = arith.index_cast %add3A_351 : i32 to index
      %get3A_416 = arith.constant 96 : index
      %get3A_417 = tpu.vector_load %arg14[%get3A_415, %get3A_416] {strides = array<i32>} : memref<64x128xf32, #tpu.memory_space<vmem>>, vector<1x16xf32>,
      %get3A_418 = vector.shape_cast %get3A_417 : vector<1x16xf32> to vector<16xf32>
      %mul3A_419 = arith.mulf %get3A_414, %get3A_418 : vector<16xf32>
      %add3A_420 = arith.addf %add3A_410, %mul3A_419 : vector<16xf32>
      %get3A_421 = arith.index_cast %add3A_351 : i32 to index
      %get3A_422 = arith.constant 112 : index
      %get3A_423 = tpu.vector_load %arg13[%get3A_421, %get3A_422] {strides = array<i32>} : memref<64x128xf32, #tpu.memory_space<vmem>>, vector<1x16xf32>,
      %get3A_424 = vector.shape_cast %get3A_423 : vector<1x16xf32> to vector<16xf32>
      %get3A_425 = arith.index_cast %add3A_351 : i32 to index
      %get3A_426 = arith.constant 112 : index
      %get3A_427 = tpu.vector_load %arg14[%get3A_425, %get3A_426] {strides = array<i32>} : memref<64x128xf32, #tpu.memory_space<vmem>>, vector<1x16xf32>,
      %get3A_428 = vector.shape_cast %get3A_427 : vector<1x16xf32> to vector<16xf32>
      %mul3A_429 = arith.mulf %get3A_424, %get3A_428 : vector<16xf32>
      %add3A_430 = arith.addf %add3A_420, %mul3A_429 : vector<16xf32>
      %add3A_431 = arith.constant 320 : i32
      %add3A_432 = arith.addi %add3A_431, %add3A_351 : i32
      %swap3A_433 = arith.index_cast %add3A_432 : i32 to index
      %swap3A_434 = arith.constant 0 : index
      %swap3A_435 = tpu.vector_load %arg15[%swap3A_433, %swap3A_434] {strides = array<i32>} : memref<512x16xf32, #tpu.memory_space<vmem>>, vector<1x16xf32>,
      %swap3A_436 = vector.shape_cast %swap3A_435 : vector<1x16xf32> to vector<16xf32>
      %swap3A_437 = vector.shape_cast %add3A_430 : vector<16xf32> to vector<1x16xf32>
      tpu.vector_store %arg15[%swap3A_433, %swap3A_434], %swap3A_437 {strides = array<i32>} : memref<512x16xf32, #tpu.memory_space<vmem>>, vector<1x16xf32>,
      %mul3A_438 = arith.constant 4 : i32
      %mul3A_439 = arith.muli %scan3A_168, %mul3A_438 : i32
      %add3A_440 = arith.constant 3 : i32
      %add3A_441 = arith.addi %mul3A_439, %add3A_440 : i32
      %get3A_442 = arith.index_cast %add3A_441 : i32 to index
      %get3A_443 = arith.constant 0 : index
      %get3A_444 = tpu.vector_load %arg13[%get3A_442, %get3A_443] {strides = array<i32>} : memref<64x128xf32, #tpu.memory_space<vmem>>, vector<1x16xf32>,
      %get3A_445 = vector.shape_cast %get3A_444 : vector<1x16xf32> to vector<16xf32>
      %get3A_446 = arith.index_cast %add3A_441 : i32 to index
      %get3A_447 = arith.constant 0 : index
      %get3A_448 = tpu.vector_load %arg14[%get3A_446, %get3A_447] {strides = array<i32>} : memref<64x128xf32, #tpu.memory_space<vmem>>, vector<1x16xf32>,
      %get3A_449 = vector.shape_cast %get3A_448 : vector<1x16xf32> to vector<16xf32>
      %mul3A_450 = arith.mulf %get3A_445, %get3A_449 : vector<16xf32>
      %get3A_451 = arith.index_cast %add3A_441 : i32 to index
      %get3A_452 = arith.constant 16 : index
      %get3A_453 = tpu.vector_load %arg13[%get3A_451, %get3A_452] {strides = array<i32>} : memref<64x128xf32, #tpu.memory_space<vmem>>, vector<1x16xf32>,
      %get3A_454 = vector.shape_cast %get3A_453 : vector<1x16xf32> to vector<16xf32>
      %get3A_455 = arith.index_cast %add3A_441 : i32 to index
      %get3A_456 = arith.constant 16 : index
      %get3A_457 = tpu.vector_load %arg14[%get3A_455, %get3A_456] {strides = array<i32>} : memref<64x128xf32, #tpu.memory_space<vmem>>, vector<1x16xf32>,
      %get3A_458 = vector.shape_cast %get3A_457 : vector<1x16xf32> to vector<16xf32>
      %mul3A_459 = arith.mulf %get3A_454, %get3A_458 : vector<16xf32>
      %add3A_460 = arith.addf %mul3A_450, %mul3A_459 : vector<16xf32>
      %get3A_461 = arith.index_cast %add3A_441 : i32 to index
      %get3A_462 = arith.constant 32 : index
      %get3A_463 = tpu.vector_load %arg13[%get3A_461, %get3A_462] {strides = array<i32>} : memref<64x128xf32, #tpu.memory_space<vmem>>, vector<1x16xf32>,
      %get3A_464 = vector.shape_cast %get3A_463 : vector<1x16xf32> to vector<16xf32>
      %get3A_465 = arith.index_cast %add3A_441 : i32 to index
      %get3A_466 = arith.constant 32 : index
      %get3A_467 = tpu.vector_load %arg14[%get3A_465, %get3A_466] {strides = array<i32>} : memref<64x128xf32, #tpu.memory_space<vmem>>, vector<1x16xf32>,
      %get3A_468 = vector.shape_cast %get3A_467 : vector<1x16xf32> to vector<16xf32>
      %mul3A_469 = arith.mulf %get3A_464, %get3A_468 : vector<16xf32>
      %add3A_470 = arith.addf %add3A_460, %mul3A_469 : vector<16xf32>
      %get3A_471 = arith.index_cast %add3A_441 : i32 to index
      %get3A_472 = arith.constant 48 : index
      %get3A_473 = tpu.vector_load %arg13[%get3A_471, %get3A_472] {strides = array<i32>} : memref<64x128xf32, #tpu.memory_space<vmem>>, vector<1x16xf32>,
      %get3A_474 = vector.shape_cast %get3A_473 : vector<1x16xf32> to vector<16xf32>
      %get3A_475 = arith.index_cast %add3A_441 : i32 to index
      %get3A_476 = arith.constant 48 : index
      %get3A_477 = tpu.vector_load %arg14[%get3A_475, %get3A_476] {strides = array<i32>} : memref<64x128xf32, #tpu.memory_space<vmem>>, vector<1x16xf32>,
      %get3A_478 = vector.shape_cast %get3A_477 : vector<1x16xf32> to vector<16xf32>
      %mul3A_479 = arith.mulf %get3A_474, %get3A_478 : vector<16xf32>
      %add3A_480 = arith.addf %add3A_470, %mul3A_479 : vector<16xf32>
      %get3A_481 = arith.index_cast %add3A_441 : i32 to index
      %get3A_482 = arith.constant 64 : index
      %get3A_483 = tpu.vector_load %arg13[%get3A_481, %get3A_482] {strides = array<i32>} : memref<64x128xf32, #tpu.memory_space<vmem>>, vector<1x16xf32>,
      %get3A_484 = vector.shape_cast %get3A_483 : vector<1x16xf32> to vector<16xf32>
      %get3A_485 = arith.index_cast %add3A_441 : i32 to index
      %get3A_486 = arith.constant 64 : index
      %get3A_487 = tpu.vector_load %arg14[%get3A_485, %get3A_486] {strides = array<i32>} : memref<64x128xf32, #tpu.memory_space<vmem>>, vector<1x16xf32>,
      %get3A_488 = vector.shape_cast %get3A_487 : vector<1x16xf32> to vector<16xf32>
      %mul3A_489 = arith.mulf %get3A_484, %get3A_488 : vector<16xf32>
      %add3A_490 = arith.addf %add3A_480, %mul3A_489 : vector<16xf32>
      %get3A_491 = arith.index_cast %add3A_441 : i32 to index
      %get3A_492 = arith.constant 80 : index
      %get3A_493 = tpu.vector_load %arg13[%get3A_491, %get3A_492] {strides = array<i32>} : memref<64x128xf32, #tpu.memory_space<vmem>>, vector<1x16xf32>,
      %get3A_494 = vector.shape_cast %get3A_493 : vector<1x16xf32> to vector<16xf32>
      %get3A_495 = arith.index_cast %add3A_441 : i32 to index
      %get3A_496 = arith.constant 80 : index
      %get3A_497 = tpu.vector_load %arg14[%get3A_495, %get3A_496] {strides = array<i32>} : memref<64x128xf32, #tpu.memory_space<vmem>>, vector<1x16xf32>,
      %get3A_498 = vector.shape_cast %get3A_497 : vector<1x16xf32> to vector<16xf32>
      %mul3A_499 = arith.mulf %get3A_494, %get3A_498 : vector<16xf32>
      %add3A_500 = arith.addf %add3A_490, %mul3A_499 : vector<16xf32>
      %get3A_501 = arith.index_cast %add3A_441 : i32 to index
      %get3A_502 = arith.constant 96 : index
      %get3A_503 = tpu.vector_load %arg13[%get3A_501, %get3A_502] {strides = array<i32>} : memref<64x128xf32, #tpu.memory_space<vmem>>, vector<1x16xf32>,
      %get3A_504 = vector.shape_cast %get3A_503 : vector<1x16xf32> to vector<16xf32>
      %get3A_505 = arith.index_cast %add3A_441 : i32 to index
      %get3A_506 = arith.constant 96 : index
      %get3A_507 = tpu.vector_load %arg14[%get3A_505, %get3A_506] {strides = array<i32>} : memref<64x128xf32, #tpu.memory_space<vmem>>, vector<1x16xf32>,
      %get3A_508 = vector.shape_cast %get3A_507 : vector<1x16xf32> to vector<16xf32>
      %mul3A_509 = arith.mulf %get3A_504, %get3A_508 : vector<16xf32>
      %add3A_510 = arith.addf %add3A_500, %mul3A_509 : vector<16xf32>
      %get3A_511 = arith.index_cast %add3A_441 : i32 to index
      %get3A_512 = arith.constant 112 : index
      %get3A_513 = tpu.vector_load %arg13[%get3A_511, %get3A_512] {strides = array<i32>} : memref<64x128xf32, #tpu.memory_space<vmem>>, vector<1x16xf32>,
      %get3A_514 = vector.shape_cast %get3A_513 : vector<1x16xf32> to vector<16xf32>
      %get3A_515 = arith.index_cast %add3A_441 : i32 to index
      %get3A_516 = arith.constant 112 : index
      %get3A_517 = tpu.vector_load %arg14[%get3A_515, %get3A_516] {strides = array<i32>} : memref<64x128xf32, #tpu.memory_space<vmem>>, vector<1x16xf32>,
      %get3A_518 = vector.shape_cast %get3A_517 : vector<1x16xf32> to vector<16xf32>
      %mul3A_519 = arith.mulf %get3A_514, %get3A_518 : vector<16xf32>
      %add3A_520 = arith.addf %add3A_510, %mul3A_519 : vector<16xf32>
      %add3A_521 = arith.constant 320 : i32
      %add3A_522 = arith.addi %add3A_521, %add3A_441 : i32
      %swap3A_523 = arith.index_cast %add3A_522 : i32 to index
      %swap3A_524 = arith.constant 0 : index
      %swap3A_525 = tpu.vector_load %arg15[%swap3A_523, %swap3A_524] {strides = array<i32>} : memref<512x16xf32, #tpu.memory_space<vmem>>, vector<1x16xf32>,
      %swap3A_526 = vector.shape_cast %swap3A_525 : vector<1x16xf32> to vector<16xf32>
      %swap3A_527 = vector.shape_cast %add3A_520 : vector<16xf32> to vector<1x16xf32>
      tpu.vector_store %arg15[%swap3A_523, %swap3A_524], %swap3A_527 {strides = array<i32>} : memref<512x16xf32, #tpu.memory_space<vmem>>, vector<1x16xf32>,
      %scan3A_528 = arith.constant 0 : i32
      scf.yield %scan3A_528 : i32
    }
    %scan3A_133 = arith.constant 16 : i32
    %add3A_134 = arith.constant 448 : i32
    %add3A_135 = arith.addi %mul3A_2, %add3A_134 : i32
    "tpu.region"() ({
      %run_scoped3A = tpu.sem_alloc : memref<!tpu.dma_semaphore, #tpu.memory_space<semaphore_mem>>
      %dma_start3A_168 = tpu.memref_slice %arg2[%add3A_135] : memref<16384xi32, #tpu.memory_space<hbm>> -> memref<64xi32, #tpu.memory_space<hbm>>
      %dma_start3A_169 = tpu.memref_slice %arg2[%add3A_135] : memref<16384xi32, #tpu.memory_space<hbm>> -> memref<64xi32, #tpu.memory_space<hbm>>
      tpu.enqueue_dma source(%dma_start3A_169 : memref<64xi32, #tpu.memory_space<hbm>>) target(%arg9 : memref<64xi32, #tpu.memory_space<vmem>>) target_semaphore(%run_scoped3A : memref<!tpu.dma_semaphore, #tpu.memory_space<semaphore_mem>>)
      %dma_wait3A_170 = tpu.memref_slice %arg2[%add3A_135] : memref<16384xi32, #tpu.memory_space<hbm>> -> memref<64xi32, #tpu.memory_space<hbm>>
      %dma_wait3A_171 = tpu.memref_slice %arg2[%add3A_135] : memref<16384xi32, #tpu.memory_space<hbm>> -> memref<64xi32, #tpu.memory_space<hbm>>
      tpu.wait_dma2 semaphore(%run_scoped3A : memref<!tpu.dma_semaphore, #tpu.memory_space<semaphore_mem>>) src(%dma_wait3A_171 : memref<64xi32, #tpu.memory_space<hbm>>) dst(%arg9 : memref<64xi32, #tpu.memory_space<vmem>>)
      tpu.yield
    }) : () -> ()
    "tpu.region"() ({
      %run_scoped3A = tpu.sem_alloc : memref<!tpu.dma_semaphore, #tpu.memory_space<semaphore_mem>>
      %dma_start3A_168 = tpu.memref_slice %arg3[%add3A_135] : memref<16384xi32, #tpu.memory_space<hbm>> -> memref<64xi32, #tpu.memory_space<hbm>>
      %dma_start3A_169 = tpu.memref_slice %arg3[%add3A_135] : memref<16384xi32, #tpu.memory_space<hbm>> -> memref<64xi32, #tpu.memory_space<hbm>>
      tpu.enqueue_dma source(%dma_start3A_169 : memref<64xi32, #tpu.memory_space<hbm>>) target(%arg10 : memref<64xi32, #tpu.memory_space<vmem>>) target_semaphore(%run_scoped3A : memref<!tpu.dma_semaphore, #tpu.memory_space<semaphore_mem>>)
      %dma_wait3A_170 = tpu.memref_slice %arg3[%add3A_135] : memref<16384xi32, #tpu.memory_space<hbm>> -> memref<64xi32, #tpu.memory_space<hbm>>
      %dma_wait3A_171 = tpu.memref_slice %arg3[%add3A_135] : memref<16384xi32, #tpu.memory_space<hbm>> -> memref<64xi32, #tpu.memory_space<hbm>>
      tpu.wait_dma2 semaphore(%run_scoped3A : memref<!tpu.dma_semaphore, #tpu.memory_space<semaphore_mem>>) src(%dma_wait3A_171 : memref<64xi32, #tpu.memory_space<hbm>>) dst(%arg10 : memref<64xi32, #tpu.memory_space<vmem>>)
      tpu.yield
    }) : () -> ()
    %dma_start3A_136 = arith.constant 0 : i32
    %dma_start3A_137 = arith.constant 0 : i32
    %dma_start3A_138 = tpu.memref_slice %arg4[%dma_start3A_136, %dma_start3A_137] : memref<100000x128xf32, #tpu.memory_space<hbm>> -> memref<100000x128xf32, #tpu.memory_space<hbm>>
    tpu.enqueue_indirect_dma source(%dma_start3A_138 : memref<100000x128xf32, #tpu.memory_space<hbm>>) target(%arg13 : memref<64x128xf32, #tpu.memory_space<vmem>>) offsets(%arg9 : memref<64xi32, #tpu.memory_space<vmem>>) semaphore(%arg17 : memref<!tpu.dma_semaphore, #tpu.memory_space<semaphore_mem>>)
    %dma_start3A_139 = arith.constant 0 : i32
    %dma_start3A_140 = arith.constant 0 : i32
    %dma_start3A_141 = tpu.memref_slice %arg5[%dma_start3A_139, %dma_start3A_140] : memref<100000x128xf32, #tpu.memory_space<hbm>> -> memref<100000x128xf32, #tpu.memory_space<hbm>>
    tpu.enqueue_indirect_dma source(%dma_start3A_141 : memref<100000x128xf32, #tpu.memory_space<hbm>>) target(%arg14 : memref<64x128xf32, #tpu.memory_space<vmem>>) offsets(%arg10 : memref<64xi32, #tpu.memory_space<vmem>>) semaphore(%arg17 : memref<!tpu.dma_semaphore, #tpu.memory_space<semaphore_mem>>)
    %dma_wait3A_142 = arith.constant 0 : i32
    %dma_wait3A_143 = arith.constant 0 : i32
    %dma_wait3A_144 = tpu.memref_slice %arg4[%dma_wait3A_142, %dma_wait3A_143] : memref<100000x128xf32, #tpu.memory_space<hbm>> -> memref<100000x128xf32, #tpu.memory_space<hbm>>
    tpu.wait_indirect_dma semaphore(%arg16 : memref<!tpu.dma_semaphore, #tpu.memory_space<semaphore_mem>>) src(%dma_wait3A_144 : memref<100000x128xf32, #tpu.memory_space<hbm>>) dst(%arg11 : memref<64x128xf32, #tpu.memory_space<vmem>>)
    %dma_wait3A_145 = arith.constant 0 : i32
    %dma_wait3A_146 = arith.constant 0 : i32
    %dma_wait3A_147 = tpu.memref_slice %arg5[%dma_wait3A_145, %dma_wait3A_146] : memref<100000x128xf32, #tpu.memory_space<hbm>> -> memref<100000x128xf32, #tpu.memory_space<hbm>>
    tpu.wait_indirect_dma semaphore(%arg16 : memref<!tpu.dma_semaphore, #tpu.memory_space<semaphore_mem>>) src(%dma_wait3A_147 : memref<100000x128xf32, #tpu.memory_space<hbm>>) dst(%arg12 : memref<64x128xf32, #tpu.memory_space<vmem>>)
    %scan3A_148 = arith.constant 0 : i32
    %scan3A_149 = arith.constant 0 : i32
    %scan3A_150 = arith.constant 16 : i32
    %scan3A_151 = arith.addi %scan3A_149, %scan3A_150 : i32
    %scan3A_152 = arith.constant 1 : i32
    %scan3A_153 = scf.for %scan3A_168 = %scan3A_149 to %scan3A_151 step %scan3A_152 iter_args(%scan3A_169 = %scan3A_148) -> (i32)  : i32 {
      %mul3A_170 = arith.constant 4 : i32
      %mul3A_171 = arith.muli %scan3A_168, %mul3A_170 : i32
      %add3A_172 = arith.constant 0 : i32
      %add3A_173 = arith.addi %mul3A_171, %add3A_172 : i32
      %get3A = arith.index_cast %add3A_173 : i32 to index
      %get3A_174 = arith.constant 0 : index
      %get3A_175 = tpu.vector_load %arg11[%get3A, %get3A_174] {strides = array<i32>} : memref<64x128xf32, #tpu.memory_space<vmem>>, vector<1x16xf32>,
      %get3A_176 = vector.shape_cast %get3A_175 : vector<1x16xf32> to vector<16xf32>
      %get3A_177 = arith.index_cast %add3A_173 : i32 to index
      %get3A_178 = arith.constant 0 : index
      %get3A_179 = tpu.vector_load %arg12[%get3A_177, %get3A_178] {strides = array<i32>} : memref<64x128xf32, #tpu.memory_space<vmem>>, vector<1x16xf32>,
      %get3A_180 = vector.shape_cast %get3A_179 : vector<1x16xf32> to vector<16xf32>
      %mul3A_181 = arith.mulf %get3A_176, %get3A_180 : vector<16xf32>
      %get3A_182 = arith.index_cast %add3A_173 : i32 to index
      %get3A_183 = arith.constant 16 : index
      %get3A_184 = tpu.vector_load %arg11[%get3A_182, %get3A_183] {strides = array<i32>} : memref<64x128xf32, #tpu.memory_space<vmem>>, vector<1x16xf32>,
      %get3A_185 = vector.shape_cast %get3A_184 : vector<1x16xf32> to vector<16xf32>
      %get3A_186 = arith.index_cast %add3A_173 : i32 to index
      %get3A_187 = arith.constant 16 : index
      %get3A_188 = tpu.vector_load %arg12[%get3A_186, %get3A_187] {strides = array<i32>} : memref<64x128xf32, #tpu.memory_space<vmem>>, vector<1x16xf32>,
      %get3A_189 = vector.shape_cast %get3A_188 : vector<1x16xf32> to vector<16xf32>
      %mul3A_190 = arith.mulf %get3A_185, %get3A_189 : vector<16xf32>
      %add3A_191 = arith.addf %mul3A_181, %mul3A_190 : vector<16xf32>
      %get3A_192 = arith.index_cast %add3A_173 : i32 to index
      %get3A_193 = arith.constant 32 : index
      %get3A_194 = tpu.vector_load %arg11[%get3A_192, %get3A_193] {strides = array<i32>} : memref<64x128xf32, #tpu.memory_space<vmem>>, vector<1x16xf32>,
      %get3A_195 = vector.shape_cast %get3A_194 : vector<1x16xf32> to vector<16xf32>
      %get3A_196 = arith.index_cast %add3A_173 : i32 to index
      %get3A_197 = arith.constant 32 : index
      %get3A_198 = tpu.vector_load %arg12[%get3A_196, %get3A_197] {strides = array<i32>} : memref<64x128xf32, #tpu.memory_space<vmem>>, vector<1x16xf32>,
      %get3A_199 = vector.shape_cast %get3A_198 : vector<1x16xf32> to vector<16xf32>
      %mul3A_200 = arith.mulf %get3A_195, %get3A_199 : vector<16xf32>
      %add3A_201 = arith.addf %add3A_191, %mul3A_200 : vector<16xf32>
      %get3A_202 = arith.index_cast %add3A_173 : i32 to index
      %get3A_203 = arith.constant 48 : index
      %get3A_204 = tpu.vector_load %arg11[%get3A_202, %get3A_203] {strides = array<i32>} : memref<64x128xf32, #tpu.memory_space<vmem>>, vector<1x16xf32>,
      %get3A_205 = vector.shape_cast %get3A_204 : vector<1x16xf32> to vector<16xf32>
      %get3A_206 = arith.index_cast %add3A_173 : i32 to index
      %get3A_207 = arith.constant 48 : index
      %get3A_208 = tpu.vector_load %arg12[%get3A_206, %get3A_207] {strides = array<i32>} : memref<64x128xf32, #tpu.memory_space<vmem>>, vector<1x16xf32>,
      %get3A_209 = vector.shape_cast %get3A_208 : vector<1x16xf32> to vector<16xf32>
      %mul3A_210 = arith.mulf %get3A_205, %get3A_209 : vector<16xf32>
      %add3A_211 = arith.addf %add3A_201, %mul3A_210 : vector<16xf32>
      %get3A_212 = arith.index_cast %add3A_173 : i32 to index
      %get3A_213 = arith.constant 64 : index
      %get3A_214 = tpu.vector_load %arg11[%get3A_212, %get3A_213] {strides = array<i32>} : memref<64x128xf32, #tpu.memory_space<vmem>>, vector<1x16xf32>,
      %get3A_215 = vector.shape_cast %get3A_214 : vector<1x16xf32> to vector<16xf32>
      %get3A_216 = arith.index_cast %add3A_173 : i32 to index
      %get3A_217 = arith.constant 64 : index
      %get3A_218 = tpu.vector_load %arg12[%get3A_216, %get3A_217] {strides = array<i32>} : memref<64x128xf32, #tpu.memory_space<vmem>>, vector<1x16xf32>,
      %get3A_219 = vector.shape_cast %get3A_218 : vector<1x16xf32> to vector<16xf32>
      %mul3A_220 = arith.mulf %get3A_215, %get3A_219 : vector<16xf32>
      %add3A_221 = arith.addf %add3A_211, %mul3A_220 : vector<16xf32>
      %get3A_222 = arith.index_cast %add3A_173 : i32 to index
      %get3A_223 = arith.constant 80 : index
      %get3A_224 = tpu.vector_load %arg11[%get3A_222, %get3A_223] {strides = array<i32>} : memref<64x128xf32, #tpu.memory_space<vmem>>, vector<1x16xf32>,
      %get3A_225 = vector.shape_cast %get3A_224 : vector<1x16xf32> to vector<16xf32>
      %get3A_226 = arith.index_cast %add3A_173 : i32 to index
      %get3A_227 = arith.constant 80 : index
      %get3A_228 = tpu.vector_load %arg12[%get3A_226, %get3A_227] {strides = array<i32>} : memref<64x128xf32, #tpu.memory_space<vmem>>, vector<1x16xf32>,
      %get3A_229 = vector.shape_cast %get3A_228 : vector<1x16xf32> to vector<16xf32>
      %mul3A_230 = arith.mulf %get3A_225, %get3A_229 : vector<16xf32>
      %add3A_231 = arith.addf %add3A_221, %mul3A_230 : vector<16xf32>
      %get3A_232 = arith.index_cast %add3A_173 : i32 to index
      %get3A_233 = arith.constant 96 : index
      %get3A_234 = tpu.vector_load %arg11[%get3A_232, %get3A_233] {strides = array<i32>} : memref<64x128xf32, #tpu.memory_space<vmem>>, vector<1x16xf32>,
      %get3A_235 = vector.shape_cast %get3A_234 : vector<1x16xf32> to vector<16xf32>
      %get3A_236 = arith.index_cast %add3A_173 : i32 to index
      %get3A_237 = arith.constant 96 : index
      %get3A_238 = tpu.vector_load %arg12[%get3A_236, %get3A_237] {strides = array<i32>} : memref<64x128xf32, #tpu.memory_space<vmem>>, vector<1x16xf32>,
      %get3A_239 = vector.shape_cast %get3A_238 : vector<1x16xf32> to vector<16xf32>
      %mul3A_240 = arith.mulf %get3A_235, %get3A_239 : vector<16xf32>
      %add3A_241 = arith.addf %add3A_231, %mul3A_240 : vector<16xf32>
      %get3A_242 = arith.index_cast %add3A_173 : i32 to index
      %get3A_243 = arith.constant 112 : index
      %get3A_244 = tpu.vector_load %arg11[%get3A_242, %get3A_243] {strides = array<i32>} : memref<64x128xf32, #tpu.memory_space<vmem>>, vector<1x16xf32>,
      %get3A_245 = vector.shape_cast %get3A_244 : vector<1x16xf32> to vector<16xf32>
      %get3A_246 = arith.index_cast %add3A_173 : i32 to index
      %get3A_247 = arith.constant 112 : index
      %get3A_248 = tpu.vector_load %arg12[%get3A_246, %get3A_247] {strides = array<i32>} : memref<64x128xf32, #tpu.memory_space<vmem>>, vector<1x16xf32>,
      %get3A_249 = vector.shape_cast %get3A_248 : vector<1x16xf32> to vector<16xf32>
      %mul3A_250 = arith.mulf %get3A_245, %get3A_249 : vector<16xf32>
      %add3A_251 = arith.addf %add3A_241, %mul3A_250 : vector<16xf32>
      %add3A_252 = arith.constant 384 : i32
      %add3A_253 = arith.addi %add3A_252, %add3A_173 : i32
      %swap3A = arith.index_cast %add3A_253 : i32 to index
      %swap3A_254 = arith.constant 0 : index
      %swap3A_255 = tpu.vector_load %arg15[%swap3A, %swap3A_254] {strides = array<i32>} : memref<512x16xf32, #tpu.memory_space<vmem>>, vector<1x16xf32>,
      %swap3A_256 = vector.shape_cast %swap3A_255 : vector<1x16xf32> to vector<16xf32>
      %swap3A_257 = vector.shape_cast %add3A_251 : vector<16xf32> to vector<1x16xf32>
      tpu.vector_store %arg15[%swap3A, %swap3A_254], %swap3A_257 {strides = array<i32>} : memref<512x16xf32, #tpu.memory_space<vmem>>, vector<1x16xf32>,
      %mul3A_258 = arith.constant 4 : i32
      %mul3A_259 = arith.muli %scan3A_168, %mul3A_258 : i32
      %add3A_260 = arith.constant 1 : i32
      %add3A_261 = arith.addi %mul3A_259, %add3A_260 : i32
      %get3A_262 = arith.index_cast %add3A_261 : i32 to index
      %get3A_263 = arith.constant 0 : index
      %get3A_264 = tpu.vector_load %arg11[%get3A_262, %get3A_263] {strides = array<i32>} : memref<64x128xf32, #tpu.memory_space<vmem>>, vector<1x16xf32>,
      %get3A_265 = vector.shape_cast %get3A_264 : vector<1x16xf32> to vector<16xf32>
      %get3A_266 = arith.index_cast %add3A_261 : i32 to index
      %get3A_267 = arith.constant 0 : index
      %get3A_268 = tpu.vector_load %arg12[%get3A_266, %get3A_267] {strides = array<i32>} : memref<64x128xf32, #tpu.memory_space<vmem>>, vector<1x16xf32>,
      %get3A_269 = vector.shape_cast %get3A_268 : vector<1x16xf32> to vector<16xf32>
      %mul3A_270 = arith.mulf %get3A_265, %get3A_269 : vector<16xf32>
      %get3A_271 = arith.index_cast %add3A_261 : i32 to index
      %get3A_272 = arith.constant 16 : index
      %get3A_273 = tpu.vector_load %arg11[%get3A_271, %get3A_272] {strides = array<i32>} : memref<64x128xf32, #tpu.memory_space<vmem>>, vector<1x16xf32>,
      %get3A_274 = vector.shape_cast %get3A_273 : vector<1x16xf32> to vector<16xf32>
      %get3A_275 = arith.index_cast %add3A_261 : i32 to index
      %get3A_276 = arith.constant 16 : index
      %get3A_277 = tpu.vector_load %arg12[%get3A_275, %get3A_276] {strides = array<i32>} : memref<64x128xf32, #tpu.memory_space<vmem>>, vector<1x16xf32>,
      %get3A_278 = vector.shape_cast %get3A_277 : vector<1x16xf32> to vector<16xf32>
      %mul3A_279 = arith.mulf %get3A_274, %get3A_278 : vector<16xf32>
      %add3A_280 = arith.addf %mul3A_270, %mul3A_279 : vector<16xf32>
      %get3A_281 = arith.index_cast %add3A_261 : i32 to index
      %get3A_282 = arith.constant 32 : index
      %get3A_283 = tpu.vector_load %arg11[%get3A_281, %get3A_282] {strides = array<i32>} : memref<64x128xf32, #tpu.memory_space<vmem>>, vector<1x16xf32>,
      %get3A_284 = vector.shape_cast %get3A_283 : vector<1x16xf32> to vector<16xf32>
      %get3A_285 = arith.index_cast %add3A_261 : i32 to index
      %get3A_286 = arith.constant 32 : index
      %get3A_287 = tpu.vector_load %arg12[%get3A_285, %get3A_286] {strides = array<i32>} : memref<64x128xf32, #tpu.memory_space<vmem>>, vector<1x16xf32>,
      %get3A_288 = vector.shape_cast %get3A_287 : vector<1x16xf32> to vector<16xf32>
      %mul3A_289 = arith.mulf %get3A_284, %get3A_288 : vector<16xf32>
      %add3A_290 = arith.addf %add3A_280, %mul3A_289 : vector<16xf32>
      %get3A_291 = arith.index_cast %add3A_261 : i32 to index
      %get3A_292 = arith.constant 48 : index
      %get3A_293 = tpu.vector_load %arg11[%get3A_291, %get3A_292] {strides = array<i32>} : memref<64x128xf32, #tpu.memory_space<vmem>>, vector<1x16xf32>,
      %get3A_294 = vector.shape_cast %get3A_293 : vector<1x16xf32> to vector<16xf32>
      %get3A_295 = arith.index_cast %add3A_261 : i32 to index
      %get3A_296 = arith.constant 48 : index
      %get3A_297 = tpu.vector_load %arg12[%get3A_295, %get3A_296] {strides = array<i32>} : memref<64x128xf32, #tpu.memory_space<vmem>>, vector<1x16xf32>,
      %get3A_298 = vector.shape_cast %get3A_297 : vector<1x16xf32> to vector<16xf32>
      %mul3A_299 = arith.mulf %get3A_294, %get3A_298 : vector<16xf32>
      %add3A_300 = arith.addf %add3A_290, %mul3A_299 : vector<16xf32>
      %get3A_301 = arith.index_cast %add3A_261 : i32 to index
      %get3A_302 = arith.constant 64 : index
      %get3A_303 = tpu.vector_load %arg11[%get3A_301, %get3A_302] {strides = array<i32>} : memref<64x128xf32, #tpu.memory_space<vmem>>, vector<1x16xf32>,
      %get3A_304 = vector.shape_cast %get3A_303 : vector<1x16xf32> to vector<16xf32>
      %get3A_305 = arith.index_cast %add3A_261 : i32 to index
      %get3A_306 = arith.constant 64 : index
      %get3A_307 = tpu.vector_load %arg12[%get3A_305, %get3A_306] {strides = array<i32>} : memref<64x128xf32, #tpu.memory_space<vmem>>, vector<1x16xf32>,
      %get3A_308 = vector.shape_cast %get3A_307 : vector<1x16xf32> to vector<16xf32>
      %mul3A_309 = arith.mulf %get3A_304, %get3A_308 : vector<16xf32>
      %add3A_310 = arith.addf %add3A_300, %mul3A_309 : vector<16xf32>
      %get3A_311 = arith.index_cast %add3A_261 : i32 to index
      %get3A_312 = arith.constant 80 : index
      %get3A_313 = tpu.vector_load %arg11[%get3A_311, %get3A_312] {strides = array<i32>} : memref<64x128xf32, #tpu.memory_space<vmem>>, vector<1x16xf32>,
      %get3A_314 = vector.shape_cast %get3A_313 : vector<1x16xf32> to vector<16xf32>
      %get3A_315 = arith.index_cast %add3A_261 : i32 to index
      %get3A_316 = arith.constant 80 : index
      %get3A_317 = tpu.vector_load %arg12[%get3A_315, %get3A_316] {strides = array<i32>} : memref<64x128xf32, #tpu.memory_space<vmem>>, vector<1x16xf32>,
      %get3A_318 = vector.shape_cast %get3A_317 : vector<1x16xf32> to vector<16xf32>
      %mul3A_319 = arith.mulf %get3A_314, %get3A_318 : vector<16xf32>
      %add3A_320 = arith.addf %add3A_310, %mul3A_319 : vector<16xf32>
      %get3A_321 = arith.index_cast %add3A_261 : i32 to index
      %get3A_322 = arith.constant 96 : index
      %get3A_323 = tpu.vector_load %arg11[%get3A_321, %get3A_322] {strides = array<i32>} : memref<64x128xf32, #tpu.memory_space<vmem>>, vector<1x16xf32>,
      %get3A_324 = vector.shape_cast %get3A_323 : vector<1x16xf32> to vector<16xf32>
      %get3A_325 = arith.index_cast %add3A_261 : i32 to index
      %get3A_326 = arith.constant 96 : index
      %get3A_327 = tpu.vector_load %arg12[%get3A_325, %get3A_326] {strides = array<i32>} : memref<64x128xf32, #tpu.memory_space<vmem>>, vector<1x16xf32>,
      %get3A_328 = vector.shape_cast %get3A_327 : vector<1x16xf32> to vector<16xf32>
      %mul3A_329 = arith.mulf %get3A_324, %get3A_328 : vector<16xf32>
      %add3A_330 = arith.addf %add3A_320, %mul3A_329 : vector<16xf32>
      %get3A_331 = arith.index_cast %add3A_261 : i32 to index
      %get3A_332 = arith.constant 112 : index
      %get3A_333 = tpu.vector_load %arg11[%get3A_331, %get3A_332] {strides = array<i32>} : memref<64x128xf32, #tpu.memory_space<vmem>>, vector<1x16xf32>,
      %get3A_334 = vector.shape_cast %get3A_333 : vector<1x16xf32> to vector<16xf32>
      %get3A_335 = arith.index_cast %add3A_261 : i32 to index
      %get3A_336 = arith.constant 112 : index
      %get3A_337 = tpu.vector_load %arg12[%get3A_335, %get3A_336] {strides = array<i32>} : memref<64x128xf32, #tpu.memory_space<vmem>>, vector<1x16xf32>,
      %get3A_338 = vector.shape_cast %get3A_337 : vector<1x16xf32> to vector<16xf32>
      %mul3A_339 = arith.mulf %get3A_334, %get3A_338 : vector<16xf32>
      %add3A_340 = arith.addf %add3A_330, %mul3A_339 : vector<16xf32>
      %add3A_341 = arith.constant 384 : i32
      %add3A_342 = arith.addi %add3A_341, %add3A_261 : i32
      %swap3A_343 = arith.index_cast %add3A_342 : i32 to index
      %swap3A_344 = arith.constant 0 : index
      %swap3A_345 = tpu.vector_load %arg15[%swap3A_343, %swap3A_344] {strides = array<i32>} : memref<512x16xf32, #tpu.memory_space<vmem>>, vector<1x16xf32>,
      %swap3A_346 = vector.shape_cast %swap3A_345 : vector<1x16xf32> to vector<16xf32>
      %swap3A_347 = vector.shape_cast %add3A_340 : vector<16xf32> to vector<1x16xf32>
      tpu.vector_store %arg15[%swap3A_343, %swap3A_344], %swap3A_347 {strides = array<i32>} : memref<512x16xf32, #tpu.memory_space<vmem>>, vector<1x16xf32>,
      %mul3A_348 = arith.constant 4 : i32
      %mul3A_349 = arith.muli %scan3A_168, %mul3A_348 : i32
      %add3A_350 = arith.constant 2 : i32
      %add3A_351 = arith.addi %mul3A_349, %add3A_350 : i32
      %get3A_352 = arith.index_cast %add3A_351 : i32 to index
      %get3A_353 = arith.constant 0 : index
      %get3A_354 = tpu.vector_load %arg11[%get3A_352, %get3A_353] {strides = array<i32>} : memref<64x128xf32, #tpu.memory_space<vmem>>, vector<1x16xf32>,
      %get3A_355 = vector.shape_cast %get3A_354 : vector<1x16xf32> to vector<16xf32>
      %get3A_356 = arith.index_cast %add3A_351 : i32 to index
      %get3A_357 = arith.constant 0 : index
      %get3A_358 = tpu.vector_load %arg12[%get3A_356, %get3A_357] {strides = array<i32>} : memref<64x128xf32, #tpu.memory_space<vmem>>, vector<1x16xf32>,
      %get3A_359 = vector.shape_cast %get3A_358 : vector<1x16xf32> to vector<16xf32>
      %mul3A_360 = arith.mulf %get3A_355, %get3A_359 : vector<16xf32>
      %get3A_361 = arith.index_cast %add3A_351 : i32 to index
      %get3A_362 = arith.constant 16 : index
      %get3A_363 = tpu.vector_load %arg11[%get3A_361, %get3A_362] {strides = array<i32>} : memref<64x128xf32, #tpu.memory_space<vmem>>, vector<1x16xf32>,
      %get3A_364 = vector.shape_cast %get3A_363 : vector<1x16xf32> to vector<16xf32>
      %get3A_365 = arith.index_cast %add3A_351 : i32 to index
      %get3A_366 = arith.constant 16 : index
      %get3A_367 = tpu.vector_load %arg12[%get3A_365, %get3A_366] {strides = array<i32>} : memref<64x128xf32, #tpu.memory_space<vmem>>, vector<1x16xf32>,
      %get3A_368 = vector.shape_cast %get3A_367 : vector<1x16xf32> to vector<16xf32>
      %mul3A_369 = arith.mulf %get3A_364, %get3A_368 : vector<16xf32>
      %add3A_370 = arith.addf %mul3A_360, %mul3A_369 : vector<16xf32>
      %get3A_371 = arith.index_cast %add3A_351 : i32 to index
      %get3A_372 = arith.constant 32 : index
      %get3A_373 = tpu.vector_load %arg11[%get3A_371, %get3A_372] {strides = array<i32>} : memref<64x128xf32, #tpu.memory_space<vmem>>, vector<1x16xf32>,
      %get3A_374 = vector.shape_cast %get3A_373 : vector<1x16xf32> to vector<16xf32>
      %get3A_375 = arith.index_cast %add3A_351 : i32 to index
      %get3A_376 = arith.constant 32 : index
      %get3A_377 = tpu.vector_load %arg12[%get3A_375, %get3A_376] {strides = array<i32>} : memref<64x128xf32, #tpu.memory_space<vmem>>, vector<1x16xf32>,
      %get3A_378 = vector.shape_cast %get3A_377 : vector<1x16xf32> to vector<16xf32>
      %mul3A_379 = arith.mulf %get3A_374, %get3A_378 : vector<16xf32>
      %add3A_380 = arith.addf %add3A_370, %mul3A_379 : vector<16xf32>
      %get3A_381 = arith.index_cast %add3A_351 : i32 to index
      %get3A_382 = arith.constant 48 : index
      %get3A_383 = tpu.vector_load %arg11[%get3A_381, %get3A_382] {strides = array<i32>} : memref<64x128xf32, #tpu.memory_space<vmem>>, vector<1x16xf32>,
      %get3A_384 = vector.shape_cast %get3A_383 : vector<1x16xf32> to vector<16xf32>
      %get3A_385 = arith.index_cast %add3A_351 : i32 to index
      %get3A_386 = arith.constant 48 : index
      %get3A_387 = tpu.vector_load %arg12[%get3A_385, %get3A_386] {strides = array<i32>} : memref<64x128xf32, #tpu.memory_space<vmem>>, vector<1x16xf32>,
      %get3A_388 = vector.shape_cast %get3A_387 : vector<1x16xf32> to vector<16xf32>
      %mul3A_389 = arith.mulf %get3A_384, %get3A_388 : vector<16xf32>
      %add3A_390 = arith.addf %add3A_380, %mul3A_389 : vector<16xf32>
      %get3A_391 = arith.index_cast %add3A_351 : i32 to index
      %get3A_392 = arith.constant 64 : index
      %get3A_393 = tpu.vector_load %arg11[%get3A_391, %get3A_392] {strides = array<i32>} : memref<64x128xf32, #tpu.memory_space<vmem>>, vector<1x16xf32>,
      %get3A_394 = vector.shape_cast %get3A_393 : vector<1x16xf32> to vector<16xf32>
      %get3A_395 = arith.index_cast %add3A_351 : i32 to index
      %get3A_396 = arith.constant 64 : index
      %get3A_397 = tpu.vector_load %arg12[%get3A_395, %get3A_396] {strides = array<i32>} : memref<64x128xf32, #tpu.memory_space<vmem>>, vector<1x16xf32>,
      %get3A_398 = vector.shape_cast %get3A_397 : vector<1x16xf32> to vector<16xf32>
      %mul3A_399 = arith.mulf %get3A_394, %get3A_398 : vector<16xf32>
      %add3A_400 = arith.addf %add3A_390, %mul3A_399 : vector<16xf32>
      %get3A_401 = arith.index_cast %add3A_351 : i32 to index
      %get3A_402 = arith.constant 80 : index
      %get3A_403 = tpu.vector_load %arg11[%get3A_401, %get3A_402] {strides = array<i32>} : memref<64x128xf32, #tpu.memory_space<vmem>>, vector<1x16xf32>,
      %get3A_404 = vector.shape_cast %get3A_403 : vector<1x16xf32> to vector<16xf32>
      %get3A_405 = arith.index_cast %add3A_351 : i32 to index
      %get3A_406 = arith.constant 80 : index
      %get3A_407 = tpu.vector_load %arg12[%get3A_405, %get3A_406] {strides = array<i32>} : memref<64x128xf32, #tpu.memory_space<vmem>>, vector<1x16xf32>,
      %get3A_408 = vector.shape_cast %get3A_407 : vector<1x16xf32> to vector<16xf32>
      %mul3A_409 = arith.mulf %get3A_404, %get3A_408 : vector<16xf32>
      %add3A_410 = arith.addf %add3A_400, %mul3A_409 : vector<16xf32>
      %get3A_411 = arith.index_cast %add3A_351 : i32 to index
      %get3A_412 = arith.constant 96 : index
      %get3A_413 = tpu.vector_load %arg11[%get3A_411, %get3A_412] {strides = array<i32>} : memref<64x128xf32, #tpu.memory_space<vmem>>, vector<1x16xf32>,
      %get3A_414 = vector.shape_cast %get3A_413 : vector<1x16xf32> to vector<16xf32>
      %get3A_415 = arith.index_cast %add3A_351 : i32 to index
      %get3A_416 = arith.constant 96 : index
      %get3A_417 = tpu.vector_load %arg12[%get3A_415, %get3A_416] {strides = array<i32>} : memref<64x128xf32, #tpu.memory_space<vmem>>, vector<1x16xf32>,
      %get3A_418 = vector.shape_cast %get3A_417 : vector<1x16xf32> to vector<16xf32>
      %mul3A_419 = arith.mulf %get3A_414, %get3A_418 : vector<16xf32>
      %add3A_420 = arith.addf %add3A_410, %mul3A_419 : vector<16xf32>
      %get3A_421 = arith.index_cast %add3A_351 : i32 to index
      %get3A_422 = arith.constant 112 : index
      %get3A_423 = tpu.vector_load %arg11[%get3A_421, %get3A_422] {strides = array<i32>} : memref<64x128xf32, #tpu.memory_space<vmem>>, vector<1x16xf32>,
      %get3A_424 = vector.shape_cast %get3A_423 : vector<1x16xf32> to vector<16xf32>
      %get3A_425 = arith.index_cast %add3A_351 : i32 to index
      %get3A_426 = arith.constant 112 : index
      %get3A_427 = tpu.vector_load %arg12[%get3A_425, %get3A_426] {strides = array<i32>} : memref<64x128xf32, #tpu.memory_space<vmem>>, vector<1x16xf32>,
      %get3A_428 = vector.shape_cast %get3A_427 : vector<1x16xf32> to vector<16xf32>
      %mul3A_429 = arith.mulf %get3A_424, %get3A_428 : vector<16xf32>
      %add3A_430 = arith.addf %add3A_420, %mul3A_429 : vector<16xf32>
      %add3A_431 = arith.constant 384 : i32
      %add3A_432 = arith.addi %add3A_431, %add3A_351 : i32
      %swap3A_433 = arith.index_cast %add3A_432 : i32 to index
      %swap3A_434 = arith.constant 0 : index
      %swap3A_435 = tpu.vector_load %arg15[%swap3A_433, %swap3A_434] {strides = array<i32>} : memref<512x16xf32, #tpu.memory_space<vmem>>, vector<1x16xf32>,
      %swap3A_436 = vector.shape_cast %swap3A_435 : vector<1x16xf32> to vector<16xf32>
      %swap3A_437 = vector.shape_cast %add3A_430 : vector<16xf32> to vector<1x16xf32>
      tpu.vector_store %arg15[%swap3A_433, %swap3A_434], %swap3A_437 {strides = array<i32>} : memref<512x16xf32, #tpu.memory_space<vmem>>, vector<1x16xf32>,
      %mul3A_438 = arith.constant 4 : i32
      %mul3A_439 = arith.muli %scan3A_168, %mul3A_438 : i32
      %add3A_440 = arith.constant 3 : i32
      %add3A_441 = arith.addi %mul3A_439, %add3A_440 : i32
      %get3A_442 = arith.index_cast %add3A_441 : i32 to index
      %get3A_443 = arith.constant 0 : index
      %get3A_444 = tpu.vector_load %arg11[%get3A_442, %get3A_443] {strides = array<i32>} : memref<64x128xf32, #tpu.memory_space<vmem>>, vector<1x16xf32>,
      %get3A_445 = vector.shape_cast %get3A_444 : vector<1x16xf32> to vector<16xf32>
      %get3A_446 = arith.index_cast %add3A_441 : i32 to index
      %get3A_447 = arith.constant 0 : index
      %get3A_448 = tpu.vector_load %arg12[%get3A_446, %get3A_447] {strides = array<i32>} : memref<64x128xf32, #tpu.memory_space<vmem>>, vector<1x16xf32>,
      %get3A_449 = vector.shape_cast %get3A_448 : vector<1x16xf32> to vector<16xf32>
      %mul3A_450 = arith.mulf %get3A_445, %get3A_449 : vector<16xf32>
      %get3A_451 = arith.index_cast %add3A_441 : i32 to index
      %get3A_452 = arith.constant 16 : index
      %get3A_453 = tpu.vector_load %arg11[%get3A_451, %get3A_452] {strides = array<i32>} : memref<64x128xf32, #tpu.memory_space<vmem>>, vector<1x16xf32>,
      %get3A_454 = vector.shape_cast %get3A_453 : vector<1x16xf32> to vector<16xf32>
      %get3A_455 = arith.index_cast %add3A_441 : i32 to index
      %get3A_456 = arith.constant 16 : index
      %get3A_457 = tpu.vector_load %arg12[%get3A_455, %get3A_456] {strides = array<i32>} : memref<64x128xf32, #tpu.memory_space<vmem>>, vector<1x16xf32>,
      %get3A_458 = vector.shape_cast %get3A_457 : vector<1x16xf32> to vector<16xf32>
      %mul3A_459 = arith.mulf %get3A_454, %get3A_458 : vector<16xf32>
      %add3A_460 = arith.addf %mul3A_450, %mul3A_459 : vector<16xf32>
      %get3A_461 = arith.index_cast %add3A_441 : i32 to index
      %get3A_462 = arith.constant 32 : index
      %get3A_463 = tpu.vector_load %arg11[%get3A_461, %get3A_462] {strides = array<i32>} : memref<64x128xf32, #tpu.memory_space<vmem>>, vector<1x16xf32>,
      %get3A_464 = vector.shape_cast %get3A_463 : vector<1x16xf32> to vector<16xf32>
      %get3A_465 = arith.index_cast %add3A_441 : i32 to index
      %get3A_466 = arith.constant 32 : index
      %get3A_467 = tpu.vector_load %arg12[%get3A_465, %get3A_466] {strides = array<i32>} : memref<64x128xf32, #tpu.memory_space<vmem>>, vector<1x16xf32>,
      %get3A_468 = vector.shape_cast %get3A_467 : vector<1x16xf32> to vector<16xf32>
      %mul3A_469 = arith.mulf %get3A_464, %get3A_468 : vector<16xf32>
      %add3A_470 = arith.addf %add3A_460, %mul3A_469 : vector<16xf32>
      %get3A_471 = arith.index_cast %add3A_441 : i32 to index
      %get3A_472 = arith.constant 48 : index
      %get3A_473 = tpu.vector_load %arg11[%get3A_471, %get3A_472] {strides = array<i32>} : memref<64x128xf32, #tpu.memory_space<vmem>>, vector<1x16xf32>,
      %get3A_474 = vector.shape_cast %get3A_473 : vector<1x16xf32> to vector<16xf32>
      %get3A_475 = arith.index_cast %add3A_441 : i32 to index
      %get3A_476 = arith.constant 48 : index
      %get3A_477 = tpu.vector_load %arg12[%get3A_475, %get3A_476] {strides = array<i32>} : memref<64x128xf32, #tpu.memory_space<vmem>>, vector<1x16xf32>,
      %get3A_478 = vector.shape_cast %get3A_477 : vector<1x16xf32> to vector<16xf32>
      %mul3A_479 = arith.mulf %get3A_474, %get3A_478 : vector<16xf32>
      %add3A_480 = arith.addf %add3A_470, %mul3A_479 : vector<16xf32>
      %get3A_481 = arith.index_cast %add3A_441 : i32 to index
      %get3A_482 = arith.constant 64 : index
      %get3A_483 = tpu.vector_load %arg11[%get3A_481, %get3A_482] {strides = array<i32>} : memref<64x128xf32, #tpu.memory_space<vmem>>, vector<1x16xf32>,
      %get3A_484 = vector.shape_cast %get3A_483 : vector<1x16xf32> to vector<16xf32>
      %get3A_485 = arith.index_cast %add3A_441 : i32 to index
      %get3A_486 = arith.constant 64 : index
      %get3A_487 = tpu.vector_load %arg12[%get3A_485, %get3A_486] {strides = array<i32>} : memref<64x128xf32, #tpu.memory_space<vmem>>, vector<1x16xf32>,
      %get3A_488 = vector.shape_cast %get3A_487 : vector<1x16xf32> to vector<16xf32>
      %mul3A_489 = arith.mulf %get3A_484, %get3A_488 : vector<16xf32>
      %add3A_490 = arith.addf %add3A_480, %mul3A_489 : vector<16xf32>
      %get3A_491 = arith.index_cast %add3A_441 : i32 to index
      %get3A_492 = arith.constant 80 : index
      %get3A_493 = tpu.vector_load %arg11[%get3A_491, %get3A_492] {strides = array<i32>} : memref<64x128xf32, #tpu.memory_space<vmem>>, vector<1x16xf32>,
      %get3A_494 = vector.shape_cast %get3A_493 : vector<1x16xf32> to vector<16xf32>
      %get3A_495 = arith.index_cast %add3A_441 : i32 to index
      %get3A_496 = arith.constant 80 : index
      %get3A_497 = tpu.vector_load %arg12[%get3A_495, %get3A_496] {strides = array<i32>} : memref<64x128xf32, #tpu.memory_space<vmem>>, vector<1x16xf32>,
      %get3A_498 = vector.shape_cast %get3A_497 : vector<1x16xf32> to vector<16xf32>
      %mul3A_499 = arith.mulf %get3A_494, %get3A_498 : vector<16xf32>
      %add3A_500 = arith.addf %add3A_490, %mul3A_499 : vector<16xf32>
      %get3A_501 = arith.index_cast %add3A_441 : i32 to index
      %get3A_502 = arith.constant 96 : index
      %get3A_503 = tpu.vector_load %arg11[%get3A_501, %get3A_502] {strides = array<i32>} : memref<64x128xf32, #tpu.memory_space<vmem>>, vector<1x16xf32>,
      %get3A_504 = vector.shape_cast %get3A_503 : vector<1x16xf32> to vector<16xf32>
      %get3A_505 = arith.index_cast %add3A_441 : i32 to index
      %get3A_506 = arith.constant 96 : index
      %get3A_507 = tpu.vector_load %arg12[%get3A_505, %get3A_506] {strides = array<i32>} : memref<64x128xf32, #tpu.memory_space<vmem>>, vector<1x16xf32>,
      %get3A_508 = vector.shape_cast %get3A_507 : vector<1x16xf32> to vector<16xf32>
      %mul3A_509 = arith.mulf %get3A_504, %get3A_508 : vector<16xf32>
      %add3A_510 = arith.addf %add3A_500, %mul3A_509 : vector<16xf32>
      %get3A_511 = arith.index_cast %add3A_441 : i32 to index
      %get3A_512 = arith.constant 112 : index
      %get3A_513 = tpu.vector_load %arg11[%get3A_511, %get3A_512] {strides = array<i32>} : memref<64x128xf32, #tpu.memory_space<vmem>>, vector<1x16xf32>,
      %get3A_514 = vector.shape_cast %get3A_513 : vector<1x16xf32> to vector<16xf32>
      %get3A_515 = arith.index_cast %add3A_441 : i32 to index
      %get3A_516 = arith.constant 112 : index
      %get3A_517 = tpu.vector_load %arg12[%get3A_515, %get3A_516] {strides = array<i32>} : memref<64x128xf32, #tpu.memory_space<vmem>>, vector<1x16xf32>,
      %get3A_518 = vector.shape_cast %get3A_517 : vector<1x16xf32> to vector<16xf32>
      %mul3A_519 = arith.mulf %get3A_514, %get3A_518 : vector<16xf32>
      %add3A_520 = arith.addf %add3A_510, %mul3A_519 : vector<16xf32>
      %add3A_521 = arith.constant 384 : i32
      %add3A_522 = arith.addi %add3A_521, %add3A_441 : i32
      %swap3A_523 = arith.index_cast %add3A_522 : i32 to index
      %swap3A_524 = arith.constant 0 : index
      %swap3A_525 = tpu.vector_load %arg15[%swap3A_523, %swap3A_524] {strides = array<i32>} : memref<512x16xf32, #tpu.memory_space<vmem>>, vector<1x16xf32>,
      %swap3A_526 = vector.shape_cast %swap3A_525 : vector<1x16xf32> to vector<16xf32>
      %swap3A_527 = vector.shape_cast %add3A_520 : vector<16xf32> to vector<1x16xf32>
      tpu.vector_store %arg15[%swap3A_523, %swap3A_524], %swap3A_527 {strides = array<i32>} : memref<512x16xf32, #tpu.memory_space<vmem>>, vector<1x16xf32>,
      %scan3A_528 = arith.constant 0 : i32
      scf.yield %scan3A_528 : i32
    }
    %scan3A_154 = arith.constant 16 : i32
    %dma_wait3A_155 = arith.constant 0 : i32
    %dma_wait3A_156 = arith.constant 0 : i32
    %dma_wait3A_157 = tpu.memref_slice %arg4[%dma_wait3A_155, %dma_wait3A_156] : memref<100000x128xf32, #tpu.memory_space<hbm>> -> memref<100000x128xf32, #tpu.memory_space<hbm>>
    tpu.wait_indirect_dma semaphore(%arg17 : memref<!tpu.dma_semaphore, #tpu.memory_space<semaphore_mem>>) src(%dma_wait3A_157 : memref<100000x128xf32, #tpu.memory_space<hbm>>) dst(%arg13 : memref<64x128xf32, #tpu.memory_space<vmem>>)
    %dma_wait3A_158 = arith.constant 0 : i32
    %dma_wait3A_159 = arith.constant 0 : i32
    %dma_wait3A_160 = tpu.memref_slice %arg5[%dma_wait3A_158, %dma_wait3A_159] : memref<100000x128xf32, #tpu.memory_space<hbm>> -> memref<100000x128xf32, #tpu.memory_space<hbm>>
    tpu.wait_indirect_dma semaphore(%arg17 : memref<!tpu.dma_semaphore, #tpu.memory_space<semaphore_mem>>) src(%dma_wait3A_160 : memref<100000x128xf32, #tpu.memory_space<hbm>>) dst(%arg14 : memref<64x128xf32, #tpu.memory_space<vmem>>)
    %scan3A_161 = arith.constant 0 : i32
    %scan3A_162 = arith.constant 0 : i32
    %scan3A_163 = arith.constant 16 : i32
    %scan3A_164 = arith.addi %scan3A_162, %scan3A_163 : i32
    %scan3A_165 = arith.constant 1 : i32
    %scan3A_166 = scf.for %scan3A_168 = %scan3A_162 to %scan3A_164 step %scan3A_165 iter_args(%scan3A_169 = %scan3A_161) -> (i32)  : i32 {
      %mul3A_170 = arith.constant 4 : i32
      %mul3A_171 = arith.muli %scan3A_168, %mul3A_170 : i32
      %add3A_172 = arith.constant 0 : i32
      %add3A_173 = arith.addi %mul3A_171, %add3A_172 : i32
      %get3A = arith.index_cast %add3A_173 : i32 to index
      %get3A_174 = arith.constant 0 : index
      %get3A_175 = tpu.vector_load %arg13[%get3A, %get3A_174] {strides = array<i32>} : memref<64x128xf32, #tpu.memory_space<vmem>>, vector<1x16xf32>,
      %get3A_176 = vector.shape_cast %get3A_175 : vector<1x16xf32> to vector<16xf32>
      %get3A_177 = arith.index_cast %add3A_173 : i32 to index
      %get3A_178 = arith.constant 0 : index
      %get3A_179 = tpu.vector_load %arg14[%get3A_177, %get3A_178] {strides = array<i32>} : memref<64x128xf32, #tpu.memory_space<vmem>>, vector<1x16xf32>,
      %get3A_180 = vector.shape_cast %get3A_179 : vector<1x16xf32> to vector<16xf32>
      %mul3A_181 = arith.mulf %get3A_176, %get3A_180 : vector<16xf32>
      %get3A_182 = arith.index_cast %add3A_173 : i32 to index
      %get3A_183 = arith.constant 16 : index
      %get3A_184 = tpu.vector_load %arg13[%get3A_182, %get3A_183] {strides = array<i32>} : memref<64x128xf32, #tpu.memory_space<vmem>>, vector<1x16xf32>,
      %get3A_185 = vector.shape_cast %get3A_184 : vector<1x16xf32> to vector<16xf32>
      %get3A_186 = arith.index_cast %add3A_173 : i32 to index
      %get3A_187 = arith.constant 16 : index
      %get3A_188 = tpu.vector_load %arg14[%get3A_186, %get3A_187] {strides = array<i32>} : memref<64x128xf32, #tpu.memory_space<vmem>>, vector<1x16xf32>,
      %get3A_189 = vector.shape_cast %get3A_188 : vector<1x16xf32> to vector<16xf32>
      %mul3A_190 = arith.mulf %get3A_185, %get3A_189 : vector<16xf32>
      %add3A_191 = arith.addf %mul3A_181, %mul3A_190 : vector<16xf32>
      %get3A_192 = arith.index_cast %add3A_173 : i32 to index
      %get3A_193 = arith.constant 32 : index
      %get3A_194 = tpu.vector_load %arg13[%get3A_192, %get3A_193] {strides = array<i32>} : memref<64x128xf32, #tpu.memory_space<vmem>>, vector<1x16xf32>,
      %get3A_195 = vector.shape_cast %get3A_194 : vector<1x16xf32> to vector<16xf32>
      %get3A_196 = arith.index_cast %add3A_173 : i32 to index
      %get3A_197 = arith.constant 32 : index
      %get3A_198 = tpu.vector_load %arg14[%get3A_196, %get3A_197] {strides = array<i32>} : memref<64x128xf32, #tpu.memory_space<vmem>>, vector<1x16xf32>,
      %get3A_199 = vector.shape_cast %get3A_198 : vector<1x16xf32> to vector<16xf32>
      %mul3A_200 = arith.mulf %get3A_195, %get3A_199 : vector<16xf32>
      %add3A_201 = arith.addf %add3A_191, %mul3A_200 : vector<16xf32>
      %get3A_202 = arith.index_cast %add3A_173 : i32 to index
      %get3A_203 = arith.constant 48 : index
      %get3A_204 = tpu.vector_load %arg13[%get3A_202, %get3A_203] {strides = array<i32>} : memref<64x128xf32, #tpu.memory_space<vmem>>, vector<1x16xf32>,
      %get3A_205 = vector.shape_cast %get3A_204 : vector<1x16xf32> to vector<16xf32>
      %get3A_206 = arith.index_cast %add3A_173 : i32 to index
      %get3A_207 = arith.constant 48 : index
      %get3A_208 = tpu.vector_load %arg14[%get3A_206, %get3A_207] {strides = array<i32>} : memref<64x128xf32, #tpu.memory_space<vmem>>, vector<1x16xf32>,
      %get3A_209 = vector.shape_cast %get3A_208 : vector<1x16xf32> to vector<16xf32>
      %mul3A_210 = arith.mulf %get3A_205, %get3A_209 : vector<16xf32>
      %add3A_211 = arith.addf %add3A_201, %mul3A_210 : vector<16xf32>
      %get3A_212 = arith.index_cast %add3A_173 : i32 to index
      %get3A_213 = arith.constant 64 : index
      %get3A_214 = tpu.vector_load %arg13[%get3A_212, %get3A_213] {strides = array<i32>} : memref<64x128xf32, #tpu.memory_space<vmem>>, vector<1x16xf32>,
      %get3A_215 = vector.shape_cast %get3A_214 : vector<1x16xf32> to vector<16xf32>
      %get3A_216 = arith.index_cast %add3A_173 : i32 to index
      %get3A_217 = arith.constant 64 : index
      %get3A_218 = tpu.vector_load %arg14[%get3A_216, %get3A_217] {strides = array<i32>} : memref<64x128xf32, #tpu.memory_space<vmem>>, vector<1x16xf32>,
      %get3A_219 = vector.shape_cast %get3A_218 : vector<1x16xf32> to vector<16xf32>
      %mul3A_220 = arith.mulf %get3A_215, %get3A_219 : vector<16xf32>
      %add3A_221 = arith.addf %add3A_211, %mul3A_220 : vector<16xf32>
      %get3A_222 = arith.index_cast %add3A_173 : i32 to index
      %get3A_223 = arith.constant 80 : index
      %get3A_224 = tpu.vector_load %arg13[%get3A_222, %get3A_223] {strides = array<i32>} : memref<64x128xf32, #tpu.memory_space<vmem>>, vector<1x16xf32>,
      %get3A_225 = vector.shape_cast %get3A_224 : vector<1x16xf32> to vector<16xf32>
      %get3A_226 = arith.index_cast %add3A_173 : i32 to index
      %get3A_227 = arith.constant 80 : index
      %get3A_228 = tpu.vector_load %arg14[%get3A_226, %get3A_227] {strides = array<i32>} : memref<64x128xf32, #tpu.memory_space<vmem>>, vector<1x16xf32>,
      %get3A_229 = vector.shape_cast %get3A_228 : vector<1x16xf32> to vector<16xf32>
      %mul3A_230 = arith.mulf %get3A_225, %get3A_229 : vector<16xf32>
      %add3A_231 = arith.addf %add3A_221, %mul3A_230 : vector<16xf32>
      %get3A_232 = arith.index_cast %add3A_173 : i32 to index
      %get3A_233 = arith.constant 96 : index
      %get3A_234 = tpu.vector_load %arg13[%get3A_232, %get3A_233] {strides = array<i32>} : memref<64x128xf32, #tpu.memory_space<vmem>>, vector<1x16xf32>,
      %get3A_235 = vector.shape_cast %get3A_234 : vector<1x16xf32> to vector<16xf32>
      %get3A_236 = arith.index_cast %add3A_173 : i32 to index
      %get3A_237 = arith.constant 96 : index
      %get3A_238 = tpu.vector_load %arg14[%get3A_236, %get3A_237] {strides = array<i32>} : memref<64x128xf32, #tpu.memory_space<vmem>>, vector<1x16xf32>,
      %get3A_239 = vector.shape_cast %get3A_238 : vector<1x16xf32> to vector<16xf32>
      %mul3A_240 = arith.mulf %get3A_235, %get3A_239 : vector<16xf32>
      %add3A_241 = arith.addf %add3A_231, %mul3A_240 : vector<16xf32>
      %get3A_242 = arith.index_cast %add3A_173 : i32 to index
      %get3A_243 = arith.constant 112 : index
      %get3A_244 = tpu.vector_load %arg13[%get3A_242, %get3A_243] {strides = array<i32>} : memref<64x128xf32, #tpu.memory_space<vmem>>, vector<1x16xf32>,
      %get3A_245 = vector.shape_cast %get3A_244 : vector<1x16xf32> to vector<16xf32>
      %get3A_246 = arith.index_cast %add3A_173 : i32 to index
      %get3A_247 = arith.constant 112 : index
      %get3A_248 = tpu.vector_load %arg14[%get3A_246, %get3A_247] {strides = array<i32>} : memref<64x128xf32, #tpu.memory_space<vmem>>, vector<1x16xf32>,
      %get3A_249 = vector.shape_cast %get3A_248 : vector<1x16xf32> to vector<16xf32>
      %mul3A_250 = arith.mulf %get3A_245, %get3A_249 : vector<16xf32>
      %add3A_251 = arith.addf %add3A_241, %mul3A_250 : vector<16xf32>
      %add3A_252 = arith.constant 448 : i32
      %add3A_253 = arith.addi %add3A_252, %add3A_173 : i32
      %swap3A = arith.index_cast %add3A_253 : i32 to index
      %swap3A_254 = arith.constant 0 : index
      %swap3A_255 = tpu.vector_load %arg15[%swap3A, %swap3A_254] {strides = array<i32>} : memref<512x16xf32, #tpu.memory_space<vmem>>, vector<1x16xf32>,
      %swap3A_256 = vector.shape_cast %swap3A_255 : vector<1x16xf32> to vector<16xf32>
      %swap3A_257 = vector.shape_cast %add3A_251 : vector<16xf32> to vector<1x16xf32>
      tpu.vector_store %arg15[%swap3A, %swap3A_254], %swap3A_257 {strides = array<i32>} : memref<512x16xf32, #tpu.memory_space<vmem>>, vector<1x16xf32>,
      %mul3A_258 = arith.constant 4 : i32
      %mul3A_259 = arith.muli %scan3A_168, %mul3A_258 : i32
      %add3A_260 = arith.constant 1 : i32
      %add3A_261 = arith.addi %mul3A_259, %add3A_260 : i32
      %get3A_262 = arith.index_cast %add3A_261 : i32 to index
      %get3A_263 = arith.constant 0 : index
      %get3A_264 = tpu.vector_load %arg13[%get3A_262, %get3A_263] {strides = array<i32>} : memref<64x128xf32, #tpu.memory_space<vmem>>, vector<1x16xf32>,
      %get3A_265 = vector.shape_cast %get3A_264 : vector<1x16xf32> to vector<16xf32>
      %get3A_266 = arith.index_cast %add3A_261 : i32 to index
      %get3A_267 = arith.constant 0 : index
      %get3A_268 = tpu.vector_load %arg14[%get3A_266, %get3A_267] {strides = array<i32>} : memref<64x128xf32, #tpu.memory_space<vmem>>, vector<1x16xf32>,
      %get3A_269 = vector.shape_cast %get3A_268 : vector<1x16xf32> to vector<16xf32>
      %mul3A_270 = arith.mulf %get3A_265, %get3A_269 : vector<16xf32>
      %get3A_271 = arith.index_cast %add3A_261 : i32 to index
      %get3A_272 = arith.constant 16 : index
      %get3A_273 = tpu.vector_load %arg13[%get3A_271, %get3A_272] {strides = array<i32>} : memref<64x128xf32, #tpu.memory_space<vmem>>, vector<1x16xf32>,
      %get3A_274 = vector.shape_cast %get3A_273 : vector<1x16xf32> to vector<16xf32>
      %get3A_275 = arith.index_cast %add3A_261 : i32 to index
      %get3A_276 = arith.constant 16 : index
      %get3A_277 = tpu.vector_load %arg14[%get3A_275, %get3A_276] {strides = array<i32>} : memref<64x128xf32, #tpu.memory_space<vmem>>, vector<1x16xf32>,
      %get3A_278 = vector.shape_cast %get3A_277 : vector<1x16xf32> to vector<16xf32>
      %mul3A_279 = arith.mulf %get3A_274, %get3A_278 : vector<16xf32>
      %add3A_280 = arith.addf %mul3A_270, %mul3A_279 : vector<16xf32>
      %get3A_281 = arith.index_cast %add3A_261 : i32 to index
      %get3A_282 = arith.constant 32 : index
      %get3A_283 = tpu.vector_load %arg13[%get3A_281, %get3A_282] {strides = array<i32>} : memref<64x128xf32, #tpu.memory_space<vmem>>, vector<1x16xf32>,
      %get3A_284 = vector.shape_cast %get3A_283 : vector<1x16xf32> to vector<16xf32>
      %get3A_285 = arith.index_cast %add3A_261 : i32 to index
      %get3A_286 = arith.constant 32 : index
      %get3A_287 = tpu.vector_load %arg14[%get3A_285, %get3A_286] {strides = array<i32>} : memref<64x128xf32, #tpu.memory_space<vmem>>, vector<1x16xf32>,
      %get3A_288 = vector.shape_cast %get3A_287 : vector<1x16xf32> to vector<16xf32>
      %mul3A_289 = arith.mulf %get3A_284, %get3A_288 : vector<16xf32>
      %add3A_290 = arith.addf %add3A_280, %mul3A_289 : vector<16xf32>
      %get3A_291 = arith.index_cast %add3A_261 : i32 to index
      %get3A_292 = arith.constant 48 : index
      %get3A_293 = tpu.vector_load %arg13[%get3A_291, %get3A_292] {strides = array<i32>} : memref<64x128xf32, #tpu.memory_space<vmem>>, vector<1x16xf32>,
      %get3A_294 = vector.shape_cast %get3A_293 : vector<1x16xf32> to vector<16xf32>
      %get3A_295 = arith.index_cast %add3A_261 : i32 to index
      %get3A_296 = arith.constant 48 : index
      %get3A_297 = tpu.vector_load %arg14[%get3A_295, %get3A_296] {strides = array<i32>} : memref<64x128xf32, #tpu.memory_space<vmem>>, vector<1x16xf32>,
      %get3A_298 = vector.shape_cast %get3A_297 : vector<1x16xf32> to vector<16xf32>
      %mul3A_299 = arith.mulf %get3A_294, %get3A_298 : vector<16xf32>
      %add3A_300 = arith.addf %add3A_290, %mul3A_299 : vector<16xf32>
      %get3A_301 = arith.index_cast %add3A_261 : i32 to index
      %get3A_302 = arith.constant 64 : index
      %get3A_303 = tpu.vector_load %arg13[%get3A_301, %get3A_302] {strides = array<i32>} : memref<64x128xf32, #tpu.memory_space<vmem>>, vector<1x16xf32>,
      %get3A_304 = vector.shape_cast %get3A_303 : vector<1x16xf32> to vector<16xf32>
      %get3A_305 = arith.index_cast %add3A_261 : i32 to index
      %get3A_306 = arith.constant 64 : index
      %get3A_307 = tpu.vector_load %arg14[%get3A_305, %get3A_306] {strides = array<i32>} : memref<64x128xf32, #tpu.memory_space<vmem>>, vector<1x16xf32>,
      %get3A_308 = vector.shape_cast %get3A_307 : vector<1x16xf32> to vector<16xf32>
      %mul3A_309 = arith.mulf %get3A_304, %get3A_308 : vector<16xf32>
      %add3A_310 = arith.addf %add3A_300, %mul3A_309 : vector<16xf32>
      %get3A_311 = arith.index_cast %add3A_261 : i32 to index
      %get3A_312 = arith.constant 80 : index
      %get3A_313 = tpu.vector_load %arg13[%get3A_311, %get3A_312] {strides = array<i32>} : memref<64x128xf32, #tpu.memory_space<vmem>>, vector<1x16xf32>,
      %get3A_314 = vector.shape_cast %get3A_313 : vector<1x16xf32> to vector<16xf32>
      %get3A_315 = arith.index_cast %add3A_261 : i32 to index
      %get3A_316 = arith.constant 80 : index
      %get3A_317 = tpu.vector_load %arg14[%get3A_315, %get3A_316] {strides = array<i32>} : memref<64x128xf32, #tpu.memory_space<vmem>>, vector<1x16xf32>,
      %get3A_318 = vector.shape_cast %get3A_317 : vector<1x16xf32> to vector<16xf32>
      %mul3A_319 = arith.mulf %get3A_314, %get3A_318 : vector<16xf32>
      %add3A_320 = arith.addf %add3A_310, %mul3A_319 : vector<16xf32>
      %get3A_321 = arith.index_cast %add3A_261 : i32 to index
      %get3A_322 = arith.constant 96 : index
      %get3A_323 = tpu.vector_load %arg13[%get3A_321, %get3A_322] {strides = array<i32>} : memref<64x128xf32, #tpu.memory_space<vmem>>, vector<1x16xf32>,
      %get3A_324 = vector.shape_cast %get3A_323 : vector<1x16xf32> to vector<16xf32>
      %get3A_325 = arith.index_cast %add3A_261 : i32 to index
      %get3A_326 = arith.constant 96 : index
      %get3A_327 = tpu.vector_load %arg14[%get3A_325, %get3A_326] {strides = array<i32>} : memref<64x128xf32, #tpu.memory_space<vmem>>, vector<1x16xf32>,
      %get3A_328 = vector.shape_cast %get3A_327 : vector<1x16xf32> to vector<16xf32>
      %mul3A_329 = arith.mulf %get3A_324, %get3A_328 : vector<16xf32>
      %add3A_330 = arith.addf %add3A_320, %mul3A_329 : vector<16xf32>
      %get3A_331 = arith.index_cast %add3A_261 : i32 to index
      %get3A_332 = arith.constant 112 : index
      %get3A_333 = tpu.vector_load %arg13[%get3A_331, %get3A_332] {strides = array<i32>} : memref<64x128xf32, #tpu.memory_space<vmem>>, vector<1x16xf32>,
      %get3A_334 = vector.shape_cast %get3A_333 : vector<1x16xf32> to vector<16xf32>
      %get3A_335 = arith.index_cast %add3A_261 : i32 to index
      %get3A_336 = arith.constant 112 : index
      %get3A_337 = tpu.vector_load %arg14[%get3A_335, %get3A_336] {strides = array<i32>} : memref<64x128xf32, #tpu.memory_space<vmem>>, vector<1x16xf32>,
      %get3A_338 = vector.shape_cast %get3A_337 : vector<1x16xf32> to vector<16xf32>
      %mul3A_339 = arith.mulf %get3A_334, %get3A_338 : vector<16xf32>
      %add3A_340 = arith.addf %add3A_330, %mul3A_339 : vector<16xf32>
      %add3A_341 = arith.constant 448 : i32
      %add3A_342 = arith.addi %add3A_341, %add3A_261 : i32
      %swap3A_343 = arith.index_cast %add3A_342 : i32 to index
      %swap3A_344 = arith.constant 0 : index
      %swap3A_345 = tpu.vector_load %arg15[%swap3A_343, %swap3A_344] {strides = array<i32>} : memref<512x16xf32, #tpu.memory_space<vmem>>, vector<1x16xf32>,
      %swap3A_346 = vector.shape_cast %swap3A_345 : vector<1x16xf32> to vector<16xf32>
      %swap3A_347 = vector.shape_cast %add3A_340 : vector<16xf32> to vector<1x16xf32>
      tpu.vector_store %arg15[%swap3A_343, %swap3A_344], %swap3A_347 {strides = array<i32>} : memref<512x16xf32, #tpu.memory_space<vmem>>, vector<1x16xf32>,
      %mul3A_348 = arith.constant 4 : i32
      %mul3A_349 = arith.muli %scan3A_168, %mul3A_348 : i32
      %add3A_350 = arith.constant 2 : i32
      %add3A_351 = arith.addi %mul3A_349, %add3A_350 : i32
      %get3A_352 = arith.index_cast %add3A_351 : i32 to index
      %get3A_353 = arith.constant 0 : index
      %get3A_354 = tpu.vector_load %arg13[%get3A_352, %get3A_353] {strides = array<i32>} : memref<64x128xf32, #tpu.memory_space<vmem>>, vector<1x16xf32>,
      %get3A_355 = vector.shape_cast %get3A_354 : vector<1x16xf32> to vector<16xf32>
      %get3A_356 = arith.index_cast %add3A_351 : i32 to index
      %get3A_357 = arith.constant 0 : index
      %get3A_358 = tpu.vector_load %arg14[%get3A_356, %get3A_357] {strides = array<i32>} : memref<64x128xf32, #tpu.memory_space<vmem>>, vector<1x16xf32>,
      %get3A_359 = vector.shape_cast %get3A_358 : vector<1x16xf32> to vector<16xf32>
      %mul3A_360 = arith.mulf %get3A_355, %get3A_359 : vector<16xf32>
      %get3A_361 = arith.index_cast %add3A_351 : i32 to index
      %get3A_362 = arith.constant 16 : index
      %get3A_363 = tpu.vector_load %arg13[%get3A_361, %get3A_362] {strides = array<i32>} : memref<64x128xf32, #tpu.memory_space<vmem>>, vector<1x16xf32>,
      %get3A_364 = vector.shape_cast %get3A_363 : vector<1x16xf32> to vector<16xf32>
      %get3A_365 = arith.index_cast %add3A_351 : i32 to index
      %get3A_366 = arith.constant 16 : index
      %get3A_367 = tpu.vector_load %arg14[%get3A_365, %get3A_366] {strides = array<i32>} : memref<64x128xf32, #tpu.memory_space<vmem>>, vector<1x16xf32>,
      %get3A_368 = vector.shape_cast %get3A_367 : vector<1x16xf32> to vector<16xf32>
      %mul3A_369 = arith.mulf %get3A_364, %get3A_368 : vector<16xf32>
      %add3A_370 = arith.addf %mul3A_360, %mul3A_369 : vector<16xf32>
      %get3A_371 = arith.index_cast %add3A_351 : i32 to index
      %get3A_372 = arith.constant 32 : index
      %get3A_373 = tpu.vector_load %arg13[%get3A_371, %get3A_372] {strides = array<i32>} : memref<64x128xf32, #tpu.memory_space<vmem>>, vector<1x16xf32>,
      %get3A_374 = vector.shape_cast %get3A_373 : vector<1x16xf32> to vector<16xf32>
      %get3A_375 = arith.index_cast %add3A_351 : i32 to index
      %get3A_376 = arith.constant 32 : index
      %get3A_377 = tpu.vector_load %arg14[%get3A_375, %get3A_376] {strides = array<i32>} : memref<64x128xf32, #tpu.memory_space<vmem>>, vector<1x16xf32>,
      %get3A_378 = vector.shape_cast %get3A_377 : vector<1x16xf32> to vector<16xf32>
      %mul3A_379 = arith.mulf %get3A_374, %get3A_378 : vector<16xf32>
      %add3A_380 = arith.addf %add3A_370, %mul3A_379 : vector<16xf32>
      %get3A_381 = arith.index_cast %add3A_351 : i32 to index
      %get3A_382 = arith.constant 48 : index
      %get3A_383 = tpu.vector_load %arg13[%get3A_381, %get3A_382] {strides = array<i32>} : memref<64x128xf32, #tpu.memory_space<vmem>>, vector<1x16xf32>,
      %get3A_384 = vector.shape_cast %get3A_383 : vector<1x16xf32> to vector<16xf32>
      %get3A_385 = arith.index_cast %add3A_351 : i32 to index
      %get3A_386 = arith.constant 48 : index
      %get3A_387 = tpu.vector_load %arg14[%get3A_385, %get3A_386] {strides = array<i32>} : memref<64x128xf32, #tpu.memory_space<vmem>>, vector<1x16xf32>,
      %get3A_388 = vector.shape_cast %get3A_387 : vector<1x16xf32> to vector<16xf32>
      %mul3A_389 = arith.mulf %get3A_384, %get3A_388 : vector<16xf32>
      %add3A_390 = arith.addf %add3A_380, %mul3A_389 : vector<16xf32>
      %get3A_391 = arith.index_cast %add3A_351 : i32 to index
      %get3A_392 = arith.constant 64 : index
      %get3A_393 = tpu.vector_load %arg13[%get3A_391, %get3A_392] {strides = array<i32>} : memref<64x128xf32, #tpu.memory_space<vmem>>, vector<1x16xf32>,
      %get3A_394 = vector.shape_cast %get3A_393 : vector<1x16xf32> to vector<16xf32>
      %get3A_395 = arith.index_cast %add3A_351 : i32 to index
      %get3A_396 = arith.constant 64 : index
      %get3A_397 = tpu.vector_load %arg14[%get3A_395, %get3A_396] {strides = array<i32>} : memref<64x128xf32, #tpu.memory_space<vmem>>, vector<1x16xf32>,
      %get3A_398 = vector.shape_cast %get3A_397 : vector<1x16xf32> to vector<16xf32>
      %mul3A_399 = arith.mulf %get3A_394, %get3A_398 : vector<16xf32>
      %add3A_400 = arith.addf %add3A_390, %mul3A_399 : vector<16xf32>
      %get3A_401 = arith.index_cast %add3A_351 : i32 to index
      %get3A_402 = arith.constant 80 : index
      %get3A_403 = tpu.vector_load %arg13[%get3A_401, %get3A_402] {strides = array<i32>} : memref<64x128xf32, #tpu.memory_space<vmem>>, vector<1x16xf32>,
      %get3A_404 = vector.shape_cast %get3A_403 : vector<1x16xf32> to vector<16xf32>
      %get3A_405 = arith.index_cast %add3A_351 : i32 to index
      %get3A_406 = arith.constant 80 : index
      %get3A_407 = tpu.vector_load %arg14[%get3A_405, %get3A_406] {strides = array<i32>} : memref<64x128xf32, #tpu.memory_space<vmem>>, vector<1x16xf32>,
      %get3A_408 = vector.shape_cast %get3A_407 : vector<1x16xf32> to vector<16xf32>
      %mul3A_409 = arith.mulf %get3A_404, %get3A_408 : vector<16xf32>
      %add3A_410 = arith.addf %add3A_400, %mul3A_409 : vector<16xf32>
      %get3A_411 = arith.index_cast %add3A_351 : i32 to index
      %get3A_412 = arith.constant 96 : index
      %get3A_413 = tpu.vector_load %arg13[%get3A_411, %get3A_412] {strides = array<i32>} : memref<64x128xf32, #tpu.memory_space<vmem>>, vector<1x16xf32>,
      %get3A_414 = vector.shape_cast %get3A_413 : vector<1x16xf32> to vector<16xf32>
      %get3A_415 = arith.index_cast %add3A_351 : i32 to index
      %get3A_416 = arith.constant 96 : index
      %get3A_417 = tpu.vector_load %arg14[%get3A_415, %get3A_416] {strides = array<i32>} : memref<64x128xf32, #tpu.memory_space<vmem>>, vector<1x16xf32>,
      %get3A_418 = vector.shape_cast %get3A_417 : vector<1x16xf32> to vector<16xf32>
      %mul3A_419 = arith.mulf %get3A_414, %get3A_418 : vector<16xf32>
      %add3A_420 = arith.addf %add3A_410, %mul3A_419 : vector<16xf32>
      %get3A_421 = arith.index_cast %add3A_351 : i32 to index
      %get3A_422 = arith.constant 112 : index
      %get3A_423 = tpu.vector_load %arg13[%get3A_421, %get3A_422] {strides = array<i32>} : memref<64x128xf32, #tpu.memory_space<vmem>>, vector<1x16xf32>,
      %get3A_424 = vector.shape_cast %get3A_423 : vector<1x16xf32> to vector<16xf32>
      %get3A_425 = arith.index_cast %add3A_351 : i32 to index
      %get3A_426 = arith.constant 112 : index
      %get3A_427 = tpu.vector_load %arg14[%get3A_425, %get3A_426] {strides = array<i32>} : memref<64x128xf32, #tpu.memory_space<vmem>>, vector<1x16xf32>,
      %get3A_428 = vector.shape_cast %get3A_427 : vector<1x16xf32> to vector<16xf32>
      %mul3A_429 = arith.mulf %get3A_424, %get3A_428 : vector<16xf32>
      %add3A_430 = arith.addf %add3A_420, %mul3A_429 : vector<16xf32>
      %add3A_431 = arith.constant 448 : i32
      %add3A_432 = arith.addi %add3A_431, %add3A_351 : i32
      %swap3A_433 = arith.index_cast %add3A_432 : i32 to index
      %swap3A_434 = arith.constant 0 : index
      %swap3A_435 = tpu.vector_load %arg15[%swap3A_433, %swap3A_434] {strides = array<i32>} : memref<512x16xf32, #tpu.memory_space<vmem>>, vector<1x16xf32>,
      %swap3A_436 = vector.shape_cast %swap3A_435 : vector<1x16xf32> to vector<16xf32>
      %swap3A_437 = vector.shape_cast %add3A_430 : vector<16xf32> to vector<1x16xf32>
      tpu.vector_store %arg15[%swap3A_433, %swap3A_434], %swap3A_437 {strides = array<i32>} : memref<512x16xf32, #tpu.memory_space<vmem>>, vector<1x16xf32>,
      %mul3A_438 = arith.constant 4 : i32
      %mul3A_439 = arith.muli %scan3A_168, %mul3A_438 : i32
      %add3A_440 = arith.constant 3 : i32
      %add3A_441 = arith.addi %mul3A_439, %add3A_440 : i32
      %get3A_442 = arith.index_cast %add3A_441 : i32 to index
      %get3A_443 = arith.constant 0 : index
      %get3A_444 = tpu.vector_load %arg13[%get3A_442, %get3A_443] {strides = array<i32>} : memref<64x128xf32, #tpu.memory_space<vmem>>, vector<1x16xf32>,
      %get3A_445 = vector.shape_cast %get3A_444 : vector<1x16xf32> to vector<16xf32>
      %get3A_446 = arith.index_cast %add3A_441 : i32 to index
      %get3A_447 = arith.constant 0 : index
      %get3A_448 = tpu.vector_load %arg14[%get3A_446, %get3A_447] {strides = array<i32>} : memref<64x128xf32, #tpu.memory_space<vmem>>, vector<1x16xf32>,
      %get3A_449 = vector.shape_cast %get3A_448 : vector<1x16xf32> to vector<16xf32>
      %mul3A_450 = arith.mulf %get3A_445, %get3A_449 : vector<16xf32>
      %get3A_451 = arith.index_cast %add3A_441 : i32 to index
      %get3A_452 = arith.constant 16 : index
      %get3A_453 = tpu.vector_load %arg13[%get3A_451, %get3A_452] {strides = array<i32>} : memref<64x128xf32, #tpu.memory_space<vmem>>, vector<1x16xf32>,
      %get3A_454 = vector.shape_cast %get3A_453 : vector<1x16xf32> to vector<16xf32>
      %get3A_455 = arith.index_cast %add3A_441 : i32 to index
      %get3A_456 = arith.constant 16 : index
      %get3A_457 = tpu.vector_load %arg14[%get3A_455, %get3A_456] {strides = array<i32>} : memref<64x128xf32, #tpu.memory_space<vmem>>, vector<1x16xf32>,
      %get3A_458 = vector.shape_cast %get3A_457 : vector<1x16xf32> to vector<16xf32>
      %mul3A_459 = arith.mulf %get3A_454, %get3A_458 : vector<16xf32>
      %add3A_460 = arith.addf %mul3A_450, %mul3A_459 : vector<16xf32>
      %get3A_461 = arith.index_cast %add3A_441 : i32 to index
      %get3A_462 = arith.constant 32 : index
      %get3A_463 = tpu.vector_load %arg13[%get3A_461, %get3A_462] {strides = array<i32>} : memref<64x128xf32, #tpu.memory_space<vmem>>, vector<1x16xf32>,
      %get3A_464 = vector.shape_cast %get3A_463 : vector<1x16xf32> to vector<16xf32>
      %get3A_465 = arith.index_cast %add3A_441 : i32 to index
      %get3A_466 = arith.constant 32 : index
      %get3A_467 = tpu.vector_load %arg14[%get3A_465, %get3A_466] {strides = array<i32>} : memref<64x128xf32, #tpu.memory_space<vmem>>, vector<1x16xf32>,
      %get3A_468 = vector.shape_cast %get3A_467 : vector<1x16xf32> to vector<16xf32>
      %mul3A_469 = arith.mulf %get3A_464, %get3A_468 : vector<16xf32>
      %add3A_470 = arith.addf %add3A_460, %mul3A_469 : vector<16xf32>
      %get3A_471 = arith.index_cast %add3A_441 : i32 to index
      %get3A_472 = arith.constant 48 : index
      %get3A_473 = tpu.vector_load %arg13[%get3A_471, %get3A_472] {strides = array<i32>} : memref<64x128xf32, #tpu.memory_space<vmem>>, vector<1x16xf32>,
      %get3A_474 = vector.shape_cast %get3A_473 : vector<1x16xf32> to vector<16xf32>
      %get3A_475 = arith.index_cast %add3A_441 : i32 to index
      %get3A_476 = arith.constant 48 : index
      %get3A_477 = tpu.vector_load %arg14[%get3A_475, %get3A_476] {strides = array<i32>} : memref<64x128xf32, #tpu.memory_space<vmem>>, vector<1x16xf32>,
      %get3A_478 = vector.shape_cast %get3A_477 : vector<1x16xf32> to vector<16xf32>
      %mul3A_479 = arith.mulf %get3A_474, %get3A_478 : vector<16xf32>
      %add3A_480 = arith.addf %add3A_470, %mul3A_479 : vector<16xf32>
      %get3A_481 = arith.index_cast %add3A_441 : i32 to index
      %get3A_482 = arith.constant 64 : index
      %get3A_483 = tpu.vector_load %arg13[%get3A_481, %get3A_482] {strides = array<i32>} : memref<64x128xf32, #tpu.memory_space<vmem>>, vector<1x16xf32>,
      %get3A_484 = vector.shape_cast %get3A_483 : vector<1x16xf32> to vector<16xf32>
      %get3A_485 = arith.index_cast %add3A_441 : i32 to index
      %get3A_486 = arith.constant 64 : index
      %get3A_487 = tpu.vector_load %arg14[%get3A_485, %get3A_486] {strides = array<i32>} : memref<64x128xf32, #tpu.memory_space<vmem>>, vector<1x16xf32>,
      %get3A_488 = vector.shape_cast %get3A_487 : vector<1x16xf32> to vector<16xf32>
      %mul3A_489 = arith.mulf %get3A_484, %get3A_488 : vector<16xf32>
      %add3A_490 = arith.addf %add3A_480, %mul3A_489 : vector<16xf32>
      %get3A_491 = arith.index_cast %add3A_441 : i32 to index
      %get3A_492 = arith.constant 80 : index
      %get3A_493 = tpu.vector_load %arg13[%get3A_491, %get3A_492] {strides = array<i32>} : memref<64x128xf32, #tpu.memory_space<vmem>>, vector<1x16xf32>,
      %get3A_494 = vector.shape_cast %get3A_493 : vector<1x16xf32> to vector<16xf32>
      %get3A_495 = arith.index_cast %add3A_441 : i32 to index
      %get3A_496 = arith.constant 80 : index
      %get3A_497 = tpu.vector_load %arg14[%get3A_495, %get3A_496] {strides = array<i32>} : memref<64x128xf32, #tpu.memory_space<vmem>>, vector<1x16xf32>,
      %get3A_498 = vector.shape_cast %get3A_497 : vector<1x16xf32> to vector<16xf32>
      %mul3A_499 = arith.mulf %get3A_494, %get3A_498 : vector<16xf32>
      %add3A_500 = arith.addf %add3A_490, %mul3A_499 : vector<16xf32>
      %get3A_501 = arith.index_cast %add3A_441 : i32 to index
      %get3A_502 = arith.constant 96 : index
      %get3A_503 = tpu.vector_load %arg13[%get3A_501, %get3A_502] {strides = array<i32>} : memref<64x128xf32, #tpu.memory_space<vmem>>, vector<1x16xf32>,
      %get3A_504 = vector.shape_cast %get3A_503 : vector<1x16xf32> to vector<16xf32>
      %get3A_505 = arith.index_cast %add3A_441 : i32 to index
      %get3A_506 = arith.constant 96 : index
      %get3A_507 = tpu.vector_load %arg14[%get3A_505, %get3A_506] {strides = array<i32>} : memref<64x128xf32, #tpu.memory_space<vmem>>, vector<1x16xf32>,
      %get3A_508 = vector.shape_cast %get3A_507 : vector<1x16xf32> to vector<16xf32>
      %mul3A_509 = arith.mulf %get3A_504, %get3A_508 : vector<16xf32>
      %add3A_510 = arith.addf %add3A_500, %mul3A_509 : vector<16xf32>
      %get3A_511 = arith.index_cast %add3A_441 : i32 to index
      %get3A_512 = arith.constant 112 : index
      %get3A_513 = tpu.vector_load %arg13[%get3A_511, %get3A_512] {strides = array<i32>} : memref<64x128xf32, #tpu.memory_space<vmem>>, vector<1x16xf32>,
      %get3A_514 = vector.shape_cast %get3A_513 : vector<1x16xf32> to vector<16xf32>
      %get3A_515 = arith.index_cast %add3A_441 : i32 to index
      %get3A_516 = arith.constant 112 : index
      %get3A_517 = tpu.vector_load %arg14[%get3A_515, %get3A_516] {strides = array<i32>} : memref<64x128xf32, #tpu.memory_space<vmem>>, vector<1x16xf32>,
      %get3A_518 = vector.shape_cast %get3A_517 : vector<1x16xf32> to vector<16xf32>
      %mul3A_519 = arith.mulf %get3A_514, %get3A_518 : vector<16xf32>
      %add3A_520 = arith.addf %add3A_510, %mul3A_519 : vector<16xf32>
      %add3A_521 = arith.constant 448 : i32
      %add3A_522 = arith.addi %add3A_521, %add3A_441 : i32
      %swap3A_523 = arith.index_cast %add3A_522 : i32 to index
      %swap3A_524 = arith.constant 0 : index
      %swap3A_525 = tpu.vector_load %arg15[%swap3A_523, %swap3A_524] {strides = array<i32>} : memref<512x16xf32, #tpu.memory_space<vmem>>, vector<1x16xf32>,
      %swap3A_526 = vector.shape_cast %swap3A_525 : vector<1x16xf32> to vector<16xf32>
      %swap3A_527 = vector.shape_cast %add3A_520 : vector<16xf32> to vector<1x16xf32>
      tpu.vector_store %arg15[%swap3A_523, %swap3A_524], %swap3A_527 {strides = array<i32>} : memref<512x16xf32, #tpu.memory_space<vmem>>, vector<1x16xf32>,
      %scan3A_528 = arith.constant 0 : i32
      scf.yield %scan3A_528 : i32
    }
    %scan3A_167 = arith.constant 16 : i32
    "tpu.region"() ({
      %run_scoped3A = tpu.sem_alloc : memref<!tpu.dma_semaphore, #tpu.memory_space<semaphore_mem>>
      %dma_start3A_168 = arith.constant 0 : i32
      %dma_start3A_169 = tpu.memref_slice %arg6[%mul3A_2, %dma_start3A_168] : memref<16384x16xf32, #tpu.memory_space<hbm>> -> memref<512x16xf32, #tpu.memory_space<hbm>>
      %dma_start3A_170 = arith.constant 0 : i32
      %dma_start3A_171 = tpu.memref_slice %arg6[%mul3A_2, %dma_start3A_170] : memref<16384x16xf32, #tpu.memory_space<hbm>> -> memref<512x16xf32, #tpu.memory_space<hbm>>
      tpu.enqueue_dma source(%arg15 : memref<512x16xf32, #tpu.memory_space<vmem>>) target(%dma_start3A_171 : memref<512x16xf32, #tpu.memory_space<hbm>>) target_semaphore(%run_scoped3A : memref<!tpu.dma_semaphore, #tpu.memory_space<semaphore_mem>>)
      %dma_wait3A_172 = arith.constant 0 : i32
      %dma_wait3A_173 = tpu.memref_slice %arg6[%mul3A_2, %dma_wait3A_172] : memref<16384x16xf32, #tpu.memory_space<hbm>> -> memref<512x16xf32, #tpu.memory_space<hbm>>
      %dma_wait3A_174 = arith.constant 0 : i32
      %dma_wait3A_175 = tpu.memref_slice %arg6[%mul3A_2, %dma_wait3A_174] : memref<16384x16xf32, #tpu.memory_space<hbm>> -> memref<512x16xf32, #tpu.memory_space<hbm>>
      tpu.wait_dma2 semaphore(%run_scoped3A : memref<!tpu.dma_semaphore, #tpu.memory_space<semaphore_mem>>) src(%arg15 : memref<512x16xf32, #tpu.memory_space<vmem>>) dst(%dma_wait3A_175 : memref<512x16xf32, #tpu.memory_space<hbm>>)
      tpu.yield
    }) : () -> ()
    return
  }
}

module attributes {stable_mosaic.version = 14 : i64} {
  func.func @_loss_body(%arg0: memref<128x2048xf32, #tpu.memory_space<vmem>>, %arg1: memref<128x128xf32, #tpu.memory_space<vmem>>, %arg2: memref<1x1xf32, #tpu.memory_space<smem>>) attributes {dimension_semantics = [], scalar_prefetch = 0 : i64, scratch_operands = 0 : i64, tpu.core_type = #tpu.core_type<tc>} {
    %iota3A = tpu.iota {dimensions = array<i32: 0>} : vector<2048x128xi32>
    %jit3A = arith.constant 16 : i32
    %div3A = vector.broadcast %jit3A : i32 to vector<2048x128xi32>
    %div3A_0 = arith.divsi %iota3A, %div3A : vector<2048x128xi32>
    %sign3A = arith.constant 0 : i32
    %sign3A_1 = vector.broadcast %sign3A : i32 to vector<2048x128xi32>
    %sign3A_2 = arith.cmpi sgt, %iota3A, %sign3A_1 : vector<2048x128xi32>
    %sign3A_3 = arith.extui %sign3A_2 : vector<2048x128xi1> to vector<2048x128xi32>
    %sign3A_4 = arith.constant 0 : i32
    %sign3A_5 = vector.broadcast %sign3A_4 : i32 to vector<2048x128xi32>
    %sign3A_6 = arith.cmpi slt, %iota3A, %sign3A_5 : vector<2048x128xi32>
    %sign3A_7 = arith.extui %sign3A_6 : vector<2048x128xi1> to vector<2048x128xi32>
    %sign3A_8 = arith.subi %sign3A_3, %sign3A_7 : vector<2048x128xi32>
    %sign3A_9 = arith.constant 0 : i32
    %sign3A_10 = arith.cmpi sgt, %jit3A, %sign3A_9 : i32
    %sign3A_11 = arith.extui %sign3A_10 : i1 to i32
    %sign3A_12 = arith.constant 0 : i32
    %sign3A_13 = arith.cmpi slt, %jit3A, %sign3A_12 : i32
    %sign3A_14 = arith.extui %sign3A_13 : i1 to i32
    %sign3A_15 = arith.subi %sign3A_11, %sign3A_14 : i32
    %ne3A = vector.broadcast %sign3A_15 : i32 to vector<2048x128xi32>
    %ne3A_16 = arith.cmpi ne, %sign3A_8, %ne3A : vector<2048x128xi32>
    %rem3A = vector.broadcast %jit3A : i32 to vector<2048x128xi32>
    %rem3A_17 = arith.remsi %iota3A, %rem3A : vector<2048x128xi32>
    %ne3A_18 = arith.constant 0 : i32
    %ne3A_19 = vector.broadcast %ne3A_18 : i32 to vector<2048x128xi32>
    %ne3A_20 = arith.cmpi ne, %rem3A_17, %ne3A_19 : vector<2048x128xi32>
    %and3A = arith.andi %ne3A_16, %ne3A_20 : vector<2048x128xi1>
    %sub3A = arith.constant 1 : i32
    %sub3A_21 = vector.broadcast %sub3A : i32 to vector<2048x128xi32>
    %sub3A_22 = arith.subi %div3A_0, %sub3A_21 : vector<2048x128xi32>
    %select_n3A = arith.select %and3A, %sub3A_22, %div3A_0 : vector<2048x128xi1>, vector<2048x128xi32>
    %iota3A_23 = tpu.iota {dimensions = array<i32: 1>} : vector<2048x128xi32>
    %eq3A = arith.cmpi eq, %select_n3A, %iota3A_23 : vector<2048x128xi32>
    %convert_element_type3A = arith.extui %eq3A : vector<2048x128xi1> to vector<2048x128xi32>
    %convert_element_type3A_24 = arith.sitofp %convert_element_type3A : vector<2048x128xi32> to vector<2048x128xf32>
    %get3A = arith.constant 0 : index
    %get3A_25 = arith.constant 0 : index
    %get3A_26 = vector.load %arg0[%get3A, %get3A_25] : memref<128x2048xf32, #tpu.memory_space<vmem>>, vector<128x2048xf32>
    %dot_general3A = arith.constant dense<0.000000e+00> : vector<128x128xf32>
    %dot_general3A_27 = tpu.matmul %get3A_26, %convert_element_type3A_24, %dot_general3A {dimension_numbers = #tpu.dot_dimension_numbers<[1], [0], [0], [1], [0, 0, 1, 1], [], []>, precision = #tpu.contract_precision<fp32>, transpose_lhs_hint = false} : vector<128x2048xf32>, vector<2048x128xf32>, vector<128x128xf32> -> vector<128x128xf32>
    %get3A_28 = arith.constant 0 : index
    %get3A_29 = arith.constant 0 : index
    %get3A_30 = vector.load %arg1[%get3A_28, %get3A_29] : memref<128x128xf32, #tpu.memory_space<vmem>>, vector<128x128xf32>
    %mul3A = arith.mulf %get3A_30, %dot_general3A_27 : vector<128x128xf32>
    %min3A = arith.constant 0.000000e+00 : f32
    %min3A_31 = vector.broadcast %min3A : f32 to vector<128x128xf32>
    %min3A_32 = arith.minimumf %mul3A, %min3A_31 : vector<128x128xf32>
    %abs3A = math.absf %mul3A : vector<128x128xf32>
    %neg3A = arith.constant 0.000000e+00 : f32
    %neg3A_33 = vector.broadcast %neg3A : f32 to vector<128x128xf32>
    %neg3A_34 = arith.subf %neg3A_33, %abs3A : vector<128x128xf32>
    %exp3A = math.exp %neg3A_34 : vector<128x128xf32>
    %log1p3A = math.log1p %exp3A : vector<128x128xf32>
    %sub3A_35 = arith.subf %min3A_32, %log1p3A : vector<128x128xf32>
    %reduce_sum3A = vector.shape_cast %sub3A_35 : vector<128x128xf32> to vector<1x128x128xf32>
    %reduce_sum3A_36 = arith.constant dense<0.000000e+00> : vector<1xf32>
    %reduce_sum3A_37 = vector.multi_reduction <add>, %reduce_sum3A, %reduce_sum3A_36 [1, 2] : vector<1x128x128xf32> to vector<1xf32>
    %reduce_sum3A_38 = vector.shape_cast %reduce_sum3A_37 : vector<1xf32> to vector<1x1x1xf32>
    %reduce_sum3A_39 = vector.extract %reduce_sum3A_38[0, 0, 0] : f32 from vector<1x1x1xf32>
    %div3A_40 = arith.constant 1.638400e+04 : f32
    %div3A_41 = arith.divf %reduce_sum3A_39, %div3A_40 : f32
    %neg3A_42 = arith.constant 0.000000e+00 : f32
    %neg3A_43 = arith.subf %neg3A_42, %div3A_41 : f32
    %swap3A = arith.constant 0 : index
    %swap3A_44 = arith.constant 0 : index
    %swap3A_45 = memref.load %arg2[%swap3A, %swap3A_44] : memref<1x1xf32, #tpu.memory_space<smem>>
    memref.store %neg3A_43, %arg2[%swap3A, %swap3A_44] : memref<1x1xf32, #tpu.memory_space<smem>>
    return
  }
}

</mosaic_0001>

<sc_bundles>
// kernel: kernel.4.cloned.1.call-start
scs
__scs_entry_jumppad:
0x0: {  	(pc) =	sbr.rel $0x88, $3  }
0x1: {  	(tag) =	ssettag $0x0;
	lr =	simm.s32 $0x1  }
0x2: {  	[smem:$0x3F9C] =	sst lr;
	_ =	strace $0xD0000000  }
0x3: {  	_ = 	snop  }
0x4: {  	_ = 	snop  }
0x5: {  	_ = 	snop  }
0x6: {  	_ = 	snop  }
0x7: {  	_ = 	snop  }
__scs_overlays_trampoline_lowered:
0x8: {  	[smem:$0x3FAB] =	sst s0  }
0x9: {  	[smem:$0x3FAC] =	sst s1  }
0xa: {  	[smem:$0x3FAD] =	sst s2  }
0xb: {  	[smem:$0x3FAE] =	sst s3  }
0xc: {  	[smem:$0x3FAF] =	sst s4  }
0xd: {  	[smem:$0x3FB0] =	sst s5  }
0xe: {  	[smem:$0x3FB1] =	sst s6  }
0xf: {  	[smem:$0x3FB2] =	sst s7  }
0x10: {  	[smem:$0x3FB3] =	sst s8  }
0x11: {  	[smem:$0x3FB4] =	sst s9;
	s0 =	simm.s32 @!p0 $0x0  }
0x12: {  	s1 =	sld [smem:$0x3F9A];
	s0 =	simm.s32 @p0 $0x1  }
0x13: {  	[smem:$0x3FB5] =	sst s0;
	s0 =	simm.s32 @!p1 $0x0  }
0x14: {  	s2 =	sld [smem:$0x3F99];
	s0 =	simm.s32 @p1 $0x1  }
0x15: {  	[smem:$0x3FB6] =	sst s0;
	s0 =	simm.s32 @!p2 $0x0  }
0x16: {  	s3 =	sld [smem:$0x3FDB];
	s0 =	simm.s32 @p2 $0x1  }
0x17: {  	s4 =	simm.s32 $0x1BF5;
	[smem:$0x3FB8] =	sst s0  }
0x18: {  	s0 =	sld [smem:$0x3F9B];
	_ =	swait.ge [sflag:s4], $0x0  }
0x19: {  	s7 =	sld [smem:$0x3F9C]  }
0x1a: {  	s8 =	sadd.s32 $0xFFFFE003, lr  }
0x1b: {  	s9 =	sadd.s32 $0xFFFFFEF7, lr;
	s5 =	simm.s32 $0xFFFFFFFF;
	p2 =	slt.u32 s8, $0xFFFFF086  }
0x1c: {  	p1 =	slt.u32 s9, $0xF7A;
	s5 =	simm.s32 @!p2 $0x0  }
0x1d: {  	s5 =	simm.s32 @p1 $0x1;
	p0 =	seq.s32 s7, s2  }
0x1e: {  	s7 =	smul.u32 @!p0 $0xF7A, s2;
	p2 =	seq.s32 @!p0 s5, $0x0  }
0x1f: {  	s9 =	smul.u32 $0xF7A, s1;
	s8 =	simm.s32 @!p0 $0x1BF5;
	p2 =	por !p2, p0  }
0x20: {  	[sflag:s8] =	ssyncset.s32 @!p0 $0xFFFFF086;
	s6 =	sadd.s32 @!p0 s3, s7;
	s7 =	simm.s32 @!p0 $0x108  }
0x21: {  	s3 =	sadd.s32 s3, s9;
	s6 =	sadd.s32 @!p0 $0x88, s6;
	s7 =	simm.s32 @p2 $0x1082  }
0x22: {  	[simem:s7], [sflag:s8] =	dma.local @!p0 [hbm:s6], $0xF7A  }
0x23: {  	s9 =	sor.u32 $0xD0000000, s2;
	s6 =	simm.s32 $0x108;
	_ =	swait.ge @!p0 [sflag:s8], $0x0  }
0x24: {  	s3 =	sadd.s32 $0x88, s3;
	s6 =	simm.s32 @!p1 $0x1082;
	[sflag:s4] =	ssyncset.s32 $0xFFFFF086  }
0x25: {  	[simem:s6], [sflag:s4] =	dma.local [hbm:s3], $0xF7A  }
0x26: {  	[smem:$0x3F9C] =	sst s1;
	(tag) =	ssettag s2;
	_ =	strace s9  }
0x27: {  	s1 =	sld [smem:$0x3FAC]  }
0x28: {  	s2 =	sld [smem:$0x3FAD]  }
0x29: {  	s4 =	sld [smem:$0x3FAF]  }
0x2a: {  	p0 =	seq.s32 s5, $0x0;
	s5 =	sld [smem:$0x3FB0]  }
0x2b: {  	s6 =	sld [smem:$0x3FB1]  }
0x2c: {  	s7 =	sld [smem:$0x3FB2]  }
0x2d: {  	s3 =	simm.s32 $0x108;
	s8 =	sld [smem:$0x3FB3]  }
0x2e: {  	s3 =	simm.s32 @!p0 $0x1082;
	s9 =	sld [smem:$0x3FB4]  }
0x2f: {  	lr =	sadd.s32 s0, s3;
	s0 =	sld [smem:$0x3FAB]  }
0x30: {  	s3 =	sld [smem:$0x3FAE]  }
0x31: {  	[smem:$0x3FB7] =	sst s10  }
0x32: {  	s10 =	sld [smem:$0x3FB5];
	_ =	sdelay $0x3  }
0x33: {  	p0 =	seq.s32 s10, $0x1;
	s10 =	sld [smem:$0x3FB7];
	_ =	sdelay $0x3  }
0x34: {  	[smem:$0x3FB7] =	sst s10  }
0x35: {  	s10 =	sld [smem:$0x3FB6];
	_ =	sdelay $0x3  }
0x36: {  	p1 =	seq.s32 s10, $0x1;
	s10 =	sld [smem:$0x3FB7];
	_ =	sdelay $0x3  }
0x37: {  	[smem:$0x3FB7] =	sst s10  }
0x38: {  	s10 =	sld [smem:$0x3FB8]  }
0x39: {  	_ = 	snop;
	(pc) =	sbr.ind lr, $3  }
0x3a: {  	_ = 	snop  }
0x3b: {  	_ = 	snop  }
0x3c: {  	p2 =	seq.s32 s10, $0x1;
	s10 =	sld [smem:$0x3FB7]  }
0x3d: {  	_ =	shalt  }
0x3e: {  	_ =	shalt  }
0x3f: {  	_ =	shalt  }
0x40: {  	_ =	shalt  }
0x41: {  	_ =	shalt  }
0x42: {  	_ =	shalt  }
0x43: {  	_ =	shalt  }
0x44: {  	_ =	shalt  }
0x45: {  	_ =	shalt  }
0x46: {  	_ =	shalt  }
0x47: {  	_ =	shalt  }
0x48: {  	_ =	shalt  }
0x49: {  	_ =	shalt  }
0x4a: {  	_ =	shalt  }
0x4b: {  	_ =	shalt  }
0x4c: {  	_ =	shalt  }
0x4d: {  	_ =	shalt  }
0x4e: {  	_ =	shalt  }
0x4f: {  	_ =	shalt  }
0x50: {  	_ =	shalt  }
0x51: {  	_ =	shalt  }
0x52: {  	_ =	shalt  }
0x53: {  	_ =	shalt  }
0x54: {  	_ =	shalt  }
0x55: {  	_ =	shalt  }
0x56: {  	_ =	shalt  }
0x57: {  	_ =	shalt  }
0x58: {  	_ =	shalt  }
0x59: {  	_ =	shalt  }
0x5a: {  	_ =	shalt  }
0x5b: {  	_ =	shalt  }
0x5c: {  	_ =	shalt  }
0x5d: {  	_ =	shalt  }
0x5e: {  	_ =	shalt  }
0x5f: {  	_ =	shalt  }
0x60: {  	_ =	shalt  }
0x61: {  	_ =	shalt  }
0x62: {  	_ =	shalt  }
0x63: {  	_ =	shalt  }
0x64: {  	_ =	shalt  }
0x65: {  	_ =	shalt  }
0x66: {  	_ =	shalt  }
0x67: {  	_ =	shalt  }
0x68: {  	_ =	shalt  }
0x69: {  	_ =	shalt  }
0x6a: {  	_ =	shalt  }
0x6b: {  	_ =	shalt  }
0x6c: {  	_ =	shalt  }
0x6d: {  	_ =	shalt  }
0x6e: {  	_ =	shalt  }
0x6f: {  	_ =	shalt  }
0x70: {  	_ =	shalt  }
0x71: {  	_ =	shalt  }
0x72: {  	_ =	shalt  }
0x73: {  	_ =	shalt  }
0x74: {  	_ =	shalt  }
0x75: {  	_ =	shalt  }
0x76: {  	_ =	shalt  }
0x77: {  	_ =	shalt  }
0x78: {  	_ =	shalt  }
0x79: {  	_ =	shalt  }
0x7a: {  	_ =	shalt  }
0x7b: {  	_ =	shalt  }
0x7c: {  	_ =	shalt  }
0x7d: {  	_ =	shalt  }
0x7e: {  	_ =	shalt  }
0x7f: {  	_ =	shalt  }
0x80: {  	_ =	shalt  }
0x81: {  	_ =	shalt  }
0x82: {  	_ =	shalt  }
0x83: {  	_ =	shalt  }
0x84: {  	_ =	shalt  }
0x85: {  	_ =	shalt  }
0x86: {  	_ =	shalt  }
0x87: {  	_ =	shalt  }
.Lfunc_end0:
.L_simem_size_0:
called_computation_lowered:
.L_overlay_start_0:
0x88: {  	s2 =	sld [smem:$0x3FD9]  }
0x89: {  	s3 =	sld [smem:$0x3FFE];
	_ =	sdelay $0x1  }
0x8a: {  	s1 =	srdreg.scid  }
0x8b: {  	s0 =	sand.u32 $0x1, s1  }
0x8c: {  	s17 =	sshll.u32 s0, $0xA;
	s2 =	sadd.s32 s3, s2  }
0x8d: {  	s2 =	sadd.s32 s2, s17  }
0x8e: {  	[smem:$0x3FC3] =	sst s2  }
0x8f: {  	_ = 	snop  }
0x90: {  	s2 =	sld [smem:$0x3FC9]  }
0x91: {  	s18 =	sld [smem:$0x3FC8]  }
0x92: {  	s4 =	sld [smem:$0x3FC6]  }
0x93: {  	s5 =	sld [smem:$0x3FC5];
	(tm) =	ssettm $0x1  }
0x94: {  	s6 =	sld [smem:$0x3FFB];
	_ =	sdelay $0x3  }
0x95: {  	_ =	strace s6  }
0x96: {  	s6 =	sld [smem:$0x3FFC];
	_ =	sdelay $0x3  }
0x97: {  	_ =	strace s6  }
0x98: {  	s6 =	sld [smem:$0x3FFD];
	_ =	sdelay $0x3  }
0x99: {  	_ =	strace s6  }
0x9a: {  	_ =	strace $0x8FFFFFFF  }
0x9b: {  	s19 =	sld [smem:$0x3FDB];
	_ =	sdelay $0x1  }
0x9c: {  	s7 =	simm.s32 $_scs_section_size  }
0x9d: {  	s8 =	simm.s32 $_size__tile_overlayer_lowered;
	s9 =	simm.s32 $_tile_overlayer_lowered  }
0x9e: {  	s22 =	simm.s32 $0x1BFF;
	s21 =	sshll.u32 s9, $0x1;
	s6 =	sadd.s32 s7, s19  }
0x9f: {  	s10 =	simm.s32 $0x0;
	s20 =	sshll.u32 s8, $0x1;
	s8 =	sadd.s32 s21, s6  }
0xa0: {  	[timem:s10], [sflag:s22] =	dma.local [hbm:s8], s20  }
0xa1: {  	_ =	swait.ge [sflag:s22], s20  }
0xa2: {  	s7 =	ssub.s32 $0x0, s20;
	[sflag:s22] =	ssyncset.done $0x0  }
0xa3: {  	[sflag:s22] =	ssyncadd.s32 s7;
	_ =	sdelay $0x1  }
0xa4: {  	s23 =	simm.s32 $0x1B8B  }
0xa5: {  	_ =	swait.ge [sflag:s23], $0x1  }
0xa6: {  	[sflag:s23] =	ssyncset.done $0x0  }
0xa7: {  	s25 =	simm.s32 $0x1B8E;
	s24 =	sld [smem:$0x3FFE];
	[sflag:s23] =	ssyncadd.s32 $0xFFFFFFFF  }
0xa8: {  	s26 =	simm.s32 $execute0_lowered;
	[smem:$0x3FD2] =	sst s25  }
0xa9: {  	s8 =	sshll.u32 s26, $0x1;
	_ =	strace $0x80000046;
	[dreg:$0x1] =	wrdreg $0xFFFFFFFF  }
0xaa: {  	s28 =	simm.s32 $_size_execute0_lowered;
	s6 =	sadd.s32 s6, s8;
	[dreg:$0x0] =	wrdreg $0x0  }
0xab: {  	s8 =	sshll.u32 s28, $0x1;
	[dreg:$0x2] =	wrdreg s6  }
0xac: {  	[dreg:$0x3] =	wrdreg s8  }
0xad: {  	[dreg:$0x4] =	wrdreg $0xC0  }
0xae: {  	_ =	task [dreg:s10], $0x5FFFF  }
0xaf: {  	[dreg:$0x1] =	wrdreg $0xFFFFFFFF  }
0xb0: {  	[dreg:$0x0] =	wrdreg $0x60  }
0xb1: {  	[dreg:$0x2] =	wrdreg s2  }
0xb2: {  	[dreg:$0x3] =	wrdreg s18  }
0xb3: {  	[dreg:$0x4] =	wrdreg s4  }
0xb4: {  	[dreg:$0x5] =	wrdreg s5  }
0xb5: {  	[dreg:$0x6] =	wrdreg s24  }
0xb6: {  	[dreg:$0x7] =	wrdreg $0x9  }
0xb7: {  	_ =	task.clear_ibuf [dreg:s10], $0x8FFFF;
	_ =	strace $0x90000046  }
0xb8: {  	s29 =	simm.s32 $0x9;
	_ =	strace $0x80000048  }
0xb9: {  	_ =	swait.ge [sflag:s29], $0x1  }
0xba: {  	[sflag:s29] =	ssyncadd.s32 $0xFFFFFFFF  }
0xbb: {  	_ =	strace $0x90000048  }
0xbc: {  	_ =	sfence  }
0xbd: {  	s30 =	sld [smem:$0x0];
	_ =	sdelay $0x2  }
0xbe: {  	s31 =	sshll.u32 s1, $0xD;
	s1 =	sshrl.u32 s1, $0x2  }
0xbf: {  	s3 =	sand.u32 $0x4000, s31;
	s1 =	sadd.s32 s1, s30  }
0xc0: {  	s0 =	sor.u32 s3, s0;
	s1 =	sshll.u32 s1, $0x11  }
0xc1: {  	s0 =	sor.u32 s1, s0  }
0xc2: {  	s0 =	sadd.s32 $0x8F2B, s0  }
0xc3: {  	[sflag:s0] =	ssyncadd.remote.s32 $0x1  }
0xc4: {  	_ =	sfence.sel $0xFFFF  }
0xc5: {  	[dreg:$0x0] =	wrdreg $0xFFFFFFFF;
	(pc) =	sbr.abs _section_cstart, $3  }
0xc6: {  	[dreg:$0x1] =	wrdreg $0xFFFFFFFF  }
0xc7: {  	_ =	task.clear_ibuf [dreg:s10], $0x2FFFF;
	_ =	strace $0x9FFFFFFF  }
0xc8: {  	(tm) =	ssettm $0x7FFFFFFF  }
0xc9: {  	_ =	shalt  }
tec
execute0_lowered:
.L_overlay_start_1:
0x0: {  	(tag) =	ssettag $0x1  }
0x1: {  	s0 =	rddreg [dreg:$0x0]  }
0x2: {  	s2 =	rddreg [dreg:$0x1]  }
0x3: {  	s1 =	rddreg [dreg:$0x2]  }
0x4: {  	s3 =	rddreg [dreg:$0x3]  }
0x5: {  	s5 =	rddreg [dreg:$0x4]  }
0x6: {  	s4 =	srdreg.scid;
	s7 =	stileid.u32;
	s28 =	simm.s32 $0x2200  }
0x7: {  	s29 =	simm.s32 $0x100;
	s30 =	simm.s32 $0x180;
	s31 =	simm.s32 $0x4200  }
0x8: {  	s6 =	sand.u32 $0x1, s4;
	s4 =	simm.s32 $0x0;
	s7 =	sshll.u32 s7, $0xA  }
0x9: {  	s8 =	sshll.u32 s6, $0x9;
	[smem:$0x7FF] =	sst s4;
	s6 =	ssub.s32 $0x2, s6  }
0xa: {  	s7 =	sor.u32 s8, s7;
	_ =	strace $0x80000047;
	s17 =	sshrl.u32 s6, $0x1  }
0xb: {  	s8 =	sshll.u32 s7, $0x4;
	s7 =	sshrl.u32 s7, $0x3;
	s6 =	ssub.s32 s6, s17  }
0xc: {  	s5 =	sadd.s32 s8, s5;
	s18 =	sadd.s32 s0, s7;
	s19 =	sor.u32 $0x8, s7  }
0xd: {  	s9 =	sadd.s32 s2, s7;
	s21 =	sor.u32 $0x10, s7;
	s23 =	sor.u32 $0x18, s7  }
0xe: {  	s24 =	sor.u32 $0x20, s7;
	s25 =	sor.u32 $0x28, s7;
	[dreg:$0x6] =	wrdreg s18  }
0xf: {  	s26 =	sor.u32 $0x30, s7;
	s7 =	sor.u32 $0x38, s7;
	[dreg:$0x7] =	wrdreg s9  }
0x10: {  	s20 =	sadd.s32 s0, s19;
	s8 =	sadd.s32 s2, s19;
	s22 =	sadd.s32 s0, s21  }
0x11: {  	s10 =	sadd.s32 s2, s21;
	s11 =	sadd.s32 s0, s23;
	s12 =	sadd.s32 s2, s23  }
0x12: {  	s13 =	sadd.s32 s0, s24;
	s14 =	sadd.s32 s2, s24;
	s15 =	sadd.s32 s0, s25  }
0x13: {  	s16 =	sadd.s32 s2, s25;
	s17 =	sadd.s32 s0, s26;
	s18 =	sadd.s32 s2, s26  }
0x14: {  	s19 =	sadd.s32 s0, s7;
	s21 =	sadd.s32 $0x600, s5;
	s23 =	simm.s32 $0x3  }
0x15: {  	s24 =	simm.s32 $0x80;
	s25 =	simm.s32 $0x40;
	[dreg:$0x8] =	wrdreg s20  }
0x16: {  	s26 =	simm.s32 $0x200;
	s0 =	simm.s32 $0x6200;
	[dreg:$0x9] =	wrdreg s8  }
0x17: {  	s5 =	simm.s32 $0x2;
	[dreg:$0xa] =	wrdreg s22;
	s20 =	sadd.s32 s2, s7  }
0x18: {  	s22 =	smax.u32 s6, $0x1;
	s2 =	simm.s32 $0x1;
	s6 =	simm.s32 $0x0  }
.LBB2_1:
0x19: {  	s7 =	rddreg [dreg:$0x6]  }
0x1a: {  	[tilespmem:s4], [sflag:$0x3] =	stream.linear.gather [hbm4b:s7+s4], $0x40, $0x38;
	[tilespmem:$0x18200] =	vst v63  }
0x1b: {  	_ =	swait.ge [sflag:s23], $0x40  }
0x1c: {  	[sflag:s23] =	ssyncset.done $0x0  }
0x1d: {  	s9 =	rddreg [dreg:$0x7];
	[sflag:s23] =	ssyncadd.s32 $0xFFFFFFC0  }
0x1e: {  	[tilespmem:s24], [sflag:$0x3] =	stream.linear.gather [hbm4b:s9+s4], $0x40, $0x38;
	[tilespmem:$0x18200] =	vst v63  }
0x1f: {  	_ =	swait.ge [sflag:s23], $0x40  }
0x20: {  	[sflag:s23] =	ssyncset.done $0x0  }
0x21: {  	[sflag:s23] =	ssyncadd.s32 $0xFFFFFFC0  }
0x22: {  	[tilespmem:s26], [sflag:$0x1] =	stream.indirect.gather [hbm4b:s1+s25], $0x80, s4, s25, $0xb8;
	[tilespmem:$0x18200] =	vst v63  }
0x23: {  	_ = 	snop  }
0x24: {  	[tilespmem:s28], [sflag:$0x1] =	stream.indirect.gather [hbm4b:s3+s25], $0x80, s24, s25, $0xb8;
	[tilespmem:$0x18200] =	vst v63  }
0x25: {  	s8 =	rddreg [dreg:$0x8]  }
0x26: {  	[tilespmem:s29], [sflag:$0x3] =	stream.linear.gather [hbm4b:s8+s4], $0x40, $0x38;
	[tilespmem:$0x18200] =	vst v63  }
0x27: {  	_ =	swait.ge [sflag:s23], $0x40  }
0x28: {  	[sflag:s23] =	ssyncset.done $0x0  }
0x29: {  	s9 =	rddreg [dreg:$0x9];
	[sflag:s23] =	ssyncadd.s32 $0xFFFFFFC0  }
0x2a: {  	[tilespmem:s30], [sflag:$0x3] =	stream.linear.gather [hbm4b:s9+s4], $0x40, $0x38;
	[tilespmem:$0x18200] =	vst v63  }
0x2b: {  	_ =	swait.ge [sflag:s23], $0x40  }
0x2c: {  	[sflag:s23] =	ssyncset.done $0x0  }
0x2d: {  	[sflag:s23] =	ssyncadd.s32 $0xFFFFFFC0  }
0x2e: {  	[tilespmem:s31], [sflag:$0x2] =	stream.indirect.gather [hbm4b:s1+s25], $0x80, s29, s25, $0xb8;
	[tilespmem:$0x18200] =	vst v63  }
0x2f: {  	_ = 	snop  }
0x30: {  	[tilespmem:s0], [sflag:$0x2] =	stream.indirect.gather [hbm4b:s3+s25], $0x80, s30, s25, $0xb8;
	[tilespmem:$0x18200] =	vst v63  }
0x31: {  	_ =	swait.ge [sflag:s2], $0x2000  }
0x32: {  	[sflag:s2] =	ssyncset.done $0x0  }
0x33: {  	[sflag:s2] =	ssyncadd.s32 $0xFFFFE000  }
0x34: {  	_ =	swait.ge [sflag:s2], $0x2000  }
0x35: {  	[sflag:s2] =	ssyncset.done $0x0  }
0x36: {  	s7 =	simm.s32 $0x0;
	[sflag:s2] =	ssyncadd.s32 $0xFFFFE000  }
0x37: {  	v0 =	vld [tilespmem:s7+$0x380]  }
0x38: {  	v1 =	vld [tilespmem:s7+$0x2380]  }
0x39: {  	v2 =	vld [tilespmem:s7+$0x390]  }
0x3a: {  	v3 =	vld [tilespmem:s7+$0x2390]  }
0x3b: {  	v4 =	vld [tilespmem:s7+$0x3A0]  }
0x3c: {  	v5 =	vld [tilespmem:s7+$0x23A0]  }
0x3d: {  	v6 =	vld [tilespmem:s7+$0x3B0]  }
0x3e: {  	v7 =	vld [tilespmem:s7+$0x23B0]  }
0x3f: {  	v8 =	vld [tilespmem:s7+$0x3C0]  }
0x40: {  	v9 =	vld [tilespmem:s7+$0x300]  }
0x41: {  	v10 =	vld [tilespmem:s7+$0x310]  }
0x42: {  	v11 =	vld [tilespmem:s7+$0x2310]  }
0x43: {  	v12 =	vld [tilespmem:s7+$0x220]  }
0x44: {  	v13 =	vld [tilespmem:s7+$0x2220]  }
0x45: {  	v14 =	vld [tilespmem:s7+$0x2A0]  }
0x46: {  	v15 =	vld [tilespmem:s7+$0x22A0]  }
0x47: {  	v16 =	vld [tilespmem:s7+$0x320]  }
0x48: {  	v17 =	vld [tilespmem:s7+$0x2320]  }
0x49: {  	v18 =	vld [tilespmem:s7+$0x230]  }
0x4a: {  	v19 =	vld [tilespmem:s7+$0x2230]  }
0x4b: {  	v20 =	vld [tilespmem:s7+$0x2B0]  }
0x4c: {  	v21 =	vld [tilespmem:s7+$0x22B0]  }
0x4d: {  	v22 =	vld [tilespmem:s7+$0x330]  }
0x4e: {  	v23 =	vld [tilespmem:s7+$0x2330]  }
0x4f: {  	v24 =	vld [tilespmem:s7+$0x240]  }
0x50: {  	v25 =	vld [tilespmem:s7+$0x2240]  }
0x51: {  	v26 =	vld [tilespmem:s7+$0x2C0]  }
0x52: {  	v27 =	vld [tilespmem:s7+$0x22C0]  }
0x53: {  	v28 =	vld [tilespmem:s7+$0x340]  }
0x54: {  	v29 =	vld [tilespmem:s7+$0x2340]  }
0x55: {  	v30 =	vld [tilespmem:s7+$0x250]  }
0x56: {  	v31 =	vld [tilespmem:s7+$0x2250]  }
0x57: {  	v32 =	vld [tilespmem:s7+$0x2D0];
	v0 =	vmul.f32 v1, v0;
	v1 =	vmul.f32 v3, v2  }
0x58: {  	v2 =	vld [tilespmem:s7+$0x23C0]  }
0x59: {  	v3 =	vld [tilespmem:s7+$0x3D0];
	v0 =	vadd.f32 v1, v0;
	v1 =	vmul.f32 v5, v4  }
0x5a: {  	v4 =	vld [tilespmem:s7+$0x23D0]  }
0x5b: {  	v5 =	vld [tilespmem:s7+$0x3E0];
	v0 =	vadd.f32 v1, v0;
	v1 =	vmul.f32 v7, v6  }
0x5c: {  	v6 =	vld [tilespmem:s7+$0x23E0]  }
0x5d: {  	v7 =	vld [tilespmem:s7+$0x3F0];
	v0 =	vadd.f32 v1, v0;
	v1 =	vmul.f32 v2, v8  }
0x5e: {  	v2 =	vld [tilespmem:s7+$0x23F0]  }
0x5f: {  	v8 =	vld [tilespmem:s7+$0x200];
	v0 =	vadd.f32 v1, v0;
	v1 =	vmul.f32 v4, v3  }
0x60: {  	v3 =	vld [tilespmem:s7+$0x2200]  }
0x61: {  	v4 =	vld [tilespmem:s7+$0x210];
	v0 =	vadd.f32 v1, v0;
	v1 =	vmul.f32 v6, v5  }
0x62: {  	v5 =	vld [tilespmem:s7+$0x2210]  }
0x63: {  	v6 =	vld [tilespmem:s7+$0x280];
	v0 =	vadd.f32 v1, v0;
	v1 =	vmul.f32 v2, v7  }
0x64: {  	v2 =	vld [tilespmem:s7+$0x2280]  }
0x65: {  	v7 =	vld [tilespmem:s7+$0x290];
	v0 =	vadd.f32 v1, v0  }
0x66: {  	v1 =	vld [tilespmem:s7+$0x2290]  }
0x67: {  	[tilespmem:s7+$0x8380] =	vst v0;
	v0 =	vld [tilespmem:s7+$0x2300]  }
0x68: {  	v33 =	vld [tilespmem:s7+$0x22D0]  }
0x69: {  	v58 =	vld [tilespmem:s7+$0x360];
	v3 =	vmul.f32 v3, v8;
	v4 =	vmul.f32 v5, v4  }
0x6a: {  	v60 =	vld [tilespmem:s7+$0x270];
	v2 =	vmul.f32 v2, v6  }
0x6b: {  	v8 =	vld [tilespmem:s7+$0x260];
	v3 =	vadd.f32 v4, v3;
	v4 =	vmul.f32 v13, v12;
	v1 =	vmul.f32 v1, v7  }
0x6c: {  	v5 =	vld [tilespmem:s7+$0x350];
	v7 =	vmul.f32 v11, v10;
	v0 =	vmul.f32 v0, v9  }
0x6d: {  	v6 =	vld [tilespmem:s7+$0x2350];
	v3 =	vadd.f32 v4, v3;
	v1 =	vadd.f32 v1, v2;
	v2 =	vmul.f32 v15, v14  }
0x6e: {  	v4 =	vmul.f32 v17, v16;
	v10 =	vmul.f32 v19, v18;
	v11 =	vld [tilespmem:s7+$0x22E0];
	v0 =	vadd.f32 v7, v0  }
0x6f: {  	v9 =	vld [tilespmem:s7+$0x2260];
	v1 =	vadd.f32 v2, v1;
	v2 =	vmul.f32 v21, v20  }
0x70: {  	v3 =	vadd.f32 v10, v3;
	v10 =	vld [tilespmem:s7+$0x2360];
	v0 =	vadd.f32 v4, v0;
	v4 =	vmul.f32 v23, v22  }
0x71: {  	v59 =	vmul.f32 v27, v26;
	v7 =	vld [tilespmem:s7+$0x2E0];
	v1 =	vadd.f32 v2, v1;
	v2 =	vmul.f32 v25, v24  }
0x72: {  	v61 =	vld [tilespmem:s7+$0x2270];
	v0 =	vadd.f32 v4, v0;
	v4 =	vmul.f32 v29, v28  }
0x73: {  	v62 =	vld [tilespmem:s7+$0x2F0];
	v2 =	vadd.f32 v2, v3;
	v3 =	vadd.f32 v59, v1;
	v1 =	vmul.f32 v31, v30  }
0x74: {  	v63 =	vld [tilespmem:s7+$0x22F0];
	v0 =	vadd.f32 v4, v0;
	v4 =	vmul.f32 v33, v32  }
0x75: {  	v5 =	vmul.f32 v6, v5;
	v6 =	vmul.f32 v9, v8;
	v2 =	vadd.f32 v1, v2;
	v1 =	vld [tilespmem:s7+$0x370]  }
0x76: {  	s9 =	simm.s32 $0x200;
	v9 =	vmul.f32 v10, v58;
	v7 =	vmul.f32 v11, v7;
	v3 =	vadd.f32 v4, v3;
	v4 =	vld [tilespmem:s7+$0x2370]  }
0x77: {  	v10 =	vmul.f32 v61, v60;
	v5 =	vadd.f32 v5, v0;
	v8 =	vadd.f32 v6, v2;
	v0 =	vld [tilespmem:s9+$0x380]  }
0x78: {  	v2 =	vld [tilespmem:s9+$0x2380];
	v6 =	vadd.f32 v7, v3  }
0x79: {  	s8 =	simm.s32 $0x1000;
	v5 =	vadd.f32 v9, v5;
	v3 =	vld [tilespmem:s9+$0x390];
	v7 =	vadd.f32 v10, v8;
	v8 =	vmul.f32 v63, v62  }
.LBB2_2:
0x7a: {  	p0 =	sne.s32 s8, $0x7800;
	v9 =	vld [tilespmem:s9+$0x2390]  }
0x7b: {  	v10 =	vld [tilespmem:s9+$0x3A0];
	[tilespmem:s7+$0x8200] =	vst v7;
	v6 =	vadd.f32 v8, v6;
	v1 =	vmul.f32 v4, v1  }
0x7c: {  	v4 =	vld [tilespmem:s9+$0x23A0]  }
0x7d: {  	v7 =	vld [tilespmem:s9+$0x3B0];
	[tilespmem:s7+$0x8280] =	vst v6;
	v1 =	vadd.f32 v1, v5  }
0x7e: {  	v5 =	vld [tilespmem:s9+$0x23B0]  }
0x7f: {  	v0 =	vmul.f32 v2, v0;
	v2 =	vmul.f32 v9, v3;
	v3 =	vld [tilespmem:s9+$0x3C0];
	[tilespmem:s7+$0x8300] =	vst v1;
	s7 =	smov.u32 s9  }
0x80: {  	v1 =	vld [tilespmem:s7+$0x23C0]  }
0x81: {  	v0 =	vadd.f32 v2, v0;
	v2 =	vmul.f32 v4, v10;
	v4 =	vld [tilespmem:s7+$0x3D0]  }
0x82: {  	v6 =	vld [tilespmem:s7+$0x23D0]  }
0x83: {  	v0 =	vadd.f32 v2, v0;
	v2 =	vmul.f32 v5, v7;
	v5 =	vld [tilespmem:s7+$0x3E0]  }
0x84: {  	v7 =	vld [tilespmem:s7+$0x23E0]  }
0x85: {  	v0 =	vadd.f32 v2, v0;
	v1 =	vmul.f32 v1, v3;
	v2 =	vld [tilespmem:s7+$0x3F0]  }
0x86: {  	v3 =	vld [tilespmem:s7+$0x23F0]  }
0x87: {  	v8 =	vld [tilespmem:s7+$0x200];
	v0 =	vadd.f32 v1, v0;
	v1 =	vmul.f32 v6, v4  }
0x88: {  	v4 =	vld [tilespmem:s7+$0x2200]  }
0x89: {  	v6 =	vld [tilespmem:s7+$0x210];
	v0 =	vadd.f32 v1, v0;
	v1 =	vmul.f32 v7, v5  }
0x8a: {  	v5 =	vld [tilespmem:s7+$0x2210]  }
0x8b: {  	v7 =	vld [tilespmem:s7+$0x280];
	v0 =	vadd.f32 v1, v0;
	v1 =	vmul.f32 v3, v2  }
0x8c: {  	v2 =	vld [tilespmem:s7+$0x2280]  }
0x8d: {  	v3 =	vmul.f32 v4, v8;
	v4 =	vld [tilespmem:s7+$0x290];
	v0 =	vadd.f32 v1, v0  }
0x8e: {  	v1 =	vld [tilespmem:s7+$0x2290]  }
0x8f: {  	v5 =	vmul.f32 v5, v6;
	v6 =	vld [tilespmem:s7+$0x300];
	[tilespmem:s7+$0x8380] =	vst v0  }
0x90: {  	v0 =	vld [tilespmem:s7+$0x2300]  }
0x91: {  	v3 =	vadd.f32 v5, v3;
	v2 =	vmul.f32 v2, v7;
	v5 =	vld [tilespmem:s7+$0x310]  }
0x92: {  	v7 =	vld [tilespmem:s7+$0x2310]  }
0x93: {  	v8 =	vld [tilespmem:s7+$0x220];
	v1 =	vmul.f32 v1, v4  }
0x94: {  	v4 =	vld [tilespmem:s7+$0x2220]  }
0x95: {  	v1 =	vadd.f32 v1, v2;
	v2 =	vld [tilespmem:s7+$0x2A0];
	v0 =	vmul.f32 v0, v6  }
0x96: {  	v6 =	vld [tilespmem:s7+$0x22A0]  }
0x97: {  	v5 =	vmul.f32 v7, v5;
	v7 =	vld [tilespmem:s7+$0x320]  }
0x98: {  	v9 =	vld [tilespmem:s7+$0x2320]  }
0x99: {  	v4 =	vmul.f32 v4, v8;
	v8 =	vld [tilespmem:s7+$0x230];
	v0 =	vadd.f32 v5, v0  }
0x9a: {  	v5 =	vld [tilespmem:s7+$0x2230]  }
0x9b: {  	v3 =	vadd.f32 v4, v3;
	v2 =	vmul.f32 v6, v2;
	v4 =	vld [tilespmem:s7+$0x2B0]  }
0x9c: {  	v6 =	vld [tilespmem:s7+$0x22B0]  }
0x9d: {  	v1 =	vadd.f32 v2, v1;
	v2 =	vmul.f32 v9, v7;
	v7 =	vld [tilespmem:s7+$0x330]  }
0x9e: {  	v9 =	vld [tilespmem:s7+$0x2330]  }
0x9f: {  	v5 =	vmul.f32 v5, v8;
	v8 =	vld [tilespmem:s7+$0x240];
	v0 =	vadd.f32 v2, v0  }
0xa0: {  	v2 =	vld [tilespmem:s7+$0x2240]  }
0xa1: {  	v3 =	vadd.f32 v5, v3;
	v4 =	vmul.f32 v6, v4;
	v5 =	vld [tilespmem:s7+$0x2C0]  }
0xa2: {  	v6 =	vld [tilespmem:s7+$0x22C0]  }
0xa3: {  	v1 =	vadd.f32 v4, v1;
	v4 =	vmul.f32 v9, v7;
	v7 =	vld [tilespmem:s7+$0x340]  }
0xa4: {  	v9 =	vld [tilespmem:s7+$0x2340]  }
0xa5: {  	v2 =	vmul.f32 v2, v8;
	v8 =	vld [tilespmem:s7+$0x250];
	v0 =	vadd.f32 v4, v0  }
0xa6: {  	v4 =	vld [tilespmem:s7+$0x2250]  }
0xa7: {  	v2 =	vadd.f32 v2, v3;
	v3 =	vmul.f32 v6, v5;
	v5 =	vld [tilespmem:s7+$0x2D0]  }
0xa8: {  	v6 =	vld [tilespmem:s7+$0x22D0]  }
0xa9: {  	v1 =	vadd.f32 v3, v1;
	v3 =	vmul.f32 v9, v7;
	v7 =	vld [tilespmem:s7+$0x350]  }
0xaa: {  	v9 =	vld [tilespmem:s7+$0x2350]  }
0xab: {  	v4 =	vmul.f32 v4, v8;
	v8 =	vld [tilespmem:s7+$0x260];
	v0 =	vadd.f32 v3, v0  }
0xac: {  	v3 =	vld [tilespmem:s7+$0x2260]  }
0xad: {  	v2 =	vadd.f32 v4, v2;
	v4 =	vmul.f32 v6, v5;
	v5 =	vld [tilespmem:s7+$0x2E0]  }
0xae: {  	v6 =	vld [tilespmem:s7+$0x22E0]  }
0xaf: {  	v1 =	vadd.f32 v4, v1;
	v4 =	vmul.f32 v9, v7;
	v7 =	vld [tilespmem:s7+$0x360]  }
0xb0: {  	v9 =	vld [tilespmem:s7+$0x2360]  }
0xb1: {  	v3 =	vmul.f32 v3, v8;
	v8 =	vld [tilespmem:s7+$0x270];
	v10 =	vadd.f32 v4, v0  }
0xb2: {  	v11 =	vld [tilespmem:s7+$0x2270]  }
0xb3: {  	v12 =	vadd.f32 v3, v2;
	v0 =	vmul.f32 v6, v5;
	v13 =	vld [tilespmem:s7+$0x2F0]  }
0xb4: {  	v14 =	vld [tilespmem:s7+$0x22F0]  }
.Ltmp0:
0xb5: {  	v6 =	vadd.f32 v0, v1;
	v2 =	vmul.f32 v9, v7;
	v1 =	vld [tilespmem:s7+$0x370];
	(pc) =	sbr.rel @p0 .LBB2_2-.Ltmp0, $4  }
0xb6: {  	s9 =	sshra.s32 s8, $0x2;
	v4 =	vld [tilespmem:s7+$0x2370]  }
0xb7: {  	v0 =	vld [tilespmem:s9+$0x380];
	v7 =	vmul.f32 v11, v8;
	v5 =	vadd.f32 v2, v10  }
0xb8: {  	v2 =	vld [tilespmem:s9+$0x2380]  }
0xb9: {  	s8 =	sadd.s32 $0x800, s8;
	v3 =	vld [tilespmem:s9+$0x390];
	v7 =	vadd.f32 v7, v12;
	v8 =	vmul.f32 v14, v13  }
0xba: {  	v9 =	vld [tilespmem:s9+$0x2390]  }
0xbb: {  	v10 =	vld [tilespmem:s9+$0x3A0];
	[tilespmem:s7+$0x8200] =	vst v7;
	v6 =	vadd.f32 v8, v6;
	v1 =	vmul.f32 v4, v1  }
0xbc: {  	v7 =	vld [tilespmem:s9+$0x23A0]  }
0xbd: {  	v4 =	vld [tilespmem:s9+$0x3B0];
	[tilespmem:s7+$0x8280] =	vst v6;
	v1 =	vadd.f32 v1, v5  }
0xbe: {  	v5 =	vld [tilespmem:s9+$0x23B0]  }
0xbf: {  	v6 =	vld [tilespmem:s9+$0x3C0];
	[tilespmem:s7+$0x8300] =	vst v1  }
0xc0: {  	v0 =	vmul.f32 v2, v0;
	v2 =	vld [tilespmem:s9+$0x23C0]  }
0xc1: {  	v1 =	vmul.f32 v9, v3;
	v3 =	vld [tilespmem:s9+$0x3D0]  }
0xc2: {  	v8 =	vld [tilespmem:s9+$0x3E0]  }
0xc3: {  	v9 =	vld [tilespmem:s9+$0x300]  }
0xc4: {  	v11 =	vld [tilespmem:s9+$0x2310]  }
0xc5: {  	v12 =	vld [tilespmem:s9+$0x220]  }
0xc6: {  	v13 =	vld [tilespmem:s9+$0x2220]  }
0xc7: {  	v14 =	vld [tilespmem:s9+$0x2A0]  }
0xc8: {  	v15 =	vld [tilespmem:s9+$0x22A0]  }
0xc9: {  	v16 =	vld [tilespmem:s9+$0x320]  }
0xca: {  	v17 =	vld [tilespmem:s9+$0x2320]  }
0xcb: {  	v18 =	vld [tilespmem:s9+$0x230]  }
0xcc: {  	v19 =	vld [tilespmem:s9+$0x2230]  }
0xcd: {  	v20 =	vld [tilespmem:s9+$0x2B0]  }
0xce: {  	v21 =	vld [tilespmem:s9+$0x22B0]  }
0xcf: {  	v22 =	vld [tilespmem:s9+$0x330]  }
0xd0: {  	v23 =	vld [tilespmem:s9+$0x2330]  }
0xd1: {  	v24 =	vld [tilespmem:s9+$0x240]  }
0xd2: {  	v25 =	vld [tilespmem:s9+$0x2240]  }
0xd3: {  	v26 =	vld [tilespmem:s9+$0x2C0]  }
0xd4: {  	v27 =	vld [tilespmem:s9+$0x22C0]  }
0xd5: {  	v28 =	vld [tilespmem:s9+$0x340]  }
0xd6: {  	v29 =	vld [tilespmem:s9+$0x2340]  }
0xd7: {  	v30 =	vld [tilespmem:s9+$0x250]  }
0xd8: {  	v31 =	vld [tilespmem:s9+$0x2250]  }
0xd9: {  	v32 =	vld [tilespmem:s9+$0x2D0]  }
0xda: {  	v34 =	vld [tilespmem:s9+$0x350]  }
0xdb: {  	v35 =	vld [tilespmem:s9+$0x2350];
	v0 =	vadd.f32 v1, v0;
	v1 =	vmul.f32 v7, v10  }
0xdc: {  	v7 =	vld [tilespmem:s9+$0x23D0]  }
0xdd: {  	v10 =	vld [tilespmem:s9+$0x310];
	v0 =	vadd.f32 v1, v0;
	v1 =	vmul.f32 v5, v4  }
0xde: {  	v4 =	vld [tilespmem:s9+$0x23E0]  }
0xdf: {  	v5 =	vld [tilespmem:s9+$0x3F0];
	v0 =	vadd.f32 v1, v0;
	v1 =	vmul.f32 v2, v6  }
0xe0: {  	v2 =	vld [tilespmem:s9+$0x23F0]  }
0xe1: {  	v6 =	vld [tilespmem:s9+$0x200];
	v0 =	vadd.f32 v1, v0;
	v1 =	vmul.f32 v7, v3  }
0xe2: {  	v3 =	vld [tilespmem:s9+$0x2200]  }
0xe3: {  	v7 =	vld [tilespmem:s9+$0x210];
	v0 =	vadd.f32 v1, v0;
	v1 =	vmul.f32 v4, v8  }
0xe4: {  	v4 =	vld [tilespmem:s9+$0x2210]  }
0xe5: {  	v8 =	vld [tilespmem:s9+$0x280];
	v0 =	vadd.f32 v1, v0;
	v1 =	vmul.f32 v2, v5  }
0xe6: {  	v2 =	vld [tilespmem:s9+$0x2280]  }
0xe7: {  	v5 =	vld [tilespmem:s9+$0x290];
	v0 =	vadd.f32 v1, v0  }
0xe8: {  	v1 =	vld [tilespmem:s9+$0x2290]  }
0xe9: {  	[tilespmem:s9+$0x8380] =	vst v0;
	v0 =	vld [tilespmem:s9+$0x2300]  }
0xea: {  	v33 =	vld [tilespmem:s9+$0x22D0];
	v26 =	vmul.f32 v27, v26  }
0xeb: {  	v27 =	vld [tilespmem:s9+$0x2F0];
	v34 =	vmul.f32 v35, v34;
	v3 =	vmul.f32 v3, v6  }
0xec: {  	v35 =	vld [tilespmem:s9+$0x2370];
	v4 =	vmul.f32 v4, v7;
	v7 =	vmul.f32 v11, v10  }
0xed: {  	v6 =	vld [tilespmem:s9+$0x260];
	v2 =	vmul.f32 v2, v8;
	v1 =	vmul.f32 v1, v5  }
0xee: {  	v11 =	vld [tilespmem:s9+$0x2360];
	v3 =	vadd.f32 v4, v3;
	v4 =	vmul.f32 v13, v12;
	v0 =	vmul.f32 v0, v9  }
0xef: {  	v10 =	vmul.f32 v19, v18;
	v8 =	vld [tilespmem:s9+$0x2E0];
	v1 =	vadd.f32 v1, v2;
	v2 =	vmul.f32 v15, v14  }
0xf0: {  	v5 =	vld [tilespmem:s9+$0x2260];
	v3 =	vadd.f32 v4, v3;
	v4 =	vmul.f32 v17, v16;
	v0 =	vadd.f32 v7, v0  }
0xf1: {  	v9 =	vld [tilespmem:s9+$0x22E0];
	v1 =	vadd.f32 v2, v1;
	v2 =	vmul.f32 v21, v20  }
0xf2: {  	v3 =	vadd.f32 v10, v3;
	v10 =	vld [tilespmem:s9+$0x2270];
	v0 =	vadd.f32 v4, v0;
	v4 =	vmul.f32 v23, v22  }
0xf3: {  	v21 =	vld [tilespmem:s9+$0x270];
	v1 =	vadd.f32 v2, v1;
	v2 =	vmul.f32 v25, v24  }
0xf4: {  	v7 =	vld [tilespmem:s9+$0x360];
	v0 =	vadd.f32 v4, v0;
	v4 =	vmul.f32 v29, v28  }
0xf5: {  	v29 =	vld [tilespmem:s9+$0x22F0];
	v2 =	vadd.f32 v2, v3;
	v3 =	vmul.f32 v31, v30  }
0xf6: {  	v1 =	vadd.f32 v26, v1;
	v31 =	vld [tilespmem:s9+$0x370];
	v0 =	vadd.f32 v4, v0;
	v4 =	vmul.f32 v33, v32  }
0xf7: {  	v2 =	vadd.f32 v3, v2;
	v3 =	vmul.f32 v5, v6  }
0xf8: {  	v5 =	vmul.f32 v10, v21;
	v1 =	vadd.f32 v4, v1;
	v4 =	vmul.f32 v9, v8  }
0xf9: {  	v0 =	vadd.f32 v34, v0;
	v2 =	vadd.f32 v3, v2;
	v3 =	vmul.f32 v11, v7  }
0xfa: {  	v1 =	vadd.f32 v4, v1;
	v4 =	vmul.f32 v29, v27  }
0xfb: {  	v0 =	vadd.f32 v3, v0;
	v2 =	vadd.f32 v5, v2;
	v3 =	vmul.f32 v35, v31  }
0xfc: {  	v1 =	vadd.f32 v4, v1  }
0xfd: {  	[tilespmem:s9+$0x8200] =	vst v2;
	v0 =	vadd.f32 v3, v0  }
0xfe: {  	[tilespmem:s9+$0x8280] =	vst v1  }
0xff: {  	s8 =	rddreg [dreg:$0xa];
	[tilespmem:s9+$0x8300] =	vst v0;
	s9 =	simm.s32 $0x0  }
0x100: {  	[tilespmem:s9], [sflag:$0x3] =	stream.linear.gather [hbm4b:s8+s9], $0x40, $0x38;
	[tilespmem:$0x18200] =	vst v63  }
0x101: {  	_ =	swait.ge [sflag:s23], $0x40  }
0x102: {  	[sflag:s23] =	ssyncset.done $0x0  }
0x103: {  	[sflag:s23] =	ssyncadd.s32 $0xFFFFFFC0  }
0x104: {  	[tilespmem:s24], [sflag:$0x3] =	stream.linear.gather [hbm4b:s10+s9], $0x40, $0x38;
	[tilespmem:$0x18200] =	vst v63  }
0x105: {  	_ =	swait.ge [sflag:s23], $0x40  }
0x106: {  	[sflag:s23] =	ssyncset.done $0x0  }
0x107: {  	[sflag:s23] =	ssyncadd.s32 $0xFFFFFFC0  }
0x108: {  	[tilespmem:s26], [sflag:$0x1] =	stream.indirect.gather [hbm4b:s1+s25], $0x80, s9, s25, $0xb8;
	[tilespmem:$0x18200] =	vst v63  }
0x109: {  	_ = 	snop  }
0x10a: {  	[tilespmem:s28], [sflag:$0x1] =	stream.indirect.gather [hbm4b:s3+s25], $0x80, s24, s25, $0xb8;
	[tilespmem:$0x18200] =	vst v63  }
0x10b: {  	_ =	swait.ge [sflag:s5], $0x2000  }
0x10c: {  	[sflag:s5] =	ssyncset.done $0x0  }
0x10d: {  	[sflag:s5] =	ssyncadd.s32 $0xFFFFE000  }
0x10e: {  	_ =	swait.ge [sflag:s5], $0x2000  }
0x10f: {  	[sflag:s5] =	ssyncset.done $0x0  }
0x110: {  	s7 =	simm.s32 $0x0;
	[sflag:s5] =	ssyncadd.s32 $0xFFFFE000  }
0x111: {  	v0 =	vld [tilespmem:s7+$0x4380]  }
0x112: {  	v1 =	vld [tilespmem:s7+$0x6380]  }
0x113: {  	v2 =	vld [tilespmem:s7+$0x4390]  }
0x114: {  	v3 =	vld [tilespmem:s7+$0x6390]  }
0x115: {  	v4 =	vld [tilespmem:s7+$0x43A0]  }
0x116: {  	v5 =	vld [tilespmem:s7+$0x63A0]  }
0x117: {  	v6 =	vld [tilespmem:s7+$0x43B0]  }
0x118: {  	v7 =	vld [tilespmem:s7+$0x63B0]  }
0x119: {  	v8 =	vld [tilespmem:s7+$0x43C0]  }
0x11a: {  	v9 =	vld [tilespmem:s7+$0x4300]  }
0x11b: {  	v10 =	vld [tilespmem:s7+$0x4310]  }
0x11c: {  	v11 =	vld [tilespmem:s7+$0x6310]  }
0x11d: {  	v36 =	vld [tilespmem:s7+$0x4220]  }
0x11e: {  	v37 =	vld [tilespmem:s7+$0x6220]  }
0x11f: {  	v38 =	vld [tilespmem:s7+$0x42A0]  }
0x120: {  	v39 =	vld [tilespmem:s7+$0x62A0]  }
0x121: {  	v40 =	vld [tilespmem:s7+$0x4320]  }
0x122: {  	v41 =	vld [tilespmem:s7+$0x6320]  }
0x123: {  	v42 =	vld [tilespmem:s7+$0x4230]  }
0x124: {  	v43 =	vld [tilespmem:s7+$0x6230]  }
0x125: {  	v44 =	vld [tilespmem:s7+$0x42B0]  }
0x126: {  	v45 =	vld [tilespmem:s7+$0x62B0]  }
0x127: {  	v46 =	vld [tilespmem:s7+$0x4330]  }
0x128: {  	v47 =	vld [tilespmem:s7+$0x6330]  }
0x129: {  	v48 =	vld [tilespmem:s7+$0x4240]  }
0x12a: {  	v49 =	vld [tilespmem:s7+$0x6240]  }
0x12b: {  	v50 =	vld [tilespmem:s7+$0x42C0]  }
0x12c: {  	v51 =	vld [tilespmem:s7+$0x62C0]  }
0x12d: {  	v52 =	vld [tilespmem:s7+$0x4340]  }
0x12e: {  	v53 =	vld [tilespmem:s7+$0x6340]  }
0x12f: {  	v54 =	vld [tilespmem:s7+$0x4250]  }
0x130: {  	v55 =	vld [tilespmem:s7+$0x6250]  }
0x131: {  	v56 =	vld [tilespmem:s7+$0x42D0];
	v0 =	vmul.f32 v1, v0;
	v1 =	vmul.f32 v3, v2  }
0x132: {  	v2 =	vld [tilespmem:s7+$0x63C0]  }
0x133: {  	v3 =	vld [tilespmem:s7+$0x43D0];
	v0 =	vadd.f32 v1, v0;
	v1 =	vmul.f32 v5, v4  }
0x134: {  	v4 =	vld [tilespmem:s7+$0x63D0]  }
0x135: {  	v5 =	vld [tilespmem:s7+$0x43E0];
	v0 =	vadd.f32 v1, v0;
	v1 =	vmul.f32 v7, v6  }
0x136: {  	v6 =	vld [tilespmem:s7+$0x63E0]  }
0x137: {  	v7 =	vld [tilespmem:s7+$0x43F0];
	v0 =	vadd.f32 v1, v0;
	v1 =	vmul.f32 v2, v8  }
0x138: {  	v2 =	vld [tilespmem:s7+$0x63F0]  }
0x139: {  	v8 =	vld [tilespmem:s7+$0x4200];
	v0 =	vadd.f32 v1, v0;
	v1 =	vmul.f32 v4, v3  }
0x13a: {  	v3 =	vld [tilespmem:s7+$0x6200]  }
0x13b: {  	v4 =	vld [tilespmem:s7+$0x4210];
	v0 =	vadd.f32 v1, v0;
	v1 =	vmul.f32 v6, v5  }
0x13c: {  	v5 =	vld [tilespmem:s7+$0x6210]  }
0x13d: {  	v6 =	vld [tilespmem:s7+$0x4280];
	v0 =	vadd.f32 v1, v0;
	v1 =	vmul.f32 v2, v7  }
0x13e: {  	v2 =	vld [tilespmem:s7+$0x6280]  }
0x13f: {  	v7 =	vld [tilespmem:s7+$0x4290];
	v0 =	vadd.f32 v1, v0  }
0x140: {  	v1 =	vld [tilespmem:s7+$0x6290]  }
0x141: {  	[tilespmem:s7+$0xA380] =	vst v0;
	v0 =	vld [tilespmem:s7+$0x6300]  }
0x142: {  	v57 =	vld [tilespmem:s7+$0x62D0]  }
0x143: {  	v58 =	vld [tilespmem:s7+$0x4360];
	v3 =	vmul.f32 v3, v8;
	v4 =	vmul.f32 v5, v4  }
0x144: {  	v60 =	vld [tilespmem:s7+$0x4270];
	v2 =	vmul.f32 v2, v6  }
0x145: {  	v8 =	vld [tilespmem:s7+$0x4260];
	v3 =	vadd.f32 v4, v3;
	v4 =	vmul.f32 v37, v36;
	v1 =	vmul.f32 v1, v7  }
0x146: {  	v5 =	vld [tilespmem:s7+$0x4350];
	v7 =	vmul.f32 v11, v10;
	v0 =	vmul.f32 v0, v9  }
0x147: {  	v6 =	vld [tilespmem:s7+$0x6350];
	v3 =	vadd.f32 v4, v3;
	v1 =	vadd.f32 v1, v2;
	v2 =	vmul.f32 v39, v38  }
0x148: {  	v4 =	vmul.f32 v41, v40;
	v10 =	vmul.f32 v43, v42;
	v11 =	vld [tilespmem:s7+$0x62E0];
	v0 =	vadd.f32 v7, v0  }
0x149: {  	v9 =	vld [tilespmem:s7+$0x6260];
	v1 =	vadd.f32 v2, v1;
	v2 =	vmul.f32 v45, v44  }
0x14a: {  	v3 =	vadd.f32 v10, v3;
	v10 =	vld [tilespmem:s7+$0x6360];
	v0 =	vadd.f32 v4, v0;
	v4 =	vmul.f32 v47, v46  }
0x14b: {  	v59 =	vmul.f32 v51, v50;
	v7 =	vld [tilespmem:s7+$0x42E0];
	v1 =	vadd.f32 v2, v1;
	v2 =	vmul.f32 v49, v48  }
0x14c: {  	v61 =	vld [tilespmem:s7+$0x6270];
	v0 =	vadd.f32 v4, v0;
	v4 =	vmul.f32 v53, v52  }
0x14d: {  	v62 =	vld [tilespmem:s7+$0x42F0];
	v2 =	vadd.f32 v2, v3;
	v3 =	vadd.f32 v59, v1;
	v1 =	vmul.f32 v55, v54  }
0x14e: {  	v63 =	vld [tilespmem:s7+$0x62F0];
	v0 =	vadd.f32 v4, v0;
	v4 =	vmul.f32 v57, v56  }
0x14f: {  	v5 =	vmul.f32 v6, v5;
	v6 =	vmul.f32 v9, v8;
	v2 =	vadd.f32 v1, v2;
	v1 =	vld [tilespmem:s7+$0x4370]  }
0x150: {  	s9 =	simm.s32 $0x200;
	v9 =	vmul.f32 v10, v58;
	v7 =	vmul.f32 v11, v7;
	v3 =	vadd.f32 v4, v3;
	v4 =	vld [tilespmem:s7+$0x6370]  }
0x151: {  	v10 =	vmul.f32 v61, v60;
	v5 =	vadd.f32 v5, v0;
	v8 =	vadd.f32 v6, v2;
	v0 =	vld [tilespmem:s9+$0x4380]  }
0x152: {  	v2 =	vld [tilespmem:s9+$0x6380];
	v6 =	vadd.f32 v7, v3  }
0x153: {  	s8 =	simm.s32 $0x1000;
	v5 =	vadd.f32 v9, v5;
	v3 =	vld [tilespmem:s9+$0x4390];
	v7 =	vadd.f32 v10, v8;
	v8 =	vmul.f32 v63, v62  }
.LBB2_4:
0x154: {  	p0 =	sne.s32 s8, $0x7800;
	v9 =	vld [tilespmem:s9+$0x6390]  }
0x155: {  	v10 =	vld [tilespmem:s9+$0x43A0];
	[tilespmem:s7+$0xA200] =	vst v7;
	v6 =	vadd.f32 v8, v6;
	v1 =	vmul.f32 v4, v1  }
0x156: {  	v4 =	vld [tilespmem:s9+$0x63A0]  }
0x157: {  	v7 =	vld [tilespmem:s9+$0x43B0];
	[tilespmem:s7+$0xA280] =	vst v6;
	v1 =	vadd.f32 v1, v5  }
0x158: {  	v5 =	vld [tilespmem:s9+$0x63B0]  }
0x159: {  	v0 =	vmul.f32 v2, v0;
	v2 =	vmul.f32 v9, v3;
	v3 =	vld [tilespmem:s9+$0x43C0];
	[tilespmem:s7+$0xA300] =	vst v1;
	s7 =	smov.u32 s9  }
0x15a: {  	v1 =	vld [tilespmem:s7+$0x63C0]  }
0x15b: {  	v0 =	vadd.f32 v2, v0;
	v2 =	vmul.f32 v4, v10;
	v4 =	vld [tilespmem:s7+$0x43D0]  }
0x15c: {  	v6 =	vld [tilespmem:s7+$0x63D0]  }
0x15d: {  	v0 =	vadd.f32 v2, v0;
	v2 =	vmul.f32 v5, v7;
	v5 =	vld [tilespmem:s7+$0x43E0]  }
0x15e: {  	v7 =	vld [tilespmem:s7+$0x63E0]  }
0x15f: {  	v0 =	vadd.f32 v2, v0;
	v1 =	vmul.f32 v1, v3;
	v2 =	vld [tilespmem:s7+$0x43F0]  }
0x160: {  	v3 =	vld [tilespmem:s7+$0x63F0]  }
0x161: {  	v8 =	vld [tilespmem:s7+$0x4200];
	v0 =	vadd.f32 v1, v0;
	v1 =	vmul.f32 v6, v4  }
0x162: {  	v4 =	vld [tilespmem:s7+$0x6200]  }
0x163: {  	v6 =	vld [tilespmem:s7+$0x4210];
	v0 =	vadd.f32 v1, v0;
	v1 =	vmul.f32 v7, v5  }
0x164: {  	v5 =	vld [tilespmem:s7+$0x6210]  }
0x165: {  	v7 =	vld [tilespmem:s7+$0x4280];
	v0 =	vadd.f32 v1, v0;
	v1 =	vmul.f32 v3, v2  }
0x166: {  	v2 =	vld [tilespmem:s7+$0x6280]  }
0x167: {  	v3 =	vmul.f32 v4, v8;
	v4 =	vld [tilespmem:s7+$0x4290];
	v0 =	vadd.f32 v1, v0  }
0x168: {  	v1 =	vld [tilespmem:s7+$0x6290]  }
0x169: {  	v5 =	vmul.f32 v5, v6;
	v6 =	vld [tilespmem:s7+$0x4300];
	[tilespmem:s7+$0xA380] =	vst v0  }
0x16a: {  	v0 =	vld [tilespmem:s7+$0x6300]  }
0x16b: {  	v3 =	vadd.f32 v5, v3;
	v2 =	vmul.f32 v2, v7;
	v5 =	vld [tilespmem:s7+$0x4310]  }
0x16c: {  	v7 =	vld [tilespmem:s7+$0x6310]  }
0x16d: {  	v8 =	vld [tilespmem:s7+$0x4220];
	v1 =	vmul.f32 v1, v4  }
0x16e: {  	v4 =	vld [tilespmem:s7+$0x6220]  }
0x16f: {  	v1 =	vadd.f32 v1, v2;
	v2 =	vld [tilespmem:s7+$0x42A0];
	v0 =	vmul.f32 v0, v6  }
0x170: {  	v6 =	vld [tilespmem:s7+$0x62A0]  }
0x171: {  	v5 =	vmul.f32 v7, v5;
	v7 =	vld [tilespmem:s7+$0x4320]  }
0x172: {  	v9 =	vld [tilespmem:s7+$0x6320]  }
0x173: {  	v4 =	vmul.f32 v4, v8;
	v8 =	vld [tilespmem:s7+$0x4230];
	v0 =	vadd.f32 v5, v0  }
0x174: {  	v5 =	vld [tilespmem:s7+$0x6230]  }
0x175: {  	v3 =	vadd.f32 v4, v3;
	v2 =	vmul.f32 v6, v2;
	v4 =	vld [tilespmem:s7+$0x42B0]  }
0x176: {  	v6 =	vld [tilespmem:s7+$0x62B0]  }
0x177: {  	v1 =	vadd.f32 v2, v1;
	v2 =	vmul.f32 v9, v7;
	v7 =	vld [tilespmem:s7+$0x4330]  }
0x178: {  	v9 =	vld [tilespmem:s7+$0x6330]  }
0x179: {  	v5 =	vmul.f32 v5, v8;
	v8 =	vld [tilespmem:s7+$0x4240];
	v0 =	vadd.f32 v2, v0  }
0x17a: {  	v2 =	vld [tilespmem:s7+$0x6240]  }
0x17b: {  	v3 =	vadd.f32 v5, v3;
	v4 =	vmul.f32 v6, v4;
	v5 =	vld [tilespmem:s7+$0x42C0]  }
0x17c: {  	v6 =	vld [tilespmem:s7+$0x62C0]  }
0x17d: {  	v1 =	vadd.f32 v4, v1;
	v4 =	vmul.f32 v9, v7;
	v7 =	vld [tilespmem:s7+$0x4340]  }
0x17e: {  	v9 =	vld [tilespmem:s7+$0x6340]  }
0x17f: {  	v2 =	vmul.f32 v2, v8;
	v8 =	vld [tilespmem:s7+$0x4250];
	v0 =	vadd.f32 v4, v0  }
0x180: {  	v4 =	vld [tilespmem:s7+$0x6250]  }
0x181: {  	v2 =	vadd.f32 v2, v3;
	v3 =	vmul.f32 v6, v5;
	v5 =	vld [tilespmem:s7+$0x42D0]  }
0x182: {  	v6 =	vld [tilespmem:s7+$0x62D0]  }
0x183: {  	v1 =	vadd.f32 v3, v1;
	v3 =	vmul.f32 v9, v7;
	v7 =	vld [tilespmem:s7+$0x4350]  }
0x184: {  	v9 =	vld [tilespmem:s7+$0x6350]  }
0x185: {  	v4 =	vmul.f32 v4, v8;
	v8 =	vld [tilespmem:s7+$0x4260];
	v0 =	vadd.f32 v3, v0  }
0x186: {  	v3 =	vld [tilespmem:s7+$0x6260]  }
0x187: {  	v2 =	vadd.f32 v4, v2;
	v4 =	vmul.f32 v6, v5;
	v5 =	vld [tilespmem:s7+$0x42E0]  }
0x188: {  	v6 =	vld [tilespmem:s7+$0x62E0]  }
0x189: {  	v1 =	vadd.f32 v4, v1;
	v4 =	vmul.f32 v9, v7;
	v7 =	vld [tilespmem:s7+$0x4360]  }
0x18a: {  	v9 =	vld [tilespmem:s7+$0x6360]  }
0x18b: {  	v3 =	vmul.f32 v3, v8;
	v8 =	vld [tilespmem:s7+$0x4270];
	v10 =	vadd.f32 v4, v0  }
0x18c: {  	v11 =	vld [tilespmem:s7+$0x6270]  }
0x18d: {  	v12 =	vadd.f32 v3, v2;
	v0 =	vmul.f32 v6, v5;
	v13 =	vld [tilespmem:s7+$0x42F0]  }
0x18e: {  	v14 =	vld [tilespmem:s7+$0x62F0]  }
.Ltmp1:
0x18f: {  	v6 =	vadd.f32 v0, v1;
	v2 =	vmul.f32 v9, v7;
	v1 =	vld [tilespmem:s7+$0x4370];
	(pc) =	sbr.rel @p0 .LBB2_4-.Ltmp1, $4  }
0x190: {  	s9 =	sshra.s32 s8, $0x2;
	v4 =	vld [tilespmem:s7+$0x6370]  }
0x191: {  	v0 =	vld [tilespmem:s9+$0x4380];
	v7 =	vmul.f32 v11, v8;
	v5 =	vadd.f32 v2, v10  }
0x192: {  	v2 =	vld [tilespmem:s9+$0x6380]  }
0x193: {  	s8 =	sadd.s32 $0x800, s8;
	v3 =	vld [tilespmem:s9+$0x4390];
	v7 =	vadd.f32 v7, v12;
	v8 =	vmul.f32 v14, v13  }
0x194: {  	v9 =	vld [tilespmem:s9+$0x6390]  }
0x195: {  	v10 =	vld [tilespmem:s9+$0x43A0];
	[tilespmem:s7+$0xA200] =	vst v7;
	v6 =	vadd.f32 v8, v6;
	v1 =	vmul.f32 v4, v1  }
0x196: {  	v7 =	vld [tilespmem:s9+$0x63A0]  }
0x197: {  	v4 =	vld [tilespmem:s9+$0x43B0];
	[tilespmem:s7+$0xA280] =	vst v6;
	v1 =	vadd.f32 v1, v5  }
0x198: {  	v5 =	vld [tilespmem:s9+$0x63B0]  }
0x199: {  	v6 =	vld [tilespmem:s9+$0x43C0];
	[tilespmem:s7+$0xA300] =	vst v1  }
0x19a: {  	v0 =	vmul.f32 v2, v0;
	v2 =	vld [tilespmem:s9+$0x63C0]  }
0x19b: {  	v1 =	vmul.f32 v9, v3;
	v3 =	vld [tilespmem:s9+$0x43D0]  }
0x19c: {  	v8 =	vld [tilespmem:s9+$0x43E0]  }
0x19d: {  	v9 =	vld [tilespmem:s9+$0x4300]  }
0x19e: {  	v11 =	vld [tilespmem:s9+$0x6310]  }
0x19f: {  	v12 =	vld [tilespmem:s9+$0x4220]  }
0x1a0: {  	v13 =	vld [tilespmem:s9+$0x6220]  }
0x1a1: {  	v14 =	vld [tilespmem:s9+$0x42A0]  }
0x1a2: {  	v15 =	vld [tilespmem:s9+$0x62A0]  }
0x1a3: {  	v16 =	vld [tilespmem:s9+$0x4320]  }
0x1a4: {  	v17 =	vld [tilespmem:s9+$0x6320]  }
0x1a5: {  	v18 =	vld [tilespmem:s9+$0x4230]  }
0x1a6: {  	v19 =	vld [tilespmem:s9+$0x6230]  }
0x1a7: {  	v20 =	vld [tilespmem:s9+$0x42B0]  }
0x1a8: {  	v21 =	vld [tilespmem:s9+$0x62B0]  }
0x1a9: {  	v22 =	vld [tilespmem:s9+$0x4330]  }
0x1aa: {  	v23 =	vld [tilespmem:s9+$0x6330]  }
0x1ab: {  	v24 =	vld [tilespmem:s9+$0x4240]  }
0x1ac: {  	v25 =	vld [tilespmem:s9+$0x6240]  }
0x1ad: {  	v26 =	vld [tilespmem:s9+$0x42C0]  }
0x1ae: {  	v27 =	vld [tilespmem:s9+$0x62C0]  }
0x1af: {  	v28 =	vld [tilespmem:s9+$0x4340]  }
0x1b0: {  	v29 =	vld [tilespmem:s9+$0x6340]  }
0x1b1: {  	v30 =	vld [tilespmem:s9+$0x4250]  }
0x1b2: {  	v31 =	vld [tilespmem:s9+$0x6250]  }
0x1b3: {  	v32 =	vld [tilespmem:s9+$0x42D0]  }
0x1b4: {  	v34 =	vld [tilespmem:s9+$0x4350]  }
0x1b5: {  	v35 =	vld [tilespmem:s9+$0x6350];
	v0 =	vadd.f32 v1, v0;
	v1 =	vmul.f32 v7, v10  }
0x1b6: {  	v7 =	vld [tilespmem:s9+$0x63D0]  }
0x1b7: {  	v10 =	vld [tilespmem:s9+$0x4310];
	v0 =	vadd.f32 v1, v0;
	v1 =	vmul.f32 v5, v4  }
0x1b8: {  	v4 =	vld [tilespmem:s9+$0x63E0]  }
0x1b9: {  	v5 =	vld [tilespmem:s9+$0x43F0];
	v0 =	vadd.f32 v1, v0;
	v1 =	vmul.f32 v2, v6  }
0x1ba: {  	v2 =	vld [tilespmem:s9+$0x63F0]  }
0x1bb: {  	v6 =	vld [tilespmem:s9+$0x4200];
	v0 =	vadd.f32 v1, v0;
	v1 =	vmul.f32 v7, v3  }
0x1bc: {  	v3 =	vld [tilespmem:s9+$0x6200]  }
0x1bd: {  	v7 =	vld [tilespmem:s9+$0x4210];
	v0 =	vadd.f32 v1, v0;
	v1 =	vmul.f32 v4, v8  }
0x1be: {  	v4 =	vld [tilespmem:s9+$0x6210]  }
0x1bf: {  	v8 =	vld [tilespmem:s9+$0x4280];
	v0 =	vadd.f32 v1, v0;
	v1 =	vmul.f32 v2, v5  }
0x1c0: {  	v2 =	vld [tilespmem:s9+$0x6280]  }
0x1c1: {  	v5 =	vld [tilespmem:s9+$0x4290];
	v0 =	vadd.f32 v1, v0  }
0x1c2: {  	v1 =	vld [tilespmem:s9+$0x6290]  }
0x1c3: {  	[tilespmem:s9+$0xA380] =	vst v0;
	v0 =	vld [tilespmem:s9+$0x6300]  }
0x1c4: {  	v33 =	vld [tilespmem:s9+$0x62D0];
	v26 =	vmul.f32 v27, v26  }
0x1c5: {  	v27 =	vld [tilespmem:s9+$0x42F0];
	v34 =	vmul.f32 v35, v34;
	v3 =	vmul.f32 v3, v6  }
0x1c6: {  	v35 =	vld [tilespmem:s9+$0x6370];
	v4 =	vmul.f32 v4, v7;
	v7 =	vmul.f32 v11, v10  }
0x1c7: {  	v6 =	vld [tilespmem:s9+$0x4260];
	v2 =	vmul.f32 v2, v8;
	v1 =	vmul.f32 v1, v5  }
0x1c8: {  	v11 =	vld [tilespmem:s9+$0x6360];
	v3 =	vadd.f32 v4, v3;
	v4 =	vmul.f32 v13, v12;
	v0 =	vmul.f32 v0, v9  }
0x1c9: {  	v10 =	vmul.f32 v19, v18;
	v8 =	vld [tilespmem:s9+$0x42E0];
	v1 =	vadd.f32 v1, v2;
	v2 =	vmul.f32 v15, v14  }
0x1ca: {  	v5 =	vld [tilespmem:s9+$0x6260];
	v3 =	vadd.f32 v4, v3;
	v4 =	vmul.f32 v17, v16;
	v0 =	vadd.f32 v7, v0  }
0x1cb: {  	v9 =	vld [tilespmem:s9+$0x62E0];
	v1 =	vadd.f32 v2, v1;
	v2 =	vmul.f32 v21, v20  }
0x1cc: {  	v3 =	vadd.f32 v10, v3;
	v10 =	vld [tilespmem:s9+$0x6270];
	v0 =	vadd.f32 v4, v0;
	v4 =	vmul.f32 v23, v22  }
0x1cd: {  	v21 =	vld [tilespmem:s9+$0x4270];
	v1 =	vadd.f32 v2, v1;
	v2 =	vmul.f32 v25, v24  }
0x1ce: {  	v7 =	vld [tilespmem:s9+$0x4360];
	v0 =	vadd.f32 v4, v0;
	v4 =	vmul.f32 v29, v28  }
0x1cf: {  	v29 =	vld [tilespmem:s9+$0x62F0];
	v2 =	vadd.f32 v2, v3;
	v3 =	vmul.f32 v31, v30  }
0x1d0: {  	v1 =	vadd.f32 v26, v1;
	v31 =	vld [tilespmem:s9+$0x4370];
	v0 =	vadd.f32 v4, v0;
	v4 =	vmul.f32 v33, v32  }
0x1d1: {  	v2 =	vadd.f32 v3, v2;
	v3 =	vmul.f32 v5, v6  }
0x1d2: {  	v5 =	vmul.f32 v10, v21;
	v1 =	vadd.f32 v4, v1;
	v4 =	vmul.f32 v9, v8  }
0x1d3: {  	v0 =	vadd.f32 v34, v0;
	v2 =	vadd.f32 v3, v2;
	v3 =	vmul.f32 v11, v7  }
0x1d4: {  	v1 =	vadd.f32 v4, v1;
	v4 =	vmul.f32 v29, v27  }
0x1d5: {  	v0 =	vadd.f32 v3, v0;
	v2 =	vadd.f32 v5, v2;
	v3 =	vmul.f32 v35, v31  }
0x1d6: {  	v1 =	vadd.f32 v4, v1  }
0x1d7: {  	[tilespmem:s9+$0xA200] =	vst v2;
	v0 =	vadd.f32 v3, v0  }
0x1d8: {  	[tilespmem:s9+$0xA280] =	vst v1  }
0x1d9: {  	[tilespmem:s9+$0xA300] =	vst v0;
	s9 =	simm.s32 $0x0  }
0x1da: {  	[tilespmem:s29], [sflag:$0x3] =	stream.linear.gather [hbm4b:s11+s9], $0x40, $0x38;
	[tilespmem:$0x18200] =	vst v63  }
0x1db: {  	_ =	swait.ge [sflag:s23], $0x40  }
0x1dc: {  	[sflag:s23] =	ssyncset.done $0x0  }
0x1dd: {  	[sflag:s23] =	ssyncadd.s32 $0xFFFFFFC0  }
0x1de: {  	[tilespmem:s30], [sflag:$0x3] =	stream.linear.gather [hbm4b:s12+s9], $0x40, $0x38;
	[tilespmem:$0x18200] =	vst v63  }
0x1df: {  	_ =	swait.ge [sflag:s23], $0x40  }
0x1e0: {  	[sflag:s23] =	ssyncset.done $0x0  }
0x1e1: {  	[sflag:s23] =	ssyncadd.s32 $0xFFFFFFC0  }
0x1e2: {  	[tilespmem:s31], [sflag:$0x2] =	stream.indirect.gather [hbm4b:s1+s25], $0x80, s29, s25, $0xb8;
	[tilespmem:$0x18200] =	vst v63  }
0x1e3: {  	_ = 	snop  }
0x1e4: {  	[tilespmem:s0], [sflag:$0x2] =	stream.indirect.gather [hbm4b:s3+s25], $0x80, s30, s25, $0xb8;
	[tilespmem:$0x18200] =	vst v63  }
0x1e5: {  	_ =	swait.ge [sflag:s2], $0x2000  }
0x1e6: {  	[sflag:s2] =	ssyncset.done $0x0  }
0x1e7: {  	[sflag:s2] =	ssyncadd.s32 $0xFFFFE000  }
0x1e8: {  	_ =	swait.ge [sflag:s2], $0x2000  }
0x1e9: {  	[sflag:s2] =	ssyncset.done $0x0  }
0x1ea: {  	s7 =	simm.s32 $0x0;
	[sflag:s2] =	ssyncadd.s32 $0xFFFFE000  }
0x1eb: {  	v0 =	vld [tilespmem:s7+$0x380]  }
0x1ec: {  	v1 =	vld [tilespmem:s7+$0x2380]  }
0x1ed: {  	v2 =	vld [tilespmem:s7+$0x390]  }
0x1ee: {  	v3 =	vld [tilespmem:s7+$0x2390]  }
0x1ef: {  	v4 =	vld [tilespmem:s7+$0x3A0]  }
0x1f0: {  	v5 =	vld [tilespmem:s7+$0x23A0]  }
0x1f1: {  	v6 =	vld [tilespmem:s7+$0x3B0]  }
0x1f2: {  	v7 =	vld [tilespmem:s7+$0x23B0]  }
0x1f3: {  	v8 =	vld [tilespmem:s7+$0x3C0]  }
0x1f4: {  	v9 =	vld [tilespmem:s7+$0x300]  }
0x1f5: {  	v10 =	vld [tilespmem:s7+$0x310]  }
0x1f6: {  	v11 =	vld [tilespmem:s7+$0x2310]  }
0x1f7: {  	v36 =	vld [tilespmem:s7+$0x220]  }
0x1f8: {  	v37 =	vld [tilespmem:s7+$0x2220]  }
0x1f9: {  	v38 =	vld [tilespmem:s7+$0x2A0]  }
0x1fa: {  	v39 =	vld [tilespmem:s7+$0x22A0]  }
0x1fb: {  	v40 =	vld [tilespmem:s7+$0x320]  }
0x1fc: {  	v41 =	vld [tilespmem:s7+$0x2320]  }
0x1fd: {  	v42 =	vld [tilespmem:s7+$0x230]  }
0x1fe: {  	v43 =	vld [tilespmem:s7+$0x2230]  }
0x1ff: {  	v44 =	vld [tilespmem:s7+$0x2B0]  }
0x200: {  	v45 =	vld [tilespmem:s7+$0x22B0]  }
0x201: {  	v46 =	vld [tilespmem:s7+$0x330]  }
0x202: {  	v47 =	vld [tilespmem:s7+$0x2330]  }
0x203: {  	v48 =	vld [tilespmem:s7+$0x240]  }
0x204: {  	v49 =	vld [tilespmem:s7+$0x2240]  }
0x205: {  	v50 =	vld [tilespmem:s7+$0x2C0]  }
0x206: {  	v51 =	vld [tilespmem:s7+$0x22C0]  }
0x207: {  	v52 =	vld [tilespmem:s7+$0x340]  }
0x208: {  	v53 =	vld [tilespmem:s7+$0x2340]  }
0x209: {  	v54 =	vld [tilespmem:s7+$0x250]  }
0x20a: {  	v55 =	vld [tilespmem:s7+$0x2250]  }
0x20b: {  	v56 =	vld [tilespmem:s7+$0x2D0];
	v0 =	vmul.f32 v1, v0;
	v1 =	vmul.f32 v3, v2  }
0x20c: {  	v2 =	vld [tilespmem:s7+$0x23C0]  }
0x20d: {  	v3 =	vld [tilespmem:s7+$0x3D0];
	v0 =	vadd.f32 v1, v0;
	v1 =	vmul.f32 v5, v4  }
0x20e: {  	v4 =	vld [tilespmem:s7+$0x23D0]  }
0x20f: {  	v5 =	vld [tilespmem:s7+$0x3E0];
	v0 =	vadd.f32 v1, v0;
	v1 =	vmul.f32 v7, v6  }
0x210: {  	v6 =	vld [tilespmem:s7+$0x23E0]  }
0x211: {  	v7 =	vld [tilespmem:s7+$0x3F0];
	v0 =	vadd.f32 v1, v0;
	v1 =	vmul.f32 v2, v8  }
0x212: {  	v2 =	vld [tilespmem:s7+$0x23F0]  }
0x213: {  	v8 =	vld [tilespmem:s7+$0x200];
	v0 =	vadd.f32 v1, v0;
	v1 =	vmul.f32 v4, v3  }
0x214: {  	v3 =	vld [tilespmem:s7+$0x2200]  }
0x215: {  	v4 =	vld [tilespmem:s7+$0x210];
	v0 =	vadd.f32 v1, v0;
	v1 =	vmul.f32 v6, v5  }
0x216: {  	v5 =	vld [tilespmem:s7+$0x2210]  }
0x217: {  	v6 =	vld [tilespmem:s7+$0x280];
	v0 =	vadd.f32 v1, v0;
	v1 =	vmul.f32 v2, v7  }
0x218: {  	v2 =	vld [tilespmem:s7+$0x2280]  }
0x219: {  	v7 =	vld [tilespmem:s7+$0x290];
	v0 =	vadd.f32 v1, v0  }
0x21a: {  	v1 =	vld [tilespmem:s7+$0x2290]  }
0x21b: {  	[tilespmem:s7+$0xC380] =	vst v0;
	v0 =	vld [tilespmem:s7+$0x2300]  }
0x21c: {  	v57 =	vld [tilespmem:s7+$0x22D0]  }
0x21d: {  	v58 =	vld [tilespmem:s7+$0x360];
	v3 =	vmul.f32 v3, v8;
	v4 =	vmul.f32 v5, v4  }
0x21e: {  	v60 =	vld [tilespmem:s7+$0x270];
	v2 =	vmul.f32 v2, v6  }
0x21f: {  	v8 =	vld [tilespmem:s7+$0x260];
	v3 =	vadd.f32 v4, v3;
	v4 =	vmul.f32 v37, v36;
	v1 =	vmul.f32 v1, v7  }
0x220: {  	v5 =	vld [tilespmem:s7+$0x350];
	v7 =	vmul.f32 v11, v10;
	v0 =	vmul.f32 v0, v9  }
0x221: {  	v6 =	vld [tilespmem:s7+$0x2350];
	v3 =	vadd.f32 v4, v3;
	v1 =	vadd.f32 v1, v2;
	v2 =	vmul.f32 v39, v38  }
0x222: {  	v4 =	vmul.f32 v41, v40;
	v10 =	vmul.f32 v43, v42;
	v11 =	vld [tilespmem:s7+$0x22E0];
	v0 =	vadd.f32 v7, v0  }
0x223: {  	v9 =	vld [tilespmem:s7+$0x2260];
	v1 =	vadd.f32 v2, v1;
	v2 =	vmul.f32 v45, v44  }
0x224: {  	v3 =	vadd.f32 v10, v3;
	v10 =	vld [tilespmem:s7+$0x2360];
	v0 =	vadd.f32 v4, v0;
	v4 =	vmul.f32 v47, v46  }
0x225: {  	v59 =	vmul.f32 v51, v50;
	v7 =	vld [tilespmem:s7+$0x2E0];
	v1 =	vadd.f32 v2, v1;
	v2 =	vmul.f32 v49, v48  }
0x226: {  	v61 =	vld [tilespmem:s7+$0x2270];
	v0 =	vadd.f32 v4, v0;
	v4 =	vmul.f32 v53, v52  }
0x227: {  	v62 =	vld [tilespmem:s7+$0x2F0];
	v2 =	vadd.f32 v2, v3;
	v3 =	vadd.f32 v59, v1;
	v1 =	vmul.f32 v55, v54  }
0x228: {  	v63 =	vld [tilespmem:s7+$0x22F0];
	v0 =	vadd.f32 v4, v0;
	v4 =	vmul.f32 v57, v56  }
0x229: {  	v5 =	vmul.f32 v6, v5;
	v6 =	vmul.f32 v9, v8;
	v2 =	vadd.f32 v1, v2;
	v1 =	vld [tilespmem:s7+$0x370]  }
0x22a: {  	s9 =	simm.s32 $0x200;
	v9 =	vmul.f32 v10, v58;
	v7 =	vmul.f32 v11, v7;
	v3 =	vadd.f32 v4, v3;
	v4 =	vld [tilespmem:s7+$0x2370]  }
0x22b: {  	v10 =	vmul.f32 v61, v60;
	v5 =	vadd.f32 v5, v0;
	v8 =	vadd.f32 v6, v2;
	v0 =	vld [tilespmem:s9+$0x380]  }
0x22c: {  	v2 =	vld [tilespmem:s9+$0x2380];
	v6 =	vadd.f32 v7, v3  }
0x22d: {  	s8 =	simm.s32 $0x1000;
	v5 =	vadd.f32 v9, v5;
	v3 =	vld [tilespmem:s9+$0x390];
	v7 =	vadd.f32 v10, v8;
	v8 =	vmul.f32 v63, v62  }
.LBB2_6:
0x22e: {  	p0 =	sne.s32 s8, $0x7800;
	v9 =	vld [tilespmem:s9+$0x2390]  }
0x22f: {  	v10 =	vld [tilespmem:s9+$0x3A0];
	[tilespmem:s7+$0xC200] =	vst v7;
	v6 =	vadd.f32 v8, v6;
	v1 =	vmul.f32 v4, v1  }
0x230: {  	v4 =	vld [tilespmem:s9+$0x23A0]  }
0x231: {  	v7 =	vld [tilespmem:s9+$0x3B0];
	[tilespmem:s7+$0xC280] =	vst v6;
	v1 =	vadd.f32 v1, v5  }
0x232: {  	v5 =	vld [tilespmem:s9+$0x23B0]  }
0x233: {  	v0 =	vmul.f32 v2, v0;
	v2 =	vmul.f32 v9, v3;
	v3 =	vld [tilespmem:s9+$0x3C0];
	[tilespmem:s7+$0xC300] =	vst v1;
	s7 =	smov.u32 s9  }
0x234: {  	v1 =	vld [tilespmem:s7+$0x23C0]  }
0x235: {  	v0 =	vadd.f32 v2, v0;
	v2 =	vmul.f32 v4, v10;
	v4 =	vld [tilespmem:s7+$0x3D0]  }
0x236: {  	v6 =	vld [tilespmem:s7+$0x23D0]  }
0x237: {  	v0 =	vadd.f32 v2, v0;
	v2 =	vmul.f32 v5, v7;
	v5 =	vld [tilespmem:s7+$0x3E0]  }
0x238: {  	v7 =	vld [tilespmem:s7+$0x23E0]  }
0x239: {  	v0 =	vadd.f32 v2, v0;
	v1 =	vmul.f32 v1, v3;
	v2 =	vld [tilespmem:s7+$0x3F0]  }
0x23a: {  	v3 =	vld [tilespmem:s7+$0x23F0]  }
0x23b: {  	v8 =	vld [tilespmem:s7+$0x200];
	v0 =	vadd.f32 v1, v0;
	v1 =	vmul.f32 v6, v4  }
0x23c: {  	v4 =	vld [tilespmem:s7+$0x2200]  }
0x23d: {  	v6 =	vld [tilespmem:s7+$0x210];
	v0 =	vadd.f32 v1, v0;
	v1 =	vmul.f32 v7, v5  }
0x23e: {  	v5 =	vld [tilespmem:s7+$0x2210]  }
0x23f: {  	v7 =	vld [tilespmem:s7+$0x280];
	v0 =	vadd.f32 v1, v0;
	v1 =	vmul.f32 v3, v2  }
0x240: {  	v2 =	vld [tilespmem:s7+$0x2280]  }
0x241: {  	v3 =	vmul.f32 v4, v8;
	v4 =	vld [tilespmem:s7+$0x290];
	v0 =	vadd.f32 v1, v0  }
0x242: {  	v1 =	vld [tilespmem:s7+$0x2290]  }
0x243: {  	v5 =	vmul.f32 v5, v6;
	v6 =	vld [tilespmem:s7+$0x300];
	[tilespmem:s7+$0xC380] =	vst v0  }
0x244: {  	v0 =	vld [tilespmem:s7+$0x2300]  }
0x245: {  	v3 =	vadd.f32 v5, v3;
	v2 =	vmul.f32 v2, v7;
	v5 =	vld [tilespmem:s7+$0x310]  }
0x246: {  	v7 =	vld [tilespmem:s7+$0x2310]  }
0x247: {  	v8 =	vld [tilespmem:s7+$0x220];
	v1 =	vmul.f32 v1, v4  }
0x248: {  	v4 =	vld [tilespmem:s7+$0x2220]  }
0x249: {  	v1 =	vadd.f32 v1, v2;
	v2 =	vld [tilespmem:s7+$0x2A0];
	v0 =	vmul.f32 v0, v6  }
0x24a: {  	v6 =	vld [tilespmem:s7+$0x22A0]  }
0x24b: {  	v5 =	vmul.f32 v7, v5;
	v7 =	vld [tilespmem:s7+$0x320]  }
0x24c: {  	v9 =	vld [tilespmem:s7+$0x2320]  }
0x24d: {  	v4 =	vmul.f32 v4, v8;
	v8 =	vld [tilespmem:s7+$0x230];
	v0 =	vadd.f32 v5, v0  }
0x24e: {  	v5 =	vld [tilespmem:s7+$0x2230]  }
0x24f: {  	v3 =	vadd.f32 v4, v3;
	v2 =	vmul.f32 v6, v2;
	v4 =	vld [tilespmem:s7+$0x2B0]  }
0x250: {  	v6 =	vld [tilespmem:s7+$0x22B0]  }
0x251: {  	v1 =	vadd.f32 v2, v1;
	v2 =	vmul.f32 v9, v7;
	v7 =	vld [tilespmem:s7+$0x330]  }
0x252: {  	v9 =	vld [tilespmem:s7+$0x2330]  }
0x253: {  	v5 =	vmul.f32 v5, v8;
	v8 =	vld [tilespmem:s7+$0x240];
	v0 =	vadd.f32 v2, v0  }
0x254: {  	v2 =	vld [tilespmem:s7+$0x2240]  }
0x255: {  	v3 =	vadd.f32 v5, v3;
	v4 =	vmul.f32 v6, v4;
	v5 =	vld [tilespmem:s7+$0x2C0]  }
0x256: {  	v6 =	vld [tilespmem:s7+$0x22C0]  }
0x257: {  	v1 =	vadd.f32 v4, v1;
	v4 =	vmul.f32 v9, v7;
	v7 =	vld [tilespmem:s7+$0x340]  }
0x258: {  	v9 =	vld [tilespmem:s7+$0x2340]  }
0x259: {  	v2 =	vmul.f32 v2, v8;
	v8 =	vld [tilespmem:s7+$0x250];
	v0 =	vadd.f32 v4, v0  }
0x25a: {  	v4 =	vld [tilespmem:s7+$0x2250]  }
0x25b: {  	v2 =	vadd.f32 v2, v3;
	v3 =	vmul.f32 v6, v5;
	v5 =	vld [tilespmem:s7+$0x2D0]  }
0x25c: {  	v6 =	vld [tilespmem:s7+$0x22D0]  }
0x25d: {  	v1 =	vadd.f32 v3, v1;
	v3 =	vmul.f32 v9, v7;
	v7 =	vld [tilespmem:s7+$0x350]  }
0x25e: {  	v9 =	vld [tilespmem:s7+$0x2350]  }
0x25f: {  	v4 =	vmul.f32 v4, v8;
	v8 =	vld [tilespmem:s7+$0x260];
	v0 =	vadd.f32 v3, v0  }
0x260: {  	v3 =	vld [tilespmem:s7+$0x2260]  }
0x261: {  	v2 =	vadd.f32 v4, v2;
	v4 =	vmul.f32 v6, v5;
	v5 =	vld [tilespmem:s7+$0x2E0]  }
0x262: {  	v6 =	vld [tilespmem:s7+$0x22E0]  }
0x263: {  	v1 =	vadd.f32 v4, v1;
	v4 =	vmul.f32 v9, v7;
	v7 =	vld [tilespmem:s7+$0x360]  }
0x264: {  	v9 =	vld [tilespmem:s7+$0x2360]  }
0x265: {  	v3 =	vmul.f32 v3, v8;
	v8 =	vld [tilespmem:s7+$0x270];
	v10 =	vadd.f32 v4, v0  }
0x266: {  	v11 =	vld [tilespmem:s7+$0x2270]  }
0x267: {  	v12 =	vadd.f32 v3, v2;
	v0 =	vmul.f32 v6, v5;
	v13 =	vld [tilespmem:s7+$0x2F0]  }
0x268: {  	v14 =	vld [tilespmem:s7+$0x22F0]  }
.Ltmp2:
0x269: {  	v6 =	vadd.f32 v0, v1;
	v2 =	vmul.f32 v9, v7;
	v1 =	vld [tilespmem:s7+$0x370];
	(pc) =	sbr.rel @p0 .LBB2_6-.Ltmp2, $4  }
0x26a: {  	s9 =	sshra.s32 s8, $0x2;
	v4 =	vld [tilespmem:s7+$0x2370]  }
0x26b: {  	v0 =	vld [tilespmem:s9+$0x380];
	v7 =	vmul.f32 v11, v8;
	v5 =	vadd.f32 v2, v10  }
0x26c: {  	v2 =	vld [tilespmem:s9+$0x2380]  }
0x26d: {  	s8 =	sadd.s32 $0x800, s8;
	v3 =	vld [tilespmem:s9+$0x390];
	v7 =	vadd.f32 v7, v12;
	v8 =	vmul.f32 v14, v13  }
0x26e: {  	v9 =	vld [tilespmem:s9+$0x2390]  }
0x26f: {  	v10 =	vld [tilespmem:s9+$0x3A0];
	[tilespmem:s7+$0xC200] =	vst v7;
	v6 =	vadd.f32 v8, v6;
	v1 =	vmul.f32 v4, v1  }
0x270: {  	v7 =	vld [tilespmem:s9+$0x23A0]  }
0x271: {  	v4 =	vld [tilespmem:s9+$0x3B0];
	[tilespmem:s7+$0xC280] =	vst v6;
	v1 =	vadd.f32 v1, v5  }
0x272: {  	v5 =	vld [tilespmem:s9+$0x23B0]  }
0x273: {  	v6 =	vld [tilespmem:s9+$0x3C0];
	[tilespmem:s7+$0xC300] =	vst v1  }
0x274: {  	v0 =	vmul.f32 v2, v0;
	v2 =	vld [tilespmem:s9+$0x23C0]  }
0x275: {  	v1 =	vmul.f32 v9, v3;
	v3 =	vld [tilespmem:s9+$0x3D0]  }
0x276: {  	v8 =	vld [tilespmem:s9+$0x3E0]  }
0x277: {  	v9 =	vld [tilespmem:s9+$0x300]  }
0x278: {  	v11 =	vld [tilespmem:s9+$0x2310]  }
0x279: {  	v12 =	vld [tilespmem:s9+$0x220]  }
0x27a: {  	v13 =	vld [tilespmem:s9+$0x2220]  }
0x27b: {  	v14 =	vld [tilespmem:s9+$0x2A0]  }
0x27c: {  	v15 =	vld [tilespmem:s9+$0x22A0]  }
0x27d: {  	v16 =	vld [tilespmem:s9+$0x320]  }
0x27e: {  	v17 =	vld [tilespmem:s9+$0x2320]  }
0x27f: {  	v18 =	vld [tilespmem:s9+$0x230]  }
0x280: {  	v19 =	vld [tilespmem:s9+$0x2230]  }
0x281: {  	v20 =	vld [tilespmem:s9+$0x2B0]  }
0x282: {  	v21 =	vld [tilespmem:s9+$0x22B0]  }
0x283: {  	v22 =	vld [tilespmem:s9+$0x330]  }
0x284: {  	v23 =	vld [tilespmem:s9+$0x2330]  }
0x285: {  	v24 =	vld [tilespmem:s9+$0x240]  }
0x286: {  	v25 =	vld [tilespmem:s9+$0x2240]  }
0x287: {  	v26 =	vld [tilespmem:s9+$0x2C0]  }
0x288: {  	v27 =	vld [tilespmem:s9+$0x22C0]  }
0x289: {  	v28 =	vld [tilespmem:s9+$0x340]  }
0x28a: {  	v29 =	vld [tilespmem:s9+$0x2340]  }
0x28b: {  	v30 =	vld [tilespmem:s9+$0x250]  }
0x28c: {  	v31 =	vld [tilespmem:s9+$0x2250]  }
0x28d: {  	v32 =	vld [tilespmem:s9+$0x2D0]  }
0x28e: {  	v34 =	vld [tilespmem:s9+$0x350]  }
0x28f: {  	v35 =	vld [tilespmem:s9+$0x2350];
	v0 =	vadd.f32 v1, v0;
	v1 =	vmul.f32 v7, v10  }
0x290: {  	v7 =	vld [tilespmem:s9+$0x23D0]  }
0x291: {  	v10 =	vld [tilespmem:s9+$0x310];
	v0 =	vadd.f32 v1, v0;
	v1 =	vmul.f32 v5, v4  }
0x292: {  	v4 =	vld [tilespmem:s9+$0x23E0]  }
0x293: {  	v5 =	vld [tilespmem:s9+$0x3F0];
	v0 =	vadd.f32 v1, v0;
	v1 =	vmul.f32 v2, v6  }
0x294: {  	v2 =	vld [tilespmem:s9+$0x23F0]  }
0x295: {  	v6 =	vld [tilespmem:s9+$0x200];
	v0 =	vadd.f32 v1, v0;
	v1 =	vmul.f32 v7, v3  }
0x296: {  	v3 =	vld [tilespmem:s9+$0x2200]  }
0x297: {  	v7 =	vld [tilespmem:s9+$0x210];
	v0 =	vadd.f32 v1, v0;
	v1 =	vmul.f32 v4, v8  }
0x298: {  	v4 =	vld [tilespmem:s9+$0x2210]  }
0x299: {  	v8 =	vld [tilespmem:s9+$0x280];
	v0 =	vadd.f32 v1, v0;
	v1 =	vmul.f32 v2, v5  }
0x29a: {  	v2 =	vld [tilespmem:s9+$0x2280]  }
0x29b: {  	v5 =	vld [tilespmem:s9+$0x290];
	v0 =	vadd.f32 v1, v0  }
0x29c: {  	v1 =	vld [tilespmem:s9+$0x2290]  }
0x29d: {  	[tilespmem:s9+$0xC380] =	vst v0;
	v0 =	vld [tilespmem:s9+$0x2300]  }
0x29e: {  	v33 =	vld [tilespmem:s9+$0x22D0];
	v26 =	vmul.f32 v27, v26  }
0x29f: {  	v27 =	vld [tilespmem:s9+$0x2F0];
	v34 =	vmul.f32 v35, v34;
	v3 =	vmul.f32 v3, v6  }
0x2a0: {  	v35 =	vld [tilespmem:s9+$0x2370];
	v4 =	vmul.f32 v4, v7;
	v7 =	vmul.f32 v11, v10  }
0x2a1: {  	v6 =	vld [tilespmem:s9+$0x260];
	v2 =	vmul.f32 v2, v8;
	v1 =	vmul.f32 v1, v5  }
0x2a2: {  	v11 =	vld [tilespmem:s9+$0x2360];
	v3 =	vadd.f32 v4, v3;
	v4 =	vmul.f32 v13, v12;
	v0 =	vmul.f32 v0, v9  }
0x2a3: {  	v10 =	vmul.f32 v19, v18;
	v8 =	vld [tilespmem:s9+$0x2E0];
	v1 =	vadd.f32 v1, v2;
	v2 =	vmul.f32 v15, v14  }
0x2a4: {  	v5 =	vld [tilespmem:s9+$0x2260];
	v3 =	vadd.f32 v4, v3;
	v4 =	vmul.f32 v17, v16;
	v0 =	vadd.f32 v7, v0  }
0x2a5: {  	v9 =	vld [tilespmem:s9+$0x22E0];
	v1 =	vadd.f32 v2, v1;
	v2 =	vmul.f32 v21, v20  }
0x2a6: {  	v3 =	vadd.f32 v10, v3;
	v10 =	vld [tilespmem:s9+$0x2270];
	v0 =	vadd.f32 v4, v0;
	v4 =	vmul.f32 v23, v22  }
0x2a7: {  	v21 =	vld [tilespmem:s9+$0x270];
	v1 =	vadd.f32 v2, v1;
	v2 =	vmul.f32 v25, v24  }
0x2a8: {  	v7 =	vld [tilespmem:s9+$0x360];
	v0 =	vadd.f32 v4, v0;
	v4 =	vmul.f32 v29, v28  }
0x2a9: {  	v29 =	vld [tilespmem:s9+$0x22F0];
	v2 =	vadd.f32 v2, v3;
	v3 =	vmul.f32 v31, v30  }
0x2aa: {  	v1 =	vadd.f32 v26, v1;
	v31 =	vld [tilespmem:s9+$0x370];
	v0 =	vadd.f32 v4, v0;
	v4 =	vmul.f32 v33, v32  }
0x2ab: {  	v2 =	vadd.f32 v3, v2;
	v3 =	vmul.f32 v5, v6  }
0x2ac: {  	v5 =	vmul.f32 v10, v21;
	v1 =	vadd.f32 v4, v1;
	v4 =	vmul.f32 v9, v8  }
0x2ad: {  	v0 =	vadd.f32 v34, v0;
	v2 =	vadd.f32 v3, v2;
	v3 =	vmul.f32 v11, v7  }
0x2ae: {  	v1 =	vadd.f32 v4, v1;
	v4 =	vmul.f32 v29, v27  }
0x2af: {  	v0 =	vadd.f32 v3, v0;
	v2 =	vadd.f32 v5, v2;
	v3 =	vmul.f32 v35, v31  }
0x2b0: {  	v1 =	vadd.f32 v4, v1  }
0x2b1: {  	[tilespmem:s9+$0xC200] =	vst v2;
	v0 =	vadd.f32 v3, v0  }
0x2b2: {  	[tilespmem:s9+$0xC280] =	vst v1  }
0x2b3: {  	[tilespmem:s9+$0xC300] =	vst v0;
	s9 =	simm.s32 $0x0  }
0x2b4: {  	[tilespmem:s9], [sflag:$0x3] =	stream.linear.gather [hbm4b:s13+s9], $0x40, $0x38;
	[tilespmem:$0x18200] =	vst v63  }
0x2b5: {  	_ =	swait.ge [sflag:s23], $0x40  }
0x2b6: {  	[sflag:s23] =	ssyncset.done $0x0  }
0x2b7: {  	[sflag:s23] =	ssyncadd.s32 $0xFFFFFFC0  }
0x2b8: {  	[tilespmem:s24], [sflag:$0x3] =	stream.linear.gather [hbm4b:s14+s9], $0x40, $0x38;
	[tilespmem:$0x18200] =	vst v63  }
0x2b9: {  	_ =	swait.ge [sflag:s23], $0x40  }
0x2ba: {  	[sflag:s23] =	ssyncset.done $0x0  }
0x2bb: {  	[sflag:s23] =	ssyncadd.s32 $0xFFFFFFC0  }
0x2bc: {  	[tilespmem:s26], [sflag:$0x1] =	stream.indirect.gather [hbm4b:s1+s25], $0x80, s9, s25, $0xb8;
	[tilespmem:$0x18200] =	vst v63  }
0x2bd: {  	_ = 	snop  }
0x2be: {  	[tilespmem:s28], [sflag:$0x1] =	stream.indirect.gather [hbm4b:s3+s25], $0x80, s24, s25, $0xb8;
	[tilespmem:$0x18200] =	vst v63  }
0x2bf: {  	_ =	swait.ge [sflag:s5], $0x2000  }
0x2c0: {  	[sflag:s5] =	ssyncset.done $0x0  }
0x2c1: {  	[sflag:s5] =	ssyncadd.s32 $0xFFFFE000  }
0x2c2: {  	_ =	swait.ge [sflag:s5], $0x2000  }
0x2c3: {  	[sflag:s5] =	ssyncset.done $0x0  }
0x2c4: {  	s7 =	simm.s32 $0x0;
	[sflag:s5] =	ssyncadd.s32 $0xFFFFE000  }
0x2c5: {  	v0 =	vld [tilespmem:s7+$0x4380]  }
0x2c6: {  	v1 =	vld [tilespmem:s7+$0x6380]  }
0x2c7: {  	v2 =	vld [tilespmem:s7+$0x4390]  }
0x2c8: {  	v3 =	vld [tilespmem:s7+$0x6390]  }
0x2c9: {  	v4 =	vld [tilespmem:s7+$0x43A0]  }
0x2ca: {  	v5 =	vld [tilespmem:s7+$0x63A0]  }
0x2cb: {  	v6 =	vld [tilespmem:s7+$0x43B0]  }
0x2cc: {  	v7 =	vld [tilespmem:s7+$0x63B0]  }
0x2cd: {  	v8 =	vld [tilespmem:s7+$0x43C0]  }
0x2ce: {  	v9 =	vld [tilespmem:s7+$0x4300]  }
0x2cf: {  	v10 =	vld [tilespmem:s7+$0x4310]  }
0x2d0: {  	v11 =	vld [tilespmem:s7+$0x6310]  }
0x2d1: {  	v36 =	vld [tilespmem:s7+$0x4220]  }
0x2d2: {  	v37 =	vld [tilespmem:s7+$0x6220]  }
0x2d3: {  	v38 =	vld [tilespmem:s7+$0x42A0]  }
0x2d4: {  	v39 =	vld [tilespmem:s7+$0x62A0]  }
0x2d5: {  	v40 =	vld [tilespmem:s7+$0x4320]  }
0x2d6: {  	v41 =	vld [tilespmem:s7+$0x6320]  }
0x2d7: {  	v42 =	vld [tilespmem:s7+$0x4230]  }
0x2d8: {  	v43 =	vld [tilespmem:s7+$0x6230]  }
0x2d9: {  	v44 =	vld [tilespmem:s7+$0x42B0]  }
0x2da: {  	v45 =	vld [tilespmem:s7+$0x62B0]  }
0x2db: {  	v46 =	vld [tilespmem:s7+$0x4330]  }
0x2dc: {  	v47 =	vld [tilespmem:s7+$0x6330]  }
0x2dd: {  	v48 =	vld [tilespmem:s7+$0x4240]  }
0x2de: {  	v49 =	vld [tilespmem:s7+$0x6240]  }
0x2df: {  	v50 =	vld [tilespmem:s7+$0x42C0]  }
0x2e0: {  	v51 =	vld [tilespmem:s7+$0x62C0]  }
0x2e1: {  	v52 =	vld [tilespmem:s7+$0x4340]  }
0x2e2: {  	v53 =	vld [tilespmem:s7+$0x6340]  }
0x2e3: {  	v54 =	vld [tilespmem:s7+$0x4250]  }
0x2e4: {  	v55 =	vld [tilespmem:s7+$0x6250]  }
0x2e5: {  	v56 =	vld [tilespmem:s7+$0x42D0];
	v0 =	vmul.f32 v1, v0;
	v1 =	vmul.f32 v3, v2  }
0x2e6: {  	v2 =	vld [tilespmem:s7+$0x63C0]  }
0x2e7: {  	v3 =	vld [tilespmem:s7+$0x43D0];
	v0 =	vadd.f32 v1, v0;
	v1 =	vmul.f32 v5, v4  }
0x2e8: {  	v4 =	vld [tilespmem:s7+$0x63D0]  }
0x2e9: {  	v5 =	vld [tilespmem:s7+$0x43E0];
	v0 =	vadd.f32 v1, v0;
	v1 =	vmul.f32 v7, v6  }
0x2ea: {  	v6 =	vld [tilespmem:s7+$0x63E0]  }
0x2eb: {  	v7 =	vld [tilespmem:s7+$0x43F0];
	v0 =	vadd.f32 v1, v0;
	v1 =	vmul.f32 v2, v8  }
0x2ec: {  	v2 =	vld [tilespmem:s7+$0x63F0]  }
0x2ed: {  	v8 =	vld [tilespmem:s7+$0x4200];
	v0 =	vadd.f32 v1, v0;
	v1 =	vmul.f32 v4, v3  }
0x2ee: {  	v3 =	vld [tilespmem:s7+$0x6200]  }
0x2ef: {  	v4 =	vld [tilespmem:s7+$0x4210];
	v0 =	vadd.f32 v1, v0;
	v1 =	vmul.f32 v6, v5  }
0x2f0: {  	v5 =	vld [tilespmem:s7+$0x6210]  }
0x2f1: {  	v6 =	vld [tilespmem:s7+$0x4280];
	v0 =	vadd.f32 v1, v0;
	v1 =	vmul.f32 v2, v7  }
0x2f2: {  	v2 =	vld [tilespmem:s7+$0x6280]  }
0x2f3: {  	v7 =	vld [tilespmem:s7+$0x4290];
	v0 =	vadd.f32 v1, v0  }
0x2f4: {  	v1 =	vld [tilespmem:s7+$0x6290]  }
0x2f5: {  	[tilespmem:s7+$0xE380] =	vst v0;
	v0 =	vld [tilespmem:s7+$0x6300]  }
0x2f6: {  	v57 =	vld [tilespmem:s7+$0x62D0]  }
0x2f7: {  	v58 =	vld [tilespmem:s7+$0x4360];
	v3 =	vmul.f32 v3, v8;
	v4 =	vmul.f32 v5, v4  }
0x2f8: {  	v60 =	vld [tilespmem:s7+$0x4270];
	v2 =	vmul.f32 v2, v6  }
0x2f9: {  	v8 =	vld [tilespmem:s7+$0x4260];
	v3 =	vadd.f32 v4, v3;
	v4 =	vmul.f32 v37, v36;
	v1 =	vmul.f32 v1, v7  }
0x2fa: {  	v5 =	vld [tilespmem:s7+$0x4350];
	v7 =	vmul.f32 v11, v10;
	v0 =	vmul.f32 v0, v9  }
0x2fb: {  	v6 =	vld [tilespmem:s7+$0x6350];
	v3 =	vadd.f32 v4, v3;
	v1 =	vadd.f32 v1, v2;
	v2 =	vmul.f32 v39, v38  }
0x2fc: {  	v4 =	vmul.f32 v41, v40;
	v10 =	vmul.f32 v43, v42;
	v11 =	vld [tilespmem:s7+$0x62E0];
	v0 =	vadd.f32 v7, v0  }
0x2fd: {  	v9 =	vld [tilespmem:s7+$0x6260];
	v1 =	vadd.f32 v2, v1;
	v2 =	vmul.f32 v45, v44  }
0x2fe: {  	v3 =	vadd.f32 v10, v3;
	v10 =	vld [tilespmem:s7+$0x6360];
	v0 =	vadd.f32 v4, v0;
	v4 =	vmul.f32 v47, v46  }
0x2ff: {  	v59 =	vmul.f32 v51, v50;
	v7 =	vld [tilespmem:s7+$0x42E0];
	v1 =	vadd.f32 v2, v1;
	v2 =	vmul.f32 v49, v48  }
0x300: {  	v61 =	vld [tilespmem:s7+$0x6270];
	v0 =	vadd.f32 v4, v0;
	v4 =	vmul.f32 v53, v52  }
0x301: {  	v62 =	vld [tilespmem:s7+$0x42F0];
	v2 =	vadd.f32 v2, v3;
	v3 =	vadd.f32 v59, v1;
	v1 =	vmul.f32 v55, v54  }
0x302: {  	v63 =	vld [tilespmem:s7+$0x62F0];
	v0 =	vadd.f32 v4, v0;
	v4 =	vmul.f32 v57, v56  }
0x303: {  	v5 =	vmul.f32 v6, v5;
	v6 =	vmul.f32 v9, v8;
	v2 =	vadd.f32 v1, v2;
	v1 =	vld [tilespmem:s7+$0x4370]  }
0x304: {  	s9 =	simm.s32 $0x200;
	v9 =	vmul.f32 v10, v58;
	v7 =	vmul.f32 v11, v7;
	v3 =	vadd.f32 v4, v3;
	v4 =	vld [tilespmem:s7+$0x6370]  }
0x305: {  	v10 =	vmul.f32 v61, v60;
	v5 =	vadd.f32 v5, v0;
	v8 =	vadd.f32 v6, v2;
	v0 =	vld [tilespmem:s9+$0x4380]  }
0x306: {  	v2 =	vld [tilespmem:s9+$0x6380];
	v6 =	vadd.f32 v7, v3  }
0x307: {  	s8 =	simm.s32 $0x1000;
	v5 =	vadd.f32 v9, v5;
	v3 =	vld [tilespmem:s9+$0x4390];
	v7 =	vadd.f32 v10, v8;
	v8 =	vmul.f32 v63, v62  }
.LBB2_8:
0x308: {  	p0 =	sne.s32 s8, $0x7800;
	v9 =	vld [tilespmem:s9+$0x6390]  }
0x309: {  	v10 =	vld [tilespmem:s9+$0x43A0];
	[tilespmem:s7+$0xE200] =	vst v7;
	v6 =	vadd.f32 v8, v6;
	v1 =	vmul.f32 v4, v1  }
0x30a: {  	v4 =	vld [tilespmem:s9+$0x63A0]  }
0x30b: {  	v7 =	vld [tilespmem:s9+$0x43B0];
	[tilespmem:s7+$0xE280] =	vst v6;
	v1 =	vadd.f32 v1, v5  }
0x30c: {  	v5 =	vld [tilespmem:s9+$0x63B0]  }
0x30d: {  	v0 =	vmul.f32 v2, v0;
	v2 =	vmul.f32 v9, v3;
	v3 =	vld [tilespmem:s9+$0x43C0];
	[tilespmem:s7+$0xE300] =	vst v1;
	s7 =	smov.u32 s9  }
0x30e: {  	v1 =	vld [tilespmem:s7+$0x63C0]  }
0x30f: {  	v0 =	vadd.f32 v2, v0;
	v2 =	vmul.f32 v4, v10;
	v4 =	vld [tilespmem:s7+$0x43D0]  }
0x310: {  	v6 =	vld [tilespmem:s7+$0x63D0]  }
0x311: {  	v0 =	vadd.f32 v2, v0;
	v2 =	vmul.f32 v5, v7;
	v5 =	vld [tilespmem:s7+$0x43E0]  }
0x312: {  	v7 =	vld [tilespmem:s7+$0x63E0]  }
0x313: {  	v0 =	vadd.f32 v2, v0;
	v1 =	vmul.f32 v1, v3;
	v2 =	vld [tilespmem:s7+$0x43F0]  }
0x314: {  	v3 =	vld [tilespmem:s7+$0x63F0]  }
0x315: {  	v8 =	vld [tilespmem:s7+$0x4200];
	v0 =	vadd.f32 v1, v0;
	v1 =	vmul.f32 v6, v4  }
0x316: {  	v4 =	vld [tilespmem:s7+$0x6200]  }
0x317: {  	v6 =	vld [tilespmem:s7+$0x4210];
	v0 =	vadd.f32 v1, v0;
	v1 =	vmul.f32 v7, v5  }
0x318: {  	v5 =	vld [tilespmem:s7+$0x6210]  }
0x319: {  	v7 =	vld [tilespmem:s7+$0x4280];
	v0 =	vadd.f32 v1, v0;
	v1 =	vmul.f32 v3, v2  }
0x31a: {  	v2 =	vld [tilespmem:s7+$0x6280]  }
0x31b: {  	v3 =	vmul.f32 v4, v8;
	v4 =	vld [tilespmem:s7+$0x4290];
	v0 =	vadd.f32 v1, v0  }
0x31c: {  	v1 =	vld [tilespmem:s7+$0x6290]  }
0x31d: {  	v5 =	vmul.f32 v5, v6;
	v6 =	vld [tilespmem:s7+$0x4300];
	[tilespmem:s7+$0xE380] =	vst v0  }
0x31e: {  	v0 =	vld [tilespmem:s7+$0x6300]  }
0x31f: {  	v3 =	vadd.f32 v5, v3;
	v2 =	vmul.f32 v2, v7;
	v5 =	vld [tilespmem:s7+$0x4310]  }
0x320: {  	v7 =	vld [tilespmem:s7+$0x6310]  }
0x321: {  	v8 =	vld [tilespmem:s7+$0x4220];
	v1 =	vmul.f32 v1, v4  }
0x322: {  	v4 =	vld [tilespmem:s7+$0x6220]  }
0x323: {  	v1 =	vadd.f32 v1, v2;
	v2 =	vld [tilespmem:s7+$0x42A0];
	v0 =	vmul.f32 v0, v6  }
0x324: {  	v6 =	vld [tilespmem:s7+$0x62A0]  }
0x325: {  	v5 =	vmul.f32 v7, v5;
	v7 =	vld [tilespmem:s7+$0x4320]  }
0x326: {  	v9 =	vld [tilespmem:s7+$0x6320]  }
0x327: {  	v4 =	vmul.f32 v4, v8;
	v8 =	vld [tilespmem:s7+$0x4230];
	v0 =	vadd.f32 v5, v0  }
0x328: {  	v5 =	vld [tilespmem:s7+$0x6230]  }
0x329: {  	v3 =	vadd.f32 v4, v3;
	v2 =	vmul.f32 v6, v2;
	v4 =	vld [tilespmem:s7+$0x42B0]  }
0x32a: {  	v6 =	vld [tilespmem:s7+$0x62B0]  }
0x32b: {  	v1 =	vadd.f32 v2, v1;
	v2 =	vmul.f32 v9, v7;
	v7 =	vld [tilespmem:s7+$0x4330]  }
0x32c: {  	v9 =	vld [tilespmem:s7+$0x6330]  }
0x32d: {  	v5 =	vmul.f32 v5, v8;
	v8 =	vld [tilespmem:s7+$0x4240];
	v0 =	vadd.f32 v2, v0  }
0x32e: {  	v2 =	vld [tilespmem:s7+$0x6240]  }
0x32f: {  	v3 =	vadd.f32 v5, v3;
	v4 =	vmul.f32 v6, v4;
	v5 =	vld [tilespmem:s7+$0x42C0]  }
0x330: {  	v6 =	vld [tilespmem:s7+$0x62C0]  }
0x331: {  	v1 =	vadd.f32 v4, v1;
	v4 =	vmul.f32 v9, v7;
	v7 =	vld [tilespmem:s7+$0x4340]  }
0x332: {  	v9 =	vld [tilespmem:s7+$0x6340]  }
0x333: {  	v2 =	vmul.f32 v2, v8;
	v8 =	vld [tilespmem:s7+$0x4250];
	v0 =	vadd.f32 v4, v0  }
0x334: {  	v4 =	vld [tilespmem:s7+$0x6250]  }
0x335: {  	v2 =	vadd.f32 v2, v3;
	v3 =	vmul.f32 v6, v5;
	v5 =	vld [tilespmem:s7+$0x42D0]  }
0x336: {  	v6 =	vld [tilespmem:s7+$0x62D0]  }
0x337: {  	v1 =	vadd.f32 v3, v1;
	v3 =	vmul.f32 v9, v7;
	v7 =	vld [tilespmem:s7+$0x4350]  }
0x338: {  	v9 =	vld [tilespmem:s7+$0x6350]  }
0x339: {  	v4 =	vmul.f32 v4, v8;
	v8 =	vld [tilespmem:s7+$0x4260];
	v0 =	vadd.f32 v3, v0  }
0x33a: {  	v3 =	vld [tilespmem:s7+$0x6260]  }
0x33b: {  	v2 =	vadd.f32 v4, v2;
	v4 =	vmul.f32 v6, v5;
	v5 =	vld [tilespmem:s7+$0x42E0]  }
0x33c: {  	v6 =	vld [tilespmem:s7+$0x62E0]  }
0x33d: {  	v1 =	vadd.f32 v4, v1;
	v4 =	vmul.f32 v9, v7;
	v7 =	vld [tilespmem:s7+$0x4360]  }
0x33e: {  	v9 =	vld [tilespmem:s7+$0x6360]  }
0x33f: {  	v3 =	vmul.f32 v3, v8;
	v8 =	vld [tilespmem:s7+$0x4270];
	v10 =	vadd.f32 v4, v0  }
0x340: {  	v11 =	vld [tilespmem:s7+$0x6270]  }
0x341: {  	v12 =	vadd.f32 v3, v2;
	v0 =	vmul.f32 v6, v5;
	v13 =	vld [tilespmem:s7+$0x42F0]  }
0x342: {  	v14 =	vld [tilespmem:s7+$0x62F0]  }
.Ltmp3:
0x343: {  	v6 =	vadd.f32 v0, v1;
	v2 =	vmul.f32 v9, v7;
	v1 =	vld [tilespmem:s7+$0x4370];
	(pc) =	sbr.rel @p0 .LBB2_8-.Ltmp3, $4  }
0x344: {  	s9 =	sshra.s32 s8, $0x2;
	v4 =	vld [tilespmem:s7+$0x6370]  }
0x345: {  	v0 =	vld [tilespmem:s9+$0x4380];
	v7 =	vmul.f32 v11, v8;
	v5 =	vadd.f32 v2, v10  }
0x346: {  	v2 =	vld [tilespmem:s9+$0x6380]  }
0x347: {  	s8 =	sadd.s32 $0x800, s8;
	v3 =	vld [tilespmem:s9+$0x4390];
	v7 =	vadd.f32 v7, v12;
	v8 =	vmul.f32 v14, v13  }
0x348: {  	v9 =	vld [tilespmem:s9+$0x6390]  }
0x349: {  	v10 =	vld [tilespmem:s9+$0x43A0];
	[tilespmem:s7+$0xE200] =	vst v7;
	v6 =	vadd.f32 v8, v6;
	v1 =	vmul.f32 v4, v1  }
0x34a: {  	v7 =	vld [tilespmem:s9+$0x63A0]  }
0x34b: {  	v4 =	vld [tilespmem:s9+$0x43B0];
	[tilespmem:s7+$0xE280] =	vst v6;
	v1 =	vadd.f32 v1, v5  }
0x34c: {  	v5 =	vld [tilespmem:s9+$0x63B0]  }
0x34d: {  	v6 =	vld [tilespmem:s9+$0x43C0];
	[tilespmem:s7+$0xE300] =	vst v1  }
0x34e: {  	v0 =	vmul.f32 v2, v0;
	v2 =	vld [tilespmem:s9+$0x63C0]  }
0x34f: {  	v1 =	vmul.f32 v9, v3;
	v3 =	vld [tilespmem:s9+$0x43D0]  }
0x350: {  	v8 =	vld [tilespmem:s9+$0x43E0]  }
0x351: {  	v9 =	vld [tilespmem:s9+$0x4300]  }
0x352: {  	v11 =	vld [tilespmem:s9+$0x6310]  }
0x353: {  	v12 =	vld [tilespmem:s9+$0x4220]  }
0x354: {  	v13 =	vld [tilespmem:s9+$0x6220]  }
0x355: {  	v14 =	vld [tilespmem:s9+$0x42A0]  }
0x356: {  	v15 =	vld [tilespmem:s9+$0x62A0]  }
0x357: {  	v16 =	vld [tilespmem:s9+$0x4320]  }
0x358: {  	v17 =	vld [tilespmem:s9+$0x6320]  }
0x359: {  	v18 =	vld [tilespmem:s9+$0x4230]  }
0x35a: {  	v19 =	vld [tilespmem:s9+$0x6230]  }
0x35b: {  	v20 =	vld [tilespmem:s9+$0x42B0]  }
0x35c: {  	v21 =	vld [tilespmem:s9+$0x62B0]  }
0x35d: {  	v22 =	vld [tilespmem:s9+$0x4330]  }
0x35e: {  	v23 =	vld [tilespmem:s9+$0x6330]  }
0x35f: {  	v24 =	vld [tilespmem:s9+$0x4240]  }
0x360: {  	v25 =	vld [tilespmem:s9+$0x6240]  }
0x361: {  	v26 =	vld [tilespmem:s9+$0x42C0]  }
0x362: {  	v27 =	vld [tilespmem:s9+$0x62C0]  }
0x363: {  	v28 =	vld [tilespmem:s9+$0x4340]  }
0x364: {  	v29 =	vld [tilespmem:s9+$0x6340]  }
0x365: {  	v30 =	vld [tilespmem:s9+$0x4250]  }
0x366: {  	v31 =	vld [tilespmem:s9+$0x6250]  }
0x367: {  	v32 =	vld [tilespmem:s9+$0x42D0]  }
0x368: {  	v34 =	vld [tilespmem:s9+$0x4350]  }
0x369: {  	v35 =	vld [tilespmem:s9+$0x6350];
	v0 =	vadd.f32 v1, v0;
	v1 =	vmul.f32 v7, v10  }
0x36a: {  	v7 =	vld [tilespmem:s9+$0x63D0]  }
0x36b: {  	v10 =	vld [tilespmem:s9+$0x4310];
	v0 =	vadd.f32 v1, v0;
	v1 =	vmul.f32 v5, v4  }
0x36c: {  	v4 =	vld [tilespmem:s9+$0x63E0]  }
0x36d: {  	v5 =	vld [tilespmem:s9+$0x43F0];
	v0 =	vadd.f32 v1, v0;
	v1 =	vmul.f32 v2, v6  }
0x36e: {  	v2 =	vld [tilespmem:s9+$0x63F0]  }
0x36f: {  	v6 =	vld [tilespmem:s9+$0x4200];
	v0 =	vadd.f32 v1, v0;
	v1 =	vmul.f32 v7, v3  }
0x370: {  	v3 =	vld [tilespmem:s9+$0x6200]  }
0x371: {  	v7 =	vld [tilespmem:s9+$0x4210];
	v0 =	vadd.f32 v1, v0;
	v1 =	vmul.f32 v4, v8  }
0x372: {  	v4 =	vld [tilespmem:s9+$0x6210]  }
0x373: {  	v8 =	vld [tilespmem:s9+$0x4280];
	v0 =	vadd.f32 v1, v0;
	v1 =	vmul.f32 v2, v5  }
0x374: {  	v2 =	vld [tilespmem:s9+$0x6280]  }
0x375: {  	v5 =	vld [tilespmem:s9+$0x4290];
	v0 =	vadd.f32 v1, v0  }
0x376: {  	v1 =	vld [tilespmem:s9+$0x6290]  }
0x377: {  	[tilespmem:s9+$0xE380] =	vst v0;
	v0 =	vld [tilespmem:s9+$0x6300]  }
0x378: {  	v33 =	vld [tilespmem:s9+$0x62D0];
	v26 =	vmul.f32 v27, v26  }
0x379: {  	v27 =	vld [tilespmem:s9+$0x42F0];
	v34 =	vmul.f32 v35, v34;
	v3 =	vmul.f32 v3, v6  }
0x37a: {  	v35 =	vld [tilespmem:s9+$0x6370];
	v4 =	vmul.f32 v4, v7;
	v7 =	vmul.f32 v11, v10  }
0x37b: {  	v6 =	vld [tilespmem:s9+$0x4260];
	v2 =	vmul.f32 v2, v8;
	v1 =	vmul.f32 v1, v5  }
0x37c: {  	v11 =	vld [tilespmem:s9+$0x6360];
	v3 =	vadd.f32 v4, v3;
	v4 =	vmul.f32 v13, v12;
	v0 =	vmul.f32 v0, v9  }
0x37d: {  	v10 =	vmul.f32 v19, v18;
	v8 =	vld [tilespmem:s9+$0x42E0];
	v1 =	vadd.f32 v1, v2;
	v2 =	vmul.f32 v15, v14  }
0x37e: {  	v5 =	vld [tilespmem:s9+$0x6260];
	v3 =	vadd.f32 v4, v3;
	v4 =	vmul.f32 v17, v16;
	v0 =	vadd.f32 v7, v0  }
0x37f: {  	v9 =	vld [tilespmem:s9+$0x62E0];
	v1 =	vadd.f32 v2, v1;
	v2 =	vmul.f32 v21, v20  }
0x380: {  	v3 =	vadd.f32 v10, v3;
	v10 =	vld [tilespmem:s9+$0x6270];
	v0 =	vadd.f32 v4, v0;
	v4 =	vmul.f32 v23, v22  }
0x381: {  	v21 =	vld [tilespmem:s9+$0x4270];
	v1 =	vadd.f32 v2, v1;
	v2 =	vmul.f32 v25, v24  }
0x382: {  	v7 =	vld [tilespmem:s9+$0x4360];
	v0 =	vadd.f32 v4, v0;
	v4 =	vmul.f32 v29, v28  }
0x383: {  	v29 =	vld [tilespmem:s9+$0x62F0];
	v2 =	vadd.f32 v2, v3;
	v3 =	vmul.f32 v31, v30  }
0x384: {  	v1 =	vadd.f32 v26, v1;
	v31 =	vld [tilespmem:s9+$0x4370];
	v0 =	vadd.f32 v4, v0;
	v4 =	vmul.f32 v33, v32  }
0x385: {  	v2 =	vadd.f32 v3, v2;
	v3 =	vmul.f32 v5, v6  }
0x386: {  	v5 =	vmul.f32 v10, v21;
	v1 =	vadd.f32 v4, v1;
	v4 =	vmul.f32 v9, v8  }
0x387: {  	v0 =	vadd.f32 v34, v0;
	v2 =	vadd.f32 v3, v2;
	v3 =	vmul.f32 v11, v7  }
0x388: {  	v1 =	vadd.f32 v4, v1;
	v4 =	vmul.f32 v29, v27  }
0x389: {  	v0 =	vadd.f32 v3, v0;
	v2 =	vadd.f32 v5, v2;
	v3 =	vmul.f32 v35, v31  }
0x38a: {  	v1 =	vadd.f32 v4, v1  }
0x38b: {  	[tilespmem:s9+$0xE200] =	vst v2;
	v0 =	vadd.f32 v3, v0  }
0x38c: {  	[tilespmem:s9+$0xE280] =	vst v1  }
0x38d: {  	[tilespmem:s9+$0xE300] =	vst v0;
	s9 =	simm.s32 $0x0  }
0x38e: {  	[tilespmem:s29], [sflag:$0x3] =	stream.linear.gather [hbm4b:s15+s9], $0x40, $0x38;
	[tilespmem:$0x18200] =	vst v63  }
0x38f: {  	_ =	swait.ge [sflag:s23], $0x40  }
0x390: {  	[sflag:s23] =	ssyncset.done $0x0  }
0x391: {  	[sflag:s23] =	ssyncadd.s32 $0xFFFFFFC0  }
0x392: {  	[tilespmem:s30], [sflag:$0x3] =	stream.linear.gather [hbm4b:s16+s9], $0x40, $0x38;
	[tilespmem:$0x18200] =	vst v63  }
0x393: {  	_ =	swait.ge [sflag:s23], $0x40  }
0x394: {  	[sflag:s23] =	ssyncset.done $0x0  }
0x395: {  	[sflag:s23] =	ssyncadd.s32 $0xFFFFFFC0  }
0x396: {  	[tilespmem:s31], [sflag:$0x2] =	stream.indirect.gather [hbm4b:s1+s25], $0x80, s29, s25, $0xb8;
	[tilespmem:$0x18200] =	vst v63  }
0x397: {  	_ = 	snop  }
0x398: {  	[tilespmem:s0], [sflag:$0x2] =	stream.indirect.gather [hbm4b:s3+s25], $0x80, s30, s25, $0xb8;
	[tilespmem:$0x18200] =	vst v63  }
0x399: {  	_ =	swait.ge [sflag:s2], $0x2000  }
0x39a: {  	[sflag:s2] =	ssyncset.done $0x0  }
0x39b: {  	[sflag:s2] =	ssyncadd.s32 $0xFFFFE000  }
0x39c: {  	_ =	swait.ge [sflag:s2], $0x2000  }
0x39d: {  	[sflag:s2] =	ssyncset.done $0x0  }
0x39e: {  	s7 =	simm.s32 $0x0;
	[sflag:s2] =	ssyncadd.s32 $0xFFFFE000  }
0x39f: {  	v0 =	vld [tilespmem:s7+$0x380]  }
0x3a0: {  	v1 =	vld [tilespmem:s7+$0x2380]  }
0x3a1: {  	v2 =	vld [tilespmem:s7+$0x390]  }
0x3a2: {  	v3 =	vld [tilespmem:s7+$0x2390]  }
0x3a3: {  	v4 =	vld [tilespmem:s7+$0x3A0]  }
0x3a4: {  	v5 =	vld [tilespmem:s7+$0x23A0]  }
0x3a5: {  	v6 =	vld [tilespmem:s7+$0x3B0]  }
0x3a6: {  	v7 =	vld [tilespmem:s7+$0x23B0]  }
0x3a7: {  	v8 =	vld [tilespmem:s7+$0x3C0]  }
0x3a8: {  	v9 =	vld [tilespmem:s7+$0x300]  }
0x3a9: {  	v10 =	vld [tilespmem:s7+$0x310]  }
0x3aa: {  	v11 =	vld [tilespmem:s7+$0x2310]  }
0x3ab: {  	v36 =	vld [tilespmem:s7+$0x220]  }
0x3ac: {  	v37 =	vld [tilespmem:s7+$0x2220]  }
0x3ad: {  	v38 =	vld [tilespmem:s7+$0x2A0]  }
0x3ae: {  	v39 =	vld [tilespmem:s7+$0x22A0]  }
0x3af: {  	v40 =	vld [tilespmem:s7+$0x320]  }
0x3b0: {  	v41 =	vld [tilespmem:s7+$0x2320]  }
0x3b1: {  	v42 =	vld [tilespmem:s7+$0x230]  }
0x3b2: {  	v43 =	vld [tilespmem:s7+$0x2230]  }
0x3b3: {  	v44 =	vld [tilespmem:s7+$0x2B0]  }
0x3b4: {  	v45 =	vld [tilespmem:s7+$0x22B0]  }
0x3b5: {  	v46 =	vld [tilespmem:s7+$0x330]  }
0x3b6: {  	v47 =	vld [tilespmem:s7+$0x2330]  }
0x3b7: {  	v48 =	vld [tilespmem:s7+$0x240]  }
0x3b8: {  	v49 =	vld [tilespmem:s7+$0x2240]  }
0x3b9: {  	v50 =	vld [tilespmem:s7+$0x2C0]  }
0x3ba: {  	v51 =	vld [tilespmem:s7+$0x22C0]  }
0x3bb: {  	v52 =	vld [tilespmem:s7+$0x340]  }
0x3bc: {  	v53 =	vld [tilespmem:s7+$0x2340]  }
0x3bd: {  	v54 =	vld [tilespmem:s7+$0x250]  }
0x3be: {  	v55 =	vld [tilespmem:s7+$0x2250]  }
0x3bf: {  	v56 =	vld [tilespmem:s7+$0x2D0];
	v0 =	vmul.f32 v1, v0;
	v1 =	vmul.f32 v3, v2  }
0x3c0: {  	v2 =	vld [tilespmem:s7+$0x23C0]  }
0x3c1: {  	v3 =	vld [tilespmem:s7+$0x3D0];
	v0 =	vadd.f32 v1, v0;
	v1 =	vmul.f32 v5, v4  }
0x3c2: {  	v4 =	vld [tilespmem:s7+$0x23D0]  }
0x3c3: {  	v5 =	vld [tilespmem:s7+$0x3E0];
	v0 =	vadd.f32 v1, v0;
	v1 =	vmul.f32 v7, v6  }
0x3c4: {  	v6 =	vld [tilespmem:s7+$0x23E0]  }
0x3c5: {  	v7 =	vld [tilespmem:s7+$0x3F0];
	v0 =	vadd.f32 v1, v0;
	v1 =	vmul.f32 v2, v8  }
0x3c6: {  	v2 =	vld [tilespmem:s7+$0x23F0]  }
0x3c7: {  	v8 =	vld [tilespmem:s7+$0x200];
	v0 =	vadd.f32 v1, v0;
	v1 =	vmul.f32 v4, v3  }
0x3c8: {  	v3 =	vld [tilespmem:s7+$0x2200]  }
0x3c9: {  	v4 =	vld [tilespmem:s7+$0x210];
	v0 =	vadd.f32 v1, v0;
	v1 =	vmul.f32 v6, v5  }
0x3ca: {  	v5 =	vld [tilespmem:s7+$0x2210]  }
0x3cb: {  	v6 =	vld [tilespmem:s7+$0x280];
	v0 =	vadd.f32 v1, v0;
	v1 =	vmul.f32 v2, v7  }
0x3cc: {  	v2 =	vld [tilespmem:s7+$0x2280]  }
0x3cd: {  	v7 =	vld [tilespmem:s7+$0x290];
	v0 =	vadd.f32 v1, v0  }
0x3ce: {  	v1 =	vld [tilespmem:s7+$0x2290]  }
0x3cf: {  	[tilespmem:s7+$0x10380] =	vst v0;
	v0 =	vld [tilespmem:s7+$0x2300]  }
0x3d0: {  	v57 =	vld [tilespmem:s7+$0x22D0]  }
0x3d1: {  	v58 =	vld [tilespmem:s7+$0x360];
	v3 =	vmul.f32 v3, v8;
	v4 =	vmul.f32 v5, v4  }
0x3d2: {  	v60 =	vld [tilespmem:s7+$0x270];
	v2 =	vmul.f32 v2, v6  }
0x3d3: {  	v8 =	vld [tilespmem:s7+$0x260];
	v3 =	vadd.f32 v4, v3;
	v4 =	vmul.f32 v37, v36;
	v1 =	vmul.f32 v1, v7  }
0x3d4: {  	v5 =	vld [tilespmem:s7+$0x350];
	v7 =	vmul.f32 v11, v10;
	v0 =	vmul.f32 v0, v9  }
0x3d5: {  	v6 =	vld [tilespmem:s7+$0x2350];
	v3 =	vadd.f32 v4, v3;
	v1 =	vadd.f32 v1, v2;
	v2 =	vmul.f32 v39, v38  }
0x3d6: {  	v4 =	vmul.f32 v41, v40;
	v10 =	vmul.f32 v43, v42;
	v11 =	vld [tilespmem:s7+$0x22E0];
	v0 =	vadd.f32 v7, v0  }
0x3d7: {  	v9 =	vld [tilespmem:s7+$0x2260];
	v1 =	vadd.f32 v2, v1;
	v2 =	vmul.f32 v45, v44  }
0x3d8: {  	v3 =	vadd.f32 v10, v3;
	v10 =	vld [tilespmem:s7+$0x2360];
	v0 =	vadd.f32 v4, v0;
	v4 =	vmul.f32 v47, v46  }
0x3d9: {  	v59 =	vmul.f32 v51, v50;
	v7 =	vld [tilespmem:s7+$0x2E0];
	v1 =	vadd.f32 v2, v1;
	v2 =	vmul.f32 v49, v48  }
0x3da: {  	v61 =	vld [tilespmem:s7+$0x2270];
	v0 =	vadd.f32 v4, v0;
	v4 =	vmul.f32 v53, v52  }
0x3db: {  	v62 =	vld [tilespmem:s7+$0x2F0];
	v2 =	vadd.f32 v2, v3;
	v3 =	vadd.f32 v59, v1;
	v1 =	vmul.f32 v55, v54  }
0x3dc: {  	v63 =	vld [tilespmem:s7+$0x22F0];
	v0 =	vadd.f32 v4, v0;
	v4 =	vmul.f32 v57, v56  }
0x3dd: {  	v5 =	vmul.f32 v6, v5;
	v6 =	vmul.f32 v9, v8;
	v2 =	vadd.f32 v1, v2;
	v1 =	vld [tilespmem:s7+$0x370]  }
0x3de: {  	s9 =	simm.s32 $0x200;
	v9 =	vmul.f32 v10, v58;
	v7 =	vmul.f32 v11, v7;
	v3 =	vadd.f32 v4, v3;
	v4 =	vld [tilespmem:s7+$0x2370]  }
0x3df: {  	v10 =	vmul.f32 v61, v60;
	v5 =	vadd.f32 v5, v0;
	v8 =	vadd.f32 v6, v2;
	v0 =	vld [tilespmem:s9+$0x380]  }
0x3e0: {  	v2 =	vld [tilespmem:s9+$0x2380];
	v6 =	vadd.f32 v7, v3  }
0x3e1: {  	s8 =	simm.s32 $0x1000;
	v5 =	vadd.f32 v9, v5;
	v3 =	vld [tilespmem:s9+$0x390];
	v7 =	vadd.f32 v10, v8;
	v8 =	vmul.f32 v63, v62  }
.LBB2_10:
0x3e2: {  	p0 =	sne.s32 s8, $0x7800;
	v9 =	vld [tilespmem:s9+$0x2390]  }
0x3e3: {  	v10 =	vld [tilespmem:s9+$0x3A0];
	[tilespmem:s7+$0x10200] =	vst v7;
	v6 =	vadd.f32 v8, v6;
	v1 =	vmul.f32 v4, v1  }
0x3e4: {  	v4 =	vld [tilespmem:s9+$0x23A0]  }
0x3e5: {  	v7 =	vld [tilespmem:s9+$0x3B0];
	[tilespmem:s7+$0x10280] =	vst v6;
	v1 =	vadd.f32 v1, v5  }
0x3e6: {  	v5 =	vld [tilespmem:s9+$0x23B0]  }
0x3e7: {  	v0 =	vmul.f32 v2, v0;
	v2 =	vmul.f32 v9, v3;
	v3 =	vld [tilespmem:s9+$0x3C0];
	[tilespmem:s7+$0x10300] =	vst v1;
	s7 =	smov.u32 s9  }
0x3e8: {  	v1 =	vld [tilespmem:s7+$0x23C0]  }
0x3e9: {  	v0 =	vadd.f32 v2, v0;
	v2 =	vmul.f32 v4, v10;
	v4 =	vld [tilespmem:s7+$0x3D0]  }
0x3ea: {  	v6 =	vld [tilespmem:s7+$0x23D0]  }
0x3eb: {  	v0 =	vadd.f32 v2, v0;
	v2 =	vmul.f32 v5, v7;
	v5 =	vld [tilespmem:s7+$0x3E0]  }
0x3ec: {  	v7 =	vld [tilespmem:s7+$0x23E0]  }
0x3ed: {  	v0 =	vadd.f32 v2, v0;
	v1 =	vmul.f32 v1, v3;
	v2 =	vld [tilespmem:s7+$0x3F0]  }
0x3ee: {  	v3 =	vld [tilespmem:s7+$0x23F0]  }
0x3ef: {  	v8 =	vld [tilespmem:s7+$0x200];
	v0 =	vadd.f32 v1, v0;
	v1 =	vmul.f32 v6, v4  }
0x3f0: {  	v4 =	vld [tilespmem:s7+$0x2200]  }
0x3f1: {  	v6 =	vld [tilespmem:s7+$0x210];
	v0 =	vadd.f32 v1, v0;
	v1 =	vmul.f32 v7, v5  }
0x3f2: {  	v5 =	vld [tilespmem:s7+$0x2210]  }
0x3f3: {  	v7 =	vld [tilespmem:s7+$0x280];
	v0 =	vadd.f32 v1, v0;
	v1 =	vmul.f32 v3, v2  }
0x3f4: {  	v2 =	vld [tilespmem:s7+$0x2280]  }
0x3f5: {  	v3 =	vmul.f32 v4, v8;
	v4 =	vld [tilespmem:s7+$0x290];
	v0 =	vadd.f32 v1, v0  }
0x3f6: {  	v1 =	vld [tilespmem:s7+$0x2290]  }
0x3f7: {  	v5 =	vmul.f32 v5, v6;
	v6 =	vld [tilespmem:s7+$0x300];
	[tilespmem:s7+$0x10380] =	vst v0  }
0x3f8: {  	v0 =	vld [tilespmem:s7+$0x2300]  }
0x3f9: {  	v3 =	vadd.f32 v5, v3;
	v2 =	vmul.f32 v2, v7;
	v5 =	vld [tilespmem:s7+$0x310]  }
0x3fa: {  	v7 =	vld [tilespmem:s7+$0x2310]  }
0x3fb: {  	v8 =	vld [tilespmem:s7+$0x220];
	v1 =	vmul.f32 v1, v4  }
0x3fc: {  	v4 =	vld [tilespmem:s7+$0x2220]  }
0x3fd: {  	v1 =	vadd.f32 v1, v2;
	v2 =	vld [tilespmem:s7+$0x2A0];
	v0 =	vmul.f32 v0, v6  }
0x3fe: {  	v6 =	vld [tilespmem:s7+$0x22A0]  }
0x3ff: {  	v5 =	vmul.f32 v7, v5;
	v7 =	vld [tilespmem:s7+$0x320]  }
0x400: {  	v9 =	vld [tilespmem:s7+$0x2320]  }
0x401: {  	v4 =	vmul.f32 v4, v8;
	v8 =	vld [tilespmem:s7+$0x230];
	v0 =	vadd.f32 v5, v0  }
0x402: {  	v5 =	vld [tilespmem:s7+$0x2230]  }
0x403: {  	v3 =	vadd.f32 v4, v3;
	v2 =	vmul.f32 v6, v2;
	v4 =	vld [tilespmem:s7+$0x2B0]  }
0x404: {  	v6 =	vld [tilespmem:s7+$0x22B0]  }
0x405: {  	v1 =	vadd.f32 v2, v1;
	v2 =	vmul.f32 v9, v7;
	v7 =	vld [tilespmem:s7+$0x330]  }
0x406: {  	v9 =	vld [tilespmem:s7+$0x2330]  }
0x407: {  	v5 =	vmul.f32 v5, v8;
	v8 =	vld [tilespmem:s7+$0x240];
	v0 =	vadd.f32 v2, v0  }
0x408: {  	v2 =	vld [tilespmem:s7+$0x2240]  }
0x409: {  	v3 =	vadd.f32 v5, v3;
	v4 =	vmul.f32 v6, v4;
	v5 =	vld [tilespmem:s7+$0x2C0]  }
0x40a: {  	v6 =	vld [tilespmem:s7+$0x22C0]  }
0x40b: {  	v1 =	vadd.f32 v4, v1;
	v4 =	vmul.f32 v9, v7;
	v7 =	vld [tilespmem:s7+$0x340]  }
0x40c: {  	v9 =	vld [tilespmem:s7+$0x2340]  }
0x40d: {  	v2 =	vmul.f32 v2, v8;
	v8 =	vld [tilespmem:s7+$0x250];
	v0 =	vadd.f32 v4, v0  }
0x40e: {  	v4 =	vld [tilespmem:s7+$0x2250]  }
0x40f: {  	v2 =	vadd.f32 v2, v3;
	v3 =	vmul.f32 v6, v5;
	v5 =	vld [tilespmem:s7+$0x2D0]  }
0x410: {  	v6 =	vld [tilespmem:s7+$0x22D0]  }
0x411: {  	v1 =	vadd.f32 v3, v1;
	v3 =	vmul.f32 v9, v7;
	v7 =	vld [tilespmem:s7+$0x350]  }
0x412: {  	v9 =	vld [tilespmem:s7+$0x2350]  }
0x413: {  	v4 =	vmul.f32 v4, v8;
	v8 =	vld [tilespmem:s7+$0x260];
	v0 =	vadd.f32 v3, v0  }
0x414: {  	v3 =	vld [tilespmem:s7+$0x2260]  }
0x415: {  	v2 =	vadd.f32 v4, v2;
	v4 =	vmul.f32 v6, v5;
	v5 =	vld [tilespmem:s7+$0x2E0]  }
0x416: {  	v6 =	vld [tilespmem:s7+$0x22E0]  }
0x417: {  	v1 =	vadd.f32 v4, v1;
	v4 =	vmul.f32 v9, v7;
	v7 =	vld [tilespmem:s7+$0x360]  }
0x418: {  	v9 =	vld [tilespmem:s7+$0x2360]  }
0x419: {  	v3 =	vmul.f32 v3, v8;
	v8 =	vld [tilespmem:s7+$0x270];
	v10 =	vadd.f32 v4, v0  }
0x41a: {  	v11 =	vld [tilespmem:s7+$0x2270]  }
0x41b: {  	v12 =	vadd.f32 v3, v2;
	v0 =	vmul.f32 v6, v5;
	v13 =	vld [tilespmem:s7+$0x2F0]  }
0x41c: {  	v14 =	vld [tilespmem:s7+$0x22F0]  }
.Ltmp4:
0x41d: {  	v6 =	vadd.f32 v0, v1;
	v2 =	vmul.f32 v9, v7;
	v1 =	vld [tilespmem:s7+$0x370];
	(pc) =	sbr.rel @p0 .LBB2_10-.Ltmp4, $4  }
0x41e: {  	s9 =	sshra.s32 s8, $0x2;
	v4 =	vld [tilespmem:s7+$0x2370]  }
0x41f: {  	v0 =	vld [tilespmem:s9+$0x380];
	v7 =	vmul.f32 v11, v8;
	v5 =	vadd.f32 v2, v10  }
0x420: {  	v2 =	vld [tilespmem:s9+$0x2380]  }
0x421: {  	s8 =	sadd.s32 $0x800, s8;
	v3 =	vld [tilespmem:s9+$0x390];
	v7 =	vadd.f32 v7, v12;
	v8 =	vmul.f32 v14, v13  }
0x422: {  	v9 =	vld [tilespmem:s9+$0x2390]  }
0x423: {  	v10 =	vld [tilespmem:s9+$0x3A0];
	[tilespmem:s7+$0x10200] =	vst v7;
	v6 =	vadd.f32 v8, v6;
	v1 =	vmul.f32 v4, v1  }
0x424: {  	v7 =	vld [tilespmem:s9+$0x23A0]  }
0x425: {  	v4 =	vld [tilespmem:s9+$0x3B0];
	[tilespmem:s7+$0x10280] =	vst v6;
	v1 =	vadd.f32 v1, v5  }
0x426: {  	v5 =	vld [tilespmem:s9+$0x23B0]  }
0x427: {  	v6 =	vld [tilespmem:s9+$0x3C0];
	[tilespmem:s7+$0x10300] =	vst v1  }
0x428: {  	v0 =	vmul.f32 v2, v0;
	v2 =	vld [tilespmem:s9+$0x23C0]  }
0x429: {  	v1 =	vmul.f32 v9, v3;
	v3 =	vld [tilespmem:s9+$0x3D0]  }
0x42a: {  	v8 =	vld [tilespmem:s9+$0x3E0]  }
0x42b: {  	v9 =	vld [tilespmem:s9+$0x300]  }
0x42c: {  	v11 =	vld [tilespmem:s9+$0x2310]  }
0x42d: {  	v12 =	vld [tilespmem:s9+$0x220]  }
0x42e: {  	v13 =	vld [tilespmem:s9+$0x2220]  }
0x42f: {  	v14 =	vld [tilespmem:s9+$0x2A0]  }
0x430: {  	v15 =	vld [tilespmem:s9+$0x22A0]  }
0x431: {  	v16 =	vld [tilespmem:s9+$0x320]  }
0x432: {  	v17 =	vld [tilespmem:s9+$0x2320]  }
0x433: {  	v18 =	vld [tilespmem:s9+$0x230]  }
0x434: {  	v19 =	vld [tilespmem:s9+$0x2230]  }
0x435: {  	v20 =	vld [tilespmem:s9+$0x2B0]  }
0x436: {  	v21 =	vld [tilespmem:s9+$0x22B0]  }
0x437: {  	v22 =	vld [tilespmem:s9+$0x330]  }
0x438: {  	v23 =	vld [tilespmem:s9+$0x2330]  }
0x439: {  	v24 =	vld [tilespmem:s9+$0x240]  }
0x43a: {  	v25 =	vld [tilespmem:s9+$0x2240]  }
0x43b: {  	v26 =	vld [tilespmem:s9+$0x2C0]  }
0x43c: {  	v27 =	vld [tilespmem:s9+$0x22C0]  }
0x43d: {  	v28 =	vld [tilespmem:s9+$0x340]  }
0x43e: {  	v29 =	vld [tilespmem:s9+$0x2340]  }
0x43f: {  	v30 =	vld [tilespmem:s9+$0x250]  }
0x440: {  	v31 =	vld [tilespmem:s9+$0x2250]  }
0x441: {  	v32 =	vld [tilespmem:s9+$0x2D0]  }
0x442: {  	v34 =	vld [tilespmem:s9+$0x350]  }
0x443: {  	v35 =	vld [tilespmem:s9+$0x2350];
	v0 =	vadd.f32 v1, v0;
	v1 =	vmul.f32 v7, v10  }
0x444: {  	v7 =	vld [tilespmem:s9+$0x23D0]  }
0x445: {  	v10 =	vld [tilespmem:s9+$0x310];
	v0 =	vadd.f32 v1, v0;
	v1 =	vmul.f32 v5, v4  }
0x446: {  	v4 =	vld [tilespmem:s9+$0x23E0]  }
0x447: {  	v5 =	vld [tilespmem:s9+$0x3F0];
	v0 =	vadd.f32 v1, v0;
	v1 =	vmul.f32 v2, v6  }
0x448: {  	v2 =	vld [tilespmem:s9+$0x23F0]  }
0x449: {  	v6 =	vld [tilespmem:s9+$0x200];
	v0 =	vadd.f32 v1, v0;
	v1 =	vmul.f32 v7, v3  }
0x44a: {  	v3 =	vld [tilespmem:s9+$0x2200]  }
0x44b: {  	v7 =	vld [tilespmem:s9+$0x210];
	v0 =	vadd.f32 v1, v0;
	v1 =	vmul.f32 v4, v8  }
0x44c: {  	v4 =	vld [tilespmem:s9+$0x2210]  }
0x44d: {  	v8 =	vld [tilespmem:s9+$0x280];
	v0 =	vadd.f32 v1, v0;
	v1 =	vmul.f32 v2, v5  }
0x44e: {  	v2 =	vld [tilespmem:s9+$0x2280]  }
0x44f: {  	v5 =	vld [tilespmem:s9+$0x290];
	v0 =	vadd.f32 v1, v0  }
0x450: {  	v1 =	vld [tilespmem:s9+$0x2290]  }
0x451: {  	[tilespmem:s9+$0x10380] =	vst v0;
	v0 =	vld [tilespmem:s9+$0x2300]  }
0x452: {  	v33 =	vld [tilespmem:s9+$0x22D0];
	v26 =	vmul.f32 v27, v26  }
0x453: {  	v27 =	vld [tilespmem:s9+$0x2F0];
	v34 =	vmul.f32 v35, v34;
	v3 =	vmul.f32 v3, v6  }
0x454: {  	v35 =	vld [tilespmem:s9+$0x2370];
	v4 =	vmul.f32 v4, v7;
	v7 =	vmul.f32 v11, v10  }
0x455: {  	v6 =	vld [tilespmem:s9+$0x260];
	v2 =	vmul.f32 v2, v8;
	v1 =	vmul.f32 v1, v5  }
0x456: {  	v11 =	vld [tilespmem:s9+$0x2360];
	v3 =	vadd.f32 v4, v3;
	v4 =	vmul.f32 v13, v12;
	v0 =	vmul.f32 v0, v9  }
0x457: {  	v10 =	vmul.f32 v19, v18;
	v8 =	vld [tilespmem:s9+$0x2E0];
	v1 =	vadd.f32 v1, v2;
	v2 =	vmul.f32 v15, v14  }
0x458: {  	v5 =	vld [tilespmem:s9+$0x2260];
	v3 =	vadd.f32 v4, v3;
	v4 =	vmul.f32 v17, v16;
	v0 =	vadd.f32 v7, v0  }
0x459: {  	v9 =	vld [tilespmem:s9+$0x22E0];
	v1 =	vadd.f32 v2, v1;
	v2 =	vmul.f32 v21, v20  }
0x45a: {  	v3 =	vadd.f32 v10, v3;
	v10 =	vld [tilespmem:s9+$0x2270];
	v0 =	vadd.f32 v4, v0;
	v4 =	vmul.f32 v23, v22  }
0x45b: {  	v21 =	vld [tilespmem:s9+$0x270];
	v1 =	vadd.f32 v2, v1;
	v2 =	vmul.f32 v25, v24  }
0x45c: {  	v7 =	vld [tilespmem:s9+$0x360];
	v0 =	vadd.f32 v4, v0;
	v4 =	vmul.f32 v29, v28  }
0x45d: {  	v29 =	vld [tilespmem:s9+$0x22F0];
	v2 =	vadd.f32 v2, v3;
	v3 =	vmul.f32 v31, v30  }
0x45e: {  	v1 =	vadd.f32 v26, v1;
	v31 =	vld [tilespmem:s9+$0x370];
	v0 =	vadd.f32 v4, v0;
	v4 =	vmul.f32 v33, v32  }
0x45f: {  	v2 =	vadd.f32 v3, v2;
	v3 =	vmul.f32 v5, v6  }
0x460: {  	v5 =	vmul.f32 v10, v21;
	v1 =	vadd.f32 v4, v1;
	v4 =	vmul.f32 v9, v8  }
0x461: {  	v0 =	vadd.f32 v34, v0;
	v2 =	vadd.f32 v3, v2;
	v3 =	vmul.f32 v11, v7  }
0x462: {  	v1 =	vadd.f32 v4, v1;
	v4 =	vmul.f32 v29, v27  }
0x463: {  	v0 =	vadd.f32 v3, v0;
	v2 =	vadd.f32 v5, v2;
	v3 =	vmul.f32 v35, v31  }
0x464: {  	v1 =	vadd.f32 v4, v1  }
0x465: {  	[tilespmem:s9+$0x10200] =	vst v2;
	v0 =	vadd.f32 v3, v0  }
0x466: {  	[tilespmem:s9+$0x10280] =	vst v1  }
0x467: {  	[tilespmem:s9+$0x10300] =	vst v0;
	s9 =	simm.s32 $0x0  }
0x468: {  	[tilespmem:s9], [sflag:$0x3] =	stream.linear.gather [hbm4b:s17+s9], $0x40, $0x38;
	[tilespmem:$0x18200] =	vst v63  }
0x469: {  	_ =	swait.ge [sflag:s23], $0x40  }
0x46a: {  	[sflag:s23] =	ssyncset.done $0x0  }
0x46b: {  	[sflag:s23] =	ssyncadd.s32 $0xFFFFFFC0  }
0x46c: {  	[tilespmem:s24], [sflag:$0x3] =	stream.linear.gather [hbm4b:s18+s9], $0x40, $0x38;
	[tilespmem:$0x18200] =	vst v63  }
0x46d: {  	_ =	swait.ge [sflag:s23], $0x40  }
0x46e: {  	[sflag:s23] =	ssyncset.done $0x0  }
0x46f: {  	[sflag:s23] =	ssyncadd.s32 $0xFFFFFFC0  }
0x470: {  	[tilespmem:s26], [sflag:$0x1] =	stream.indirect.gather [hbm4b:s1+s25], $0x80, s9, s25, $0xb8;
	[tilespmem:$0x18200] =	vst v63  }
0x471: {  	_ = 	snop  }
0x472: {  	[tilespmem:s28], [sflag:$0x1] =	stream.indirect.gather [hbm4b:s3+s25], $0x80, s24, s25, $0xb8;
	[tilespmem:$0x18200] =	vst v63  }
0x473: {  	_ =	swait.ge [sflag:s5], $0x2000  }
0x474: {  	[sflag:s5] =	ssyncset.done $0x0  }
0x475: {  	[sflag:s5] =	ssyncadd.s32 $0xFFFFE000  }
0x476: {  	_ =	swait.ge [sflag:s5], $0x2000  }
0x477: {  	[sflag:s5] =	ssyncset.done $0x0  }
0x478: {  	s7 =	simm.s32 $0x0;
	[sflag:s5] =	ssyncadd.s32 $0xFFFFE000  }
0x479: {  	v0 =	vld [tilespmem:s7+$0x4380]  }
0x47a: {  	v1 =	vld [tilespmem:s7+$0x6380]  }
0x47b: {  	v2 =	vld [tilespmem:s7+$0x4390]  }
0x47c: {  	v3 =	vld [tilespmem:s7+$0x6390]  }
0x47d: {  	v4 =	vld [tilespmem:s7+$0x43A0]  }
0x47e: {  	v5 =	vld [tilespmem:s7+$0x63A0]  }
0x47f: {  	v6 =	vld [tilespmem:s7+$0x43B0]  }
0x480: {  	v7 =	vld [tilespmem:s7+$0x63B0]  }
0x481: {  	v8 =	vld [tilespmem:s7+$0x43C0]  }
0x482: {  	v9 =	vld [tilespmem:s7+$0x4300]  }
0x483: {  	v10 =	vld [tilespmem:s7+$0x4310]  }
0x484: {  	v11 =	vld [tilespmem:s7+$0x6310]  }
0x485: {  	v36 =	vld [tilespmem:s7+$0x4220]  }
0x486: {  	v37 =	vld [tilespmem:s7+$0x6220]  }
0x487: {  	v38 =	vld [tilespmem:s7+$0x42A0]  }
0x488: {  	v39 =	vld [tilespmem:s7+$0x62A0]  }
0x489: {  	v40 =	vld [tilespmem:s7+$0x4320]  }
0x48a: {  	v41 =	vld [tilespmem:s7+$0x6320]  }
0x48b: {  	v42 =	vld [tilespmem:s7+$0x4230]  }
0x48c: {  	v43 =	vld [tilespmem:s7+$0x6230]  }
0x48d: {  	v44 =	vld [tilespmem:s7+$0x42B0]  }
0x48e: {  	v45 =	vld [tilespmem:s7+$0x62B0]  }
0x48f: {  	v46 =	vld [tilespmem:s7+$0x4330]  }
0x490: {  	v47 =	vld [tilespmem:s7+$0x6330]  }
0x491: {  	v48 =	vld [tilespmem:s7+$0x4240]  }
0x492: {  	v49 =	vld [tilespmem:s7+$0x6240]  }
0x493: {  	v50 =	vld [tilespmem:s7+$0x42C0]  }
0x494: {  	v51 =	vld [tilespmem:s7+$0x62C0]  }
0x495: {  	v52 =	vld [tilespmem:s7+$0x4340]  }
0x496: {  	v53 =	vld [tilespmem:s7+$0x6340]  }
0x497: {  	v54 =	vld [tilespmem:s7+$0x4250]  }
0x498: {  	v55 =	vld [tilespmem:s7+$0x6250]  }
0x499: {  	v56 =	vld [tilespmem:s7+$0x42D0];
	v0 =	vmul.f32 v1, v0;
	v1 =	vmul.f32 v3, v2  }
0x49a: {  	v2 =	vld [tilespmem:s7+$0x63C0]  }
0x49b: {  	v3 =	vld [tilespmem:s7+$0x43D0];
	v0 =	vadd.f32 v1, v0;
	v1 =	vmul.f32 v5, v4  }
0x49c: {  	v4 =	vld [tilespmem:s7+$0x63D0]  }
0x49d: {  	v5 =	vld [tilespmem:s7+$0x43E0];
	v0 =	vadd.f32 v1, v0;
	v1 =	vmul.f32 v7, v6  }
0x49e: {  	v6 =	vld [tilespmem:s7+$0x63E0]  }
0x49f: {  	v7 =	vld [tilespmem:s7+$0x43F0];
	v0 =	vadd.f32 v1, v0;
	v1 =	vmul.f32 v2, v8  }
0x4a0: {  	v2 =	vld [tilespmem:s7+$0x63F0]  }
0x4a1: {  	v8 =	vld [tilespmem:s7+$0x4200];
	v0 =	vadd.f32 v1, v0;
	v1 =	vmul.f32 v4, v3  }
0x4a2: {  	v3 =	vld [tilespmem:s7+$0x6200]  }
0x4a3: {  	v4 =	vld [tilespmem:s7+$0x4210];
	v0 =	vadd.f32 v1, v0;
	v1 =	vmul.f32 v6, v5  }
0x4a4: {  	v5 =	vld [tilespmem:s7+$0x6210]  }
0x4a5: {  	v6 =	vld [tilespmem:s7+$0x4280];
	v0 =	vadd.f32 v1, v0;
	v1 =	vmul.f32 v2, v7  }
0x4a6: {  	v2 =	vld [tilespmem:s7+$0x6280]  }
0x4a7: {  	v7 =	vld [tilespmem:s7+$0x4290];
	v0 =	vadd.f32 v1, v0  }
0x4a8: {  	v1 =	vld [tilespmem:s7+$0x6290]  }
0x4a9: {  	[tilespmem:s7+$0x12380] =	vst v0;
	v0 =	vld [tilespmem:s7+$0x6300]  }
0x4aa: {  	v57 =	vld [tilespmem:s7+$0x62D0]  }
0x4ab: {  	v58 =	vld [tilespmem:s7+$0x4360];
	v3 =	vmul.f32 v3, v8;
	v4 =	vmul.f32 v5, v4  }
0x4ac: {  	v60 =	vld [tilespmem:s7+$0x4270];
	v2 =	vmul.f32 v2, v6  }
0x4ad: {  	v8 =	vld [tilespmem:s7+$0x4260];
	v3 =	vadd.f32 v4, v3;
	v4 =	vmul.f32 v37, v36;
	v1 =	vmul.f32 v1, v7  }
0x4ae: {  	v5 =	vld [tilespmem:s7+$0x4350];
	v7 =	vmul.f32 v11, v10;
	v0 =	vmul.f32 v0, v9  }
0x4af: {  	v6 =	vld [tilespmem:s7+$0x6350];
	v3 =	vadd.f32 v4, v3;
	v1 =	vadd.f32 v1, v2;
	v2 =	vmul.f32 v39, v38  }
0x4b0: {  	v4 =	vmul.f32 v41, v40;
	v10 =	vmul.f32 v43, v42;
	v11 =	vld [tilespmem:s7+$0x62E0];
	v0 =	vadd.f32 v7, v0  }
0x4b1: {  	v9 =	vld [tilespmem:s7+$0x6260];
	v1 =	vadd.f32 v2, v1;
	v2 =	vmul.f32 v45, v44  }
0x4b2: {  	v3 =	vadd.f32 v10, v3;
	v10 =	vld [tilespmem:s7+$0x6360];
	v0 =	vadd.f32 v4, v0;
	v4 =	vmul.f32 v47, v46  }
0x4b3: {  	v59 =	vmul.f32 v51, v50;
	v7 =	vld [tilespmem:s7+$0x42E0];
	v1 =	vadd.f32 v2, v1;
	v2 =	vmul.f32 v49, v48  }
0x4b4: {  	v61 =	vld [tilespmem:s7+$0x6270];
	v0 =	vadd.f32 v4, v0;
	v4 =	vmul.f32 v53, v52  }
0x4b5: {  	v62 =	vld [tilespmem:s7+$0x42F0];
	v2 =	vadd.f32 v2, v3;
	v3 =	vadd.f32 v59, v1;
	v1 =	vmul.f32 v55, v54  }
0x4b6: {  	v63 =	vld [tilespmem:s7+$0x62F0];
	v0 =	vadd.f32 v4, v0;
	v4 =	vmul.f32 v57, v56  }
0x4b7: {  	v5 =	vmul.f32 v6, v5;
	v6 =	vmul.f32 v9, v8;
	v2 =	vadd.f32 v1, v2;
	v1 =	vld [tilespmem:s7+$0x4370]  }
0x4b8: {  	s9 =	simm.s32 $0x200;
	v9 =	vmul.f32 v10, v58;
	v7 =	vmul.f32 v11, v7;
	v3 =	vadd.f32 v4, v3;
	v4 =	vld [tilespmem:s7+$0x6370]  }
0x4b9: {  	v10 =	vmul.f32 v61, v60;
	v5 =	vadd.f32 v5, v0;
	v8 =	vadd.f32 v6, v2;
	v0 =	vld [tilespmem:s9+$0x4380]  }
0x4ba: {  	v2 =	vld [tilespmem:s9+$0x6380];
	v6 =	vadd.f32 v7, v3  }
0x4bb: {  	s8 =	simm.s32 $0x1000;
	v5 =	vadd.f32 v9, v5;
	v3 =	vld [tilespmem:s9+$0x4390];
	v7 =	vadd.f32 v10, v8;
	v8 =	vmul.f32 v63, v62  }
.LBB2_12:
0x4bc: {  	p0 =	sne.s32 s8, $0x7800;
	v9 =	vld [tilespmem:s9+$0x6390]  }
0x4bd: {  	v10 =	vld [tilespmem:s9+$0x43A0];
	[tilespmem:s7+$0x12200] =	vst v7;
	v6 =	vadd.f32 v8, v6;
	v1 =	vmul.f32 v4, v1  }
0x4be: {  	v4 =	vld [tilespmem:s9+$0x63A0]  }
0x4bf: {  	v7 =	vld [tilespmem:s9+$0x43B0];
	[tilespmem:s7+$0x12280] =	vst v6;
	v1 =	vadd.f32 v1, v5  }
0x4c0: {  	v5 =	vld [tilespmem:s9+$0x63B0]  }
0x4c1: {  	v0 =	vmul.f32 v2, v0;
	v2 =	vmul.f32 v9, v3;
	v3 =	vld [tilespmem:s9+$0x43C0];
	[tilespmem:s7+$0x12300] =	vst v1;
	s7 =	smov.u32 s9  }
0x4c2: {  	v1 =	vld [tilespmem:s7+$0x63C0]  }
0x4c3: {  	v0 =	vadd.f32 v2, v0;
	v2 =	vmul.f32 v4, v10;
	v4 =	vld [tilespmem:s7+$0x43D0]  }
0x4c4: {  	v6 =	vld [tilespmem:s7+$0x63D0]  }
0x4c5: {  	v0 =	vadd.f32 v2, v0;
	v2 =	vmul.f32 v5, v7;
	v5 =	vld [tilespmem:s7+$0x43E0]  }
0x4c6: {  	v7 =	vld [tilespmem:s7+$0x63E0]  }
0x4c7: {  	v0 =	vadd.f32 v2, v0;
	v1 =	vmul.f32 v1, v3;
	v2 =	vld [tilespmem:s7+$0x43F0]  }
0x4c8: {  	v3 =	vld [tilespmem:s7+$0x63F0]  }
0x4c9: {  	v8 =	vld [tilespmem:s7+$0x4200];
	v0 =	vadd.f32 v1, v0;
	v1 =	vmul.f32 v6, v4  }
0x4ca: {  	v4 =	vld [tilespmem:s7+$0x6200]  }
0x4cb: {  	v6 =	vld [tilespmem:s7+$0x4210];
	v0 =	vadd.f32 v1, v0;
	v1 =	vmul.f32 v7, v5  }
0x4cc: {  	v5 =	vld [tilespmem:s7+$0x6210]  }
0x4cd: {  	v7 =	vld [tilespmem:s7+$0x4280];
	v0 =	vadd.f32 v1, v0;
	v1 =	vmul.f32 v3, v2  }
0x4ce: {  	v2 =	vld [tilespmem:s7+$0x6280]  }
0x4cf: {  	v3 =	vmul.f32 v4, v8;
	v4 =	vld [tilespmem:s7+$0x4290];
	v0 =	vadd.f32 v1, v0  }
0x4d0: {  	v1 =	vld [tilespmem:s7+$0x6290]  }
0x4d1: {  	v5 =	vmul.f32 v5, v6;
	v6 =	vld [tilespmem:s7+$0x4300];
	[tilespmem:s7+$0x12380] =	vst v0  }
0x4d2: {  	v0 =	vld [tilespmem:s7+$0x6300]  }
0x4d3: {  	v3 =	vadd.f32 v5, v3;
	v2 =	vmul.f32 v2, v7;
	v5 =	vld [tilespmem:s7+$0x4310]  }
0x4d4: {  	v7 =	vld [tilespmem:s7+$0x6310]  }
0x4d5: {  	v8 =	vld [tilespmem:s7+$0x4220];
	v1 =	vmul.f32 v1, v4  }
0x4d6: {  	v4 =	vld [tilespmem:s7+$0x6220]  }
0x4d7: {  	v1 =	vadd.f32 v1, v2;
	v2 =	vld [tilespmem:s7+$0x42A0];
	v0 =	vmul.f32 v0, v6  }
0x4d8: {  	v6 =	vld [tilespmem:s7+$0x62A0]  }
0x4d9: {  	v5 =	vmul.f32 v7, v5;
	v7 =	vld [tilespmem:s7+$0x4320]  }
0x4da: {  	v9 =	vld [tilespmem:s7+$0x6320]  }
0x4db: {  	v4 =	vmul.f32 v4, v8;
	v8 =	vld [tilespmem:s7+$0x4230];
	v0 =	vadd.f32 v5, v0  }
0x4dc: {  	v5 =	vld [tilespmem:s7+$0x6230]  }
0x4dd: {  	v3 =	vadd.f32 v4, v3;
	v2 =	vmul.f32 v6, v2;
	v4 =	vld [tilespmem:s7+$0x42B0]  }
0x4de: {  	v6 =	vld [tilespmem:s7+$0x62B0]  }
0x4df: {  	v1 =	vadd.f32 v2, v1;
	v2 =	vmul.f32 v9, v7;
	v7 =	vld [tilespmem:s7+$0x4330]  }
0x4e0: {  	v9 =	vld [tilespmem:s7+$0x6330]  }
0x4e1: {  	v5 =	vmul.f32 v5, v8;
	v8 =	vld [tilespmem:s7+$0x4240];
	v0 =	vadd.f32 v2, v0  }
0x4e2: {  	v2 =	vld [tilespmem:s7+$0x6240]  }
0x4e3: {  	v3 =	vadd.f32 v5, v3;
	v4 =	vmul.f32 v6, v4;
	v5 =	vld [tilespmem:s7+$0x42C0]  }
0x4e4: {  	v6 =	vld [tilespmem:s7+$0x62C0]  }
0x4e5: {  	v1 =	vadd.f32 v4, v1;
	v4 =	vmul.f32 v9, v7;
	v7 =	vld [tilespmem:s7+$0x4340]  }
0x4e6: {  	v9 =	vld [tilespmem:s7+$0x6340]  }
0x4e7: {  	v2 =	vmul.f32 v2, v8;
	v8 =	vld [tilespmem:s7+$0x4250];
	v0 =	vadd.f32 v4, v0  }
0x4e8: {  	v4 =	vld [tilespmem:s7+$0x6250]  }
0x4e9: {  	v2 =	vadd.f32 v2, v3;
	v3 =	vmul.f32 v6, v5;
	v5 =	vld [tilespmem:s7+$0x42D0]  }
0x4ea: {  	v6 =	vld [tilespmem:s7+$0x62D0]  }
0x4eb: {  	v1 =	vadd.f32 v3, v1;
	v3 =	vmul.f32 v9, v7;
	v7 =	vld [tilespmem:s7+$0x4350]  }
0x4ec: {  	v9 =	vld [tilespmem:s7+$0x6350]  }
0x4ed: {  	v4 =	vmul.f32 v4, v8;
	v8 =	vld [tilespmem:s7+$0x4260];
	v0 =	vadd.f32 v3, v0  }
0x4ee: {  	v3 =	vld [tilespmem:s7+$0x6260]  }
0x4ef: {  	v2 =	vadd.f32 v4, v2;
	v4 =	vmul.f32 v6, v5;
	v5 =	vld [tilespmem:s7+$0x42E0]  }
0x4f0: {  	v6 =	vld [tilespmem:s7+$0x62E0]  }
0x4f1: {  	v1 =	vadd.f32 v4, v1;
	v4 =	vmul.f32 v9, v7;
	v7 =	vld [tilespmem:s7+$0x4360]  }
0x4f2: {  	v9 =	vld [tilespmem:s7+$0x6360]  }
0x4f3: {  	v3 =	vmul.f32 v3, v8;
	v8 =	vld [tilespmem:s7+$0x4270];
	v10 =	vadd.f32 v4, v0  }
0x4f4: {  	v11 =	vld [tilespmem:s7+$0x6270]  }
0x4f5: {  	v12 =	vadd.f32 v3, v2;
	v0 =	vmul.f32 v6, v5;
	v13 =	vld [tilespmem:s7+$0x42F0]  }
0x4f6: {  	v14 =	vld [tilespmem:s7+$0x62F0]  }
.Ltmp5:
0x4f7: {  	v6 =	vadd.f32 v0, v1;
	v2 =	vmul.f32 v9, v7;
	v1 =	vld [tilespmem:s7+$0x4370];
	(pc) =	sbr.rel @p0 .LBB2_12-.Ltmp5, $4  }
0x4f8: {  	s9 =	sshra.s32 s8, $0x2;
	v4 =	vld [tilespmem:s7+$0x6370]  }
0x4f9: {  	v0 =	vld [tilespmem:s9+$0x4380];
	v7 =	vmul.f32 v11, v8;
	v5 =	vadd.f32 v2, v10  }
0x4fa: {  	v2 =	vld [tilespmem:s9+$0x6380]  }
0x4fb: {  	s8 =	sadd.s32 $0x800, s8;
	v3 =	vld [tilespmem:s9+$0x4390];
	v7 =	vadd.f32 v7, v12;
	v8 =	vmul.f32 v14, v13  }
0x4fc: {  	v9 =	vld [tilespmem:s9+$0x6390]  }
0x4fd: {  	v10 =	vld [tilespmem:s9+$0x43A0];
	[tilespmem:s7+$0x12200] =	vst v7;
	v6 =	vadd.f32 v8, v6;
	v1 =	vmul.f32 v4, v1  }
0x4fe: {  	v7 =	vld [tilespmem:s9+$0x63A0]  }
0x4ff: {  	v4 =	vld [tilespmem:s9+$0x43B0];
	[tilespmem:s7+$0x12280] =	vst v6;
	v1 =	vadd.f32 v1, v5  }
0x500: {  	v5 =	vld [tilespmem:s9+$0x63B0]  }
0x501: {  	v6 =	vld [tilespmem:s9+$0x43C0];
	[tilespmem:s7+$0x12300] =	vst v1  }
0x502: {  	v0 =	vmul.f32 v2, v0;
	v2 =	vld [tilespmem:s9+$0x63C0]  }
0x503: {  	v1 =	vmul.f32 v9, v3;
	v3 =	vld [tilespmem:s9+$0x43D0]  }
0x504: {  	v8 =	vld [tilespmem:s9+$0x43E0]  }
0x505: {  	v9 =	vld [tilespmem:s9+$0x4300]  }
0x506: {  	v11 =	vld [tilespmem:s9+$0x6310]  }
0x507: {  	v12 =	vld [tilespmem:s9+$0x4220]  }
0x508: {  	v13 =	vld [tilespmem:s9+$0x6220]  }
0x509: {  	v14 =	vld [tilespmem:s9+$0x42A0]  }
0x50a: {  	v15 =	vld [tilespmem:s9+$0x62A0]  }
0x50b: {  	v16 =	vld [tilespmem:s9+$0x4320]  }
0x50c: {  	v17 =	vld [tilespmem:s9+$0x6320]  }
0x50d: {  	v18 =	vld [tilespmem:s9+$0x4230]  }
0x50e: {  	v19 =	vld [tilespmem:s9+$0x6230]  }
0x50f: {  	v20 =	vld [tilespmem:s9+$0x42B0]  }
0x510: {  	v21 =	vld [tilespmem:s9+$0x62B0]  }
0x511: {  	v22 =	vld [tilespmem:s9+$0x4330]  }
0x512: {  	v23 =	vld [tilespmem:s9+$0x6330]  }
0x513: {  	v24 =	vld [tilespmem:s9+$0x4240]  }
0x514: {  	v25 =	vld [tilespmem:s9+$0x6240]  }
0x515: {  	v26 =	vld [tilespmem:s9+$0x42C0]  }
0x516: {  	v27 =	vld [tilespmem:s9+$0x62C0]  }
0x517: {  	v28 =	vld [tilespmem:s9+$0x4340]  }
0x518: {  	v29 =	vld [tilespmem:s9+$0x6340]  }
0x519: {  	v30 =	vld [tilespmem:s9+$0x4250]  }
0x51a: {  	v31 =	vld [tilespmem:s9+$0x6250]  }
0x51b: {  	v32 =	vld [tilespmem:s9+$0x42D0]  }
0x51c: {  	v34 =	vld [tilespmem:s9+$0x4350]  }
0x51d: {  	v35 =	vld [tilespmem:s9+$0x6350];
	v0 =	vadd.f32 v1, v0;
	v1 =	vmul.f32 v7, v10  }
0x51e: {  	v7 =	vld [tilespmem:s9+$0x63D0]  }
0x51f: {  	v10 =	vld [tilespmem:s9+$0x4310];
	v0 =	vadd.f32 v1, v0;
	v1 =	vmul.f32 v5, v4  }
0x520: {  	v4 =	vld [tilespmem:s9+$0x63E0]  }
0x521: {  	v5 =	vld [tilespmem:s9+$0x43F0];
	v0 =	vadd.f32 v1, v0;
	v1 =	vmul.f32 v2, v6  }
0x522: {  	v2 =	vld [tilespmem:s9+$0x63F0]  }
0x523: {  	v6 =	vld [tilespmem:s9+$0x4200];
	v0 =	vadd.f32 v1, v0;
	v1 =	vmul.f32 v7, v3  }
0x524: {  	v3 =	vld [tilespmem:s9+$0x6200]  }
0x525: {  	v7 =	vld [tilespmem:s9+$0x4210];
	v0 =	vadd.f32 v1, v0;
	v1 =	vmul.f32 v4, v8  }
0x526: {  	v4 =	vld [tilespmem:s9+$0x6210]  }
0x527: {  	v8 =	vld [tilespmem:s9+$0x4280];
	v0 =	vadd.f32 v1, v0;
	v1 =	vmul.f32 v2, v5  }
0x528: {  	v2 =	vld [tilespmem:s9+$0x6280]  }
0x529: {  	v5 =	vld [tilespmem:s9+$0x4290];
	v0 =	vadd.f32 v1, v0  }
0x52a: {  	v1 =	vld [tilespmem:s9+$0x6290]  }
0x52b: {  	[tilespmem:s9+$0x12380] =	vst v0;
	v0 =	vld [tilespmem:s9+$0x6300]  }
0x52c: {  	v33 =	vld [tilespmem:s9+$0x62D0];
	v26 =	vmul.f32 v27, v26  }
0x52d: {  	v27 =	vld [tilespmem:s9+$0x42F0];
	v34 =	vmul.f32 v35, v34;
	v3 =	vmul.f32 v3, v6  }
0x52e: {  	v35 =	vld [tilespmem:s9+$0x6370];
	v4 =	vmul.f32 v4, v7;
	v7 =	vmul.f32 v11, v10  }
0x52f: {  	v6 =	vld [tilespmem:s9+$0x4260];
	v2 =	vmul.f32 v2, v8;
	v1 =	vmul.f32 v1, v5  }
0x530: {  	v11 =	vld [tilespmem:s9+$0x6360];
	v3 =	vadd.f32 v4, v3;
	v4 =	vmul.f32 v13, v12;
	v0 =	vmul.f32 v0, v9  }
0x531: {  	v10 =	vmul.f32 v19, v18;
	v8 =	vld [tilespmem:s9+$0x42E0];
	v1 =	vadd.f32 v1, v2;
	v2 =	vmul.f32 v15, v14  }
0x532: {  	v5 =	vld [tilespmem:s9+$0x6260];
	v3 =	vadd.f32 v4, v3;
	v4 =	vmul.f32 v17, v16;
	v0 =	vadd.f32 v7, v0  }
0x533: {  	v9 =	vld [tilespmem:s9+$0x62E0];
	v1 =	vadd.f32 v2, v1;
	v2 =	vmul.f32 v21, v20  }
0x534: {  	v3 =	vadd.f32 v10, v3;
	v10 =	vld [tilespmem:s9+$0x6270];
	v0 =	vadd.f32 v4, v0;
	v4 =	vmul.f32 v23, v22  }
0x535: {  	v21 =	vld [tilespmem:s9+$0x4270];
	v1 =	vadd.f32 v2, v1;
	v2 =	vmul.f32 v25, v24  }
0x536: {  	v7 =	vld [tilespmem:s9+$0x4360];
	v0 =	vadd.f32 v4, v0;
	v4 =	vmul.f32 v29, v28  }
0x537: {  	v29 =	vld [tilespmem:s9+$0x62F0];
	v2 =	vadd.f32 v2, v3;
	v3 =	vmul.f32 v31, v30  }
0x538: {  	v1 =	vadd.f32 v26, v1;
	v31 =	vld [tilespmem:s9+$0x4370];
	v0 =	vadd.f32 v4, v0;
	v4 =	vmul.f32 v33, v32  }
0x539: {  	v2 =	vadd.f32 v3, v2;
	v3 =	vmul.f32 v5, v6  }
0x53a: {  	v5 =	vmul.f32 v10, v21;
	v1 =	vadd.f32 v4, v1;
	v4 =	vmul.f32 v9, v8  }
0x53b: {  	v0 =	vadd.f32 v34, v0;
	v2 =	vadd.f32 v3, v2;
	v3 =	vmul.f32 v11, v7  }
0x53c: {  	v1 =	vadd.f32 v4, v1;
	v4 =	vmul.f32 v29, v27  }
0x53d: {  	v0 =	vadd.f32 v3, v0;
	v2 =	vadd.f32 v5, v2;
	v3 =	vmul.f32 v35, v31  }
0x53e: {  	v1 =	vadd.f32 v4, v1  }
0x53f: {  	[tilespmem:s9+$0x12200] =	vst v2;
	v0 =	vadd.f32 v3, v0  }
0x540: {  	[tilespmem:s9+$0x12280] =	vst v1  }
0x541: {  	[tilespmem:s9+$0x12300] =	vst v0;
	s9 =	simm.s32 $0x0  }
0x542: {  	[tilespmem:s29], [sflag:$0x3] =	stream.linear.gather [hbm4b:s19+s9], $0x40, $0x38;
	[tilespmem:$0x18200] =	vst v63  }
0x543: {  	_ =	swait.ge [sflag:s23], $0x40  }
0x544: {  	[sflag:s23] =	ssyncset.done $0x0  }
0x545: {  	[sflag:s23] =	ssyncadd.s32 $0xFFFFFFC0  }
0x546: {  	[tilespmem:s30], [sflag:$0x3] =	stream.linear.gather [hbm4b:s20+s9], $0x40, $0x38;
	[tilespmem:$0x18200] =	vst v63  }
0x547: {  	_ =	swait.ge [sflag:s23], $0x40  }
0x548: {  	[sflag:s23] =	ssyncset.done $0x0  }
0x549: {  	[sflag:s23] =	ssyncadd.s32 $0xFFFFFFC0  }
0x54a: {  	[tilespmem:s31], [sflag:$0x2] =	stream.indirect.gather [hbm4b:s1+s25], $0x80, s29, s25, $0xb8;
	[tilespmem:$0x18200] =	vst v63  }
0x54b: {  	_ = 	snop  }
0x54c: {  	[tilespmem:s0], [sflag:$0x2] =	stream.indirect.gather [hbm4b:s3+s25], $0x80, s30, s25, $0xb8;
	[tilespmem:$0x18200] =	vst v63  }
0x54d: {  	_ =	swait.ge [sflag:s2], $0x2000  }
0x54e: {  	[sflag:s2] =	ssyncset.done $0x0  }
0x54f: {  	[sflag:s2] =	ssyncadd.s32 $0xFFFFE000  }
0x550: {  	_ =	swait.ge [sflag:s2], $0x2000  }
0x551: {  	[sflag:s2] =	ssyncset.done $0x0  }
0x552: {  	s7 =	simm.s32 $0x0;
	[sflag:s2] =	ssyncadd.s32 $0xFFFFE000  }
0x553: {  	v0 =	vld [tilespmem:s7+$0x380]  }
0x554: {  	v1 =	vld [tilespmem:s7+$0x2380]  }
0x555: {  	v2 =	vld [tilespmem:s7+$0x390]  }
0x556: {  	v3 =	vld [tilespmem:s7+$0x2390]  }
0x557: {  	v4 =	vld [tilespmem:s7+$0x3A0]  }
0x558: {  	v5 =	vld [tilespmem:s7+$0x23A0]  }
0x559: {  	v6 =	vld [tilespmem:s7+$0x3B0]  }
0x55a: {  	v7 =	vld [tilespmem:s7+$0x23B0]  }
0x55b: {  	v8 =	vld [tilespmem:s7+$0x3C0]  }
0x55c: {  	v9 =	vld [tilespmem:s7+$0x300]  }
0x55d: {  	v10 =	vld [tilespmem:s7+$0x310]  }
0x55e: {  	v11 =	vld [tilespmem:s7+$0x2310]  }
0x55f: {  	v36 =	vld [tilespmem:s7+$0x220]  }
0x560: {  	v37 =	vld [tilespmem:s7+$0x2220]  }
0x561: {  	v38 =	vld [tilespmem:s7+$0x2A0]  }
0x562: {  	v39 =	vld [tilespmem:s7+$0x22A0]  }
0x563: {  	v40 =	vld [tilespmem:s7+$0x320]  }
0x564: {  	v41 =	vld [tilespmem:s7+$0x2320]  }
0x565: {  	v42 =	vld [tilespmem:s7+$0x230]  }
0x566: {  	v43 =	vld [tilespmem:s7+$0x2230]  }
0x567: {  	v44 =	vld [tilespmem:s7+$0x2B0]  }
0x568: {  	v45 =	vld [tilespmem:s7+$0x22B0]  }
0x569: {  	v46 =	vld [tilespmem:s7+$0x330]  }
0x56a: {  	v47 =	vld [tilespmem:s7+$0x2330]  }
0x56b: {  	v48 =	vld [tilespmem:s7+$0x240]  }
0x56c: {  	v49 =	vld [tilespmem:s7+$0x2240]  }
0x56d: {  	v50 =	vld [tilespmem:s7+$0x2C0]  }
0x56e: {  	v51 =	vld [tilespmem:s7+$0x22C0]  }
0x56f: {  	v52 =	vld [tilespmem:s7+$0x340]  }
0x570: {  	v53 =	vld [tilespmem:s7+$0x2340]  }
0x571: {  	v54 =	vld [tilespmem:s7+$0x250]  }
0x572: {  	v55 =	vld [tilespmem:s7+$0x2250]  }
0x573: {  	v56 =	vld [tilespmem:s7+$0x2D0];
	v0 =	vmul.f32 v1, v0;
	v1 =	vmul.f32 v3, v2  }
0x574: {  	v2 =	vld [tilespmem:s7+$0x23C0]  }
0x575: {  	v3 =	vld [tilespmem:s7+$0x3D0];
	v0 =	vadd.f32 v1, v0;
	v1 =	vmul.f32 v5, v4  }
0x576: {  	v4 =	vld [tilespmem:s7+$0x23D0]  }
0x577: {  	v5 =	vld [tilespmem:s7+$0x3E0];
	v0 =	vadd.f32 v1, v0;
	v1 =	vmul.f32 v7, v6  }
0x578: {  	v6 =	vld [tilespmem:s7+$0x23E0]  }
0x579: {  	v7 =	vld [tilespmem:s7+$0x3F0];
	v0 =	vadd.f32 v1, v0;
	v1 =	vmul.f32 v2, v8  }
0x57a: {  	v2 =	vld [tilespmem:s7+$0x23F0]  }
0x57b: {  	v8 =	vld [tilespmem:s7+$0x200];
	v0 =	vadd.f32 v1, v0;
	v1 =	vmul.f32 v4, v3  }
0x57c: {  	v3 =	vld [tilespmem:s7+$0x2200]  }
0x57d: {  	v4 =	vld [tilespmem:s7+$0x210];
	v0 =	vadd.f32 v1, v0;
	v1 =	vmul.f32 v6, v5  }
0x57e: {  	v5 =	vld [tilespmem:s7+$0x2210]  }
0x57f: {  	v6 =	vld [tilespmem:s7+$0x280];
	v0 =	vadd.f32 v1, v0;
	v1 =	vmul.f32 v2, v7  }
0x580: {  	v2 =	vld [tilespmem:s7+$0x2280]  }
0x581: {  	v7 =	vld [tilespmem:s7+$0x290];
	v0 =	vadd.f32 v1, v0  }
0x582: {  	v1 =	vld [tilespmem:s7+$0x2290]  }
0x583: {  	[tilespmem:s7+$0x14380] =	vst v0;
	v0 =	vld [tilespmem:s7+$0x2300]  }
0x584: {  	v57 =	vld [tilespmem:s7+$0x22D0]  }
0x585: {  	v58 =	vld [tilespmem:s7+$0x360];
	v3 =	vmul.f32 v3, v8;
	v4 =	vmul.f32 v5, v4  }
0x586: {  	v60 =	vld [tilespmem:s7+$0x270];
	v2 =	vmul.f32 v2, v6  }
0x587: {  	v8 =	vld [tilespmem:s7+$0x260];
	v3 =	vadd.f32 v4, v3;
	v4 =	vmul.f32 v37, v36;
	v1 =	vmul.f32 v1, v7  }
0x588: {  	v5 =	vld [tilespmem:s7+$0x350];
	v7 =	vmul.f32 v11, v10;
	v0 =	vmul.f32 v0, v9  }
0x589: {  	v6 =	vld [tilespmem:s7+$0x2350];
	v3 =	vadd.f32 v4, v3;
	v1 =	vadd.f32 v1, v2;
	v2 =	vmul.f32 v39, v38  }
0x58a: {  	v4 =	vmul.f32 v41, v40;
	v10 =	vmul.f32 v43, v42;
	v11 =	vld [tilespmem:s7+$0x22E0];
	v0 =	vadd.f32 v7, v0  }
0x58b: {  	v9 =	vld [tilespmem:s7+$0x2260];
	v1 =	vadd.f32 v2, v1;
	v2 =	vmul.f32 v45, v44  }
0x58c: {  	v3 =	vadd.f32 v10, v3;
	v10 =	vld [tilespmem:s7+$0x2360];
	v0 =	vadd.f32 v4, v0;
	v4 =	vmul.f32 v47, v46  }
0x58d: {  	v59 =	vmul.f32 v51, v50;
	v7 =	vld [tilespmem:s7+$0x2E0];
	v1 =	vadd.f32 v2, v1;
	v2 =	vmul.f32 v49, v48  }
0x58e: {  	v61 =	vld [tilespmem:s7+$0x2270];
	v0 =	vadd.f32 v4, v0;
	v4 =	vmul.f32 v53, v52  }
0x58f: {  	v62 =	vld [tilespmem:s7+$0x2F0];
	v2 =	vadd.f32 v2, v3;
	v3 =	vadd.f32 v59, v1;
	v1 =	vmul.f32 v55, v54  }
0x590: {  	v63 =	vld [tilespmem:s7+$0x22F0];
	v0 =	vadd.f32 v4, v0;
	v4 =	vmul.f32 v57, v56  }
0x591: {  	v5 =	vmul.f32 v6, v5;
	v6 =	vmul.f32 v9, v8;
	v2 =	vadd.f32 v1, v2;
	v1 =	vld [tilespmem:s7+$0x370]  }
0x592: {  	s9 =	simm.s32 $0x200;
	v9 =	vmul.f32 v10, v58;
	v7 =	vmul.f32 v11, v7;
	v3 =	vadd.f32 v4, v3;
	v4 =	vld [tilespmem:s7+$0x2370]  }
0x593: {  	v10 =	vmul.f32 v61, v60;
	v5 =	vadd.f32 v5, v0;
	v8 =	vadd.f32 v6, v2;
	v0 =	vld [tilespmem:s9+$0x380]  }
0x594: {  	v2 =	vld [tilespmem:s9+$0x2380];
	v6 =	vadd.f32 v7, v3  }
0x595: {  	s8 =	simm.s32 $0x1000;
	v5 =	vadd.f32 v9, v5;
	v3 =	vld [tilespmem:s9+$0x390];
	v7 =	vadd.f32 v10, v8;
	v8 =	vmul.f32 v63, v62  }
.LBB2_14:
0x596: {  	p0 =	sne.s32 s8, $0x7800;
	v9 =	vld [tilespmem:s9+$0x2390]  }
0x597: {  	v10 =	vld [tilespmem:s9+$0x3A0];
	[tilespmem:s7+$0x14200] =	vst v7;
	v6 =	vadd.f32 v8, v6;
	v1 =	vmul.f32 v4, v1  }
0x598: {  	v4 =	vld [tilespmem:s9+$0x23A0]  }
0x599: {  	v7 =	vld [tilespmem:s9+$0x3B0];
	[tilespmem:s7+$0x14280] =	vst v6;
	v1 =	vadd.f32 v1, v5  }
0x59a: {  	v5 =	vld [tilespmem:s9+$0x23B0]  }
0x59b: {  	v0 =	vmul.f32 v2, v0;
	v2 =	vmul.f32 v9, v3;
	v3 =	vld [tilespmem:s9+$0x3C0];
	[tilespmem:s7+$0x14300] =	vst v1;
	s7 =	smov.u32 s9  }
0x59c: {  	v1 =	vld [tilespmem:s7+$0x23C0]  }
0x59d: {  	v0 =	vadd.f32 v2, v0;
	v2 =	vmul.f32 v4, v10;
	v4 =	vld [tilespmem:s7+$0x3D0]  }
0x59e: {  	v6 =	vld [tilespmem:s7+$0x23D0]  }
0x59f: {  	v0 =	vadd.f32 v2, v0;
	v2 =	vmul.f32 v5, v7;
	v5 =	vld [tilespmem:s7+$0x3E0]  }
0x5a0: {  	v7 =	vld [tilespmem:s7+$0x23E0]  }
0x5a1: {  	v0 =	vadd.f32 v2, v0;
	v1 =	vmul.f32 v1, v3;
	v2 =	vld [tilespmem:s7+$0x3F0]  }
0x5a2: {  	v3 =	vld [tilespmem:s7+$0x23F0]  }
0x5a3: {  	v8 =	vld [tilespmem:s7+$0x200];
	v0 =	vadd.f32 v1, v0;
	v1 =	vmul.f32 v6, v4  }
0x5a4: {  	v4 =	vld [tilespmem:s7+$0x2200]  }
0x5a5: {  	v6 =	vld [tilespmem:s7+$0x210];
	v0 =	vadd.f32 v1, v0;
	v1 =	vmul.f32 v7, v5  }
0x5a6: {  	v5 =	vld [tilespmem:s7+$0x2210]  }
0x5a7: {  	v7 =	vld [tilespmem:s7+$0x280];
	v0 =	vadd.f32 v1, v0;
	v1 =	vmul.f32 v3, v2  }
0x5a8: {  	v2 =	vld [tilespmem:s7+$0x2280]  }
0x5a9: {  	v3 =	vmul.f32 v4, v8;
	v4 =	vld [tilespmem:s7+$0x290];
	v0 =	vadd.f32 v1, v0  }
0x5aa: {  	v1 =	vld [tilespmem:s7+$0x2290]  }
0x5ab: {  	v5 =	vmul.f32 v5, v6;
	v6 =	vld [tilespmem:s7+$0x300];
	[tilespmem:s7+$0x14380] =	vst v0  }
0x5ac: {  	v0 =	vld [tilespmem:s7+$0x2300]  }
0x5ad: {  	v3 =	vadd.f32 v5, v3;
	v2 =	vmul.f32 v2, v7;
	v5 =	vld [tilespmem:s7+$0x310]  }
0x5ae: {  	v7 =	vld [tilespmem:s7+$0x2310]  }
0x5af: {  	v8 =	vld [tilespmem:s7+$0x220];
	v1 =	vmul.f32 v1, v4  }
0x5b0: {  	v4 =	vld [tilespmem:s7+$0x2220]  }
0x5b1: {  	v1 =	vadd.f32 v1, v2;
	v2 =	vld [tilespmem:s7+$0x2A0];
	v0 =	vmul.f32 v0, v6  }
0x5b2: {  	v6 =	vld [tilespmem:s7+$0x22A0]  }
0x5b3: {  	v5 =	vmul.f32 v7, v5;
	v7 =	vld [tilespmem:s7+$0x320]  }
0x5b4: {  	v9 =	vld [tilespmem:s7+$0x2320]  }
0x5b5: {  	v4 =	vmul.f32 v4, v8;
	v8 =	vld [tilespmem:s7+$0x230];
	v0 =	vadd.f32 v5, v0  }
0x5b6: {  	v5 =	vld [tilespmem:s7+$0x2230]  }
0x5b7: {  	v3 =	vadd.f32 v4, v3;
	v2 =	vmul.f32 v6, v2;
	v4 =	vld [tilespmem:s7+$0x2B0]  }
0x5b8: {  	v6 =	vld [tilespmem:s7+$0x22B0]  }
0x5b9: {  	v1 =	vadd.f32 v2, v1;
	v2 =	vmul.f32 v9, v7;
	v7 =	vld [tilespmem:s7+$0x330]  }
0x5ba: {  	v9 =	vld [tilespmem:s7+$0x2330]  }
0x5bb: {  	v5 =	vmul.f32 v5, v8;
	v8 =	vld [tilespmem:s7+$0x240];
	v0 =	vadd.f32 v2, v0  }
0x5bc: {  	v2 =	vld [tilespmem:s7+$0x2240]  }
0x5bd: {  	v3 =	vadd.f32 v5, v3;
	v4 =	vmul.f32 v6, v4;
	v5 =	vld [tilespmem:s7+$0x2C0]  }
0x5be: {  	v6 =	vld [tilespmem:s7+$0x22C0]  }
0x5bf: {  	v1 =	vadd.f32 v4, v1;
	v4 =	vmul.f32 v9, v7;
	v7 =	vld [tilespmem:s7+$0x340]  }
0x5c0: {  	v9 =	vld [tilespmem:s7+$0x2340]  }
0x5c1: {  	v2 =	vmul.f32 v2, v8;
	v8 =	vld [tilespmem:s7+$0x250];
	v0 =	vadd.f32 v4, v0  }
0x5c2: {  	v4 =	vld [tilespmem:s7+$0x2250]  }
0x5c3: {  	v2 =	vadd.f32 v2, v3;
	v3 =	vmul.f32 v6, v5;
	v5 =	vld [tilespmem:s7+$0x2D0]  }
0x5c4: {  	v6 =	vld [tilespmem:s7+$0x22D0]  }
0x5c5: {  	v1 =	vadd.f32 v3, v1;
	v3 =	vmul.f32 v9, v7;
	v7 =	vld [tilespmem:s7+$0x350]  }
0x5c6: {  	v9 =	vld [tilespmem:s7+$0x2350]  }
0x5c7: {  	v4 =	vmul.f32 v4, v8;
	v8 =	vld [tilespmem:s7+$0x260];
	v0 =	vadd.f32 v3, v0  }
0x5c8: {  	v3 =	vld [tilespmem:s7+$0x2260]  }
0x5c9: {  	v2 =	vadd.f32 v4, v2;
	v4 =	vmul.f32 v6, v5;
	v5 =	vld [tilespmem:s7+$0x2E0]  }
0x5ca: {  	v6 =	vld [tilespmem:s7+$0x22E0]  }
0x5cb: {  	v1 =	vadd.f32 v4, v1;
	v4 =	vmul.f32 v9, v7;
	v7 =	vld [tilespmem:s7+$0x360]  }
0x5cc: {  	v9 =	vld [tilespmem:s7+$0x2360]  }
0x5cd: {  	v3 =	vmul.f32 v3, v8;
	v8 =	vld [tilespmem:s7+$0x270];
	v10 =	vadd.f32 v4, v0  }
0x5ce: {  	v11 =	vld [tilespmem:s7+$0x2270]  }
0x5cf: {  	v12 =	vadd.f32 v3, v2;
	v0 =	vmul.f32 v6, v5;
	v13 =	vld [tilespmem:s7+$0x2F0]  }
0x5d0: {  	v14 =	vld [tilespmem:s7+$0x22F0]  }
.Ltmp6:
0x5d1: {  	v6 =	vadd.f32 v0, v1;
	v2 =	vmul.f32 v9, v7;
	v1 =	vld [tilespmem:s7+$0x370];
	(pc) =	sbr.rel @p0 .LBB2_14-.Ltmp6, $4  }
0x5d2: {  	s9 =	sshra.s32 s8, $0x2;
	v4 =	vld [tilespmem:s7+$0x2370]  }
0x5d3: {  	v0 =	vld [tilespmem:s9+$0x380];
	v7 =	vmul.f32 v11, v8;
	v5 =	vadd.f32 v2, v10  }
0x5d4: {  	v2 =	vld [tilespmem:s9+$0x2380]  }
0x5d5: {  	s8 =	sadd.s32 $0x800, s8;
	v3 =	vld [tilespmem:s9+$0x390];
	v7 =	vadd.f32 v7, v12;
	v8 =	vmul.f32 v14, v13  }
0x5d6: {  	v9 =	vld [tilespmem:s9+$0x2390]  }
0x5d7: {  	v10 =	vld [tilespmem:s9+$0x3A0];
	[tilespmem:s7+$0x14200] =	vst v7;
	v6 =	vadd.f32 v8, v6;
	v1 =	vmul.f32 v4, v1  }
0x5d8: {  	v7 =	vld [tilespmem:s9+$0x23A0]  }
0x5d9: {  	v4 =	vld [tilespmem:s9+$0x3B0];
	[tilespmem:s7+$0x14280] =	vst v6;
	v1 =	vadd.f32 v1, v5  }
0x5da: {  	v5 =	vld [tilespmem:s9+$0x23B0]  }
0x5db: {  	v6 =	vld [tilespmem:s9+$0x3C0];
	[tilespmem:s7+$0x14300] =	vst v1  }
0x5dc: {  	v0 =	vmul.f32 v2, v0;
	v2 =	vld [tilespmem:s9+$0x23C0]  }
0x5dd: {  	v1 =	vmul.f32 v9, v3;
	v3 =	vld [tilespmem:s9+$0x3D0]  }
0x5de: {  	v8 =	vld [tilespmem:s9+$0x3E0]  }
0x5df: {  	v9 =	vld [tilespmem:s9+$0x300]  }
0x5e0: {  	v11 =	vld [tilespmem:s9+$0x2310]  }
0x5e1: {  	v12 =	vld [tilespmem:s9+$0x220]  }
0x5e2: {  	v13 =	vld [tilespmem:s9+$0x2220]  }
0x5e3: {  	v14 =	vld [tilespmem:s9+$0x2A0]  }
0x5e4: {  	v15 =	vld [tilespmem:s9+$0x22A0]  }
0x5e5: {  	v16 =	vld [tilespmem:s9+$0x320]  }
0x5e6: {  	v17 =	vld [tilespmem:s9+$0x2320]  }
0x5e7: {  	v18 =	vld [tilespmem:s9+$0x230]  }
0x5e8: {  	v19 =	vld [tilespmem:s9+$0x2230]  }
0x5e9: {  	v20 =	vld [tilespmem:s9+$0x2B0]  }
0x5ea: {  	v21 =	vld [tilespmem:s9+$0x22B0]  }
0x5eb: {  	v22 =	vld [tilespmem:s9+$0x330]  }
0x5ec: {  	v23 =	vld [tilespmem:s9+$0x2330]  }
0x5ed: {  	v24 =	vld [tilespmem:s9+$0x240]  }
0x5ee: {  	v25 =	vld [tilespmem:s9+$0x2240]  }
0x5ef: {  	v26 =	vld [tilespmem:s9+$0x2C0]  }
0x5f0: {  	v27 =	vld [tilespmem:s9+$0x22C0]  }
0x5f1: {  	v28 =	vld [tilespmem:s9+$0x340]  }
0x5f2: {  	v29 =	vld [tilespmem:s9+$0x2340]  }
0x5f3: {  	v30 =	vld [tilespmem:s9+$0x250]  }
0x5f4: {  	v31 =	vld [tilespmem:s9+$0x2250]  }
0x5f5: {  	v32 =	vld [tilespmem:s9+$0x2D0]  }
0x5f6: {  	v34 =	vld [tilespmem:s9+$0x350]  }
0x5f7: {  	v35 =	vld [tilespmem:s9+$0x2350];
	v0 =	vadd.f32 v1, v0;
	v1 =	vmul.f32 v7, v10  }
0x5f8: {  	v7 =	vld [tilespmem:s9+$0x23D0]  }
0x5f9: {  	v10 =	vld [tilespmem:s9+$0x310];
	v0 =	vadd.f32 v1, v0;
	v1 =	vmul.f32 v5, v4  }
0x5fa: {  	v4 =	vld [tilespmem:s9+$0x23E0]  }
0x5fb: {  	v5 =	vld [tilespmem:s9+$0x3F0];
	v0 =	vadd.f32 v1, v0;
	v1 =	vmul.f32 v2, v6  }
0x5fc: {  	v2 =	vld [tilespmem:s9+$0x23F0]  }
0x5fd: {  	v6 =	vld [tilespmem:s9+$0x200];
	v0 =	vadd.f32 v1, v0;
	v1 =	vmul.f32 v7, v3  }
0x5fe: {  	v3 =	vld [tilespmem:s9+$0x2200]  }
0x5ff: {  	v7 =	vld [tilespmem:s9+$0x210];
	v0 =	vadd.f32 v1, v0;
	v1 =	vmul.f32 v4, v8  }
0x600: {  	v4 =	vld [tilespmem:s9+$0x2210]  }
0x601: {  	v8 =	vld [tilespmem:s9+$0x280];
	v0 =	vadd.f32 v1, v0;
	v1 =	vmul.f32 v2, v5  }
0x602: {  	v2 =	vld [tilespmem:s9+$0x2280]  }
0x603: {  	v5 =	vld [tilespmem:s9+$0x290];
	v0 =	vadd.f32 v1, v0  }
0x604: {  	v1 =	vld [tilespmem:s9+$0x2290]  }
0x605: {  	[tilespmem:s9+$0x14380] =	vst v0;
	v0 =	vld [tilespmem:s9+$0x2300]  }
0x606: {  	v33 =	vld [tilespmem:s9+$0x22D0];
	v26 =	vmul.f32 v27, v26  }
0x607: {  	v27 =	vld [tilespmem:s9+$0x2F0];
	v34 =	vmul.f32 v35, v34;
	v3 =	vmul.f32 v3, v6  }
0x608: {  	v35 =	vld [tilespmem:s9+$0x2370];
	v4 =	vmul.f32 v4, v7;
	v7 =	vmul.f32 v11, v10  }
0x609: {  	v6 =	vld [tilespmem:s9+$0x260];
	v2 =	vmul.f32 v2, v8;
	v1 =	vmul.f32 v1, v5  }
0x60a: {  	v11 =	vld [tilespmem:s9+$0x2360];
	v3 =	vadd.f32 v4, v3;
	v4 =	vmul.f32 v13, v12;
	v0 =	vmul.f32 v0, v9  }
0x60b: {  	v10 =	vmul.f32 v19, v18;
	v8 =	vld [tilespmem:s9+$0x2E0];
	v1 =	vadd.f32 v1, v2;
	v2 =	vmul.f32 v15, v14  }
0x60c: {  	v5 =	vld [tilespmem:s9+$0x2260];
	v3 =	vadd.f32 v4, v3;
	v4 =	vmul.f32 v17, v16;
	v0 =	vadd.f32 v7, v0  }
0x60d: {  	v9 =	vld [tilespmem:s9+$0x22E0];
	v1 =	vadd.f32 v2, v1;
	v2 =	vmul.f32 v21, v20  }
0x60e: {  	v3 =	vadd.f32 v10, v3;
	v10 =	vld [tilespmem:s9+$0x2270];
	v0 =	vadd.f32 v4, v0;
	v4 =	vmul.f32 v23, v22  }
0x60f: {  	v21 =	vld [tilespmem:s9+$0x270];
	v1 =	vadd.f32 v2, v1;
	v2 =	vmul.f32 v25, v24  }
0x610: {  	v7 =	vld [tilespmem:s9+$0x360];
	v0 =	vadd.f32 v4, v0;
	v4 =	vmul.f32 v29, v28  }
0x611: {  	v29 =	vld [tilespmem:s9+$0x22F0];
	v2 =	vadd.f32 v2, v3;
	v3 =	vmul.f32 v31, v30  }
0x612: {  	v1 =	vadd.f32 v26, v1;
	v31 =	vld [tilespmem:s9+$0x370];
	v0 =	vadd.f32 v4, v0;
	v4 =	vmul.f32 v33, v32  }
0x613: {  	v2 =	vadd.f32 v3, v2;
	v3 =	vmul.f32 v5, v6  }
0x614: {  	v5 =	vmul.f32 v10, v21;
	v1 =	vadd.f32 v4, v1;
	v4 =	vmul.f32 v9, v8  }
0x615: {  	v0 =	vadd.f32 v34, v0;
	v2 =	vadd.f32 v3, v2;
	v3 =	vmul.f32 v11, v7  }
0x616: {  	v1 =	vadd.f32 v4, v1;
	v4 =	vmul.f32 v29, v27  }
0x617: {  	v0 =	vadd.f32 v3, v0;
	v2 =	vadd.f32 v5, v2;
	v3 =	vmul.f32 v35, v31  }
0x618: {  	v1 =	vadd.f32 v4, v1  }
0x619: {  	[tilespmem:s9+$0x14200] =	vst v2;
	v0 =	vadd.f32 v3, v0  }
0x61a: {  	[tilespmem:s9+$0x14280] =	vst v1  }
0x61b: {  	[tilespmem:s9+$0x14300] =	vst v0  }
0x61c: {  	_ =	swait.ge [sflag:s5], $0x2000  }
0x61d: {  	[sflag:s5] =	ssyncset.done $0x0  }
0x61e: {  	[sflag:s5] =	ssyncadd.s32 $0xFFFFE000  }
0x61f: {  	_ =	swait.ge [sflag:s5], $0x2000  }
0x620: {  	[sflag:s5] =	ssyncset.done $0x0  }
0x621: {  	s7 =	simm.s32 $0x0;
	[sflag:s5] =	ssyncadd.s32 $0xFFFFE000  }
0x622: {  	v0 =	vld [tilespmem:s7+$0x4380]  }
0x623: {  	v1 =	vld [tilespmem:s7+$0x6380]  }
0x624: {  	v2 =	vld [tilespmem:s7+$0x4390]  }
0x625: {  	v3 =	vld [tilespmem:s7+$0x6390]  }
0x626: {  	v4 =	vld [tilespmem:s7+$0x43A0]  }
0x627: {  	v5 =	vld [tilespmem:s7+$0x63A0]  }
0x628: {  	v6 =	vld [tilespmem:s7+$0x43B0]  }
0x629: {  	v7 =	vld [tilespmem:s7+$0x63B0]  }
0x62a: {  	v8 =	vld [tilespmem:s7+$0x43C0]  }
0x62b: {  	v9 =	vld [tilespmem:s7+$0x4300]  }
0x62c: {  	v10 =	vld [tilespmem:s7+$0x4310]  }
0x62d: {  	v11 =	vld [tilespmem:s7+$0x6310]  }
0x62e: {  	v36 =	vld [tilespmem:s7+$0x4220]  }
0x62f: {  	v37 =	vld [tilespmem:s7+$0x6220]  }
0x630: {  	v38 =	vld [tilespmem:s7+$0x42A0]  }
0x631: {  	v39 =	vld [tilespmem:s7+$0x62A0]  }
0x632: {  	v40 =	vld [tilespmem:s7+$0x4320]  }
0x633: {  	v41 =	vld [tilespmem:s7+$0x6320]  }
0x634: {  	v42 =	vld [tilespmem:s7+$0x4230]  }
0x635: {  	v43 =	vld [tilespmem:s7+$0x6230]  }
0x636: {  	v44 =	vld [tilespmem:s7+$0x42B0]  }
0x637: {  	v45 =	vld [tilespmem:s7+$0x62B0]  }
0x638: {  	v46 =	vld [tilespmem:s7+$0x4330]  }
0x639: {  	v47 =	vld [tilespmem:s7+$0x6330]  }
0x63a: {  	v48 =	vld [tilespmem:s7+$0x4240]  }
0x63b: {  	v49 =	vld [tilespmem:s7+$0x6240]  }
0x63c: {  	v50 =	vld [tilespmem:s7+$0x42C0]  }
0x63d: {  	v51 =	vld [tilespmem:s7+$0x62C0]  }
0x63e: {  	v52 =	vld [tilespmem:s7+$0x4340]  }
0x63f: {  	v53 =	vld [tilespmem:s7+$0x6340]  }
0x640: {  	v54 =	vld [tilespmem:s7+$0x4250]  }
0x641: {  	v55 =	vld [tilespmem:s7+$0x6250]  }
0x642: {  	v56 =	vld [tilespmem:s7+$0x42D0];
	v0 =	vmul.f32 v1, v0;
	v1 =	vmul.f32 v3, v2  }
0x643: {  	v2 =	vld [tilespmem:s7+$0x63C0]  }
0x644: {  	v3 =	vld [tilespmem:s7+$0x43D0];
	v0 =	vadd.f32 v1, v0;
	v1 =	vmul.f32 v5, v4  }
0x645: {  	v4 =	vld [tilespmem:s7+$0x63D0]  }
0x646: {  	v5 =	vld [tilespmem:s7+$0x43E0];
	v0 =	vadd.f32 v1, v0;
	v1 =	vmul.f32 v7, v6  }
0x647: {  	v6 =	vld [tilespmem:s7+$0x63E0]  }
0x648: {  	v7 =	vld [tilespmem:s7+$0x43F0];
	v0 =	vadd.f32 v1, v0;
	v1 =	vmul.f32 v2, v8  }
0x649: {  	v2 =	vld [tilespmem:s7+$0x63F0]  }
0x64a: {  	v8 =	vld [tilespmem:s7+$0x4200];
	v0 =	vadd.f32 v1, v0;
	v1 =	vmul.f32 v4, v3  }
0x64b: {  	v3 =	vld [tilespmem:s7+$0x6200]  }
0x64c: {  	v4 =	vld [tilespmem:s7+$0x4210];
	v0 =	vadd.f32 v1, v0;
	v1 =	vmul.f32 v6, v5  }
0x64d: {  	v5 =	vld [tilespmem:s7+$0x6210]  }
0x64e: {  	v6 =	vld [tilespmem:s7+$0x4280];
	v0 =	vadd.f32 v1, v0;
	v1 =	vmul.f32 v2, v7  }
0x64f: {  	v2 =	vld [tilespmem:s7+$0x6280]  }
0x650: {  	v7 =	vld [tilespmem:s7+$0x4290];
	v0 =	vadd.f32 v1, v0  }
0x651: {  	v1 =	vld [tilespmem:s7+$0x6290]  }
0x652: {  	[tilespmem:s7+$0x16380] =	vst v0;
	v0 =	vld [tilespmem:s7+$0x6300]  }
0x653: {  	v57 =	vld [tilespmem:s7+$0x62D0]  }
0x654: {  	v58 =	vld [tilespmem:s7+$0x4360];
	v3 =	vmul.f32 v3, v8;
	v4 =	vmul.f32 v5, v4  }
0x655: {  	v60 =	vld [tilespmem:s7+$0x4270];
	v2 =	vmul.f32 v2, v6  }
0x656: {  	v8 =	vld [tilespmem:s7+$0x4260];
	v3 =	vadd.f32 v4, v3;
	v4 =	vmul.f32 v37, v36;
	v1 =	vmul.f32 v1, v7  }
0x657: {  	v5 =	vld [tilespmem:s7+$0x4350];
	v7 =	vmul.f32 v11, v10;
	v0 =	vmul.f32 v0, v9  }
0x658: {  	v6 =	vld [tilespmem:s7+$0x6350];
	v3 =	vadd.f32 v4, v3;
	v1 =	vadd.f32 v1, v2;
	v2 =	vmul.f32 v39, v38  }
0x659: {  	v4 =	vmul.f32 v41, v40;
	v10 =	vmul.f32 v43, v42;
	v11 =	vld [tilespmem:s7+$0x62E0];
	v0 =	vadd.f32 v7, v0  }
0x65a: {  	v9 =	vld [tilespmem:s7+$0x6260];
	v1 =	vadd.f32 v2, v1;
	v2 =	vmul.f32 v45, v44  }
0x65b: {  	v3 =	vadd.f32 v10, v3;
	v10 =	vld [tilespmem:s7+$0x6360];
	v0 =	vadd.f32 v4, v0;
	v4 =	vmul.f32 v47, v46  }
0x65c: {  	v59 =	vmul.f32 v51, v50;
	v7 =	vld [tilespmem:s7+$0x42E0];
	v1 =	vadd.f32 v2, v1;
	v2 =	vmul.f32 v49, v48  }
0x65d: {  	v61 =	vld [tilespmem:s7+$0x6270];
	v0 =	vadd.f32 v4, v0;
	v4 =	vmul.f32 v53, v52  }
0x65e: {  	v62 =	vld [tilespmem:s7+$0x42F0];
	v2 =	vadd.f32 v2, v3;
	v3 =	vadd.f32 v59, v1;
	v1 =	vmul.f32 v55, v54  }
0x65f: {  	v63 =	vld [tilespmem:s7+$0x62F0];
	v0 =	vadd.f32 v4, v0;
	v4 =	vmul.f32 v57, v56  }
0x660: {  	v5 =	vmul.f32 v6, v5;
	v6 =	vmul.f32 v9, v8;
	v2 =	vadd.f32 v1, v2;
	v1 =	vld [tilespmem:s7+$0x4370]  }
0x661: {  	s9 =	simm.s32 $0x200;
	v9 =	vmul.f32 v10, v58;
	v7 =	vmul.f32 v11, v7;
	v3 =	vadd.f32 v4, v3;
	v4 =	vld [tilespmem:s7+$0x6370]  }
0x662: {  	v10 =	vmul.f32 v61, v60;
	v5 =	vadd.f32 v5, v0;
	v8 =	vadd.f32 v6, v2;
	v0 =	vld [tilespmem:s9+$0x4380]  }
0x663: {  	v2 =	vld [tilespmem:s9+$0x6380];
	v6 =	vadd.f32 v7, v3  }
0x664: {  	s8 =	simm.s32 $0x1000;
	v5 =	vadd.f32 v9, v5;
	v3 =	vld [tilespmem:s9+$0x4390];
	v7 =	vadd.f32 v10, v8;
	v8 =	vmul.f32 v63, v62  }
.LBB2_16:
0x665: {  	p0 =	sne.s32 s8, $0x7800;
	v9 =	vld [tilespmem:s9+$0x6390]  }
0x666: {  	v10 =	vld [tilespmem:s9+$0x43A0];
	[tilespmem:s7+$0x16200] =	vst v7;
	v6 =	vadd.f32 v8, v6;
	v1 =	vmul.f32 v4, v1  }
0x667: {  	v4 =	vld [tilespmem:s9+$0x63A0]  }
0x668: {  	v7 =	vld [tilespmem:s9+$0x43B0];
	[tilespmem:s7+$0x16280] =	vst v6;
	v1 =	vadd.f32 v1, v5  }
0x669: {  	v5 =	vld [tilespmem:s9+$0x63B0]  }
0x66a: {  	v0 =	vmul.f32 v2, v0;
	v2 =	vmul.f32 v9, v3;
	v3 =	vld [tilespmem:s9+$0x43C0];
	[tilespmem:s7+$0x16300] =	vst v1;
	s7 =	smov.u32 s9  }
0x66b: {  	v1 =	vld [tilespmem:s7+$0x63C0]  }
0x66c: {  	v0 =	vadd.f32 v2, v0;
	v2 =	vmul.f32 v4, v10;
	v4 =	vld [tilespmem:s7+$0x43D0]  }
0x66d: {  	v6 =	vld [tilespmem:s7+$0x63D0]  }
0x66e: {  	v0 =	vadd.f32 v2, v0;
	v2 =	vmul.f32 v5, v7;
	v5 =	vld [tilespmem:s7+$0x43E0]  }
0x66f: {  	v7 =	vld [tilespmem:s7+$0x63E0]  }
0x670: {  	v0 =	vadd.f32 v2, v0;
	v1 =	vmul.f32 v1, v3;
	v2 =	vld [tilespmem:s7+$0x43F0]  }
0x671: {  	v3 =	vld [tilespmem:s7+$0x63F0]  }
0x672: {  	v8 =	vld [tilespmem:s7+$0x4200];
	v0 =	vadd.f32 v1, v0;
	v1 =	vmul.f32 v6, v4  }
0x673: {  	v4 =	vld [tilespmem:s7+$0x6200]  }
0x674: {  	v6 =	vld [tilespmem:s7+$0x4210];
	v0 =	vadd.f32 v1, v0;
	v1 =	vmul.f32 v7, v5  }
0x675: {  	v5 =	vld [tilespmem:s7+$0x6210]  }
0x676: {  	v7 =	vld [tilespmem:s7+$0x4280];
	v0 =	vadd.f32 v1, v0;
	v1 =	vmul.f32 v3, v2  }
0x677: {  	v2 =	vld [tilespmem:s7+$0x6280]  }
0x678: {  	v3 =	vmul.f32 v4, v8;
	v4 =	vld [tilespmem:s7+$0x4290];
	v0 =	vadd.f32 v1, v0  }
0x679: {  	v1 =	vld [tilespmem:s7+$0x6290]  }
0x67a: {  	v5 =	vmul.f32 v5, v6;
	v6 =	vld [tilespmem:s7+$0x4300];
	[tilespmem:s7+$0x16380] =	vst v0  }
0x67b: {  	v0 =	vld [tilespmem:s7+$0x6300]  }
0x67c: {  	v3 =	vadd.f32 v5, v3;
	v2 =	vmul.f32 v2, v7;
	v5 =	vld [tilespmem:s7+$0x4310]  }
0x67d: {  	v7 =	vld [tilespmem:s7+$0x6310]  }
0x67e: {  	v8 =	vld [tilespmem:s7+$0x4220];
	v1 =	vmul.f32 v1, v4  }
0x67f: {  	v4 =	vld [tilespmem:s7+$0x6220]  }
0x680: {  	v1 =	vadd.f32 v1, v2;
	v2 =	vld [tilespmem:s7+$0x42A0];
	v0 =	vmul.f32 v0, v6  }
0x681: {  	v6 =	vld [tilespmem:s7+$0x62A0]  }
0x682: {  	v5 =	vmul.f32 v7, v5;
	v7 =	vld [tilespmem:s7+$0x4320]  }
0x683: {  	v9 =	vld [tilespmem:s7+$0x6320]  }
0x684: {  	v4 =	vmul.f32 v4, v8;
	v8 =	vld [tilespmem:s7+$0x4230];
	v0 =	vadd.f32 v5, v0  }
0x685: {  	v5 =	vld [tilespmem:s7+$0x6230]  }
0x686: {  	v3 =	vadd.f32 v4, v3;
	v2 =	vmul.f32 v6, v2;
	v4 =	vld [tilespmem:s7+$0x42B0]  }
0x687: {  	v6 =	vld [tilespmem:s7+$0x62B0]  }
0x688: {  	v1 =	vadd.f32 v2, v1;
	v2 =	vmul.f32 v9, v7;
	v7 =	vld [tilespmem:s7+$0x4330]  }
0x689: {  	v9 =	vld [tilespmem:s7+$0x6330]  }
0x68a: {  	v5 =	vmul.f32 v5, v8;
	v8 =	vld [tilespmem:s7+$0x4240];
	v0 =	vadd.f32 v2, v0  }
0x68b: {  	v2 =	vld [tilespmem:s7+$0x6240]  }
0x68c: {  	v3 =	vadd.f32 v5, v3;
	v4 =	vmul.f32 v6, v4;
	v5 =	vld [tilespmem:s7+$0x42C0]  }
0x68d: {  	v6 =	vld [tilespmem:s7+$0x62C0]  }
0x68e: {  	v1 =	vadd.f32 v4, v1;
	v4 =	vmul.f32 v9, v7;
	v7 =	vld [tilespmem:s7+$0x4340]  }
0x68f: {  	v9 =	vld [tilespmem:s7+$0x6340]  }
0x690: {  	v2 =	vmul.f32 v2, v8;
	v8 =	vld [tilespmem:s7+$0x4250];
	v0 =	vadd.f32 v4, v0  }
0x691: {  	v4 =	vld [tilespmem:s7+$0x6250]  }
0x692: {  	v2 =	vadd.f32 v2, v3;
	v3 =	vmul.f32 v6, v5;
	v5 =	vld [tilespmem:s7+$0x42D0]  }
0x693: {  	v6 =	vld [tilespmem:s7+$0x62D0]  }
0x694: {  	v1 =	vadd.f32 v3, v1;
	v3 =	vmul.f32 v9, v7;
	v7 =	vld [tilespmem:s7+$0x4350]  }
0x695: {  	v9 =	vld [tilespmem:s7+$0x6350]  }
0x696: {  	v4 =	vmul.f32 v4, v8;
	v8 =	vld [tilespmem:s7+$0x4260];
	v0 =	vadd.f32 v3, v0  }
0x697: {  	v3 =	vld [tilespmem:s7+$0x6260]  }
0x698: {  	v2 =	vadd.f32 v4, v2;
	v4 =	vmul.f32 v6, v5;
	v5 =	vld [tilespmem:s7+$0x42E0]  }
0x699: {  	v6 =	vld [tilespmem:s7+$0x62E0]  }
0x69a: {  	v1 =	vadd.f32 v4, v1;
	v4 =	vmul.f32 v9, v7;
	v7 =	vld [tilespmem:s7+$0x4360]  }
0x69b: {  	v9 =	vld [tilespmem:s7+$0x6360]  }
0x69c: {  	v3 =	vmul.f32 v3, v8;
	v8 =	vld [tilespmem:s7+$0x4270];
	v10 =	vadd.f32 v4, v0  }
0x69d: {  	v11 =	vld [tilespmem:s7+$0x6270]  }
0x69e: {  	v12 =	vadd.f32 v3, v2;
	v0 =	vmul.f32 v6, v5;
	v13 =	vld [tilespmem:s7+$0x42F0]  }
0x69f: {  	v14 =	vld [tilespmem:s7+$0x62F0]  }
.Ltmp7:
0x6a0: {  	v6 =	vadd.f32 v0, v1;
	v2 =	vmul.f32 v9, v7;
	v1 =	vld [tilespmem:s7+$0x4370];
	(pc) =	sbr.rel @p0 .LBB2_16-.Ltmp7, $4  }
0x6a1: {  	s9 =	sshra.s32 s8, $0x2;
	v4 =	vld [tilespmem:s7+$0x6370]  }
0x6a2: {  	v0 =	vld [tilespmem:s9+$0x4380];
	v7 =	vmul.f32 v11, v8;
	v5 =	vadd.f32 v2, v10  }
0x6a3: {  	v2 =	vld [tilespmem:s9+$0x6380]  }
0x6a4: {  	s8 =	sadd.s32 $0x800, s8;
	v3 =	vld [tilespmem:s9+$0x4390];
	v7 =	vadd.f32 v7, v12;
	v8 =	vmul.f32 v14, v13  }
0x6a5: {  	v9 =	vld [tilespmem:s9+$0x6390]  }
0x6a6: {  	v10 =	vld [tilespmem:s9+$0x43A0];
	[tilespmem:s7+$0x16200] =	vst v7;
	v6 =	vadd.f32 v8, v6;
	v1 =	vmul.f32 v4, v1  }
0x6a7: {  	v7 =	vld [tilespmem:s9+$0x63A0]  }
0x6a8: {  	v34 =	vld [tilespmem:s9+$0x43B0];
	[tilespmem:s7+$0x16280] =	vst v6;
	v1 =	vadd.f32 v1, v5  }
0x6a9: {  	v35 =	vld [tilespmem:s9+$0x63B0]  }
0x6aa: {  	v6 =	vld [tilespmem:s9+$0x43C0];
	[tilespmem:s7+$0x16300] =	vst v1  }
0x6ab: {  	v37 =	vld [tilespmem:s9+$0x63C0]  }
0x6ac: {  	v38 =	vld [tilespmem:s9+$0x43D0]  }
0x6ad: {  	v40 =	vld [tilespmem:s9+$0x63D0]  }
0x6ae: {  	v41 =	vld [tilespmem:s9+$0x43E0]  }
0x6af: {  	v43 =	vld [tilespmem:s9+$0x63E0]  }
0x6b0: {  	v44 =	vld [tilespmem:s9+$0x43F0]  }
0x6b1: {  	v46 =	vld [tilespmem:s9+$0x63F0]  }
0x6b2: {  	v47 =	vld [tilespmem:s9+$0x4200]  }
0x6b3: {  	v49 =	vld [tilespmem:s9+$0x6200]  }
0x6b4: {  	v50 =	vld [tilespmem:s9+$0x4210]  }
0x6b5: {  	v52 =	vld [tilespmem:s9+$0x6210]  }
0x6b6: {  	v53 =	vld [tilespmem:s9+$0x4280]  }
0x6b7: {  	v55 =	vld [tilespmem:s9+$0x6280]  }
0x6b8: {  	v56 =	vld [tilespmem:s9+$0x4290]  }
0x6b9: {  	v57 =	vld [tilespmem:s9+$0x6290]  }
0x6ba: {  	v58 =	vld [tilespmem:s9+$0x4300]  }
0x6bb: {  	v59 =	vld [tilespmem:s9+$0x6300]  }
0x6bc: {  	v60 =	vld [tilespmem:s9+$0x4310]  }
0x6bd: {  	v11 =	vld [tilespmem:s9+$0x6310]  }
0x6be: {  	v12 =	vld [tilespmem:s9+$0x4220]  }
0x6bf: {  	v13 =	vld [tilespmem:s9+$0x6220]  }
0x6c0: {  	v14 =	vld [tilespmem:s9+$0x42A0]  }
0x6c1: {  	v15 =	vld [tilespmem:s9+$0x62A0]  }
0x6c2: {  	v16 =	vld [tilespmem:s9+$0x4320]  }
0x6c3: {  	v17 =	vld [tilespmem:s9+$0x6320]  }
0x6c4: {  	v18 =	vld [tilespmem:s9+$0x4230]  }
0x6c5: {  	v19 =	vld [tilespmem:s9+$0x6230]  }
0x6c6: {  	v20 =	vld [tilespmem:s9+$0x42B0]  }
0x6c7: {  	v21 =	vld [tilespmem:s9+$0x62B0]  }
0x6c8: {  	v22 =	vld [tilespmem:s9+$0x4330]  }
0x6c9: {  	v23 =	vld [tilespmem:s9+$0x6330]  }
0x6ca: {  	v0 =	vmul.f32 v2, v0;
	v36 =	vmul.f32 v9, v3;
	v24 =	vld [tilespmem:s9+$0x4240]  }
0x6cb: {  	v25 =	vld [tilespmem:s9+$0x6240]  }
0x6cc: {  	v26 =	vld [tilespmem:s9+$0x42C0];
	v0 =	vadd.f32 v36, v0;
	v39 =	vmul.f32 v7, v10  }
0x6cd: {  	v27 =	vld [tilespmem:s9+$0x62C0]  }
0x6ce: {  	v28 =	vld [tilespmem:s9+$0x4340];
	v0 =	vadd.f32 v39, v0;
	v42 =	vmul.f32 v35, v34  }
0x6cf: {  	v29 =	vld [tilespmem:s9+$0x6340]  }
0x6d0: {  	v30 =	vld [tilespmem:s9+$0x4250];
	v0 =	vadd.f32 v42, v0;
	v45 =	vmul.f32 v37, v6  }
0x6d1: {  	v31 =	vld [tilespmem:s9+$0x6250]  }
0x6d2: {  	v32 =	vld [tilespmem:s9+$0x42D0];
	v48 =	vmul.f32 v40, v38;
	v0 =	vadd.f32 v45, v0  }
0x6d3: {  	v33 =	vld [tilespmem:s9+$0x62D0]  }
0x6d4: {  	v61 =	vld [tilespmem:s9+$0x4260];
	v51 =	vmul.f32 v43, v41;
	v0 =	vadd.f32 v48, v0  }
0x6d5: {  	v62 =	vld [tilespmem:s9+$0x6260]  }
0x6d6: {  	v36 =	vld [tilespmem:s9+$0x42E0];
	v54 =	vmul.f32 v46, v44;
	v0 =	vadd.f32 v51, v0  }
0x6d7: {  	v34 =	vld [tilespmem:s9+$0x4350];
	v3 =	vmul.f32 v49, v47  }
0x6d8: {  	v35 =	vld [tilespmem:s9+$0x6350];
	v4 =	vmul.f32 v52, v50;
	v2 =	vmul.f32 v55, v53;
	v0 =	vadd.f32 v54, v0  }
0x6d9: {  	v1 =	vmul.f32 v57, v56;
	v63 =	vmul.f32 v11, v60;
	v38 =	vld [tilespmem:s9+$0x62E0]  }
0x6da: {  	v37 =	vmul.f32 v13, v12;
	v40 =	vld [tilespmem:s9+$0x4360];
	v3 =	vadd.f32 v4, v3;
	[tilespmem:s9+$0x16380] =	vst v0;
	v0 =	vmul.f32 v59, v58  }
0x6db: {  	v39 =	vmul.f32 v15, v14;
	v41 =	vmul.f32 v17, v16;
	v43 =	vld [tilespmem:s9+$0x6360];
	v1 =	vadd.f32 v1, v2  }
0x6dc: {  	v42 =	vmul.f32 v19, v18;
	v47 =	vld [tilespmem:s9+$0x6270];
	v3 =	vadd.f32 v37, v3;
	v0 =	vadd.f32 v63, v0  }
0x6dd: {  	v44 =	vmul.f32 v21, v20;
	v46 =	vmul.f32 v23, v22;
	v50 =	vld [tilespmem:s9+$0x42F0];
	v1 =	vadd.f32 v39, v1  }
0x6de: {  	v52 =	vld [tilespmem:s9+$0x62F0];
	v48 =	vmul.f32 v25, v24;
	v3 =	vadd.f32 v42, v3;
	v0 =	vadd.f32 v41, v0  }
0x6df: {  	v49 =	vmul.f32 v27, v26;
	v53 =	vmul.f32 v31, v30;
	v45 =	vld [tilespmem:s9+$0x4270];
	v1 =	vadd.f32 v44, v1  }
0x6e0: {  	v57 =	vld [tilespmem:s9+$0x6370];
	v51 =	vmul.f32 v29, v28;
	v2 =	vadd.f32 v48, v3;
	v0 =	vadd.f32 v46, v0  }
0x6e1: {  	v55 =	vmul.f32 v33, v32;
	v56 =	vmul.f32 v35, v34;
	v1 =	vadd.f32 v49, v1;
	v54 =	vld [tilespmem:s9+$0x4370]  }
0x6e2: {  	v2 =	vadd.f32 v53, v2;
	v58 =	vmul.f32 v62, v61;
	v0 =	vadd.f32 v51, v0  }
0x6e3: {  	v60 =	vmul.f32 v43, v40;
	v1 =	vadd.f32 v55, v1;
	v59 =	vmul.f32 v38, v36  }
0x6e4: {  	v61 =	vmul.f32 v47, v45;
	v2 =	vadd.f32 v58, v2;
	v0 =	vadd.f32 v56, v0  }
0x6e5: {  	v62 =	vmul.f32 v52, v50;
	v1 =	vadd.f32 v59, v1  }
0x6e6: {  	v63 =	vmul.f32 v57, v54;
	v2 =	vadd.f32 v61, v2;
	v0 =	vadd.f32 v60, v0  }
0x6e7: {  	v1 =	vadd.f32 v62, v1  }
0x6e8: {  	s6 =	sadd.s32 $0x1, s6;
	[tilespmem:s9+$0x16200] =	vst v2;
	v0 =	vadd.f32 v63, v0  }
0x6e9: {  	p0 =	sne.s32 s6, s22;
	[tilespmem:s9+$0x16280] =	vst v1  }
.Ltmp8:
0x6ea: {  	[tilespmem:s9+$0x16300] =	vst v0;
	s9 =	simm.s32 $0x8200;
	(pc) =	sbr.rel @p0 .LBB2_1-.Ltmp8, $4  }
0x6eb: {  	[hbm4b:s21+s4] =	stream.linear.scatter [tilespmem:s9], [sflag:$0x3], $0x10000, $0x38;
	[tilespmem:$0x18200] =	vst v63  }
0x6ec: {  	_ =	swait.ge [sflag:s23], $0x10000  }
0x6ed: {  	[sflag:s23] =	ssyncset.done $0x0  }
0x6ee: {  	[sflag:s23] =	ssyncadd.s32 $0xFFFF0000  }
0x6ef: {  	_ =	sfence.sel $0x180000  }
0x6f0: {  	[bflag:$0x0] =	sbarrier.arrive $0xFFFF  }
0x6f1: {  	_ =	strace $0x90000047  }
0x6f2: {  	s0 =	stileid.u32;
	[bflag:$0x2] =	sbarrier.arrive $0xFFFF  }
0x6f3: {  	p0 =	sne.s32 s0, $0x0;
	s0 =	rddreg [dreg:$0x5]  }
0x6f4: {  	s0 =	sadd.s32 @!p0 $0x100000, s0  }
0x6f5: {  	[sflag:s0] =	ssyncadd.tile.s32 @!p0 $0x1;
	_ =	shalt  }
.Lfunc_end2:
_tile_overlayer_lowered:
.L_overlay_start_2:
0x6f6: {  	(tag) =	ssettag $0x2  }
0x6f7: {  	s0 =	rddreg [dreg:$0x0];
	s2 =	stileid.u32  }
0x6f8: {  	s1 =	rddreg [dreg:$0x1];
	p0 =	sne.s32 s2, $0x0  }
0x6f9: {  	s3 =	rddreg [dreg:$0x2];
	[bflag:$0x3] =	sbarrier.arrive $0xFFFF;
	s2 =	simm.s32 @!p0 $0x1C03  }
0x6fa: {  	[timem:s3], [sflag:s2] =	dma.local @!p0 [hbm:s0], s1  }
0x6fb: {  	s0 =	simm.s32 @!p0 $0x3  }
0x6fc: {  	_ =	swait.ge @!p0 [sflag:s0], s1  }
0x6fd: {  	s1 =	ssub.s32 @!p0 $0x0, s1;
	[sflag:s0] =	ssyncset.done @!p0 $0x0  }
0x6fe: {  	[sflag:s0] =	ssyncadd.s32 @!p0 s1  }
0x6ff: {  	[bflag:$0x3] =	sbarrier.arrive $0xFFFF  }
0x700: {  	_ =	shalt  }

</sc_bundles>
